<compile_context>
chip_gen: v7x
topology: tpu7x:2x2x1
jax: 0.10.2.dev20260603
libtpu: 0.0.44.dev20260713+nightly
codegen_flags: <defaults>
</compile_context>

<pallas_src>
import functools

import jax
import jax.numpy as jnp
from jax import lax
from jax.experimental import pallas as pl
from jax.experimental.pallas import tpu as pltpu
from jax.experimental.pallas import tpu_sc as plsc

N = 10000
NP = 10240
H = 128
E = 320000
NSUB = 16
NSTEP = 160
NCH = 16
EPAD = NSUB * NSTEP * 128
NG = 64
BLK = 1280
NBLK = NP // BLK
F32 = jnp.float32
_P = jax.lax.Precision.DEFAULT


def _dot(a, b):
    return jnp.dot(a, b, preferred_element_type=F32, precision=_P)


def _seg_sum_sc(msg_all, src_idx, dst_idx):
    mesh = plsc.VectorSubcoreMesh(core_axis_name="c", subcore_axis_name="s")

    @functools.partial(
        pl.kernel,
        out_type=jax.ShapeDtypeStruct((2, NP, H), F32),
        mesh=mesh,
        scratch_types=[
            pltpu.VMEM((NCH, 128), jnp.int32),
            pltpu.VMEM((NCH, 128), jnp.int32),
            pltpu.VMEM((128, H), F32),
            pltpu.VMEM((128, H), F32),
            pltpu.VMEM_SHARED((NP, H), F32),
            pltpu.SemaphoreType.DMA,
            pltpu.SemaphoreType.DMA,
        ],
    )
    def k(msg_hbm, src_hbm, dst_hbm, acc_out,
          src_v, dst_v, rows_v, rows1_v, acc_sp, sem, sem1):
        c = lax.axis_index("c")
        s = lax.axis_index("s")
        t_src = 1 - c
        z16 = jnp.zeros((16,), F32)

        def zero_rows(i, carry):
            rows_v[i // 8, pl.ds((i % 8) * 16, 16)] = z16
            return carry

        lax.fori_loop(0, 128 * 8, zero_rows, 0)

        for b in range(5):
            pltpu.sync_copy(rows_v, acc_sp.at[pl.ds(s * 640 + b * 128, 128)])
        plsc.subcore_barrier()

        bufs = (rows_v, rows1_v)
        sems = (sem, sem1)

        def chunk(jj, carry):
            pltpu.sync_copy(src_hbm.at[c, s, pl.ds(jj * NCH, NCH)], src_v)
            pltpu.sync_copy(dst_hbm.at[c, s, pl.ds(jj * NCH, NCH)], dst_v)
            descs = [None] * NCH
            descs[0] = pltpu.async_copy(
                msg_hbm.at[t_src].at[src_v.at[0]], bufs[0], sems[0])
            for m in range(NCH):
                if m + 1 < NCH:
                    descs[m + 1] = pltpu.async_copy(
                        msg_hbm.at[t_src].at[src_v.at[m + 1]],
                        bufs[(m + 1) % 2], sems[(m + 1) % 2])
                descs[m].wait()
                pltpu.sync_copy(bufs[m % 2], acc_sp.at[dst_v.at[m]], add=True)
            return carry

        lax.fori_loop(0, NSTEP // NCH, chunk, 0)
        plsc.subcore_barrier()

        for b in range(5):
            pltpu.sync_copy(acc_sp.at[pl.ds(s * 640 + b * 128, 128)],
                            acc_out.at[c, pl.ds(s * 640 + b * 128, 128)])

    return k(msg_all, src_idx, dst_idx)


def _tc_count(dr, dc):
    cblk = 16384
    BF = jnp.bfloat16

    def body(dr_r, dc_r, o_r):
        i = pl.program_id(1)
        ones_row = jnp.ones((1, 128), BF)
        g = lax.broadcasted_iota(jnp.int32, (1, 128), 1).astype(F32)
        dn_b = (((1,), (0,)), ((), ()))
        rb = lax.dot_general(dr_r[0], ones_row, dn_b,
                             preferred_element_type=F32)
        cb = lax.dot_general(dc_r[0], ones_row, dn_b,
                             preferred_element_type=F32)
        ohr = (rb == g).astype(BF)
        ohc = (cb == g).astype(BF)
        dn = (((0,), (0,)), ((), ()))
        cc = lax.dot_general(ohr, ohc, dn, preferred_element_type=F32)

        @pl.when(i == 0)
        def _():
            o_r[0] = cc

        @pl.when(i > 0)
        def _():
            o_r[0] += cc

    return pl.pallas_call(
        body,
        grid=(2, EPAD // cblk),
        in_specs=[
            pl.BlockSpec((1, cblk, 1), lambda t, i: (t, i, 0)),
            pl.BlockSpec((1, cblk, 1), lambda t, i: (t, i, 0)),
        ],
        out_specs=pl.BlockSpec((1, 128, 128), lambda t, i: (t, 0, 0)),
        out_shape=jax.ShapeDtypeStruct((2, 128, 128), F32),
    )(dr, dc)


def _tc_init(x_all, lin_W, lin_b, W_msg0):
    def body(x_r, w_r, b_r, wm_r, x1_r, msg_r):
        y = _dot(x_r[0], w_r[0]) + b_r[0]
        x1_r[0] = y
        msg_r[0] = _dot(y, wm_r[0])

    return pl.pallas_call(
        body,
        grid=(2, NBLK),
        in_specs=[
            pl.BlockSpec((1, BLK, H), lambda t, i: (t, i, 0)),
            pl.BlockSpec((1, H, H), lambda t, i: (t, 0, 0)),
            pl.BlockSpec((1, 1, H), lambda t, i: (t, 0, 0)),
            pl.BlockSpec((1, H, H), lambda t, i: (t, 0, 0)),
        ],
        out_specs=[
            pl.BlockSpec((1, BLK, H), lambda t, i: (t, i, 0)),
            pl.BlockSpec((1, BLK, H), lambda t, i: (t, i, 0)),
        ],
        out_shape=[
            jax.ShapeDtypeStruct((2, NP, H), F32),
            jax.ShapeDtypeStruct((2, NP, H), F32),
        ],
    )(x_all, lin_W, lin_b, W_msg0)


def _tc_conv_gru(x_all, acc, cntr, W_self, b_conv, Wi, bi, bh, W_msg_next,
                 bids=None):
    with_msg = W_msg_next is not None

    def body(x_r, a_r, c_r, ws_r, bc_r, wi_r, bi_r, bh_r, *rest):
        if with_msg:
            wm_r, xo_r, mo_r = rest
        else:
            b_r, ps_r, pc_r = rest
        m = a_r[0] * (1.0 / jnp.maximum(c_r[0], 1.0))
        h = jax.nn.relu(_dot(x_r[0], ws_r[0]) + m + bc_r[0])
        gi = _dot(h, wi_r[0]) + bi_r[0]
        bhv = bh_r[0]
        r = jax.nn.sigmoid(gi[:, :H] + bhv[:, :H])
        z = jax.nn.sigmoid(gi[:, H:2 * H] + bhv[:, H:2 * H])
        n = jnp.tanh(gi[:, 2 * H:] + r * bhv[:, 2 * H:])
        xn = (1.0 - z) * n
        if with_msg:
            xo_r[0] = xn
            mo_r[0] = _dot(xn, wm_r[0])
        else:
            i = pl.program_id(1)
            g = lax.broadcasted_iota(jnp.int32, (1, 128), 1)
            oh = (b_r[0] == g).astype(F32)
            dn = (((0,), (0,)), ((), ()))
            ps = lax.dot_general(oh, xn, dn, preferred_element_type=F32)
            pc = lax.dot_general(oh, jnp.ones((BLK, 128), F32), dn,
                                 preferred_element_type=F32)

            @pl.when(i == 0)
            def _():
                ps_r[0] = ps
                pc_r[0] = pc

            @pl.when(i > 0)
            def _():
                ps_r[0] += ps
                pc_r[0] += pc

    in_specs = [
        pl.BlockSpec((1, BLK, H), lambda t, i: (t, i, 0)),
        pl.BlockSpec((1, BLK, H), lambda t, i: (t, i, 0)),
        pl.BlockSpec((1, BLK, 1), lambda t, i: (t, i, 0)),
        pl.BlockSpec((1, H, H), lambda t, i: (t, 0, 0)),
        pl.BlockSpec((1, 1, H), lambda t, i: (t, 0, 0)),
        pl.BlockSpec((1, H, 3 * H), lambda t, i: (t, 0, 0)),
        pl.BlockSpec((1, 1, 3 * H), lambda t, i: (t, 0, 0)),
        pl.BlockSpec((1, 1, 3 * H), lambda t, i: (t, 0, 0)),
    ]
    args = [x_all, acc, cntr, W_self, b_conv, Wi, bi, bh]
    if with_msg:
        in_specs.append(pl.BlockSpec((1, H, H), lambda t, i: (t, 0, 0)))
        out_specs = [pl.BlockSpec((1, BLK, H), lambda t, i: (t, i, 0)),
                     pl.BlockSpec((1, BLK, H), lambda t, i: (t, i, 0))]
        out_shape = [jax.ShapeDtypeStruct((2, NP, H), F32),
                     jax.ShapeDtypeStruct((2, NP, H), F32)]
        args.append(W_msg_next)
    else:
        in_specs.append(pl.BlockSpec((1, BLK, 1), lambda t, i: (t, i, 0)))
        out_specs = [pl.BlockSpec((1, 128, 128), lambda t, i: (t, 0, 0)),
                     pl.BlockSpec((1, 128, 128), lambda t, i: (t, 0, 0))]
        out_shape = [jax.ShapeDtypeStruct((2, 128, 128), F32),
                     jax.ShapeDtypeStruct((2, 128, 128), F32)]
        args.append(bids)

    res = pl.pallas_call(
        body, grid=(2, NBLK), in_specs=in_specs,
        out_specs=out_specs, out_shape=out_shape,
    )(*args)
    return res


def _tc_mlp(psum, pcnt, lin_W, lin_b, out_Wp, out_bp):
    def body(ps_r, pc_r, w_r, b_r, ow_r, ob_r, o_r):
        mc = ps_r[0, :NG, :] / jnp.maximum(pc_r[0, :NG, :], 1.0)
        mo = ps_r[1, :NG, :] / jnp.maximum(pc_r[1, :NG, :], 1.0)
        cc = jnp.concatenate([mc, mo], axis=1)
        h1 = jax.nn.relu(_dot(cc, w_r[...]) + b_r[...])
        h2 = jax.nn.relu(_dot(h1, w_r[...]) + b_r[...])
        o_r[...] = _dot(h2, ow_r[...]) + ob_r[...]

    return pl.pallas_call(
        body,
        out_shape=jax.ShapeDtypeStruct((NG, 128), F32),
    )(psum, pcnt, lin_W, lin_b, out_Wp, out_bp)


def kernel(x_constraint, x_operator, edge_index_co, edge_index_oc,
           batch_constraint, batch_operator, params):
    p = params

    def padn(a):
        return jnp.pad(a, ((0, NP - N), (0, 0)))

    x_all = jnp.stack([padn(x_constraint), padn(x_operator)])

    def edges(e):
        src = jnp.pad(e[0].astype(jnp.int32), (0, EPAD - E))
        dst = jnp.pad(e[1].astype(jnp.int32), (0, EPAD - E),
                      constant_values=NP - 1)
        return (src.reshape(NSUB, NSTEP, 128), dst.reshape(NSUB, NSTEP, 128))

    s0, d0 = edges(edge_index_oc)
    s1, d1 = edges(edge_index_co)
    src_idx = jnp.stack([s0, s1])
    dst_idx = jnp.stack([d0, d1])

    def st(name):
        return jnp.stack([p[name % 'constraint'], p[name % 'operator']])

    lin_W = st('lin_W_%s')
    lin_b = st('lin_b_%s').reshape(2, 1, H)
    Wi = st('gru_Wi_%s')
    bi = st('gru_bi_%s').reshape(2, 1, 3 * H)
    bh = st('gru_bh_%s').reshape(2, 1, 3 * H)
    W_msg = [jnp.stack([p['W_msg_constraint_%d' % l], p['W_msg_operator_%d' % l]])
             for l in range(2)]
    W_self = [jnp.stack([p['W_self_constraint_%d' % l], p['W_self_operator_%d' % l]])
              for l in range(2)]
    b_conv = [jnp.stack([p['b_conv_constraint_%d' % l], p['b_conv_operator_%d' % l]]
                        ).reshape(2, 1, H) for l in range(2)]

    x1, msg0 = _tc_init(x_all, lin_W, lin_b, W_msg[0])

    acc0 = _seg_sum_sc(msg0, src_idx, dst_idx)
    dflat = dst_idx.reshape(2, EPAD, 1)
    cnt = _tc_count((dflat >> 7).astype(jnp.bfloat16),
                    (dflat & 127).astype(jnp.bfloat16))
    cntr = cnt.reshape(2, 128 * 128)[:, :NP].reshape(2, NP, 1)
    x2, msg1 = _tc_conv_gru(x1, acc0, cntr, W_self[0], b_conv[0],
                            Wi, bi, bh, W_msg[1])

    acc1 = _seg_sum_sc(msg1, src_idx, dst_idx)

    def padb(b):
        return jnp.pad(b.astype(jnp.int32), (0, NP - N), constant_values=NG)

    bids = jnp.stack([padb(batch_constraint), padb(batch_operator)]
                     ).reshape(2, NP, 1)
    psum, pcnt = _tc_conv_gru(x2, acc1, cntr, W_self[1], b_conv[1],
                              Wi, bi, bh, None, bids)

    out_Wp = jnp.pad(p['out_W'], ((0, 0), (0, 128 - 2)))
    out_bp = jnp.pad(p['out_b'], (0, 128 - 2)).reshape(1, 128)
    out = _tc_mlp(psum, pcnt, p['lin_W'], p['lin_b'].reshape(1, 2 * H),
                  out_Wp, out_bp)
    return out[:, :2]

# --- scband reference (transcript-rebuilt; emitter-appended) ---
"""Pipeline reference for scband-lstmupdate-5076651344237 (READ-ONLY COPY).

The authoritative reference and input builder live on the scoring server;
editing this copy changes nothing except your own understanding.
"""

import jax, jax.numpy as jnp
import numpy as np

N_C = 10000
N_O = 10000
E = 320000
D_IN = 128
H = 128
OUT = 2
N_LAYERS = 2
N_GRAPHS = 64


def _glorot(k, shape):
    return jax.random.normal(k, shape, jnp.float32) / np.sqrt(shape[0])


def setup_inputs(seed: int = 0):
    key = jax.random.key(seed)
    ks = jax.random.split(key, 64)
    ki = iter(range(64))
    x_constraint = jax.random.normal(ks[next(ki)], (N_C, D_IN), jnp.float32)
    x_operator = jax.random.normal(ks[next(ki)], (N_O, D_IN), jnp.float32)
    edge_index_co = jax.random.randint(ks[next(ki)], (2, E), 0, N_C)
    edge_index_oc = jax.random.randint(ks[next(ki)], (2, E), 0, N_O)
    batch_constraint = jnp.sort(jax.random.randint(ks[next(ki)], (N_C,), 0, N_GRAPHS))
    batch_operator = jnp.sort(jax.random.randint(ks[next(ki)], (N_O,), 0, N_GRAPHS))
    p = {}
    for t in ('constraint', 'operator'):
        p['lin_W_' + t] = _glorot(ks[next(ki)], (D_IN, H))
        p['lin_b_' + t] = jnp.zeros((H,), jnp.float32)
        p['gru_Wi_' + t] = _glorot(ks[next(ki)], (H, 3 * H))
        p['gru_bi_' + t] = jnp.zeros((3 * H,), jnp.float32)
        p['gru_bh_' + t] = jnp.zeros((3 * H,), jnp.float32)
        for l in range(N_LAYERS):
            p['W_msg_%s_%d' % (t, l)] = _glorot(ks[next(ki)], (H, H))
            p['W_self_%s_%d' % (t, l)] = _glorot(ks[next(ki)], (H, H))
            p['b_conv_%s_%d' % (t, l)] = jnp.zeros((H,), jnp.float32)
    p['lin_W'] = _glorot(ks[next(ki)], (2 * H, 2 * H))
    p['lin_b'] = jnp.zeros((2 * H,), jnp.float32)
    p['out_W'] = _glorot(ks[next(ki)], (2 * H, OUT))
    p['out_b'] = jnp.zeros((OUT,), jnp.float32)
    return {
        'x_constraint': x_constraint,
        'x_operator': x_operator,
        'edge_index_co': edge_index_co,
        'edge_index_oc': edge_index_oc,
        'batch_constraint': batch_constraint,
        'batch_operator': batch_operator,
        'params': p,
    }


def _seg_mean(data, seg, num):
    s = jax.ops.segment_sum(data, seg, num_segments=num)
    c = jax.ops.segment_sum(jnp.ones((data.shape[0], 1), data.dtype), seg, num_segments=num)
    return s / jnp.maximum(c, 1.0)


def _gru_step(x, Wi, bi, bh):
    # torch GRU with zero initial hidden state, seq_len = 1
    gi = x @ Wi + bi
    i_r, i_z, i_n = jnp.split(gi, 3, axis=1)
    b_r, b_z, b_n = jnp.split(bh, 3)
    r = jax.nn.sigmoid(i_r + b_r)
    z = jax.nn.sigmoid(i_z + b_z)
    n = jnp.tanh(i_n + r * b_n)
    return (1.0 - z) * n


def _forward(x_constraint, x_operator, p, edge_index_co, edge_index_oc, batch_constraint, batch_operator):
    x_c = x_constraint @ p['lin_W_constraint'] + p['lin_b_constraint']
    x_o = x_operator @ p['lin_W_operator'] + p['lin_b_operator']
    for l in range(N_LAYERS):
        # hetero conv: mean aggregation of transformed source features at dst
        m_c = _seg_mean((x_o @ p['W_msg_operator_%d' % l])[edge_index_oc[0]], edge_index_oc[1], N_C)
        m_o = _seg_mean((x_c @ p['W_msg_constraint_%d' % l])[edge_index_co[0]], edge_index_co[1], N_O)
        h_c = jax.nn.relu(x_c @ p['W_self_constraint_%d' % l] + m_c + p['b_conv_constraint_%d' % l])
        h_o = jax.nn.relu(x_o @ p['W_self_operator_%d' % l] + m_o + p['b_conv_operator_%d' % l])
        # per-node-type GRU update (seq len 1, zero init hidden)
        x_c = _gru_step(h_c, p['gru_Wi_constraint'], p['gru_bi_constraint'], p['gru_bh_constraint'])
        x_o = _gru_step(h_o, p['gru_Wi_operator'], p['gru_bi_operator'], p['gru_bh_operator'])
    pooled_c = _seg_mean(x_c, batch_constraint, N_GRAPHS)
    pooled_o = _seg_mean(x_o, batch_operator, N_GRAPHS)
    concat = jnp.concatenate((pooled_c, pooled_o), axis=1)
    x = jax.nn.relu(concat @ p['lin_W'] + p['lin_b'])
    x = jax.nn.relu(x @ p['lin_W'] + p['lin_b'])
    out = x @ p['out_W'] + p['out_b']
    return out


def reference(x_constraint, x_operator, edge_index_co, edge_index_oc, batch_constraint, batch_operator, params):
    return _forward(x_constraint, x_operator, params, edge_index_co, edge_index_oc, batch_constraint, batch_operator)

if __name__ == "__main__":
    import jax
    _d = setup_inputs()
    print(jax.jit(kernel)(*tuple(_d.values())))

</pallas_src>

<mosaic_0001>
#map = affine_map<(d0, d1) -> (0, 0, 0)>
#map1 = affine_map<(d0, d1) -> (0, 0, 0, 0)>
module attributes {stable_mosaic.version = 14 : i64} {
  func.func @k(%arg0: i32, %arg1: i32, %arg2: memref<2x10240x128xf32, #tpu.memory_space<hbm>>, %arg3: memref<2x16x160x128xi32, #tpu.memory_space<hbm>>, %arg4: memref<2x16x160x128xi32, #tpu.memory_space<hbm>>, %arg5: memref<2x10240x128xf32, #tpu.memory_space<hbm>>, %arg6: memref<16x128xi32, #tpu.memory_space<vmem>>, %arg7: memref<16x128xi32, #tpu.memory_space<vmem>>, %arg8: memref<128x128xf32, #tpu.memory_space<vmem>>, %arg9: memref<128x128xf32, #tpu.memory_space<vmem>>, %arg10: memref<10240x128xf32, #tpu.memory_space<vmem_shared>>, %arg11: memref<!tpu.dma_semaphore, #tpu.memory_space<semaphore_mem>>, %arg12: memref<!tpu.dma_semaphore, #tpu.memory_space<semaphore_mem>>) attributes {dimension_semantics = [#tpu.dimension_semantics<core_parallel>, #tpu.dimension_semantics<subcore_parallel>], iteration_bounds = array<i64: 2, 16>, scalar_prefetch = 0 : i64, scratch_operands = 7 : i64, tpu.core_type = #tpu.core_type<sc_vector_subcore>, window_params = [{transform_indices = #map}, {transform_indices = #map1}, {transform_indices = #map1}, {transform_indices = #map}]} {
    %sub3A = arith.constant 1 : i32
    %sub3A_0 = arith.subi %sub3A, %arg0 : i32
    %broadcast_in_dim3A = arith.constant 0.000000e+00 : f32
    %broadcast_in_dim3A_1 = vector.broadcast %broadcast_in_dim3A : f32 to vector<16xf32>
    %scan3A = arith.constant 0 : i32
    %scan3A_2 = arith.constant 0 : i32
    %scan3A_3 = arith.constant 1024 : i32
    %scan3A_4 = arith.addi %scan3A_2, %scan3A_3 : i32
    %scan3A_5 = arith.constant 1 : i32
    scf.for %scan3A_72 = %scan3A_2 to %scan3A_4 step %scan3A_5  : i32 {
      %jit3A = arith.constant 8 : i32
      %div3A = arith.divsi %scan3A_72, %jit3A : i32
      %sign3A = arith.constant 0 : i32
      %sign3A_73 = arith.cmpi sgt, %scan3A_72, %sign3A : i32
      %sign3A_74 = arith.extui %sign3A_73 : i1 to i32
      %sign3A_75 = arith.constant 0 : i32
      %sign3A_76 = arith.cmpi slt, %scan3A_72, %sign3A_75 : i32
      %sign3A_77 = arith.extui %sign3A_76 : i1 to i32
      %sign3A_78 = arith.subi %sign3A_74, %sign3A_77 : i32
      %sign3A_79 = arith.constant 0 : i32
      %sign3A_80 = arith.cmpi sgt, %jit3A, %sign3A_79 : i32
      %sign3A_81 = arith.extui %sign3A_80 : i1 to i32
      %sign3A_82 = arith.constant 0 : i32
      %sign3A_83 = arith.cmpi slt, %jit3A, %sign3A_82 : i32
      %sign3A_84 = arith.extui %sign3A_83 : i1 to i32
      %sign3A_85 = arith.subi %sign3A_81, %sign3A_84 : i32
      %ne3A = arith.cmpi ne, %sign3A_78, %sign3A_85 : i32
      %rem3A = arith.remsi %scan3A_72, %jit3A : i32
      %ne3A_86 = arith.constant 0 : i32
      %ne3A_87 = arith.cmpi ne, %rem3A, %ne3A_86 : i32
      %and3A = arith.andi %ne3A, %ne3A_87 : i1
      %sub3A_88 = arith.constant 1 : i32
      %sub3A_89 = arith.subi %div3A, %sub3A_88 : i32
      %select_n3A = arith.select %and3A, %sub3A_89, %div3A : i32
      %jit3A_90 = arith.constant 8 : i32
      %eq3A = arith.constant 0 : i32
      %eq3A_91 = arith.cmpi eq, %jit3A_90, %eq3A : i32
      %jit3A_92 = arith.constant 1 : i32
      %select_n3A_93 = arith.select %eq3A_91, %jit3A_92, %jit3A_90 : i32
      %rem3A_94 = arith.remsi %scan3A_72, %select_n3A_93 : i32
      %ne3A_95 = arith.constant 0 : i32
      %ne3A_96 = arith.cmpi ne, %rem3A_94, %ne3A_95 : i32
      %lt3A = arith.constant 0 : i32
      %lt3A_97 = arith.cmpi slt, %rem3A_94, %lt3A : i32
      %lt3A_98 = arith.constant 0 : i32
      %lt3A_99 = arith.cmpi slt, %select_n3A_93, %lt3A_98 : i32
      %ne3A_100 = arith.xori %lt3A_97, %lt3A_99 : i1
      %and3A_101 = arith.andi %ne3A_100, %ne3A_96 : i1
      %add3A_102 = arith.addi %rem3A_94, %select_n3A_93 : i32
      %select_n3A_103 = arith.select %and3A_101, %add3A_102, %rem3A_94 : i32
      %mul3A_104 = arith.constant 16 : i32
      %mul3A_105 = arith.muli %select_n3A_103, %mul3A_104 : i32
      %swap3A = arith.index_cast %select_n3A : i32 to index
      %swap3A_106 = arith.index_cast %mul3A_105 : i32 to index
      %swap3A_107 = tpu.vector_load %arg8[%swap3A, %swap3A_106] {strides = array<i32>} : memref<128x128xf32, #tpu.memory_space<vmem>>, vector<1x16xf32>,
      %swap3A_108 = vector.shape_cast %swap3A_107 : vector<1x16xf32> to vector<16xf32>
      %swap3A_109 = vector.shape_cast %broadcast_in_dim3A_1 : vector<16xf32> to vector<1x16xf32>
      tpu.vector_store %arg8[%swap3A, %swap3A_106], %swap3A_109 {strides = array<i32>} : memref<128x128xf32, #tpu.memory_space<vmem>>, vector<1x16xf32>,
    }
    %scan3A_6 = arith.constant 1024 : i32
    %mul3A = arith.constant 640 : i32
    %mul3A_7 = arith.muli %arg1, %mul3A : i32
    %add3A = arith.constant 0 : i32
    %add3A_8 = arith.addi %mul3A_7, %add3A : i32
    "tpu.region"() ({
      %run_scoped3A = tpu.sem_alloc : memref<!tpu.dma_semaphore, #tpu.memory_space<semaphore_mem>>
      %dma_start3A = arith.constant 0 : i32
      %dma_start3A_72 = tpu.memref_slice %arg10[%add3A_8, %dma_start3A] : memref<10240x128xf32, #tpu.memory_space<vmem_shared>> -> memref<128x128xf32, #tpu.memory_space<vmem_shared>>
      %dma_start3A_73 = arith.constant 0 : i32
      %dma_start3A_74 = tpu.memref_slice %arg10[%add3A_8, %dma_start3A_73] : memref<10240x128xf32, #tpu.memory_space<vmem_shared>> -> memref<128x128xf32, #tpu.memory_space<vmem_shared>>
      tpu.enqueue_dma source(%arg8 : memref<128x128xf32, #tpu.memory_space<vmem>>) target(%dma_start3A_74 : memref<128x128xf32, #tpu.memory_space<vmem_shared>>) target_semaphore(%run_scoped3A : memref<!tpu.dma_semaphore, #tpu.memory_space<semaphore_mem>>)
      %dma_wait3A = arith.constant 0 : i32
      %dma_wait3A_75 = tpu.memref_slice %arg10[%add3A_8, %dma_wait3A] : memref<10240x128xf32, #tpu.memory_space<vmem_shared>> -> memref<128x128xf32, #tpu.memory_space<vmem_shared>>
      %dma_wait3A_76 = arith.constant 0 : i32
      %dma_wait3A_77 = tpu.memref_slice %arg10[%add3A_8, %dma_wait3A_76] : memref<10240x128xf32, #tpu.memory_space<vmem_shared>> -> memref<128x128xf32, #tpu.memory_space<vmem_shared>>
      tpu.wait_dma2 semaphore(%run_scoped3A : memref<!tpu.dma_semaphore, #tpu.memory_space<semaphore_mem>>) src(%arg8 : memref<128x128xf32, #tpu.memory_space<vmem>>) dst(%dma_wait3A_77 : memref<128x128xf32, #tpu.memory_space<vmem_shared>>)
      tpu.yield
    }) : () -> ()
    %mul3A_9 = arith.constant 640 : i32
    %mul3A_10 = arith.muli %arg1, %mul3A_9 : i32
    %add3A_11 = arith.constant 128 : i32
    %add3A_12 = arith.addi %mul3A_10, %add3A_11 : i32
    "tpu.region"() ({
      %run_scoped3A = tpu.sem_alloc : memref<!tpu.dma_semaphore, #tpu.memory_space<semaphore_mem>>
      %dma_start3A = arith.constant 0 : i32
      %dma_start3A_72 = tpu.memref_slice %arg10[%add3A_12, %dma_start3A] : memref<10240x128xf32, #tpu.memory_space<vmem_shared>> -> memref<128x128xf32, #tpu.memory_space<vmem_shared>>
      %dma_start3A_73 = arith.constant 0 : i32
      %dma_start3A_74 = tpu.memref_slice %arg10[%add3A_12, %dma_start3A_73] : memref<10240x128xf32, #tpu.memory_space<vmem_shared>> -> memref<128x128xf32, #tpu.memory_space<vmem_shared>>
      tpu.enqueue_dma source(%arg8 : memref<128x128xf32, #tpu.memory_space<vmem>>) target(%dma_start3A_74 : memref<128x128xf32, #tpu.memory_space<vmem_shared>>) target_semaphore(%run_scoped3A : memref<!tpu.dma_semaphore, #tpu.memory_space<semaphore_mem>>)
      %dma_wait3A = arith.constant 0 : i32
      %dma_wait3A_75 = tpu.memref_slice %arg10[%add3A_12, %dma_wait3A] : memref<10240x128xf32, #tpu.memory_space<vmem_shared>> -> memref<128x128xf32, #tpu.memory_space<vmem_shared>>
      %dma_wait3A_76 = arith.constant 0 : i32
      %dma_wait3A_77 = tpu.memref_slice %arg10[%add3A_12, %dma_wait3A_76] : memref<10240x128xf32, #tpu.memory_space<vmem_shared>> -> memref<128x128xf32, #tpu.memory_space<vmem_shared>>
      tpu.wait_dma2 semaphore(%run_scoped3A : memref<!tpu.dma_semaphore, #tpu.memory_space<semaphore_mem>>) src(%arg8 : memref<128x128xf32, #tpu.memory_space<vmem>>) dst(%dma_wait3A_77 : memref<128x128xf32, #tpu.memory_space<vmem_shared>>)
      tpu.yield
    }) : () -> ()
    %mul3A_13 = arith.constant 640 : i32
    %mul3A_14 = arith.muli %arg1, %mul3A_13 : i32
    %add3A_15 = arith.constant 256 : i32
    %add3A_16 = arith.addi %mul3A_14, %add3A_15 : i32
    "tpu.region"() ({
      %run_scoped3A = tpu.sem_alloc : memref<!tpu.dma_semaphore, #tpu.memory_space<semaphore_mem>>
      %dma_start3A = arith.constant 0 : i32
      %dma_start3A_72 = tpu.memref_slice %arg10[%add3A_16, %dma_start3A] : memref<10240x128xf32, #tpu.memory_space<vmem_shared>> -> memref<128x128xf32, #tpu.memory_space<vmem_shared>>
      %dma_start3A_73 = arith.constant 0 : i32
      %dma_start3A_74 = tpu.memref_slice %arg10[%add3A_16, %dma_start3A_73] : memref<10240x128xf32, #tpu.memory_space<vmem_shared>> -> memref<128x128xf32, #tpu.memory_space<vmem_shared>>
      tpu.enqueue_dma source(%arg8 : memref<128x128xf32, #tpu.memory_space<vmem>>) target(%dma_start3A_74 : memref<128x128xf32, #tpu.memory_space<vmem_shared>>) target_semaphore(%run_scoped3A : memref<!tpu.dma_semaphore, #tpu.memory_space<semaphore_mem>>)
      %dma_wait3A = arith.constant 0 : i32
      %dma_wait3A_75 = tpu.memref_slice %arg10[%add3A_16, %dma_wait3A] : memref<10240x128xf32, #tpu.memory_space<vmem_shared>> -> memref<128x128xf32, #tpu.memory_space<vmem_shared>>
      %dma_wait3A_76 = arith.constant 0 : i32
      %dma_wait3A_77 = tpu.memref_slice %arg10[%add3A_16, %dma_wait3A_76] : memref<10240x128xf32, #tpu.memory_space<vmem_shared>> -> memref<128x128xf32, #tpu.memory_space<vmem_shared>>
      tpu.wait_dma2 semaphore(%run_scoped3A : memref<!tpu.dma_semaphore, #tpu.memory_space<semaphore_mem>>) src(%arg8 : memref<128x128xf32, #tpu.memory_space<vmem>>) dst(%dma_wait3A_77 : memref<128x128xf32, #tpu.memory_space<vmem_shared>>)
      tpu.yield
    }) : () -> ()
    %mul3A_17 = arith.constant 640 : i32
    %mul3A_18 = arith.muli %arg1, %mul3A_17 : i32
    %add3A_19 = arith.constant 384 : i32
    %add3A_20 = arith.addi %mul3A_18, %add3A_19 : i32
    "tpu.region"() ({
      %run_scoped3A = tpu.sem_alloc : memref<!tpu.dma_semaphore, #tpu.memory_space<semaphore_mem>>
      %dma_start3A = arith.constant 0 : i32
      %dma_start3A_72 = tpu.memref_slice %arg10[%add3A_20, %dma_start3A] : memref<10240x128xf32, #tpu.memory_space<vmem_shared>> -> memref<128x128xf32, #tpu.memory_space<vmem_shared>>
      %dma_start3A_73 = arith.constant 0 : i32
      %dma_start3A_74 = tpu.memref_slice %arg10[%add3A_20, %dma_start3A_73] : memref<10240x128xf32, #tpu.memory_space<vmem_shared>> -> memref<128x128xf32, #tpu.memory_space<vmem_shared>>
      tpu.enqueue_dma source(%arg8 : memref<128x128xf32, #tpu.memory_space<vmem>>) target(%dma_start3A_74 : memref<128x128xf32, #tpu.memory_space<vmem_shared>>) target_semaphore(%run_scoped3A : memref<!tpu.dma_semaphore, #tpu.memory_space<semaphore_mem>>)
      %dma_wait3A = arith.constant 0 : i32
      %dma_wait3A_75 = tpu.memref_slice %arg10[%add3A_20, %dma_wait3A] : memref<10240x128xf32, #tpu.memory_space<vmem_shared>> -> memref<128x128xf32, #tpu.memory_space<vmem_shared>>
      %dma_wait3A_76 = arith.constant 0 : i32
      %dma_wait3A_77 = tpu.memref_slice %arg10[%add3A_20, %dma_wait3A_76] : memref<10240x128xf32, #tpu.memory_space<vmem_shared>> -> memref<128x128xf32, #tpu.memory_space<vmem_shared>>
      tpu.wait_dma2 semaphore(%run_scoped3A : memref<!tpu.dma_semaphore, #tpu.memory_space<semaphore_mem>>) src(%arg8 : memref<128x128xf32, #tpu.memory_space<vmem>>) dst(%dma_wait3A_77 : memref<128x128xf32, #tpu.memory_space<vmem_shared>>)
      tpu.yield
    }) : () -> ()
    %mul3A_21 = arith.constant 640 : i32
    %mul3A_22 = arith.muli %arg1, %mul3A_21 : i32
    %add3A_23 = arith.constant 512 : i32
    %add3A_24 = arith.addi %mul3A_22, %add3A_23 : i32
    "tpu.region"() ({
      %run_scoped3A = tpu.sem_alloc : memref<!tpu.dma_semaphore, #tpu.memory_space<semaphore_mem>>
      %dma_start3A = arith.constant 0 : i32
      %dma_start3A_72 = tpu.memref_slice %arg10[%add3A_24, %dma_start3A] : memref<10240x128xf32, #tpu.memory_space<vmem_shared>> -> memref<128x128xf32, #tpu.memory_space<vmem_shared>>
      %dma_start3A_73 = arith.constant 0 : i32
      %dma_start3A_74 = tpu.memref_slice %arg10[%add3A_24, %dma_start3A_73] : memref<10240x128xf32, #tpu.memory_space<vmem_shared>> -> memref<128x128xf32, #tpu.memory_space<vmem_shared>>
      tpu.enqueue_dma source(%arg8 : memref<128x128xf32, #tpu.memory_space<vmem>>) target(%dma_start3A_74 : memref<128x128xf32, #tpu.memory_space<vmem_shared>>) target_semaphore(%run_scoped3A : memref<!tpu.dma_semaphore, #tpu.memory_space<semaphore_mem>>)
      %dma_wait3A = arith.constant 0 : i32
      %dma_wait3A_75 = tpu.memref_slice %arg10[%add3A_24, %dma_wait3A] : memref<10240x128xf32, #tpu.memory_space<vmem_shared>> -> memref<128x128xf32, #tpu.memory_space<vmem_shared>>
      %dma_wait3A_76 = arith.constant 0 : i32
      %dma_wait3A_77 = tpu.memref_slice %arg10[%add3A_24, %dma_wait3A_76] : memref<10240x128xf32, #tpu.memory_space<vmem_shared>> -> memref<128x128xf32, #tpu.memory_space<vmem_shared>>
      tpu.wait_dma2 semaphore(%run_scoped3A : memref<!tpu.dma_semaphore, #tpu.memory_space<semaphore_mem>>) src(%arg8 : memref<128x128xf32, #tpu.memory_space<vmem>>) dst(%dma_wait3A_77 : memref<128x128xf32, #tpu.memory_space<vmem_shared>>)
      tpu.yield
    }) : () -> ()
    %barrier3A = arith.constant 0 : index
    tpu.barrier barrier_id(%barrier3A)
    %scan3A_25 = arith.constant 0 : i32
    %scan3A_26 = arith.constant 0 : i32
    %scan3A_27 = arith.constant 10 : i32
    %scan3A_28 = arith.addi %scan3A_26, %scan3A_27 : i32
    %scan3A_29 = arith.constant 1 : i32
    scf.for %scan3A_72 = %scan3A_26 to %scan3A_28 step %scan3A_29  : i32 {
      %mul3A_73 = arith.constant 16 : i32
      %mul3A_74 = arith.muli %scan3A_72, %mul3A_73 : i32
      "tpu.region"() ({
        %run_scoped3A_442 = tpu.sem_alloc : memref<!tpu.dma_semaphore, #tpu.memory_space<semaphore_mem>>
        %dma_start3A_443 = arith.constant 0 : i32
        %dma_start3A_444 = tpu.memref_slice %arg3[%arg0, %arg1, %mul3A_74, %dma_start3A_443] : memref<2x16x160x128xi32, #tpu.memory_space<hbm>> -> memref<1x1x16x128xi32, #tpu.memory_space<hbm>>
        %dma_start3A_445 = tpu.memref_squeeze %dma_start3A_444 : memref<1x1x16x128xi32, #tpu.memory_space<hbm>> -> memref<16x128xi32, #tpu.memory_space<hbm>>
        %dma_start3A_446 = arith.constant 0 : i32
        %dma_start3A_447 = tpu.memref_slice %arg3[%arg0, %arg1, %mul3A_74, %dma_start3A_446] : memref<2x16x160x128xi32, #tpu.memory_space<hbm>> -> memref<1x1x16x128xi32, #tpu.memory_space<hbm>>
        %dma_start3A_448 = tpu.memref_squeeze %dma_start3A_447 : memref<1x1x16x128xi32, #tpu.memory_space<hbm>> -> memref<16x128xi32, #tpu.memory_space<hbm>>
        tpu.enqueue_dma source(%dma_start3A_448 : memref<16x128xi32, #tpu.memory_space<hbm>>) target(%arg6 : memref<16x128xi32, #tpu.memory_space<vmem>>) target_semaphore(%run_scoped3A_442 : memref<!tpu.dma_semaphore, #tpu.memory_space<semaphore_mem>>)
        %dma_wait3A_449 = arith.constant 0 : i32
        %dma_wait3A_450 = tpu.memref_slice %arg3[%arg0, %arg1, %mul3A_74, %dma_wait3A_449] : memref<2x16x160x128xi32, #tpu.memory_space<hbm>> -> memref<1x1x16x128xi32, #tpu.memory_space<hbm>>
        %dma_wait3A_451 = tpu.memref_squeeze %dma_wait3A_450 : memref<1x1x16x128xi32, #tpu.memory_space<hbm>> -> memref<16x128xi32, #tpu.memory_space<hbm>>
        %dma_wait3A_452 = arith.constant 0 : i32
        %dma_wait3A_453 = tpu.memref_slice %arg3[%arg0, %arg1, %mul3A_74, %dma_wait3A_452] : memref<2x16x160x128xi32, #tpu.memory_space<hbm>> -> memref<1x1x16x128xi32, #tpu.memory_space<hbm>>
        %dma_wait3A_454 = tpu.memref_squeeze %dma_wait3A_453 : memref<1x1x16x128xi32, #tpu.memory_space<hbm>> -> memref<16x128xi32, #tpu.memory_space<hbm>>
        tpu.wait_dma2 semaphore(%run_scoped3A_442 : memref<!tpu.dma_semaphore, #tpu.memory_space<semaphore_mem>>) src(%dma_wait3A_454 : memref<16x128xi32, #tpu.memory_space<hbm>>) dst(%arg6 : memref<16x128xi32, #tpu.memory_space<vmem>>)
        tpu.yield
      }) : () -> ()
      %mul3A_75 = arith.constant 16 : i32
      %mul3A_76 = arith.muli %scan3A_72, %mul3A_75 : i32
      "tpu.region"() ({
        %run_scoped3A_442 = tpu.sem_alloc : memref<!tpu.dma_semaphore, #tpu.memory_space<semaphore_mem>>
        %dma_start3A_443 = arith.constant 0 : i32
        %dma_start3A_444 = tpu.memref_slice %arg4[%arg0, %arg1, %mul3A_76, %dma_start3A_443] : memref<2x16x160x128xi32, #tpu.memory_space<hbm>> -> memref<1x1x16x128xi32, #tpu.memory_space<hbm>>
        %dma_start3A_445 = tpu.memref_squeeze %dma_start3A_444 : memref<1x1x16x128xi32, #tpu.memory_space<hbm>> -> memref<16x128xi32, #tpu.memory_space<hbm>>
        %dma_start3A_446 = arith.constant 0 : i32
        %dma_start3A_447 = tpu.memref_slice %arg4[%arg0, %arg1, %mul3A_76, %dma_start3A_446] : memref<2x16x160x128xi32, #tpu.memory_space<hbm>> -> memref<1x1x16x128xi32, #tpu.memory_space<hbm>>
        %dma_start3A_448 = tpu.memref_squeeze %dma_start3A_447 : memref<1x1x16x128xi32, #tpu.memory_space<hbm>> -> memref<16x128xi32, #tpu.memory_space<hbm>>
        tpu.enqueue_dma source(%dma_start3A_448 : memref<16x128xi32, #tpu.memory_space<hbm>>) target(%arg7 : memref<16x128xi32, #tpu.memory_space<vmem>>) target_semaphore(%run_scoped3A_442 : memref<!tpu.dma_semaphore, #tpu.memory_space<semaphore_mem>>)
        %dma_wait3A_449 = arith.constant 0 : i32
        %dma_wait3A_450 = tpu.memref_slice %arg4[%arg0, %arg1, %mul3A_76, %dma_wait3A_449] : memref<2x16x160x128xi32, #tpu.memory_space<hbm>> -> memref<1x1x16x128xi32, #tpu.memory_space<hbm>>
        %dma_wait3A_451 = tpu.memref_squeeze %dma_wait3A_450 : memref<1x1x16x128xi32, #tpu.memory_space<hbm>> -> memref<16x128xi32, #tpu.memory_space<hbm>>
        %dma_wait3A_452 = arith.constant 0 : i32
        %dma_wait3A_453 = tpu.memref_slice %arg4[%arg0, %arg1, %mul3A_76, %dma_wait3A_452] : memref<2x16x160x128xi32, #tpu.memory_space<hbm>> -> memref<1x1x16x128xi32, #tpu.memory_space<hbm>>
        %dma_wait3A_454 = tpu.memref_squeeze %dma_wait3A_453 : memref<1x1x16x128xi32, #tpu.memory_space<hbm>> -> memref<16x128xi32, #tpu.memory_space<hbm>>
        tpu.wait_dma2 semaphore(%run_scoped3A_442 : memref<!tpu.dma_semaphore, #tpu.memory_space<semaphore_mem>>) src(%dma_wait3A_454 : memref<16x128xi32, #tpu.memory_space<hbm>>) dst(%arg7 : memref<16x128xi32, #tpu.memory_space<vmem>>)
        tpu.yield
      }) : () -> ()
      %dma_start3A = arith.constant 0 : i32
      %dma_start3A_77 = arith.constant 0 : i32
      %dma_start3A_78 = tpu.memref_slice %arg6[%dma_start3A, %dma_start3A_77] : memref<16x128xi32, #tpu.memory_space<vmem>> -> memref<1x128xi32, #tpu.memory_space<vmem>>
      %dma_start3A_79 = tpu.memref_squeeze %dma_start3A_78 : memref<1x128xi32, #tpu.memory_space<vmem>> -> memref<128xi32, #tpu.memory_space<vmem>>
      %dma_start3A_80 = arith.constant 0 : i32
      %dma_start3A_81 = arith.constant 0 : i32
      %dma_start3A_82 = tpu.memref_slice %arg2[%sub3A_0, %dma_start3A_80, %dma_start3A_81] : memref<2x10240x128xf32, #tpu.memory_space<hbm>> -> memref<1x10240x128xf32, #tpu.memory_space<hbm>>
      %dma_start3A_83 = tpu.memref_squeeze %dma_start3A_82 : memref<1x10240x128xf32, #tpu.memory_space<hbm>> -> memref<10240x128xf32, #tpu.memory_space<hbm>>
      %dma_start3A_84 = arith.constant 0 : i32
      %dma_start3A_85 = arith.constant 0 : i32
      %dma_start3A_86 = tpu.memref_slice %dma_start3A_83[%dma_start3A_84, %dma_start3A_85] : memref<10240x128xf32, #tpu.memory_space<hbm>> -> memref<10240x128xf32, #tpu.memory_space<hbm>>
      tpu.enqueue_indirect_dma source(%dma_start3A_86 : memref<10240x128xf32, #tpu.memory_space<hbm>>) target(%arg8 : memref<128x128xf32, #tpu.memory_space<vmem>>) offsets(%dma_start3A_79 : memref<128xi32, #tpu.memory_space<vmem>>) semaphore(%arg11 : memref<!tpu.dma_semaphore, #tpu.memory_space<semaphore_mem>>)
      %dma_start3A_87 = arith.constant 1 : i32
      %dma_start3A_88 = arith.constant 0 : i32
      %dma_start3A_89 = tpu.memref_slice %arg6[%dma_start3A_87, %dma_start3A_88] : memref<16x128xi32, #tpu.memory_space<vmem>> -> memref<1x128xi32, #tpu.memory_space<vmem>>
      %dma_start3A_90 = tpu.memref_squeeze %dma_start3A_89 : memref<1x128xi32, #tpu.memory_space<vmem>> -> memref<128xi32, #tpu.memory_space<vmem>>
      %dma_start3A_91 = arith.constant 0 : i32
      %dma_start3A_92 = arith.constant 0 : i32
      %dma_start3A_93 = tpu.memref_slice %arg2[%sub3A_0, %dma_start3A_91, %dma_start3A_92] : memref<2x10240x128xf32, #tpu.memory_space<hbm>> -> memref<1x10240x128xf32, #tpu.memory_space<hbm>>
      %dma_start3A_94 = tpu.memref_squeeze %dma_start3A_93 : memref<1x10240x128xf32, #tpu.memory_space<hbm>> -> memref<10240x128xf32, #tpu.memory_space<hbm>>
      %dma_start3A_95 = arith.constant 0 : i32
      %dma_start3A_96 = arith.constant 0 : i32
      %dma_start3A_97 = tpu.memref_slice %dma_start3A_94[%dma_start3A_95, %dma_start3A_96] : memref<10240x128xf32, #tpu.memory_space<hbm>> -> memref<10240x128xf32, #tpu.memory_space<hbm>>
      tpu.enqueue_indirect_dma source(%dma_start3A_97 : memref<10240x128xf32, #tpu.memory_space<hbm>>) target(%arg9 : memref<128x128xf32, #tpu.memory_space<vmem>>) offsets(%dma_start3A_90 : memref<128xi32, #tpu.memory_space<vmem>>) semaphore(%arg12 : memref<!tpu.dma_semaphore, #tpu.memory_space<semaphore_mem>>)
      %dma_wait3A = arith.constant 0 : i32
      %dma_wait3A_98 = arith.constant 0 : i32
      %dma_wait3A_99 = tpu.memref_slice %arg6[%dma_wait3A, %dma_wait3A_98] : memref<16x128xi32, #tpu.memory_space<vmem>> -> memref<1x128xi32, #tpu.memory_space<vmem>>
      %dma_wait3A_100 = tpu.memref_squeeze %dma_wait3A_99 : memref<1x128xi32, #tpu.memory_space<vmem>> -> memref<128xi32, #tpu.memory_space<vmem>>
      %dma_wait3A_101 = arith.constant 0 : i32
      %dma_wait3A_102 = arith.constant 0 : i32
      %dma_wait3A_103 = tpu.memref_slice %arg2[%sub3A_0, %dma_wait3A_101, %dma_wait3A_102] : memref<2x10240x128xf32, #tpu.memory_space<hbm>> -> memref<1x10240x128xf32, #tpu.memory_space<hbm>>
      %dma_wait3A_104 = tpu.memref_squeeze %dma_wait3A_103 : memref<1x10240x128xf32, #tpu.memory_space<hbm>> -> memref<10240x128xf32, #tpu.memory_space<hbm>>
      %dma_wait3A_105 = arith.constant 0 : i32
      %dma_wait3A_106 = arith.constant 0 : i32
      %dma_wait3A_107 = tpu.memref_slice %dma_wait3A_104[%dma_wait3A_105, %dma_wait3A_106] : memref<10240x128xf32, #tpu.memory_space<hbm>> -> memref<10240x128xf32, #tpu.memory_space<hbm>>
      tpu.wait_indirect_dma semaphore(%arg11 : memref<!tpu.dma_semaphore, #tpu.memory_space<semaphore_mem>>) src(%dma_wait3A_107 : memref<10240x128xf32, #tpu.memory_space<hbm>>) dst(%arg8 : memref<128x128xf32, #tpu.memory_space<vmem>>)
      %run_scoped3A = arith.constant 0 : i32
      "tpu.region"() ({
        %run_scoped3A_442 = tpu.sem_alloc : memref<!tpu.dma_semaphore, #tpu.memory_space<semaphore_mem>>
        %dma_start3A_443 = arith.constant 0 : i32
        %dma_start3A_444 = tpu.memref_slice %arg7[%run_scoped3A, %dma_start3A_443] : memref<16x128xi32, #tpu.memory_space<vmem>> -> memref<1x128xi32, #tpu.memory_space<vmem>>
        %dma_start3A_445 = tpu.memref_squeeze %dma_start3A_444 : memref<1x128xi32, #tpu.memory_space<vmem>> -> memref<128xi32, #tpu.memory_space<vmem>>
        %dma_start3A_446 = arith.constant 0 : i32
        %dma_start3A_447 = arith.constant 0 : i32
        %dma_start3A_448 = tpu.memref_slice %arg10[%dma_start3A_446, %dma_start3A_447] : memref<10240x128xf32, #tpu.memory_space<vmem_shared>> -> memref<10240x128xf32, #tpu.memory_space<vmem_shared>>
        tpu.enqueue_indirect_dma source(%arg8 : memref<128x128xf32, #tpu.memory_space<vmem>>) target(%dma_start3A_448 : memref<10240x128xf32, #tpu.memory_space<vmem_shared>>) offsets(%dma_start3A_445 : memref<128xi32, #tpu.memory_space<vmem>>) semaphore(%run_scoped3A_442 : memref<!tpu.dma_semaphore, #tpu.memory_space<semaphore_mem>>) {add = true}
        %dma_wait3A_449 = arith.constant 0 : i32
        %dma_wait3A_450 = tpu.memref_slice %arg7[%run_scoped3A, %dma_wait3A_449] : memref<16x128xi32, #tpu.memory_space<vmem>> -> memref<1x128xi32, #tpu.memory_space<vmem>>
        %dma_wait3A_451 = tpu.memref_squeeze %dma_wait3A_450 : memref<1x128xi32, #tpu.memory_space<vmem>> -> memref<128xi32, #tpu.memory_space<vmem>>
        %dma_wait3A_452 = arith.constant 0 : i32
        %dma_wait3A_453 = arith.constant 0 : i32
        %dma_wait3A_454 = tpu.memref_slice %arg10[%dma_wait3A_452, %dma_wait3A_453] : memref<10240x128xf32, #tpu.memory_space<vmem_shared>> -> memref<10240x128xf32, #tpu.memory_space<vmem_shared>>
        tpu.wait_indirect_dma semaphore(%run_scoped3A_442 : memref<!tpu.dma_semaphore, #tpu.memory_space<semaphore_mem>>) src(%arg8 : memref<128x128xf32, #tpu.memory_space<vmem>>) dst(%dma_wait3A_454 : memref<10240x128xf32, #tpu.memory_space<vmem_shared>>)
        tpu.yield
      }) : () -> ()
      %dma_start3A_108 = arith.constant 2 : i32
      %dma_start3A_109 = arith.constant 0 : i32
      %dma_start3A_110 = tpu.memref_slice %arg6[%dma_start3A_108, %dma_start3A_109] : memref<16x128xi32, #tpu.memory_space<vmem>> -> memref<1x128xi32, #tpu.memory_space<vmem>>
      %dma_start3A_111 = tpu.memref_squeeze %dma_start3A_110 : memref<1x128xi32, #tpu.memory_space<vmem>> -> memref<128xi32, #tpu.memory_space<vmem>>
      %dma_start3A_112 = arith.constant 0 : i32
      %dma_start3A_113 = arith.constant 0 : i32
      %dma_start3A_114 = tpu.memref_slice %arg2[%sub3A_0, %dma_start3A_112, %dma_start3A_113] : memref<2x10240x128xf32, #tpu.memory_space<hbm>> -> memref<1x10240x128xf32, #tpu.memory_space<hbm>>
      %dma_start3A_115 = tpu.memref_squeeze %dma_start3A_114 : memref<1x10240x128xf32, #tpu.memory_space<hbm>> -> memref<10240x128xf32, #tpu.memory_space<hbm>>
      %dma_start3A_116 = arith.constant 0 : i32
      %dma_start3A_117 = arith.constant 0 : i32
      %dma_start3A_118 = tpu.memref_slice %dma_start3A_115[%dma_start3A_116, %dma_start3A_117] : memref<10240x128xf32, #tpu.memory_space<hbm>> -> memref<10240x128xf32, #tpu.memory_space<hbm>>
      tpu.enqueue_indirect_dma source(%dma_start3A_118 : memref<10240x128xf32, #tpu.memory_space<hbm>>) target(%arg8 : memref<128x128xf32, #tpu.memory_space<vmem>>) offsets(%dma_start3A_111 : memref<128xi32, #tpu.memory_space<vmem>>) semaphore(%arg11 : memref<!tpu.dma_semaphore, #tpu.memory_space<semaphore_mem>>)
      %dma_wait3A_119 = arith.constant 1 : i32
      %dma_wait3A_120 = arith.constant 0 : i32
      %dma_wait3A_121 = tpu.memref_slice %arg6[%dma_wait3A_119, %dma_wait3A_120] : memref<16x128xi32, #tpu.memory_space<vmem>> -> memref<1x128xi32, #tpu.memory_space<vmem>>
      %dma_wait3A_122 = tpu.memref_squeeze %dma_wait3A_121 : memref<1x128xi32, #tpu.memory_space<vmem>> -> memref<128xi32, #tpu.memory_space<vmem>>
      %dma_wait3A_123 = arith.constant 0 : i32
      %dma_wait3A_124 = arith.constant 0 : i32
      %dma_wait3A_125 = tpu.memref_slice %arg2[%sub3A_0, %dma_wait3A_123, %dma_wait3A_124] : memref<2x10240x128xf32, #tpu.memory_space<hbm>> -> memref<1x10240x128xf32, #tpu.memory_space<hbm>>
      %dma_wait3A_126 = tpu.memref_squeeze %dma_wait3A_125 : memref<1x10240x128xf32, #tpu.memory_space<hbm>> -> memref<10240x128xf32, #tpu.memory_space<hbm>>
      %dma_wait3A_127 = arith.constant 0 : i32
      %dma_wait3A_128 = arith.constant 0 : i32
      %dma_wait3A_129 = tpu.memref_slice %dma_wait3A_126[%dma_wait3A_127, %dma_wait3A_128] : memref<10240x128xf32, #tpu.memory_space<hbm>> -> memref<10240x128xf32, #tpu.memory_space<hbm>>
      tpu.wait_indirect_dma semaphore(%arg12 : memref<!tpu.dma_semaphore, #tpu.memory_space<semaphore_mem>>) src(%dma_wait3A_129 : memref<10240x128xf32, #tpu.memory_space<hbm>>) dst(%arg9 : memref<128x128xf32, #tpu.memory_space<vmem>>)
      %run_scoped3A_130 = arith.constant 1 : i32
      "tpu.region"() ({
        %run_scoped3A_442 = tpu.sem_alloc : memref<!tpu.dma_semaphore, #tpu.memory_space<semaphore_mem>>
        %dma_start3A_443 = arith.constant 0 : i32
        %dma_start3A_444 = tpu.memref_slice %arg7[%run_scoped3A_130, %dma_start3A_443] : memref<16x128xi32, #tpu.memory_space<vmem>> -> memref<1x128xi32, #tpu.memory_space<vmem>>
        %dma_start3A_445 = tpu.memref_squeeze %dma_start3A_444 : memref<1x128xi32, #tpu.memory_space<vmem>> -> memref<128xi32, #tpu.memory_space<vmem>>
        %dma_start3A_446 = arith.constant 0 : i32
        %dma_start3A_447 = arith.constant 0 : i32
        %dma_start3A_448 = tpu.memref_slice %arg10[%dma_start3A_446, %dma_start3A_447] : memref<10240x128xf32, #tpu.memory_space<vmem_shared>> -> memref<10240x128xf32, #tpu.memory_space<vmem_shared>>
        tpu.enqueue_indirect_dma source(%arg9 : memref<128x128xf32, #tpu.memory_space<vmem>>) target(%dma_start3A_448 : memref<10240x128xf32, #tpu.memory_space<vmem_shared>>) offsets(%dma_start3A_445 : memref<128xi32, #tpu.memory_space<vmem>>) semaphore(%run_scoped3A_442 : memref<!tpu.dma_semaphore, #tpu.memory_space<semaphore_mem>>) {add = true}
        %dma_wait3A_449 = arith.constant 0 : i32
        %dma_wait3A_450 = tpu.memref_slice %arg7[%run_scoped3A_130, %dma_wait3A_449] : memref<16x128xi32, #tpu.memory_space<vmem>> -> memref<1x128xi32, #tpu.memory_space<vmem>>
        %dma_wait3A_451 = tpu.memref_squeeze %dma_wait3A_450 : memref<1x128xi32, #tpu.memory_space<vmem>> -> memref<128xi32, #tpu.memory_space<vmem>>
        %dma_wait3A_452 = arith.constant 0 : i32
        %dma_wait3A_453 = arith.constant 0 : i32
        %dma_wait3A_454 = tpu.memref_slice %arg10[%dma_wait3A_452, %dma_wait3A_453] : memref<10240x128xf32, #tpu.memory_space<vmem_shared>> -> memref<10240x128xf32, #tpu.memory_space<vmem_shared>>
        tpu.wait_indirect_dma semaphore(%run_scoped3A_442 : memref<!tpu.dma_semaphore, #tpu.memory_space<semaphore_mem>>) src(%arg9 : memref<128x128xf32, #tpu.memory_space<vmem>>) dst(%dma_wait3A_454 : memref<10240x128xf32, #tpu.memory_space<vmem_shared>>)
        tpu.yield
      }) : () -> ()
      %dma_start3A_131 = arith.constant 3 : i32
      %dma_start3A_132 = arith.constant 0 : i32
      %dma_start3A_133 = tpu.memref_slice %arg6[%dma_start3A_131, %dma_start3A_132] : memref<16x128xi32, #tpu.memory_space<vmem>> -> memref<1x128xi32, #tpu.memory_space<vmem>>
      %dma_start3A_134 = tpu.memref_squeeze %dma_start3A_133 : memref<1x128xi32, #tpu.memory_space<vmem>> -> memref<128xi32, #tpu.memory_space<vmem>>
      %dma_start3A_135 = arith.constant 0 : i32
      %dma_start3A_136 = arith.constant 0 : i32
      %dma_start3A_137 = tpu.memref_slice %arg2[%sub3A_0, %dma_start3A_135, %dma_start3A_136] : memref<2x10240x128xf32, #tpu.memory_space<hbm>> -> memref<1x10240x128xf32, #tpu.memory_space<hbm>>
      %dma_start3A_138 = tpu.memref_squeeze %dma_start3A_137 : memref<1x10240x128xf32, #tpu.memory_space<hbm>> -> memref<10240x128xf32, #tpu.memory_space<hbm>>
      %dma_start3A_139 = arith.constant 0 : i32
      %dma_start3A_140 = arith.constant 0 : i32
      %dma_start3A_141 = tpu.memref_slice %dma_start3A_138[%dma_start3A_139, %dma_start3A_140] : memref<10240x128xf32, #tpu.memory_space<hbm>> -> memref<10240x128xf32, #tpu.memory_space<hbm>>
      tpu.enqueue_indirect_dma source(%dma_start3A_141 : memref<10240x128xf32, #tpu.memory_space<hbm>>) target(%arg9 : memref<128x128xf32, #tpu.memory_space<vmem>>) offsets(%dma_start3A_134 : memref<128xi32, #tpu.memory_space<vmem>>) semaphore(%arg12 : memref<!tpu.dma_semaphore, #tpu.memory_space<semaphore_mem>>)
      %dma_wait3A_142 = arith.constant 2 : i32
      %dma_wait3A_143 = arith.constant 0 : i32
      %dma_wait3A_144 = tpu.memref_slice %arg6[%dma_wait3A_142, %dma_wait3A_143] : memref<16x128xi32, #tpu.memory_space<vmem>> -> memref<1x128xi32, #tpu.memory_space<vmem>>
      %dma_wait3A_145 = tpu.memref_squeeze %dma_wait3A_144 : memref<1x128xi32, #tpu.memory_space<vmem>> -> memref<128xi32, #tpu.memory_space<vmem>>
      %dma_wait3A_146 = arith.constant 0 : i32
      %dma_wait3A_147 = arith.constant 0 : i32
      %dma_wait3A_148 = tpu.memref_slice %arg2[%sub3A_0, %dma_wait3A_146, %dma_wait3A_147] : memref<2x10240x128xf32, #tpu.memory_space<hbm>> -> memref<1x10240x128xf32, #tpu.memory_space<hbm>>
      %dma_wait3A_149 = tpu.memref_squeeze %dma_wait3A_148 : memref<1x10240x128xf32, #tpu.memory_space<hbm>> -> memref<10240x128xf32, #tpu.memory_space<hbm>>
      %dma_wait3A_150 = arith.constant 0 : i32
      %dma_wait3A_151 = arith.constant 0 : i32
      %dma_wait3A_152 = tpu.memref_slice %dma_wait3A_149[%dma_wait3A_150, %dma_wait3A_151] : memref<10240x128xf32, #tpu.memory_space<hbm>> -> memref<10240x128xf32, #tpu.memory_space<hbm>>
      tpu.wait_indirect_dma semaphore(%arg11 : memref<!tpu.dma_semaphore, #tpu.memory_space<semaphore_mem>>) src(%dma_wait3A_152 : memref<10240x128xf32, #tpu.memory_space<hbm>>) dst(%arg8 : memref<128x128xf32, #tpu.memory_space<vmem>>)
      %run_scoped3A_153 = arith.constant 2 : i32
      "tpu.region"() ({
        %run_scoped3A_442 = tpu.sem_alloc : memref<!tpu.dma_semaphore, #tpu.memory_space<semaphore_mem>>
        %dma_start3A_443 = arith.constant 0 : i32
        %dma_start3A_444 = tpu.memref_slice %arg7[%run_scoped3A_153, %dma_start3A_443] : memref<16x128xi32, #tpu.memory_space<vmem>> -> memref<1x128xi32, #tpu.memory_space<vmem>>
        %dma_start3A_445 = tpu.memref_squeeze %dma_start3A_444 : memref<1x128xi32, #tpu.memory_space<vmem>> -> memref<128xi32, #tpu.memory_space<vmem>>
        %dma_start3A_446 = arith.constant 0 : i32
        %dma_start3A_447 = arith.constant 0 : i32
        %dma_start3A_448 = tpu.memref_slice %arg10[%dma_start3A_446, %dma_start3A_447] : memref<10240x128xf32, #tpu.memory_space<vmem_shared>> -> memref<10240x128xf32, #tpu.memory_space<vmem_shared>>
        tpu.enqueue_indirect_dma source(%arg8 : memref<128x128xf32, #tpu.memory_space<vmem>>) target(%dma_start3A_448 : memref<10240x128xf32, #tpu.memory_space<vmem_shared>>) offsets(%dma_start3A_445 : memref<128xi32, #tpu.memory_space<vmem>>) semaphore(%run_scoped3A_442 : memref<!tpu.dma_semaphore, #tpu.memory_space<semaphore_mem>>) {add = true}
        %dma_wait3A_449 = arith.constant 0 : i32
        %dma_wait3A_450 = tpu.memref_slice %arg7[%run_scoped3A_153, %dma_wait3A_449] : memref<16x128xi32, #tpu.memory_space<vmem>> -> memref<1x128xi32, #tpu.memory_space<vmem>>
        %dma_wait3A_451 = tpu.memref_squeeze %dma_wait3A_450 : memref<1x128xi32, #tpu.memory_space<vmem>> -> memref<128xi32, #tpu.memory_space<vmem>>
        %dma_wait3A_452 = arith.constant 0 : i32
        %dma_wait3A_453 = arith.constant 0 : i32
        %dma_wait3A_454 = tpu.memref_slice %arg10[%dma_wait3A_452, %dma_wait3A_453] : memref<10240x128xf32, #tpu.memory_space<vmem_shared>> -> memref<10240x128xf32, #tpu.memory_space<vmem_shared>>
        tpu.wait_indirect_dma semaphore(%run_scoped3A_442 : memref<!tpu.dma_semaphore, #tpu.memory_space<semaphore_mem>>) src(%arg8 : memref<128x128xf32, #tpu.memory_space<vmem>>) dst(%dma_wait3A_454 : memref<10240x128xf32, #tpu.memory_space<vmem_shared>>)
        tpu.yield
      }) : () -> ()
      %dma_start3A_154 = arith.constant 4 : i32
      %dma_start3A_155 = arith.constant 0 : i32
      %dma_start3A_156 = tpu.memref_slice %arg6[%dma_start3A_154, %dma_start3A_155] : memref<16x128xi32, #tpu.memory_space<vmem>> -> memref<1x128xi32, #tpu.memory_space<vmem>>
      %dma_start3A_157 = tpu.memref_squeeze %dma_start3A_156 : memref<1x128xi32, #tpu.memory_space<vmem>> -> memref<128xi32, #tpu.memory_space<vmem>>
      %dma_start3A_158 = arith.constant 0 : i32
      %dma_start3A_159 = arith.constant 0 : i32
      %dma_start3A_160 = tpu.memref_slice %arg2[%sub3A_0, %dma_start3A_158, %dma_start3A_159] : memref<2x10240x128xf32, #tpu.memory_space<hbm>> -> memref<1x10240x128xf32, #tpu.memory_space<hbm>>
      %dma_start3A_161 = tpu.memref_squeeze %dma_start3A_160 : memref<1x10240x128xf32, #tpu.memory_space<hbm>> -> memref<10240x128xf32, #tpu.memory_space<hbm>>
      %dma_start3A_162 = arith.constant 0 : i32
      %dma_start3A_163 = arith.constant 0 : i32
      %dma_start3A_164 = tpu.memref_slice %dma_start3A_161[%dma_start3A_162, %dma_start3A_163] : memref<10240x128xf32, #tpu.memory_space<hbm>> -> memref<10240x128xf32, #tpu.memory_space<hbm>>
      tpu.enqueue_indirect_dma source(%dma_start3A_164 : memref<10240x128xf32, #tpu.memory_space<hbm>>) target(%arg8 : memref<128x128xf32, #tpu.memory_space<vmem>>) offsets(%dma_start3A_157 : memref<128xi32, #tpu.memory_space<vmem>>) semaphore(%arg11 : memref<!tpu.dma_semaphore, #tpu.memory_space<semaphore_mem>>)
      %dma_wait3A_165 = arith.constant 3 : i32
      %dma_wait3A_166 = arith.constant 0 : i32
      %dma_wait3A_167 = tpu.memref_slice %arg6[%dma_wait3A_165, %dma_wait3A_166] : memref<16x128xi32, #tpu.memory_space<vmem>> -> memref<1x128xi32, #tpu.memory_space<vmem>>
      %dma_wait3A_168 = tpu.memref_squeeze %dma_wait3A_167 : memref<1x128xi32, #tpu.memory_space<vmem>> -> memref<128xi32, #tpu.memory_space<vmem>>
      %dma_wait3A_169 = arith.constant 0 : i32
      %dma_wait3A_170 = arith.constant 0 : i32
      %dma_wait3A_171 = tpu.memref_slice %arg2[%sub3A_0, %dma_wait3A_169, %dma_wait3A_170] : memref<2x10240x128xf32, #tpu.memory_space<hbm>> -> memref<1x10240x128xf32, #tpu.memory_space<hbm>>
      %dma_wait3A_172 = tpu.memref_squeeze %dma_wait3A_171 : memref<1x10240x128xf32, #tpu.memory_space<hbm>> -> memref<10240x128xf32, #tpu.memory_space<hbm>>
      %dma_wait3A_173 = arith.constant 0 : i32
      %dma_wait3A_174 = arith.constant 0 : i32
      %dma_wait3A_175 = tpu.memref_slice %dma_wait3A_172[%dma_wait3A_173, %dma_wait3A_174] : memref<10240x128xf32, #tpu.memory_space<hbm>> -> memref<10240x128xf32, #tpu.memory_space<hbm>>
      tpu.wait_indirect_dma semaphore(%arg12 : memref<!tpu.dma_semaphore, #tpu.memory_space<semaphore_mem>>) src(%dma_wait3A_175 : memref<10240x128xf32, #tpu.memory_space<hbm>>) dst(%arg9 : memref<128x128xf32, #tpu.memory_space<vmem>>)
      %run_scoped3A_176 = arith.constant 3 : i32
      "tpu.region"() ({
        %run_scoped3A_442 = tpu.sem_alloc : memref<!tpu.dma_semaphore, #tpu.memory_space<semaphore_mem>>
        %dma_start3A_443 = arith.constant 0 : i32
        %dma_start3A_444 = tpu.memref_slice %arg7[%run_scoped3A_176, %dma_start3A_443] : memref<16x128xi32, #tpu.memory_space<vmem>> -> memref<1x128xi32, #tpu.memory_space<vmem>>
        %dma_start3A_445 = tpu.memref_squeeze %dma_start3A_444 : memref<1x128xi32, #tpu.memory_space<vmem>> -> memref<128xi32, #tpu.memory_space<vmem>>
        %dma_start3A_446 = arith.constant 0 : i32
        %dma_start3A_447 = arith.constant 0 : i32
        %dma_start3A_448 = tpu.memref_slice %arg10[%dma_start3A_446, %dma_start3A_447] : memref<10240x128xf32, #tpu.memory_space<vmem_shared>> -> memref<10240x128xf32, #tpu.memory_space<vmem_shared>>
        tpu.enqueue_indirect_dma source(%arg9 : memref<128x128xf32, #tpu.memory_space<vmem>>) target(%dma_start3A_448 : memref<10240x128xf32, #tpu.memory_space<vmem_shared>>) offsets(%dma_start3A_445 : memref<128xi32, #tpu.memory_space<vmem>>) semaphore(%run_scoped3A_442 : memref<!tpu.dma_semaphore, #tpu.memory_space<semaphore_mem>>) {add = true}
        %dma_wait3A_449 = arith.constant 0 : i32
        %dma_wait3A_450 = tpu.memref_slice %arg7[%run_scoped3A_176, %dma_wait3A_449] : memref<16x128xi32, #tpu.memory_space<vmem>> -> memref<1x128xi32, #tpu.memory_space<vmem>>
        %dma_wait3A_451 = tpu.memref_squeeze %dma_wait3A_450 : memref<1x128xi32, #tpu.memory_space<vmem>> -> memref<128xi32, #tpu.memory_space<vmem>>
        %dma_wait3A_452 = arith.constant 0 : i32
        %dma_wait3A_453 = arith.constant 0 : i32
        %dma_wait3A_454 = tpu.memref_slice %arg10[%dma_wait3A_452, %dma_wait3A_453] : memref<10240x128xf32, #tpu.memory_space<vmem_shared>> -> memref<10240x128xf32, #tpu.memory_space<vmem_shared>>
        tpu.wait_indirect_dma semaphore(%run_scoped3A_442 : memref<!tpu.dma_semaphore, #tpu.memory_space<semaphore_mem>>) src(%arg9 : memref<128x128xf32, #tpu.memory_space<vmem>>) dst(%dma_wait3A_454 : memref<10240x128xf32, #tpu.memory_space<vmem_shared>>)
        tpu.yield
      }) : () -> ()
      %dma_start3A_177 = arith.constant 5 : i32
      %dma_start3A_178 = arith.constant 0 : i32
      %dma_start3A_179 = tpu.memref_slice %arg6[%dma_start3A_177, %dma_start3A_178] : memref<16x128xi32, #tpu.memory_space<vmem>> -> memref<1x128xi32, #tpu.memory_space<vmem>>
      %dma_start3A_180 = tpu.memref_squeeze %dma_start3A_179 : memref<1x128xi32, #tpu.memory_space<vmem>> -> memref<128xi32, #tpu.memory_space<vmem>>
      %dma_start3A_181 = arith.constant 0 : i32
      %dma_start3A_182 = arith.constant 0 : i32
      %dma_start3A_183 = tpu.memref_slice %arg2[%sub3A_0, %dma_start3A_181, %dma_start3A_182] : memref<2x10240x128xf32, #tpu.memory_space<hbm>> -> memref<1x10240x128xf32, #tpu.memory_space<hbm>>
      %dma_start3A_184 = tpu.memref_squeeze %dma_start3A_183 : memref<1x10240x128xf32, #tpu.memory_space<hbm>> -> memref<10240x128xf32, #tpu.memory_space<hbm>>
      %dma_start3A_185 = arith.constant 0 : i32
      %dma_start3A_186 = arith.constant 0 : i32
      %dma_start3A_187 = tpu.memref_slice %dma_start3A_184[%dma_start3A_185, %dma_start3A_186] : memref<10240x128xf32, #tpu.memory_space<hbm>> -> memref<10240x128xf32, #tpu.memory_space<hbm>>
      tpu.enqueue_indirect_dma source(%dma_start3A_187 : memref<10240x128xf32, #tpu.memory_space<hbm>>) target(%arg9 : memref<128x128xf32, #tpu.memory_space<vmem>>) offsets(%dma_start3A_180 : memref<128xi32, #tpu.memory_space<vmem>>) semaphore(%arg12 : memref<!tpu.dma_semaphore, #tpu.memory_space<semaphore_mem>>)
      %dma_wait3A_188 = arith.constant 4 : i32
      %dma_wait3A_189 = arith.constant 0 : i32
      %dma_wait3A_190 = tpu.memref_slice %arg6[%dma_wait3A_188, %dma_wait3A_189] : memref<16x128xi32, #tpu.memory_space<vmem>> -> memref<1x128xi32, #tpu.memory_space<vmem>>
      %dma_wait3A_191 = tpu.memref_squeeze %dma_wait3A_190 : memref<1x128xi32, #tpu.memory_space<vmem>> -> memref<128xi32, #tpu.memory_space<vmem>>
      %dma_wait3A_192 = arith.constant 0 : i32
      %dma_wait3A_193 = arith.constant 0 : i32
      %dma_wait3A_194 = tpu.memref_slice %arg2[%sub3A_0, %dma_wait3A_192, %dma_wait3A_193] : memref<2x10240x128xf32, #tpu.memory_space<hbm>> -> memref<1x10240x128xf32, #tpu.memory_space<hbm>>
      %dma_wait3A_195 = tpu.memref_squeeze %dma_wait3A_194 : memref<1x10240x128xf32, #tpu.memory_space<hbm>> -> memref<10240x128xf32, #tpu.memory_space<hbm>>
      %dma_wait3A_196 = arith.constant 0 : i32
      %dma_wait3A_197 = arith.constant 0 : i32
      %dma_wait3A_198 = tpu.memref_slice %dma_wait3A_195[%dma_wait3A_196, %dma_wait3A_197] : memref<10240x128xf32, #tpu.memory_space<hbm>> -> memref<10240x128xf32, #tpu.memory_space<hbm>>
      tpu.wait_indirect_dma semaphore(%arg11 : memref<!tpu.dma_semaphore, #tpu.memory_space<semaphore_mem>>) src(%dma_wait3A_198 : memref<10240x128xf32, #tpu.memory_space<hbm>>) dst(%arg8 : memref<128x128xf32, #tpu.memory_space<vmem>>)
      %run_scoped3A_199 = arith.constant 4 : i32
      "tpu.region"() ({
        %run_scoped3A_442 = tpu.sem_alloc : memref<!tpu.dma_semaphore, #tpu.memory_space<semaphore_mem>>
        %dma_start3A_443 = arith.constant 0 : i32
        %dma_start3A_444 = tpu.memref_slice %arg7[%run_scoped3A_199, %dma_start3A_443] : memref<16x128xi32, #tpu.memory_space<vmem>> -> memref<1x128xi32, #tpu.memory_space<vmem>>
        %dma_start3A_445 = tpu.memref_squeeze %dma_start3A_444 : memref<1x128xi32, #tpu.memory_space<vmem>> -> memref<128xi32, #tpu.memory_space<vmem>>
        %dma_start3A_446 = arith.constant 0 : i32
        %dma_start3A_447 = arith.constant 0 : i32
        %dma_start3A_448 = tpu.memref_slice %arg10[%dma_start3A_446, %dma_start3A_447] : memref<10240x128xf32, #tpu.memory_space<vmem_shared>> -> memref<10240x128xf32, #tpu.memory_space<vmem_shared>>
        tpu.enqueue_indirect_dma source(%arg8 : memref<128x128xf32, #tpu.memory_space<vmem>>) target(%dma_start3A_448 : memref<10240x128xf32, #tpu.memory_space<vmem_shared>>) offsets(%dma_start3A_445 : memref<128xi32, #tpu.memory_space<vmem>>) semaphore(%run_scoped3A_442 : memref<!tpu.dma_semaphore, #tpu.memory_space<semaphore_mem>>) {add = true}
        %dma_wait3A_449 = arith.constant 0 : i32
        %dma_wait3A_450 = tpu.memref_slice %arg7[%run_scoped3A_199, %dma_wait3A_449] : memref<16x128xi32, #tpu.memory_space<vmem>> -> memref<1x128xi32, #tpu.memory_space<vmem>>
        %dma_wait3A_451 = tpu.memref_squeeze %dma_wait3A_450 : memref<1x128xi32, #tpu.memory_space<vmem>> -> memref<128xi32, #tpu.memory_space<vmem>>
        %dma_wait3A_452 = arith.constant 0 : i32
        %dma_wait3A_453 = arith.constant 0 : i32
        %dma_wait3A_454 = tpu.memref_slice %arg10[%dma_wait3A_452, %dma_wait3A_453] : memref<10240x128xf32, #tpu.memory_space<vmem_shared>> -> memref<10240x128xf32, #tpu.memory_space<vmem_shared>>
        tpu.wait_indirect_dma semaphore(%run_scoped3A_442 : memref<!tpu.dma_semaphore, #tpu.memory_space<semaphore_mem>>) src(%arg8 : memref<128x128xf32, #tpu.memory_space<vmem>>) dst(%dma_wait3A_454 : memref<10240x128xf32, #tpu.memory_space<vmem_shared>>)
        tpu.yield
      }) : () -> ()
      %dma_start3A_200 = arith.constant 6 : i32
      %dma_start3A_201 = arith.constant 0 : i32
      %dma_start3A_202 = tpu.memref_slice %arg6[%dma_start3A_200, %dma_start3A_201] : memref<16x128xi32, #tpu.memory_space<vmem>> -> memref<1x128xi32, #tpu.memory_space<vmem>>
      %dma_start3A_203 = tpu.memref_squeeze %dma_start3A_202 : memref<1x128xi32, #tpu.memory_space<vmem>> -> memref<128xi32, #tpu.memory_space<vmem>>
      %dma_start3A_204 = arith.constant 0 : i32
      %dma_start3A_205 = arith.constant 0 : i32
      %dma_start3A_206 = tpu.memref_slice %arg2[%sub3A_0, %dma_start3A_204, %dma_start3A_205] : memref<2x10240x128xf32, #tpu.memory_space<hbm>> -> memref<1x10240x128xf32, #tpu.memory_space<hbm>>
      %dma_start3A_207 = tpu.memref_squeeze %dma_start3A_206 : memref<1x10240x128xf32, #tpu.memory_space<hbm>> -> memref<10240x128xf32, #tpu.memory_space<hbm>>
      %dma_start3A_208 = arith.constant 0 : i32
      %dma_start3A_209 = arith.constant 0 : i32
      %dma_start3A_210 = tpu.memref_slice %dma_start3A_207[%dma_start3A_208, %dma_start3A_209] : memref<10240x128xf32, #tpu.memory_space<hbm>> -> memref<10240x128xf32, #tpu.memory_space<hbm>>
      tpu.enqueue_indirect_dma source(%dma_start3A_210 : memref<10240x128xf32, #tpu.memory_space<hbm>>) target(%arg8 : memref<128x128xf32, #tpu.memory_space<vmem>>) offsets(%dma_start3A_203 : memref<128xi32, #tpu.memory_space<vmem>>) semaphore(%arg11 : memref<!tpu.dma_semaphore, #tpu.memory_space<semaphore_mem>>)
      %dma_wait3A_211 = arith.constant 5 : i32
      %dma_wait3A_212 = arith.constant 0 : i32
      %dma_wait3A_213 = tpu.memref_slice %arg6[%dma_wait3A_211, %dma_wait3A_212] : memref<16x128xi32, #tpu.memory_space<vmem>> -> memref<1x128xi32, #tpu.memory_space<vmem>>
      %dma_wait3A_214 = tpu.memref_squeeze %dma_wait3A_213 : memref<1x128xi32, #tpu.memory_space<vmem>> -> memref<128xi32, #tpu.memory_space<vmem>>
      %dma_wait3A_215 = arith.constant 0 : i32
      %dma_wait3A_216 = arith.constant 0 : i32
      %dma_wait3A_217 = tpu.memref_slice %arg2[%sub3A_0, %dma_wait3A_215, %dma_wait3A_216] : memref<2x10240x128xf32, #tpu.memory_space<hbm>> -> memref<1x10240x128xf32, #tpu.memory_space<hbm>>
      %dma_wait3A_218 = tpu.memref_squeeze %dma_wait3A_217 : memref<1x10240x128xf32, #tpu.memory_space<hbm>> -> memref<10240x128xf32, #tpu.memory_space<hbm>>
      %dma_wait3A_219 = arith.constant 0 : i32
      %dma_wait3A_220 = arith.constant 0 : i32
      %dma_wait3A_221 = tpu.memref_slice %dma_wait3A_218[%dma_wait3A_219, %dma_wait3A_220] : memref<10240x128xf32, #tpu.memory_space<hbm>> -> memref<10240x128xf32, #tpu.memory_space<hbm>>
      tpu.wait_indirect_dma semaphore(%arg12 : memref<!tpu.dma_semaphore, #tpu.memory_space<semaphore_mem>>) src(%dma_wait3A_221 : memref<10240x128xf32, #tpu.memory_space<hbm>>) dst(%arg9 : memref<128x128xf32, #tpu.memory_space<vmem>>)
      %run_scoped3A_222 = arith.constant 5 : i32
      "tpu.region"() ({
        %run_scoped3A_442 = tpu.sem_alloc : memref<!tpu.dma_semaphore, #tpu.memory_space<semaphore_mem>>
        %dma_start3A_443 = arith.constant 0 : i32
        %dma_start3A_444 = tpu.memref_slice %arg7[%run_scoped3A_222, %dma_start3A_443] : memref<16x128xi32, #tpu.memory_space<vmem>> -> memref<1x128xi32, #tpu.memory_space<vmem>>
        %dma_start3A_445 = tpu.memref_squeeze %dma_start3A_444 : memref<1x128xi32, #tpu.memory_space<vmem>> -> memref<128xi32, #tpu.memory_space<vmem>>
        %dma_start3A_446 = arith.constant 0 : i32
        %dma_start3A_447 = arith.constant 0 : i32
        %dma_start3A_448 = tpu.memref_slice %arg10[%dma_start3A_446, %dma_start3A_447] : memref<10240x128xf32, #tpu.memory_space<vmem_shared>> -> memref<10240x128xf32, #tpu.memory_space<vmem_shared>>
        tpu.enqueue_indirect_dma source(%arg9 : memref<128x128xf32, #tpu.memory_space<vmem>>) target(%dma_start3A_448 : memref<10240x128xf32, #tpu.memory_space<vmem_shared>>) offsets(%dma_start3A_445 : memref<128xi32, #tpu.memory_space<vmem>>) semaphore(%run_scoped3A_442 : memref<!tpu.dma_semaphore, #tpu.memory_space<semaphore_mem>>) {add = true}
        %dma_wait3A_449 = arith.constant 0 : i32
        %dma_wait3A_450 = tpu.memref_slice %arg7[%run_scoped3A_222, %dma_wait3A_449] : memref<16x128xi32, #tpu.memory_space<vmem>> -> memref<1x128xi32, #tpu.memory_space<vmem>>
        %dma_wait3A_451 = tpu.memref_squeeze %dma_wait3A_450 : memref<1x128xi32, #tpu.memory_space<vmem>> -> memref<128xi32, #tpu.memory_space<vmem>>
        %dma_wait3A_452 = arith.constant 0 : i32
        %dma_wait3A_453 = arith.constant 0 : i32
        %dma_wait3A_454 = tpu.memref_slice %arg10[%dma_wait3A_452, %dma_wait3A_453] : memref<10240x128xf32, #tpu.memory_space<vmem_shared>> -> memref<10240x128xf32, #tpu.memory_space<vmem_shared>>
        tpu.wait_indirect_dma semaphore(%run_scoped3A_442 : memref<!tpu.dma_semaphore, #tpu.memory_space<semaphore_mem>>) src(%arg9 : memref<128x128xf32, #tpu.memory_space<vmem>>) dst(%dma_wait3A_454 : memref<10240x128xf32, #tpu.memory_space<vmem_shared>>)
        tpu.yield
      }) : () -> ()
      %dma_start3A_223 = arith.constant 7 : i32
      %dma_start3A_224 = arith.constant 0 : i32
      %dma_start3A_225 = tpu.memref_slice %arg6[%dma_start3A_223, %dma_start3A_224] : memref<16x128xi32, #tpu.memory_space<vmem>> -> memref<1x128xi32, #tpu.memory_space<vmem>>
      %dma_start3A_226 = tpu.memref_squeeze %dma_start3A_225 : memref<1x128xi32, #tpu.memory_space<vmem>> -> memref<128xi32, #tpu.memory_space<vmem>>
      %dma_start3A_227 = arith.constant 0 : i32
      %dma_start3A_228 = arith.constant 0 : i32
      %dma_start3A_229 = tpu.memref_slice %arg2[%sub3A_0, %dma_start3A_227, %dma_start3A_228] : memref<2x10240x128xf32, #tpu.memory_space<hbm>> -> memref<1x10240x128xf32, #tpu.memory_space<hbm>>
      %dma_start3A_230 = tpu.memref_squeeze %dma_start3A_229 : memref<1x10240x128xf32, #tpu.memory_space<hbm>> -> memref<10240x128xf32, #tpu.memory_space<hbm>>
      %dma_start3A_231 = arith.constant 0 : i32
      %dma_start3A_232 = arith.constant 0 : i32
      %dma_start3A_233 = tpu.memref_slice %dma_start3A_230[%dma_start3A_231, %dma_start3A_232] : memref<10240x128xf32, #tpu.memory_space<hbm>> -> memref<10240x128xf32, #tpu.memory_space<hbm>>
      tpu.enqueue_indirect_dma source(%dma_start3A_233 : memref<10240x128xf32, #tpu.memory_space<hbm>>) target(%arg9 : memref<128x128xf32, #tpu.memory_space<vmem>>) offsets(%dma_start3A_226 : memref<128xi32, #tpu.memory_space<vmem>>) semaphore(%arg12 : memref<!tpu.dma_semaphore, #tpu.memory_space<semaphore_mem>>)
      %dma_wait3A_234 = arith.constant 6 : i32
      %dma_wait3A_235 = arith.constant 0 : i32
      %dma_wait3A_236 = tpu.memref_slice %arg6[%dma_wait3A_234, %dma_wait3A_235] : memref<16x128xi32, #tpu.memory_space<vmem>> -> memref<1x128xi32, #tpu.memory_space<vmem>>
      %dma_wait3A_237 = tpu.memref_squeeze %dma_wait3A_236 : memref<1x128xi32, #tpu.memory_space<vmem>> -> memref<128xi32, #tpu.memory_space<vmem>>
      %dma_wait3A_238 = arith.constant 0 : i32
      %dma_wait3A_239 = arith.constant 0 : i32
      %dma_wait3A_240 = tpu.memref_slice %arg2[%sub3A_0, %dma_wait3A_238, %dma_wait3A_239] : memref<2x10240x128xf32, #tpu.memory_space<hbm>> -> memref<1x10240x128xf32, #tpu.memory_space<hbm>>
      %dma_wait3A_241 = tpu.memref_squeeze %dma_wait3A_240 : memref<1x10240x128xf32, #tpu.memory_space<hbm>> -> memref<10240x128xf32, #tpu.memory_space<hbm>>
      %dma_wait3A_242 = arith.constant 0 : i32
      %dma_wait3A_243 = arith.constant 0 : i32
      %dma_wait3A_244 = tpu.memref_slice %dma_wait3A_241[%dma_wait3A_242, %dma_wait3A_243] : memref<10240x128xf32, #tpu.memory_space<hbm>> -> memref<10240x128xf32, #tpu.memory_space<hbm>>
      tpu.wait_indirect_dma semaphore(%arg11 : memref<!tpu.dma_semaphore, #tpu.memory_space<semaphore_mem>>) src(%dma_wait3A_244 : memref<10240x128xf32, #tpu.memory_space<hbm>>) dst(%arg8 : memref<128x128xf32, #tpu.memory_space<vmem>>)
      %run_scoped3A_245 = arith.constant 6 : i32
      "tpu.region"() ({
        %run_scoped3A_442 = tpu.sem_alloc : memref<!tpu.dma_semaphore, #tpu.memory_space<semaphore_mem>>
        %dma_start3A_443 = arith.constant 0 : i32
        %dma_start3A_444 = tpu.memref_slice %arg7[%run_scoped3A_245, %dma_start3A_443] : memref<16x128xi32, #tpu.memory_space<vmem>> -> memref<1x128xi32, #tpu.memory_space<vmem>>
        %dma_start3A_445 = tpu.memref_squeeze %dma_start3A_444 : memref<1x128xi32, #tpu.memory_space<vmem>> -> memref<128xi32, #tpu.memory_space<vmem>>
        %dma_start3A_446 = arith.constant 0 : i32
        %dma_start3A_447 = arith.constant 0 : i32
        %dma_start3A_448 = tpu.memref_slice %arg10[%dma_start3A_446, %dma_start3A_447] : memref<10240x128xf32, #tpu.memory_space<vmem_shared>> -> memref<10240x128xf32, #tpu.memory_space<vmem_shared>>
        tpu.enqueue_indirect_dma source(%arg8 : memref<128x128xf32, #tpu.memory_space<vmem>>) target(%dma_start3A_448 : memref<10240x128xf32, #tpu.memory_space<vmem_shared>>) offsets(%dma_start3A_445 : memref<128xi32, #tpu.memory_space<vmem>>) semaphore(%run_scoped3A_442 : memref<!tpu.dma_semaphore, #tpu.memory_space<semaphore_mem>>) {add = true}
        %dma_wait3A_449 = arith.constant 0 : i32
        %dma_wait3A_450 = tpu.memref_slice %arg7[%run_scoped3A_245, %dma_wait3A_449] : memref<16x128xi32, #tpu.memory_space<vmem>> -> memref<1x128xi32, #tpu.memory_space<vmem>>
        %dma_wait3A_451 = tpu.memref_squeeze %dma_wait3A_450 : memref<1x128xi32, #tpu.memory_space<vmem>> -> memref<128xi32, #tpu.memory_space<vmem>>
        %dma_wait3A_452 = arith.constant 0 : i32
        %dma_wait3A_453 = arith.constant 0 : i32
        %dma_wait3A_454 = tpu.memref_slice %arg10[%dma_wait3A_452, %dma_wait3A_453] : memref<10240x128xf32, #tpu.memory_space<vmem_shared>> -> memref<10240x128xf32, #tpu.memory_space<vmem_shared>>
        tpu.wait_indirect_dma semaphore(%run_scoped3A_442 : memref<!tpu.dma_semaphore, #tpu.memory_space<semaphore_mem>>) src(%arg8 : memref<128x128xf32, #tpu.memory_space<vmem>>) dst(%dma_wait3A_454 : memref<10240x128xf32, #tpu.memory_space<vmem_shared>>)
        tpu.yield
      }) : () -> ()
      %dma_start3A_246 = arith.constant 8 : i32
      %dma_start3A_247 = arith.constant 0 : i32
      %dma_start3A_248 = tpu.memref_slice %arg6[%dma_start3A_246, %dma_start3A_247] : memref<16x128xi32, #tpu.memory_space<vmem>> -> memref<1x128xi32, #tpu.memory_space<vmem>>
      %dma_start3A_249 = tpu.memref_squeeze %dma_start3A_248 : memref<1x128xi32, #tpu.memory_space<vmem>> -> memref<128xi32, #tpu.memory_space<vmem>>
      %dma_start3A_250 = arith.constant 0 : i32
      %dma_start3A_251 = arith.constant 0 : i32
      %dma_start3A_252 = tpu.memref_slice %arg2[%sub3A_0, %dma_start3A_250, %dma_start3A_251] : memref<2x10240x128xf32, #tpu.memory_space<hbm>> -> memref<1x10240x128xf32, #tpu.memory_space<hbm>>
      %dma_start3A_253 = tpu.memref_squeeze %dma_start3A_252 : memref<1x10240x128xf32, #tpu.memory_space<hbm>> -> memref<10240x128xf32, #tpu.memory_space<hbm>>
      %dma_start3A_254 = arith.constant 0 : i32
      %dma_start3A_255 = arith.constant 0 : i32
      %dma_start3A_256 = tpu.memref_slice %dma_start3A_253[%dma_start3A_254, %dma_start3A_255] : memref<10240x128xf32, #tpu.memory_space<hbm>> -> memref<10240x128xf32, #tpu.memory_space<hbm>>
      tpu.enqueue_indirect_dma source(%dma_start3A_256 : memref<10240x128xf32, #tpu.memory_space<hbm>>) target(%arg8 : memref<128x128xf32, #tpu.memory_space<vmem>>) offsets(%dma_start3A_249 : memref<128xi32, #tpu.memory_space<vmem>>) semaphore(%arg11 : memref<!tpu.dma_semaphore, #tpu.memory_space<semaphore_mem>>)
      %dma_wait3A_257 = arith.constant 7 : i32
      %dma_wait3A_258 = arith.constant 0 : i32
      %dma_wait3A_259 = tpu.memref_slice %arg6[%dma_wait3A_257, %dma_wait3A_258] : memref<16x128xi32, #tpu.memory_space<vmem>> -> memref<1x128xi32, #tpu.memory_space<vmem>>
      %dma_wait3A_260 = tpu.memref_squeeze %dma_wait3A_259 : memref<1x128xi32, #tpu.memory_space<vmem>> -> memref<128xi32, #tpu.memory_space<vmem>>
      %dma_wait3A_261 = arith.constant 0 : i32
      %dma_wait3A_262 = arith.constant 0 : i32
      %dma_wait3A_263 = tpu.memref_slice %arg2[%sub3A_0, %dma_wait3A_261, %dma_wait3A_262] : memref<2x10240x128xf32, #tpu.memory_space<hbm>> -> memref<1x10240x128xf32, #tpu.memory_space<hbm>>
      %dma_wait3A_264 = tpu.memref_squeeze %dma_wait3A_263 : memref<1x10240x128xf32, #tpu.memory_space<hbm>> -> memref<10240x128xf32, #tpu.memory_space<hbm>>
      %dma_wait3A_265 = arith.constant 0 : i32
      %dma_wait3A_266 = arith.constant 0 : i32
      %dma_wait3A_267 = tpu.memref_slice %dma_wait3A_264[%dma_wait3A_265, %dma_wait3A_266] : memref<10240x128xf32, #tpu.memory_space<hbm>> -> memref<10240x128xf32, #tpu.memory_space<hbm>>
      tpu.wait_indirect_dma semaphore(%arg12 : memref<!tpu.dma_semaphore, #tpu.memory_space<semaphore_mem>>) src(%dma_wait3A_267 : memref<10240x128xf32, #tpu.memory_space<hbm>>) dst(%arg9 : memref<128x128xf32, #tpu.memory_space<vmem>>)
      %run_scoped3A_268 = arith.constant 7 : i32
      "tpu.region"() ({
        %run_scoped3A_442 = tpu.sem_alloc : memref<!tpu.dma_semaphore, #tpu.memory_space<semaphore_mem>>
        %dma_start3A_443 = arith.constant 0 : i32
        %dma_start3A_444 = tpu.memref_slice %arg7[%run_scoped3A_268, %dma_start3A_443] : memref<16x128xi32, #tpu.memory_space<vmem>> -> memref<1x128xi32, #tpu.memory_space<vmem>>
        %dma_start3A_445 = tpu.memref_squeeze %dma_start3A_444 : memref<1x128xi32, #tpu.memory_space<vmem>> -> memref<128xi32, #tpu.memory_space<vmem>>
        %dma_start3A_446 = arith.constant 0 : i32
        %dma_start3A_447 = arith.constant 0 : i32
        %dma_start3A_448 = tpu.memref_slice %arg10[%dma_start3A_446, %dma_start3A_447] : memref<10240x128xf32, #tpu.memory_space<vmem_shared>> -> memref<10240x128xf32, #tpu.memory_space<vmem_shared>>
        tpu.enqueue_indirect_dma source(%arg9 : memref<128x128xf32, #tpu.memory_space<vmem>>) target(%dma_start3A_448 : memref<10240x128xf32, #tpu.memory_space<vmem_shared>>) offsets(%dma_start3A_445 : memref<128xi32, #tpu.memory_space<vmem>>) semaphore(%run_scoped3A_442 : memref<!tpu.dma_semaphore, #tpu.memory_space<semaphore_mem>>) {add = true}
        %dma_wait3A_449 = arith.constant 0 : i32
        %dma_wait3A_450 = tpu.memref_slice %arg7[%run_scoped3A_268, %dma_wait3A_449] : memref<16x128xi32, #tpu.memory_space<vmem>> -> memref<1x128xi32, #tpu.memory_space<vmem>>
        %dma_wait3A_451 = tpu.memref_squeeze %dma_wait3A_450 : memref<1x128xi32, #tpu.memory_space<vmem>> -> memref<128xi32, #tpu.memory_space<vmem>>
        %dma_wait3A_452 = arith.constant 0 : i32
        %dma_wait3A_453 = arith.constant 0 : i32
        %dma_wait3A_454 = tpu.memref_slice %arg10[%dma_wait3A_452, %dma_wait3A_453] : memref<10240x128xf32, #tpu.memory_space<vmem_shared>> -> memref<10240x128xf32, #tpu.memory_space<vmem_shared>>
        tpu.wait_indirect_dma semaphore(%run_scoped3A_442 : memref<!tpu.dma_semaphore, #tpu.memory_space<semaphore_mem>>) src(%arg9 : memref<128x128xf32, #tpu.memory_space<vmem>>) dst(%dma_wait3A_454 : memref<10240x128xf32, #tpu.memory_space<vmem_shared>>)
        tpu.yield
      }) : () -> ()
      %dma_start3A_269 = arith.constant 9 : i32
      %dma_start3A_270 = arith.constant 0 : i32
      %dma_start3A_271 = tpu.memref_slice %arg6[%dma_start3A_269, %dma_start3A_270] : memref<16x128xi32, #tpu.memory_space<vmem>> -> memref<1x128xi32, #tpu.memory_space<vmem>>
      %dma_start3A_272 = tpu.memref_squeeze %dma_start3A_271 : memref<1x128xi32, #tpu.memory_space<vmem>> -> memref<128xi32, #tpu.memory_space<vmem>>
      %dma_start3A_273 = arith.constant 0 : i32
      %dma_start3A_274 = arith.constant 0 : i32
      %dma_start3A_275 = tpu.memref_slice %arg2[%sub3A_0, %dma_start3A_273, %dma_start3A_274] : memref<2x10240x128xf32, #tpu.memory_space<hbm>> -> memref<1x10240x128xf32, #tpu.memory_space<hbm>>
      %dma_start3A_276 = tpu.memref_squeeze %dma_start3A_275 : memref<1x10240x128xf32, #tpu.memory_space<hbm>> -> memref<10240x128xf32, #tpu.memory_space<hbm>>
      %dma_start3A_277 = arith.constant 0 : i32
      %dma_start3A_278 = arith.constant 0 : i32
      %dma_start3A_279 = tpu.memref_slice %dma_start3A_276[%dma_start3A_277, %dma_start3A_278] : memref<10240x128xf32, #tpu.memory_space<hbm>> -> memref<10240x128xf32, #tpu.memory_space<hbm>>
      tpu.enqueue_indirect_dma source(%dma_start3A_279 : memref<10240x128xf32, #tpu.memory_space<hbm>>) target(%arg9 : memref<128x128xf32, #tpu.memory_space<vmem>>) offsets(%dma_start3A_272 : memref<128xi32, #tpu.memory_space<vmem>>) semaphore(%arg12 : memref<!tpu.dma_semaphore, #tpu.memory_space<semaphore_mem>>)
      %dma_wait3A_280 = arith.constant 8 : i32
      %dma_wait3A_281 = arith.constant 0 : i32
      %dma_wait3A_282 = tpu.memref_slice %arg6[%dma_wait3A_280, %dma_wait3A_281] : memref<16x128xi32, #tpu.memory_space<vmem>> -> memref<1x128xi32, #tpu.memory_space<vmem>>
      %dma_wait3A_283 = tpu.memref_squeeze %dma_wait3A_282 : memref<1x128xi32, #tpu.memory_space<vmem>> -> memref<128xi32, #tpu.memory_space<vmem>>
      %dma_wait3A_284 = arith.constant 0 : i32
      %dma_wait3A_285 = arith.constant 0 : i32
      %dma_wait3A_286 = tpu.memref_slice %arg2[%sub3A_0, %dma_wait3A_284, %dma_wait3A_285] : memref<2x10240x128xf32, #tpu.memory_space<hbm>> -> memref<1x10240x128xf32, #tpu.memory_space<hbm>>
      %dma_wait3A_287 = tpu.memref_squeeze %dma_wait3A_286 : memref<1x10240x128xf32, #tpu.memory_space<hbm>> -> memref<10240x128xf32, #tpu.memory_space<hbm>>
      %dma_wait3A_288 = arith.constant 0 : i32
      %dma_wait3A_289 = arith.constant 0 : i32
      %dma_wait3A_290 = tpu.memref_slice %dma_wait3A_287[%dma_wait3A_288, %dma_wait3A_289] : memref<10240x128xf32, #tpu.memory_space<hbm>> -> memref<10240x128xf32, #tpu.memory_space<hbm>>
      tpu.wait_indirect_dma semaphore(%arg11 : memref<!tpu.dma_semaphore, #tpu.memory_space<semaphore_mem>>) src(%dma_wait3A_290 : memref<10240x128xf32, #tpu.memory_space<hbm>>) dst(%arg8 : memref<128x128xf32, #tpu.memory_space<vmem>>)
      %run_scoped3A_291 = arith.constant 8 : i32
      "tpu.region"() ({
        %run_scoped3A_442 = tpu.sem_alloc : memref<!tpu.dma_semaphore, #tpu.memory_space<semaphore_mem>>
        %dma_start3A_443 = arith.constant 0 : i32
        %dma_start3A_444 = tpu.memref_slice %arg7[%run_scoped3A_291, %dma_start3A_443] : memref<16x128xi32, #tpu.memory_space<vmem>> -> memref<1x128xi32, #tpu.memory_space<vmem>>
        %dma_start3A_445 = tpu.memref_squeeze %dma_start3A_444 : memref<1x128xi32, #tpu.memory_space<vmem>> -> memref<128xi32, #tpu.memory_space<vmem>>
        %dma_start3A_446 = arith.constant 0 : i32
        %dma_start3A_447 = arith.constant 0 : i32
        %dma_start3A_448 = tpu.memref_slice %arg10[%dma_start3A_446, %dma_start3A_447] : memref<10240x128xf32, #tpu.memory_space<vmem_shared>> -> memref<10240x128xf32, #tpu.memory_space<vmem_shared>>
        tpu.enqueue_indirect_dma source(%arg8 : memref<128x128xf32, #tpu.memory_space<vmem>>) target(%dma_start3A_448 : memref<10240x128xf32, #tpu.memory_space<vmem_shared>>) offsets(%dma_start3A_445 : memref<128xi32, #tpu.memory_space<vmem>>) semaphore(%run_scoped3A_442 : memref<!tpu.dma_semaphore, #tpu.memory_space<semaphore_mem>>) {add = true}
        %dma_wait3A_449 = arith.constant 0 : i32
        %dma_wait3A_450 = tpu.memref_slice %arg7[%run_scoped3A_291, %dma_wait3A_449] : memref<16x128xi32, #tpu.memory_space<vmem>> -> memref<1x128xi32, #tpu.memory_space<vmem>>
        %dma_wait3A_451 = tpu.memref_squeeze %dma_wait3A_450 : memref<1x128xi32, #tpu.memory_space<vmem>> -> memref<128xi32, #tpu.memory_space<vmem>>
        %dma_wait3A_452 = arith.constant 0 : i32
        %dma_wait3A_453 = arith.constant 0 : i32
        %dma_wait3A_454 = tpu.memref_slice %arg10[%dma_wait3A_452, %dma_wait3A_453] : memref<10240x128xf32, #tpu.memory_space<vmem_shared>> -> memref<10240x128xf32, #tpu.memory_space<vmem_shared>>
        tpu.wait_indirect_dma semaphore(%run_scoped3A_442 : memref<!tpu.dma_semaphore, #tpu.memory_space<semaphore_mem>>) src(%arg8 : memref<128x128xf32, #tpu.memory_space<vmem>>) dst(%dma_wait3A_454 : memref<10240x128xf32, #tpu.memory_space<vmem_shared>>)
        tpu.yield
      }) : () -> ()
      %dma_start3A_292 = arith.constant 10 : i32
      %dma_start3A_293 = arith.constant 0 : i32
      %dma_start3A_294 = tpu.memref_slice %arg6[%dma_start3A_292, %dma_start3A_293] : memref<16x128xi32, #tpu.memory_space<vmem>> -> memref<1x128xi32, #tpu.memory_space<vmem>>
      %dma_start3A_295 = tpu.memref_squeeze %dma_start3A_294 : memref<1x128xi32, #tpu.memory_space<vmem>> -> memref<128xi32, #tpu.memory_space<vmem>>
      %dma_start3A_296 = arith.constant 0 : i32
      %dma_start3A_297 = arith.constant 0 : i32
      %dma_start3A_298 = tpu.memref_slice %arg2[%sub3A_0, %dma_start3A_296, %dma_start3A_297] : memref<2x10240x128xf32, #tpu.memory_space<hbm>> -> memref<1x10240x128xf32, #tpu.memory_space<hbm>>
      %dma_start3A_299 = tpu.memref_squeeze %dma_start3A_298 : memref<1x10240x128xf32, #tpu.memory_space<hbm>> -> memref<10240x128xf32, #tpu.memory_space<hbm>>
      %dma_start3A_300 = arith.constant 0 : i32
      %dma_start3A_301 = arith.constant 0 : i32
      %dma_start3A_302 = tpu.memref_slice %dma_start3A_299[%dma_start3A_300, %dma_start3A_301] : memref<10240x128xf32, #tpu.memory_space<hbm>> -> memref<10240x128xf32, #tpu.memory_space<hbm>>
      tpu.enqueue_indirect_dma source(%dma_start3A_302 : memref<10240x128xf32, #tpu.memory_space<hbm>>) target(%arg8 : memref<128x128xf32, #tpu.memory_space<vmem>>) offsets(%dma_start3A_295 : memref<128xi32, #tpu.memory_space<vmem>>) semaphore(%arg11 : memref<!tpu.dma_semaphore, #tpu.memory_space<semaphore_mem>>)
      %dma_wait3A_303 = arith.constant 9 : i32
      %dma_wait3A_304 = arith.constant 0 : i32
      %dma_wait3A_305 = tpu.memref_slice %arg6[%dma_wait3A_303, %dma_wait3A_304] : memref<16x128xi32, #tpu.memory_space<vmem>> -> memref<1x128xi32, #tpu.memory_space<vmem>>
      %dma_wait3A_306 = tpu.memref_squeeze %dma_wait3A_305 : memref<1x128xi32, #tpu.memory_space<vmem>> -> memref<128xi32, #tpu.memory_space<vmem>>
      %dma_wait3A_307 = arith.constant 0 : i32
      %dma_wait3A_308 = arith.constant 0 : i32
      %dma_wait3A_309 = tpu.memref_slice %arg2[%sub3A_0, %dma_wait3A_307, %dma_wait3A_308] : memref<2x10240x128xf32, #tpu.memory_space<hbm>> -> memref<1x10240x128xf32, #tpu.memory_space<hbm>>
      %dma_wait3A_310 = tpu.memref_squeeze %dma_wait3A_309 : memref<1x10240x128xf32, #tpu.memory_space<hbm>> -> memref<10240x128xf32, #tpu.memory_space<hbm>>
      %dma_wait3A_311 = arith.constant 0 : i32
      %dma_wait3A_312 = arith.constant 0 : i32
      %dma_wait3A_313 = tpu.memref_slice %dma_wait3A_310[%dma_wait3A_311, %dma_wait3A_312] : memref<10240x128xf32, #tpu.memory_space<hbm>> -> memref<10240x128xf32, #tpu.memory_space<hbm>>
      tpu.wait_indirect_dma semaphore(%arg12 : memref<!tpu.dma_semaphore, #tpu.memory_space<semaphore_mem>>) src(%dma_wait3A_313 : memref<10240x128xf32, #tpu.memory_space<hbm>>) dst(%arg9 : memref<128x128xf32, #tpu.memory_space<vmem>>)
      %run_scoped3A_314 = arith.constant 9 : i32
      "tpu.region"() ({
        %run_scoped3A_442 = tpu.sem_alloc : memref<!tpu.dma_semaphore, #tpu.memory_space<semaphore_mem>>
        %dma_start3A_443 = arith.constant 0 : i32
        %dma_start3A_444 = tpu.memref_slice %arg7[%run_scoped3A_314, %dma_start3A_443] : memref<16x128xi32, #tpu.memory_space<vmem>> -> memref<1x128xi32, #tpu.memory_space<vmem>>
        %dma_start3A_445 = tpu.memref_squeeze %dma_start3A_444 : memref<1x128xi32, #tpu.memory_space<vmem>> -> memref<128xi32, #tpu.memory_space<vmem>>
        %dma_start3A_446 = arith.constant 0 : i32
        %dma_start3A_447 = arith.constant 0 : i32
        %dma_start3A_448 = tpu.memref_slice %arg10[%dma_start3A_446, %dma_start3A_447] : memref<10240x128xf32, #tpu.memory_space<vmem_shared>> -> memref<10240x128xf32, #tpu.memory_space<vmem_shared>>
        tpu.enqueue_indirect_dma source(%arg9 : memref<128x128xf32, #tpu.memory_space<vmem>>) target(%dma_start3A_448 : memref<10240x128xf32, #tpu.memory_space<vmem_shared>>) offsets(%dma_start3A_445 : memref<128xi32, #tpu.memory_space<vmem>>) semaphore(%run_scoped3A_442 : memref<!tpu.dma_semaphore, #tpu.memory_space<semaphore_mem>>) {add = true}
        %dma_wait3A_449 = arith.constant 0 : i32
        %dma_wait3A_450 = tpu.memref_slice %arg7[%run_scoped3A_314, %dma_wait3A_449] : memref<16x128xi32, #tpu.memory_space<vmem>> -> memref<1x128xi32, #tpu.memory_space<vmem>>
        %dma_wait3A_451 = tpu.memref_squeeze %dma_wait3A_450 : memref<1x128xi32, #tpu.memory_space<vmem>> -> memref<128xi32, #tpu.memory_space<vmem>>
        %dma_wait3A_452 = arith.constant 0 : i32
        %dma_wait3A_453 = arith.constant 0 : i32
        %dma_wait3A_454 = tpu.memref_slice %arg10[%dma_wait3A_452, %dma_wait3A_453] : memref<10240x128xf32, #tpu.memory_space<vmem_shared>> -> memref<10240x128xf32, #tpu.memory_space<vmem_shared>>
        tpu.wait_indirect_dma semaphore(%run_scoped3A_442 : memref<!tpu.dma_semaphore, #tpu.memory_space<semaphore_mem>>) src(%arg9 : memref<128x128xf32, #tpu.memory_space<vmem>>) dst(%dma_wait3A_454 : memref<10240x128xf32, #tpu.memory_space<vmem_shared>>)
        tpu.yield
      }) : () -> ()
      %dma_start3A_315 = arith.constant 11 : i32
      %dma_start3A_316 = arith.constant 0 : i32
      %dma_start3A_317 = tpu.memref_slice %arg6[%dma_start3A_315, %dma_start3A_316] : memref<16x128xi32, #tpu.memory_space<vmem>> -> memref<1x128xi32, #tpu.memory_space<vmem>>
      %dma_start3A_318 = tpu.memref_squeeze %dma_start3A_317 : memref<1x128xi32, #tpu.memory_space<vmem>> -> memref<128xi32, #tpu.memory_space<vmem>>
      %dma_start3A_319 = arith.constant 0 : i32
      %dma_start3A_320 = arith.constant 0 : i32
      %dma_start3A_321 = tpu.memref_slice %arg2[%sub3A_0, %dma_start3A_319, %dma_start3A_320] : memref<2x10240x128xf32, #tpu.memory_space<hbm>> -> memref<1x10240x128xf32, #tpu.memory_space<hbm>>
      %dma_start3A_322 = tpu.memref_squeeze %dma_start3A_321 : memref<1x10240x128xf32, #tpu.memory_space<hbm>> -> memref<10240x128xf32, #tpu.memory_space<hbm>>
      %dma_start3A_323 = arith.constant 0 : i32
      %dma_start3A_324 = arith.constant 0 : i32
      %dma_start3A_325 = tpu.memref_slice %dma_start3A_322[%dma_start3A_323, %dma_start3A_324] : memref<10240x128xf32, #tpu.memory_space<hbm>> -> memref<10240x128xf32, #tpu.memory_space<hbm>>
      tpu.enqueue_indirect_dma source(%dma_start3A_325 : memref<10240x128xf32, #tpu.memory_space<hbm>>) target(%arg9 : memref<128x128xf32, #tpu.memory_space<vmem>>) offsets(%dma_start3A_318 : memref<128xi32, #tpu.memory_space<vmem>>) semaphore(%arg12 : memref<!tpu.dma_semaphore, #tpu.memory_space<semaphore_mem>>)
      %dma_wait3A_326 = arith.constant 10 : i32
      %dma_wait3A_327 = arith.constant 0 : i32
      %dma_wait3A_328 = tpu.memref_slice %arg6[%dma_wait3A_326, %dma_wait3A_327] : memref<16x128xi32, #tpu.memory_space<vmem>> -> memref<1x128xi32, #tpu.memory_space<vmem>>
      %dma_wait3A_329 = tpu.memref_squeeze %dma_wait3A_328 : memref<1x128xi32, #tpu.memory_space<vmem>> -> memref<128xi32, #tpu.memory_space<vmem>>
      %dma_wait3A_330 = arith.constant 0 : i32
      %dma_wait3A_331 = arith.constant 0 : i32
      %dma_wait3A_332 = tpu.memref_slice %arg2[%sub3A_0, %dma_wait3A_330, %dma_wait3A_331] : memref<2x10240x128xf32, #tpu.memory_space<hbm>> -> memref<1x10240x128xf32, #tpu.memory_space<hbm>>
      %dma_wait3A_333 = tpu.memref_squeeze %dma_wait3A_332 : memref<1x10240x128xf32, #tpu.memory_space<hbm>> -> memref<10240x128xf32, #tpu.memory_space<hbm>>
      %dma_wait3A_334 = arith.constant 0 : i32
      %dma_wait3A_335 = arith.constant 0 : i32
      %dma_wait3A_336 = tpu.memref_slice %dma_wait3A_333[%dma_wait3A_334, %dma_wait3A_335] : memref<10240x128xf32, #tpu.memory_space<hbm>> -> memref<10240x128xf32, #tpu.memory_space<hbm>>
      tpu.wait_indirect_dma semaphore(%arg11 : memref<!tpu.dma_semaphore, #tpu.memory_space<semaphore_mem>>) src(%dma_wait3A_336 : memref<10240x128xf32, #tpu.memory_space<hbm>>) dst(%arg8 : memref<128x128xf32, #tpu.memory_space<vmem>>)
      %run_scoped3A_337 = arith.constant 10 : i32
      "tpu.region"() ({
        %run_scoped3A_442 = tpu.sem_alloc : memref<!tpu.dma_semaphore, #tpu.memory_space<semaphore_mem>>
        %dma_start3A_443 = arith.constant 0 : i32
        %dma_start3A_444 = tpu.memref_slice %arg7[%run_scoped3A_337, %dma_start3A_443] : memref<16x128xi32, #tpu.memory_space<vmem>> -> memref<1x128xi32, #tpu.memory_space<vmem>>
        %dma_start3A_445 = tpu.memref_squeeze %dma_start3A_444 : memref<1x128xi32, #tpu.memory_space<vmem>> -> memref<128xi32, #tpu.memory_space<vmem>>
        %dma_start3A_446 = arith.constant 0 : i32
        %dma_start3A_447 = arith.constant 0 : i32
        %dma_start3A_448 = tpu.memref_slice %arg10[%dma_start3A_446, %dma_start3A_447] : memref<10240x128xf32, #tpu.memory_space<vmem_shared>> -> memref<10240x128xf32, #tpu.memory_space<vmem_shared>>
        tpu.enqueue_indirect_dma source(%arg8 : memref<128x128xf32, #tpu.memory_space<vmem>>) target(%dma_start3A_448 : memref<10240x128xf32, #tpu.memory_space<vmem_shared>>) offsets(%dma_start3A_445 : memref<128xi32, #tpu.memory_space<vmem>>) semaphore(%run_scoped3A_442 : memref<!tpu.dma_semaphore, #tpu.memory_space<semaphore_mem>>) {add = true}
        %dma_wait3A_449 = arith.constant 0 : i32
        %dma_wait3A_450 = tpu.memref_slice %arg7[%run_scoped3A_337, %dma_wait3A_449] : memref<16x128xi32, #tpu.memory_space<vmem>> -> memref<1x128xi32, #tpu.memory_space<vmem>>
        %dma_wait3A_451 = tpu.memref_squeeze %dma_wait3A_450 : memref<1x128xi32, #tpu.memory_space<vmem>> -> memref<128xi32, #tpu.memory_space<vmem>>
        %dma_wait3A_452 = arith.constant 0 : i32
        %dma_wait3A_453 = arith.constant 0 : i32
        %dma_wait3A_454 = tpu.memref_slice %arg10[%dma_wait3A_452, %dma_wait3A_453] : memref<10240x128xf32, #tpu.memory_space<vmem_shared>> -> memref<10240x128xf32, #tpu.memory_space<vmem_shared>>
        tpu.wait_indirect_dma semaphore(%run_scoped3A_442 : memref<!tpu.dma_semaphore, #tpu.memory_space<semaphore_mem>>) src(%arg8 : memref<128x128xf32, #tpu.memory_space<vmem>>) dst(%dma_wait3A_454 : memref<10240x128xf32, #tpu.memory_space<vmem_shared>>)
        tpu.yield
      }) : () -> ()
      %dma_start3A_338 = arith.constant 12 : i32
      %dma_start3A_339 = arith.constant 0 : i32
      %dma_start3A_340 = tpu.memref_slice %arg6[%dma_start3A_338, %dma_start3A_339] : memref<16x128xi32, #tpu.memory_space<vmem>> -> memref<1x128xi32, #tpu.memory_space<vmem>>
      %dma_start3A_341 = tpu.memref_squeeze %dma_start3A_340 : memref<1x128xi32, #tpu.memory_space<vmem>> -> memref<128xi32, #tpu.memory_space<vmem>>
      %dma_start3A_342 = arith.constant 0 : i32
      %dma_start3A_343 = arith.constant 0 : i32
      %dma_start3A_344 = tpu.memref_slice %arg2[%sub3A_0, %dma_start3A_342, %dma_start3A_343] : memref<2x10240x128xf32, #tpu.memory_space<hbm>> -> memref<1x10240x128xf32, #tpu.memory_space<hbm>>
      %dma_start3A_345 = tpu.memref_squeeze %dma_start3A_344 : memref<1x10240x128xf32, #tpu.memory_space<hbm>> -> memref<10240x128xf32, #tpu.memory_space<hbm>>
      %dma_start3A_346 = arith.constant 0 : i32
      %dma_start3A_347 = arith.constant 0 : i32
      %dma_start3A_348 = tpu.memref_slice %dma_start3A_345[%dma_start3A_346, %dma_start3A_347] : memref<10240x128xf32, #tpu.memory_space<hbm>> -> memref<10240x128xf32, #tpu.memory_space<hbm>>
      tpu.enqueue_indirect_dma source(%dma_start3A_348 : memref<10240x128xf32, #tpu.memory_space<hbm>>) target(%arg8 : memref<128x128xf32, #tpu.memory_space<vmem>>) offsets(%dma_start3A_341 : memref<128xi32, #tpu.memory_space<vmem>>) semaphore(%arg11 : memref<!tpu.dma_semaphore, #tpu.memory_space<semaphore_mem>>)
      %dma_wait3A_349 = arith.constant 11 : i32
      %dma_wait3A_350 = arith.constant 0 : i32
      %dma_wait3A_351 = tpu.memref_slice %arg6[%dma_wait3A_349, %dma_wait3A_350] : memref<16x128xi32, #tpu.memory_space<vmem>> -> memref<1x128xi32, #tpu.memory_space<vmem>>
      %dma_wait3A_352 = tpu.memref_squeeze %dma_wait3A_351 : memref<1x128xi32, #tpu.memory_space<vmem>> -> memref<128xi32, #tpu.memory_space<vmem>>
      %dma_wait3A_353 = arith.constant 0 : i32
      %dma_wait3A_354 = arith.constant 0 : i32
      %dma_wait3A_355 = tpu.memref_slice %arg2[%sub3A_0, %dma_wait3A_353, %dma_wait3A_354] : memref<2x10240x128xf32, #tpu.memory_space<hbm>> -> memref<1x10240x128xf32, #tpu.memory_space<hbm>>
      %dma_wait3A_356 = tpu.memref_squeeze %dma_wait3A_355 : memref<1x10240x128xf32, #tpu.memory_space<hbm>> -> memref<10240x128xf32, #tpu.memory_space<hbm>>
      %dma_wait3A_357 = arith.constant 0 : i32
      %dma_wait3A_358 = arith.constant 0 : i32
      %dma_wait3A_359 = tpu.memref_slice %dma_wait3A_356[%dma_wait3A_357, %dma_wait3A_358] : memref<10240x128xf32, #tpu.memory_space<hbm>> -> memref<10240x128xf32, #tpu.memory_space<hbm>>
      tpu.wait_indirect_dma semaphore(%arg12 : memref<!tpu.dma_semaphore, #tpu.memory_space<semaphore_mem>>) src(%dma_wait3A_359 : memref<10240x128xf32, #tpu.memory_space<hbm>>) dst(%arg9 : memref<128x128xf32, #tpu.memory_space<vmem>>)
      %run_scoped3A_360 = arith.constant 11 : i32
      "tpu.region"() ({
        %run_scoped3A_442 = tpu.sem_alloc : memref<!tpu.dma_semaphore, #tpu.memory_space<semaphore_mem>>
        %dma_start3A_443 = arith.constant 0 : i32
        %dma_start3A_444 = tpu.memref_slice %arg7[%run_scoped3A_360, %dma_start3A_443] : memref<16x128xi32, #tpu.memory_space<vmem>> -> memref<1x128xi32, #tpu.memory_space<vmem>>
        %dma_start3A_445 = tpu.memref_squeeze %dma_start3A_444 : memref<1x128xi32, #tpu.memory_space<vmem>> -> memref<128xi32, #tpu.memory_space<vmem>>
        %dma_start3A_446 = arith.constant 0 : i32
        %dma_start3A_447 = arith.constant 0 : i32
        %dma_start3A_448 = tpu.memref_slice %arg10[%dma_start3A_446, %dma_start3A_447] : memref<10240x128xf32, #tpu.memory_space<vmem_shared>> -> memref<10240x128xf32, #tpu.memory_space<vmem_shared>>
        tpu.enqueue_indirect_dma source(%arg9 : memref<128x128xf32, #tpu.memory_space<vmem>>) target(%dma_start3A_448 : memref<10240x128xf32, #tpu.memory_space<vmem_shared>>) offsets(%dma_start3A_445 : memref<128xi32, #tpu.memory_space<vmem>>) semaphore(%run_scoped3A_442 : memref<!tpu.dma_semaphore, #tpu.memory_space<semaphore_mem>>) {add = true}
        %dma_wait3A_449 = arith.constant 0 : i32
        %dma_wait3A_450 = tpu.memref_slice %arg7[%run_scoped3A_360, %dma_wait3A_449] : memref<16x128xi32, #tpu.memory_space<vmem>> -> memref<1x128xi32, #tpu.memory_space<vmem>>
        %dma_wait3A_451 = tpu.memref_squeeze %dma_wait3A_450 : memref<1x128xi32, #tpu.memory_space<vmem>> -> memref<128xi32, #tpu.memory_space<vmem>>
        %dma_wait3A_452 = arith.constant 0 : i32
        %dma_wait3A_453 = arith.constant 0 : i32
        %dma_wait3A_454 = tpu.memref_slice %arg10[%dma_wait3A_452, %dma_wait3A_453] : memref<10240x128xf32, #tpu.memory_space<vmem_shared>> -> memref<10240x128xf32, #tpu.memory_space<vmem_shared>>
        tpu.wait_indirect_dma semaphore(%run_scoped3A_442 : memref<!tpu.dma_semaphore, #tpu.memory_space<semaphore_mem>>) src(%arg9 : memref<128x128xf32, #tpu.memory_space<vmem>>) dst(%dma_wait3A_454 : memref<10240x128xf32, #tpu.memory_space<vmem_shared>>)
        tpu.yield
      }) : () -> ()
      %dma_start3A_361 = arith.constant 13 : i32
      %dma_start3A_362 = arith.constant 0 : i32
      %dma_start3A_363 = tpu.memref_slice %arg6[%dma_start3A_361, %dma_start3A_362] : memref<16x128xi32, #tpu.memory_space<vmem>> -> memref<1x128xi32, #tpu.memory_space<vmem>>
      %dma_start3A_364 = tpu.memref_squeeze %dma_start3A_363 : memref<1x128xi32, #tpu.memory_space<vmem>> -> memref<128xi32, #tpu.memory_space<vmem>>
      %dma_start3A_365 = arith.constant 0 : i32
      %dma_start3A_366 = arith.constant 0 : i32
      %dma_start3A_367 = tpu.memref_slice %arg2[%sub3A_0, %dma_start3A_365, %dma_start3A_366] : memref<2x10240x128xf32, #tpu.memory_space<hbm>> -> memref<1x10240x128xf32, #tpu.memory_space<hbm>>
      %dma_start3A_368 = tpu.memref_squeeze %dma_start3A_367 : memref<1x10240x128xf32, #tpu.memory_space<hbm>> -> memref<10240x128xf32, #tpu.memory_space<hbm>>
      %dma_start3A_369 = arith.constant 0 : i32
      %dma_start3A_370 = arith.constant 0 : i32
      %dma_start3A_371 = tpu.memref_slice %dma_start3A_368[%dma_start3A_369, %dma_start3A_370] : memref<10240x128xf32, #tpu.memory_space<hbm>> -> memref<10240x128xf32, #tpu.memory_space<hbm>>
      tpu.enqueue_indirect_dma source(%dma_start3A_371 : memref<10240x128xf32, #tpu.memory_space<hbm>>) target(%arg9 : memref<128x128xf32, #tpu.memory_space<vmem>>) offsets(%dma_start3A_364 : memref<128xi32, #tpu.memory_space<vmem>>) semaphore(%arg12 : memref<!tpu.dma_semaphore, #tpu.memory_space<semaphore_mem>>)
      %dma_wait3A_372 = arith.constant 12 : i32
      %dma_wait3A_373 = arith.constant 0 : i32
      %dma_wait3A_374 = tpu.memref_slice %arg6[%dma_wait3A_372, %dma_wait3A_373] : memref<16x128xi32, #tpu.memory_space<vmem>> -> memref<1x128xi32, #tpu.memory_space<vmem>>
      %dma_wait3A_375 = tpu.memref_squeeze %dma_wait3A_374 : memref<1x128xi32, #tpu.memory_space<vmem>> -> memref<128xi32, #tpu.memory_space<vmem>>
      %dma_wait3A_376 = arith.constant 0 : i32
      %dma_wait3A_377 = arith.constant 0 : i32
      %dma_wait3A_378 = tpu.memref_slice %arg2[%sub3A_0, %dma_wait3A_376, %dma_wait3A_377] : memref<2x10240x128xf32, #tpu.memory_space<hbm>> -> memref<1x10240x128xf32, #tpu.memory_space<hbm>>
      %dma_wait3A_379 = tpu.memref_squeeze %dma_wait3A_378 : memref<1x10240x128xf32, #tpu.memory_space<hbm>> -> memref<10240x128xf32, #tpu.memory_space<hbm>>
      %dma_wait3A_380 = arith.constant 0 : i32
      %dma_wait3A_381 = arith.constant 0 : i32
      %dma_wait3A_382 = tpu.memref_slice %dma_wait3A_379[%dma_wait3A_380, %dma_wait3A_381] : memref<10240x128xf32, #tpu.memory_space<hbm>> -> memref<10240x128xf32, #tpu.memory_space<hbm>>
      tpu.wait_indirect_dma semaphore(%arg11 : memref<!tpu.dma_semaphore, #tpu.memory_space<semaphore_mem>>) src(%dma_wait3A_382 : memref<10240x128xf32, #tpu.memory_space<hbm>>) dst(%arg8 : memref<128x128xf32, #tpu.memory_space<vmem>>)
      %run_scoped3A_383 = arith.constant 12 : i32
      "tpu.region"() ({
        %run_scoped3A_442 = tpu.sem_alloc : memref<!tpu.dma_semaphore, #tpu.memory_space<semaphore_mem>>
        %dma_start3A_443 = arith.constant 0 : i32
        %dma_start3A_444 = tpu.memref_slice %arg7[%run_scoped3A_383, %dma_start3A_443] : memref<16x128xi32, #tpu.memory_space<vmem>> -> memref<1x128xi32, #tpu.memory_space<vmem>>
        %dma_start3A_445 = tpu.memref_squeeze %dma_start3A_444 : memref<1x128xi32, #tpu.memory_space<vmem>> -> memref<128xi32, #tpu.memory_space<vmem>>
        %dma_start3A_446 = arith.constant 0 : i32
        %dma_start3A_447 = arith.constant 0 : i32
        %dma_start3A_448 = tpu.memref_slice %arg10[%dma_start3A_446, %dma_start3A_447] : memref<10240x128xf32, #tpu.memory_space<vmem_shared>> -> memref<10240x128xf32, #tpu.memory_space<vmem_shared>>
        tpu.enqueue_indirect_dma source(%arg8 : memref<128x128xf32, #tpu.memory_space<vmem>>) target(%dma_start3A_448 : memref<10240x128xf32, #tpu.memory_space<vmem_shared>>) offsets(%dma_start3A_445 : memref<128xi32, #tpu.memory_space<vmem>>) semaphore(%run_scoped3A_442 : memref<!tpu.dma_semaphore, #tpu.memory_space<semaphore_mem>>) {add = true}
        %dma_wait3A_449 = arith.constant 0 : i32
        %dma_wait3A_450 = tpu.memref_slice %arg7[%run_scoped3A_383, %dma_wait3A_449] : memref<16x128xi32, #tpu.memory_space<vmem>> -> memref<1x128xi32, #tpu.memory_space<vmem>>
        %dma_wait3A_451 = tpu.memref_squeeze %dma_wait3A_450 : memref<1x128xi32, #tpu.memory_space<vmem>> -> memref<128xi32, #tpu.memory_space<vmem>>
        %dma_wait3A_452 = arith.constant 0 : i32
        %dma_wait3A_453 = arith.constant 0 : i32
        %dma_wait3A_454 = tpu.memref_slice %arg10[%dma_wait3A_452, %dma_wait3A_453] : memref<10240x128xf32, #tpu.memory_space<vmem_shared>> -> memref<10240x128xf32, #tpu.memory_space<vmem_shared>>
        tpu.wait_indirect_dma semaphore(%run_scoped3A_442 : memref<!tpu.dma_semaphore, #tpu.memory_space<semaphore_mem>>) src(%arg8 : memref<128x128xf32, #tpu.memory_space<vmem>>) dst(%dma_wait3A_454 : memref<10240x128xf32, #tpu.memory_space<vmem_shared>>)
        tpu.yield
      }) : () -> ()
      %dma_start3A_384 = arith.constant 14 : i32
      %dma_start3A_385 = arith.constant 0 : i32
      %dma_start3A_386 = tpu.memref_slice %arg6[%dma_start3A_384, %dma_start3A_385] : memref<16x128xi32, #tpu.memory_space<vmem>> -> memref<1x128xi32, #tpu.memory_space<vmem>>
      %dma_start3A_387 = tpu.memref_squeeze %dma_start3A_386 : memref<1x128xi32, #tpu.memory_space<vmem>> -> memref<128xi32, #tpu.memory_space<vmem>>
      %dma_start3A_388 = arith.constant 0 : i32
      %dma_start3A_389 = arith.constant 0 : i32
      %dma_start3A_390 = tpu.memref_slice %arg2[%sub3A_0, %dma_start3A_388, %dma_start3A_389] : memref<2x10240x128xf32, #tpu.memory_space<hbm>> -> memref<1x10240x128xf32, #tpu.memory_space<hbm>>
      %dma_start3A_391 = tpu.memref_squeeze %dma_start3A_390 : memref<1x10240x128xf32, #tpu.memory_space<hbm>> -> memref<10240x128xf32, #tpu.memory_space<hbm>>
      %dma_start3A_392 = arith.constant 0 : i32
      %dma_start3A_393 = arith.constant 0 : i32
      %dma_start3A_394 = tpu.memref_slice %dma_start3A_391[%dma_start3A_392, %dma_start3A_393] : memref<10240x128xf32, #tpu.memory_space<hbm>> -> memref<10240x128xf32, #tpu.memory_space<hbm>>
      tpu.enqueue_indirect_dma source(%dma_start3A_394 : memref<10240x128xf32, #tpu.memory_space<hbm>>) target(%arg8 : memref<128x128xf32, #tpu.memory_space<vmem>>) offsets(%dma_start3A_387 : memref<128xi32, #tpu.memory_space<vmem>>) semaphore(%arg11 : memref<!tpu.dma_semaphore, #tpu.memory_space<semaphore_mem>>)
      %dma_wait3A_395 = arith.constant 13 : i32
      %dma_wait3A_396 = arith.constant 0 : i32
      %dma_wait3A_397 = tpu.memref_slice %arg6[%dma_wait3A_395, %dma_wait3A_396] : memref<16x128xi32, #tpu.memory_space<vmem>> -> memref<1x128xi32, #tpu.memory_space<vmem>>
      %dma_wait3A_398 = tpu.memref_squeeze %dma_wait3A_397 : memref<1x128xi32, #tpu.memory_space<vmem>> -> memref<128xi32, #tpu.memory_space<vmem>>
      %dma_wait3A_399 = arith.constant 0 : i32
      %dma_wait3A_400 = arith.constant 0 : i32
      %dma_wait3A_401 = tpu.memref_slice %arg2[%sub3A_0, %dma_wait3A_399, %dma_wait3A_400] : memref<2x10240x128xf32, #tpu.memory_space<hbm>> -> memref<1x10240x128xf32, #tpu.memory_space<hbm>>
      %dma_wait3A_402 = tpu.memref_squeeze %dma_wait3A_401 : memref<1x10240x128xf32, #tpu.memory_space<hbm>> -> memref<10240x128xf32, #tpu.memory_space<hbm>>
      %dma_wait3A_403 = arith.constant 0 : i32
      %dma_wait3A_404 = arith.constant 0 : i32
      %dma_wait3A_405 = tpu.memref_slice %dma_wait3A_402[%dma_wait3A_403, %dma_wait3A_404] : memref<10240x128xf32, #tpu.memory_space<hbm>> -> memref<10240x128xf32, #tpu.memory_space<hbm>>
      tpu.wait_indirect_dma semaphore(%arg12 : memref<!tpu.dma_semaphore, #tpu.memory_space<semaphore_mem>>) src(%dma_wait3A_405 : memref<10240x128xf32, #tpu.memory_space<hbm>>) dst(%arg9 : memref<128x128xf32, #tpu.memory_space<vmem>>)
      %run_scoped3A_406 = arith.constant 13 : i32
      "tpu.region"() ({
        %run_scoped3A_442 = tpu.sem_alloc : memref<!tpu.dma_semaphore, #tpu.memory_space<semaphore_mem>>
        %dma_start3A_443 = arith.constant 0 : i32
        %dma_start3A_444 = tpu.memref_slice %arg7[%run_scoped3A_406, %dma_start3A_443] : memref<16x128xi32, #tpu.memory_space<vmem>> -> memref<1x128xi32, #tpu.memory_space<vmem>>
        %dma_start3A_445 = tpu.memref_squeeze %dma_start3A_444 : memref<1x128xi32, #tpu.memory_space<vmem>> -> memref<128xi32, #tpu.memory_space<vmem>>
        %dma_start3A_446 = arith.constant 0 : i32
        %dma_start3A_447 = arith.constant 0 : i32
        %dma_start3A_448 = tpu.memref_slice %arg10[%dma_start3A_446, %dma_start3A_447] : memref<10240x128xf32, #tpu.memory_space<vmem_shared>> -> memref<10240x128xf32, #tpu.memory_space<vmem_shared>>
        tpu.enqueue_indirect_dma source(%arg9 : memref<128x128xf32, #tpu.memory_space<vmem>>) target(%dma_start3A_448 : memref<10240x128xf32, #tpu.memory_space<vmem_shared>>) offsets(%dma_start3A_445 : memref<128xi32, #tpu.memory_space<vmem>>) semaphore(%run_scoped3A_442 : memref<!tpu.dma_semaphore, #tpu.memory_space<semaphore_mem>>) {add = true}
        %dma_wait3A_449 = arith.constant 0 : i32
        %dma_wait3A_450 = tpu.memref_slice %arg7[%run_scoped3A_406, %dma_wait3A_449] : memref<16x128xi32, #tpu.memory_space<vmem>> -> memref<1x128xi32, #tpu.memory_space<vmem>>
        %dma_wait3A_451 = tpu.memref_squeeze %dma_wait3A_450 : memref<1x128xi32, #tpu.memory_space<vmem>> -> memref<128xi32, #tpu.memory_space<vmem>>
        %dma_wait3A_452 = arith.constant 0 : i32
        %dma_wait3A_453 = arith.constant 0 : i32
        %dma_wait3A_454 = tpu.memref_slice %arg10[%dma_wait3A_452, %dma_wait3A_453] : memref<10240x128xf32, #tpu.memory_space<vmem_shared>> -> memref<10240x128xf32, #tpu.memory_space<vmem_shared>>
        tpu.wait_indirect_dma semaphore(%run_scoped3A_442 : memref<!tpu.dma_semaphore, #tpu.memory_space<semaphore_mem>>) src(%arg9 : memref<128x128xf32, #tpu.memory_space<vmem>>) dst(%dma_wait3A_454 : memref<10240x128xf32, #tpu.memory_space<vmem_shared>>)
        tpu.yield
      }) : () -> ()
      %dma_start3A_407 = arith.constant 15 : i32
      %dma_start3A_408 = arith.constant 0 : i32
      %dma_start3A_409 = tpu.memref_slice %arg6[%dma_start3A_407, %dma_start3A_408] : memref<16x128xi32, #tpu.memory_space<vmem>> -> memref<1x128xi32, #tpu.memory_space<vmem>>
      %dma_start3A_410 = tpu.memref_squeeze %dma_start3A_409 : memref<1x128xi32, #tpu.memory_space<vmem>> -> memref<128xi32, #tpu.memory_space<vmem>>
      %dma_start3A_411 = arith.constant 0 : i32
      %dma_start3A_412 = arith.constant 0 : i32
      %dma_start3A_413 = tpu.memref_slice %arg2[%sub3A_0, %dma_start3A_411, %dma_start3A_412] : memref<2x10240x128xf32, #tpu.memory_space<hbm>> -> memref<1x10240x128xf32, #tpu.memory_space<hbm>>
      %dma_start3A_414 = tpu.memref_squeeze %dma_start3A_413 : memref<1x10240x128xf32, #tpu.memory_space<hbm>> -> memref<10240x128xf32, #tpu.memory_space<hbm>>
      %dma_start3A_415 = arith.constant 0 : i32
      %dma_start3A_416 = arith.constant 0 : i32
      %dma_start3A_417 = tpu.memref_slice %dma_start3A_414[%dma_start3A_415, %dma_start3A_416] : memref<10240x128xf32, #tpu.memory_space<hbm>> -> memref<10240x128xf32, #tpu.memory_space<hbm>>
      tpu.enqueue_indirect_dma source(%dma_start3A_417 : memref<10240x128xf32, #tpu.memory_space<hbm>>) target(%arg9 : memref<128x128xf32, #tpu.memory_space<vmem>>) offsets(%dma_start3A_410 : memref<128xi32, #tpu.memory_space<vmem>>) semaphore(%arg12 : memref<!tpu.dma_semaphore, #tpu.memory_space<semaphore_mem>>)
      %dma_wait3A_418 = arith.constant 14 : i32
      %dma_wait3A_419 = arith.constant 0 : i32
      %dma_wait3A_420 = tpu.memref_slice %arg6[%dma_wait3A_418, %dma_wait3A_419] : memref<16x128xi32, #tpu.memory_space<vmem>> -> memref<1x128xi32, #tpu.memory_space<vmem>>
      %dma_wait3A_421 = tpu.memref_squeeze %dma_wait3A_420 : memref<1x128xi32, #tpu.memory_space<vmem>> -> memref<128xi32, #tpu.memory_space<vmem>>
      %dma_wait3A_422 = arith.constant 0 : i32
      %dma_wait3A_423 = arith.constant 0 : i32
      %dma_wait3A_424 = tpu.memref_slice %arg2[%sub3A_0, %dma_wait3A_422, %dma_wait3A_423] : memref<2x10240x128xf32, #tpu.memory_space<hbm>> -> memref<1x10240x128xf32, #tpu.memory_space<hbm>>
      %dma_wait3A_425 = tpu.memref_squeeze %dma_wait3A_424 : memref<1x10240x128xf32, #tpu.memory_space<hbm>> -> memref<10240x128xf32, #tpu.memory_space<hbm>>
      %dma_wait3A_426 = arith.constant 0 : i32
      %dma_wait3A_427 = arith.constant 0 : i32
      %dma_wait3A_428 = tpu.memref_slice %dma_wait3A_425[%dma_wait3A_426, %dma_wait3A_427] : memref<10240x128xf32, #tpu.memory_space<hbm>> -> memref<10240x128xf32, #tpu.memory_space<hbm>>
      tpu.wait_indirect_dma semaphore(%arg11 : memref<!tpu.dma_semaphore, #tpu.memory_space<semaphore_mem>>) src(%dma_wait3A_428 : memref<10240x128xf32, #tpu.memory_space<hbm>>) dst(%arg8 : memref<128x128xf32, #tpu.memory_space<vmem>>)
      %run_scoped3A_429 = arith.constant 14 : i32
      "tpu.region"() ({
        %run_scoped3A_442 = tpu.sem_alloc : memref<!tpu.dma_semaphore, #tpu.memory_space<semaphore_mem>>
        %dma_start3A_443 = arith.constant 0 : i32
        %dma_start3A_444 = tpu.memref_slice %arg7[%run_scoped3A_429, %dma_start3A_443] : memref<16x128xi32, #tpu.memory_space<vmem>> -> memref<1x128xi32, #tpu.memory_space<vmem>>
        %dma_start3A_445 = tpu.memref_squeeze %dma_start3A_444 : memref<1x128xi32, #tpu.memory_space<vmem>> -> memref<128xi32, #tpu.memory_space<vmem>>
        %dma_start3A_446 = arith.constant 0 : i32
        %dma_start3A_447 = arith.constant 0 : i32
        %dma_start3A_448 = tpu.memref_slice %arg10[%dma_start3A_446, %dma_start3A_447] : memref<10240x128xf32, #tpu.memory_space<vmem_shared>> -> memref<10240x128xf32, #tpu.memory_space<vmem_shared>>
        tpu.enqueue_indirect_dma source(%arg8 : memref<128x128xf32, #tpu.memory_space<vmem>>) target(%dma_start3A_448 : memref<10240x128xf32, #tpu.memory_space<vmem_shared>>) offsets(%dma_start3A_445 : memref<128xi32, #tpu.memory_space<vmem>>) semaphore(%run_scoped3A_442 : memref<!tpu.dma_semaphore, #tpu.memory_space<semaphore_mem>>) {add = true}
        %dma_wait3A_449 = arith.constant 0 : i32
        %dma_wait3A_450 = tpu.memref_slice %arg7[%run_scoped3A_429, %dma_wait3A_449] : memref<16x128xi32, #tpu.memory_space<vmem>> -> memref<1x128xi32, #tpu.memory_space<vmem>>
        %dma_wait3A_451 = tpu.memref_squeeze %dma_wait3A_450 : memref<1x128xi32, #tpu.memory_space<vmem>> -> memref<128xi32, #tpu.memory_space<vmem>>
        %dma_wait3A_452 = arith.constant 0 : i32
        %dma_wait3A_453 = arith.constant 0 : i32
        %dma_wait3A_454 = tpu.memref_slice %arg10[%dma_wait3A_452, %dma_wait3A_453] : memref<10240x128xf32, #tpu.memory_space<vmem_shared>> -> memref<10240x128xf32, #tpu.memory_space<vmem_shared>>
        tpu.wait_indirect_dma semaphore(%run_scoped3A_442 : memref<!tpu.dma_semaphore, #tpu.memory_space<semaphore_mem>>) src(%arg8 : memref<128x128xf32, #tpu.memory_space<vmem>>) dst(%dma_wait3A_454 : memref<10240x128xf32, #tpu.memory_space<vmem_shared>>)
        tpu.yield
      }) : () -> ()
      %dma_wait3A_430 = arith.constant 15 : i32
      %dma_wait3A_431 = arith.constant 0 : i32
      %dma_wait3A_432 = tpu.memref_slice %arg6[%dma_wait3A_430, %dma_wait3A_431] : memref<16x128xi32, #tpu.memory_space<vmem>> -> memref<1x128xi32, #tpu.memory_space<vmem>>
      %dma_wait3A_433 = tpu.memref_squeeze %dma_wait3A_432 : memref<1x128xi32, #tpu.memory_space<vmem>> -> memref<128xi32, #tpu.memory_space<vmem>>
      %dma_wait3A_434 = arith.constant 0 : i32
      %dma_wait3A_435 = arith.constant 0 : i32
      %dma_wait3A_436 = tpu.memref_slice %arg2[%sub3A_0, %dma_wait3A_434, %dma_wait3A_435] : memref<2x10240x128xf32, #tpu.memory_space<hbm>> -> memref<1x10240x128xf32, #tpu.memory_space<hbm>>
      %dma_wait3A_437 = tpu.memref_squeeze %dma_wait3A_436 : memref<1x10240x128xf32, #tpu.memory_space<hbm>> -> memref<10240x128xf32, #tpu.memory_space<hbm>>
      %dma_wait3A_438 = arith.constant 0 : i32
      %dma_wait3A_439 = arith.constant 0 : i32
      %dma_wait3A_440 = tpu.memref_slice %dma_wait3A_437[%dma_wait3A_438, %dma_wait3A_439] : memref<10240x128xf32, #tpu.memory_space<hbm>> -> memref<10240x128xf32, #tpu.memory_space<hbm>>
      tpu.wait_indirect_dma semaphore(%arg12 : memref<!tpu.dma_semaphore, #tpu.memory_space<semaphore_mem>>) src(%dma_wait3A_440 : memref<10240x128xf32, #tpu.memory_space<hbm>>) dst(%arg9 : memref<128x128xf32, #tpu.memory_space<vmem>>)
      %run_scoped3A_441 = arith.constant 15 : i32
      "tpu.region"() ({
        %run_scoped3A_442 = tpu.sem_alloc : memref<!tpu.dma_semaphore, #tpu.memory_space<semaphore_mem>>
        %dma_start3A_443 = arith.constant 0 : i32
        %dma_start3A_444 = tpu.memref_slice %arg7[%run_scoped3A_441, %dma_start3A_443] : memref<16x128xi32, #tpu.memory_space<vmem>> -> memref<1x128xi32, #tpu.memory_space<vmem>>
        %dma_start3A_445 = tpu.memref_squeeze %dma_start3A_444 : memref<1x128xi32, #tpu.memory_space<vmem>> -> memref<128xi32, #tpu.memory_space<vmem>>
        %dma_start3A_446 = arith.constant 0 : i32
        %dma_start3A_447 = arith.constant 0 : i32
        %dma_start3A_448 = tpu.memref_slice %arg10[%dma_start3A_446, %dma_start3A_447] : memref<10240x128xf32, #tpu.memory_space<vmem_shared>> -> memref<10240x128xf32, #tpu.memory_space<vmem_shared>>
        tpu.enqueue_indirect_dma source(%arg9 : memref<128x128xf32, #tpu.memory_space<vmem>>) target(%dma_start3A_448 : memref<10240x128xf32, #tpu.memory_space<vmem_shared>>) offsets(%dma_start3A_445 : memref<128xi32, #tpu.memory_space<vmem>>) semaphore(%run_scoped3A_442 : memref<!tpu.dma_semaphore, #tpu.memory_space<semaphore_mem>>) {add = true}
        %dma_wait3A_449 = arith.constant 0 : i32
        %dma_wait3A_450 = tpu.memref_slice %arg7[%run_scoped3A_441, %dma_wait3A_449] : memref<16x128xi32, #tpu.memory_space<vmem>> -> memref<1x128xi32, #tpu.memory_space<vmem>>
        %dma_wait3A_451 = tpu.memref_squeeze %dma_wait3A_450 : memref<1x128xi32, #tpu.memory_space<vmem>> -> memref<128xi32, #tpu.memory_space<vmem>>
        %dma_wait3A_452 = arith.constant 0 : i32
        %dma_wait3A_453 = arith.constant 0 : i32
        %dma_wait3A_454 = tpu.memref_slice %arg10[%dma_wait3A_452, %dma_wait3A_453] : memref<10240x128xf32, #tpu.memory_space<vmem_shared>> -> memref<10240x128xf32, #tpu.memory_space<vmem_shared>>
        tpu.wait_indirect_dma semaphore(%run_scoped3A_442 : memref<!tpu.dma_semaphore, #tpu.memory_space<semaphore_mem>>) src(%arg9 : memref<128x128xf32, #tpu.memory_space<vmem>>) dst(%dma_wait3A_454 : memref<10240x128xf32, #tpu.memory_space<vmem_shared>>)
        tpu.yield
      }) : () -> ()
    }
    %scan3A_30 = arith.constant 10 : i32
    %barrier3A_31 = arith.constant 0 : index
    tpu.barrier barrier_id(%barrier3A_31)
    %mul3A_32 = arith.constant 640 : i32
    %mul3A_33 = arith.muli %arg1, %mul3A_32 : i32
    %add3A_34 = arith.constant 0 : i32
    %add3A_35 = arith.addi %mul3A_33, %add3A_34 : i32
    %mul3A_36 = arith.constant 640 : i32
    %mul3A_37 = arith.muli %arg1, %mul3A_36 : i32
    %add3A_38 = arith.constant 0 : i32
    %add3A_39 = arith.addi %mul3A_37, %add3A_38 : i32
    "tpu.region"() ({
      %run_scoped3A = tpu.sem_alloc : memref<!tpu.dma_semaphore, #tpu.memory_space<semaphore_mem>>
      %dma_start3A = arith.constant 0 : i32
      %dma_start3A_72 = tpu.memref_slice %arg5[%arg0, %add3A_39, %dma_start3A] : memref<2x10240x128xf32, #tpu.memory_space<hbm>> -> memref<1x128x128xf32, #tpu.memory_space<hbm>>
      %dma_start3A_73 = tpu.memref_squeeze %dma_start3A_72 : memref<1x128x128xf32, #tpu.memory_space<hbm>> -> memref<128x128xf32, #tpu.memory_space<hbm>>
      %dma_start3A_74 = arith.constant 0 : i32
      %dma_start3A_75 = tpu.memref_slice %arg10[%add3A_35, %dma_start3A_74] : memref<10240x128xf32, #tpu.memory_space<vmem_shared>> -> memref<128x128xf32, #tpu.memory_space<vmem_shared>>
      tpu.enqueue_dma source(%dma_start3A_75 : memref<128x128xf32, #tpu.memory_space<vmem_shared>>) target(%dma_start3A_73 : memref<128x128xf32, #tpu.memory_space<hbm>>) target_semaphore(%run_scoped3A : memref<!tpu.dma_semaphore, #tpu.memory_space<semaphore_mem>>)
      %dma_wait3A = arith.constant 0 : i32
      %dma_wait3A_76 = tpu.memref_slice %arg5[%arg0, %add3A_39, %dma_wait3A] : memref<2x10240x128xf32, #tpu.memory_space<hbm>> -> memref<1x128x128xf32, #tpu.memory_space<hbm>>
      %dma_wait3A_77 = tpu.memref_squeeze %dma_wait3A_76 : memref<1x128x128xf32, #tpu.memory_space<hbm>> -> memref<128x128xf32, #tpu.memory_space<hbm>>
      %dma_wait3A_78 = arith.constant 0 : i32
      %dma_wait3A_79 = tpu.memref_slice %arg10[%add3A_35, %dma_wait3A_78] : memref<10240x128xf32, #tpu.memory_space<vmem_shared>> -> memref<128x128xf32, #tpu.memory_space<vmem_shared>>
      tpu.wait_dma2 semaphore(%run_scoped3A : memref<!tpu.dma_semaphore, #tpu.memory_space<semaphore_mem>>) src(%dma_wait3A_79 : memref<128x128xf32, #tpu.memory_space<vmem_shared>>) dst(%dma_wait3A_77 : memref<128x128xf32, #tpu.memory_space<hbm>>)
      tpu.yield
    }) : () -> ()
    %mul3A_40 = arith.constant 640 : i32
    %mul3A_41 = arith.muli %arg1, %mul3A_40 : i32
    %add3A_42 = arith.constant 128 : i32
    %add3A_43 = arith.addi %mul3A_41, %add3A_42 : i32
    %mul3A_44 = arith.constant 640 : i32
    %mul3A_45 = arith.muli %arg1, %mul3A_44 : i32
    %add3A_46 = arith.constant 128 : i32
    %add3A_47 = arith.addi %mul3A_45, %add3A_46 : i32
    "tpu.region"() ({
      %run_scoped3A = tpu.sem_alloc : memref<!tpu.dma_semaphore, #tpu.memory_space<semaphore_mem>>
      %dma_start3A = arith.constant 0 : i32
      %dma_start3A_72 = tpu.memref_slice %arg5[%arg0, %add3A_47, %dma_start3A] : memref<2x10240x128xf32, #tpu.memory_space<hbm>> -> memref<1x128x128xf32, #tpu.memory_space<hbm>>
      %dma_start3A_73 = tpu.memref_squeeze %dma_start3A_72 : memref<1x128x128xf32, #tpu.memory_space<hbm>> -> memref<128x128xf32, #tpu.memory_space<hbm>>
      %dma_start3A_74 = arith.constant 0 : i32
      %dma_start3A_75 = tpu.memref_slice %arg10[%add3A_43, %dma_start3A_74] : memref<10240x128xf32, #tpu.memory_space<vmem_shared>> -> memref<128x128xf32, #tpu.memory_space<vmem_shared>>
      tpu.enqueue_dma source(%dma_start3A_75 : memref<128x128xf32, #tpu.memory_space<vmem_shared>>) target(%dma_start3A_73 : memref<128x128xf32, #tpu.memory_space<hbm>>) target_semaphore(%run_scoped3A : memref<!tpu.dma_semaphore, #tpu.memory_space<semaphore_mem>>)
      %dma_wait3A = arith.constant 0 : i32
      %dma_wait3A_76 = tpu.memref_slice %arg5[%arg0, %add3A_47, %dma_wait3A] : memref<2x10240x128xf32, #tpu.memory_space<hbm>> -> memref<1x128x128xf32, #tpu.memory_space<hbm>>
      %dma_wait3A_77 = tpu.memref_squeeze %dma_wait3A_76 : memref<1x128x128xf32, #tpu.memory_space<hbm>> -> memref<128x128xf32, #tpu.memory_space<hbm>>
      %dma_wait3A_78 = arith.constant 0 : i32
      %dma_wait3A_79 = tpu.memref_slice %arg10[%add3A_43, %dma_wait3A_78] : memref<10240x128xf32, #tpu.memory_space<vmem_shared>> -> memref<128x128xf32, #tpu.memory_space<vmem_shared>>
      tpu.wait_dma2 semaphore(%run_scoped3A : memref<!tpu.dma_semaphore, #tpu.memory_space<semaphore_mem>>) src(%dma_wait3A_79 : memref<128x128xf32, #tpu.memory_space<vmem_shared>>) dst(%dma_wait3A_77 : memref<128x128xf32, #tpu.memory_space<hbm>>)
      tpu.yield
    }) : () -> ()
    %mul3A_48 = arith.constant 640 : i32
    %mul3A_49 = arith.muli %arg1, %mul3A_48 : i32
    %add3A_50 = arith.constant 256 : i32
    %add3A_51 = arith.addi %mul3A_49, %add3A_50 : i32
    %mul3A_52 = arith.constant 640 : i32
    %mul3A_53 = arith.muli %arg1, %mul3A_52 : i32
    %add3A_54 = arith.constant 256 : i32
    %add3A_55 = arith.addi %mul3A_53, %add3A_54 : i32
    "tpu.region"() ({
      %run_scoped3A = tpu.sem_alloc : memref<!tpu.dma_semaphore, #tpu.memory_space<semaphore_mem>>
      %dma_start3A = arith.constant 0 : i32
      %dma_start3A_72 = tpu.memref_slice %arg5[%arg0, %add3A_55, %dma_start3A] : memref<2x10240x128xf32, #tpu.memory_space<hbm>> -> memref<1x128x128xf32, #tpu.memory_space<hbm>>
      %dma_start3A_73 = tpu.memref_squeeze %dma_start3A_72 : memref<1x128x128xf32, #tpu.memory_space<hbm>> -> memref<128x128xf32, #tpu.memory_space<hbm>>
      %dma_start3A_74 = arith.constant 0 : i32
      %dma_start3A_75 = tpu.memref_slice %arg10[%add3A_51, %dma_start3A_74] : memref<10240x128xf32, #tpu.memory_space<vmem_shared>> -> memref<128x128xf32, #tpu.memory_space<vmem_shared>>
      tpu.enqueue_dma source(%dma_start3A_75 : memref<128x128xf32, #tpu.memory_space<vmem_shared>>) target(%dma_start3A_73 : memref<128x128xf32, #tpu.memory_space<hbm>>) target_semaphore(%run_scoped3A : memref<!tpu.dma_semaphore, #tpu.memory_space<semaphore_mem>>)
      %dma_wait3A = arith.constant 0 : i32
      %dma_wait3A_76 = tpu.memref_slice %arg5[%arg0, %add3A_55, %dma_wait3A] : memref<2x10240x128xf32, #tpu.memory_space<hbm>> -> memref<1x128x128xf32, #tpu.memory_space<hbm>>
      %dma_wait3A_77 = tpu.memref_squeeze %dma_wait3A_76 : memref<1x128x128xf32, #tpu.memory_space<hbm>> -> memref<128x128xf32, #tpu.memory_space<hbm>>
      %dma_wait3A_78 = arith.constant 0 : i32
      %dma_wait3A_79 = tpu.memref_slice %arg10[%add3A_51, %dma_wait3A_78] : memref<10240x128xf32, #tpu.memory_space<vmem_shared>> -> memref<128x128xf32, #tpu.memory_space<vmem_shared>>
      tpu.wait_dma2 semaphore(%run_scoped3A : memref<!tpu.dma_semaphore, #tpu.memory_space<semaphore_mem>>) src(%dma_wait3A_79 : memref<128x128xf32, #tpu.memory_space<vmem_shared>>) dst(%dma_wait3A_77 : memref<128x128xf32, #tpu.memory_space<hbm>>)
      tpu.yield
    }) : () -> ()
    %mul3A_56 = arith.constant 640 : i32
    %mul3A_57 = arith.muli %arg1, %mul3A_56 : i32
    %add3A_58 = arith.constant 384 : i32
    %add3A_59 = arith.addi %mul3A_57, %add3A_58 : i32
    %mul3A_60 = arith.constant 640 : i32
    %mul3A_61 = arith.muli %arg1, %mul3A_60 : i32
    %add3A_62 = arith.constant 384 : i32
    %add3A_63 = arith.addi %mul3A_61, %add3A_62 : i32
    "tpu.region"() ({
      %run_scoped3A = tpu.sem_alloc : memref<!tpu.dma_semaphore, #tpu.memory_space<semaphore_mem>>
      %dma_start3A = arith.constant 0 : i32
      %dma_start3A_72 = tpu.memref_slice %arg5[%arg0, %add3A_63, %dma_start3A] : memref<2x10240x128xf32, #tpu.memory_space<hbm>> -> memref<1x128x128xf32, #tpu.memory_space<hbm>>
      %dma_start3A_73 = tpu.memref_squeeze %dma_start3A_72 : memref<1x128x128xf32, #tpu.memory_space<hbm>> -> memref<128x128xf32, #tpu.memory_space<hbm>>
      %dma_start3A_74 = arith.constant 0 : i32
      %dma_start3A_75 = tpu.memref_slice %arg10[%add3A_59, %dma_start3A_74] : memref<10240x128xf32, #tpu.memory_space<vmem_shared>> -> memref<128x128xf32, #tpu.memory_space<vmem_shared>>
      tpu.enqueue_dma source(%dma_start3A_75 : memref<128x128xf32, #tpu.memory_space<vmem_shared>>) target(%dma_start3A_73 : memref<128x128xf32, #tpu.memory_space<hbm>>) target_semaphore(%run_scoped3A : memref<!tpu.dma_semaphore, #tpu.memory_space<semaphore_mem>>)
      %dma_wait3A = arith.constant 0 : i32
      %dma_wait3A_76 = tpu.memref_slice %arg5[%arg0, %add3A_63, %dma_wait3A] : memref<2x10240x128xf32, #tpu.memory_space<hbm>> -> memref<1x128x128xf32, #tpu.memory_space<hbm>>
      %dma_wait3A_77 = tpu.memref_squeeze %dma_wait3A_76 : memref<1x128x128xf32, #tpu.memory_space<hbm>> -> memref<128x128xf32, #tpu.memory_space<hbm>>
      %dma_wait3A_78 = arith.constant 0 : i32
      %dma_wait3A_79 = tpu.memref_slice %arg10[%add3A_59, %dma_wait3A_78] : memref<10240x128xf32, #tpu.memory_space<vmem_shared>> -> memref<128x128xf32, #tpu.memory_space<vmem_shared>>
      tpu.wait_dma2 semaphore(%run_scoped3A : memref<!tpu.dma_semaphore, #tpu.memory_space<semaphore_mem>>) src(%dma_wait3A_79 : memref<128x128xf32, #tpu.memory_space<vmem_shared>>) dst(%dma_wait3A_77 : memref<128x128xf32, #tpu.memory_space<hbm>>)
      tpu.yield
    }) : () -> ()
    %mul3A_64 = arith.constant 640 : i32
    %mul3A_65 = arith.muli %arg1, %mul3A_64 : i32
    %add3A_66 = arith.constant 512 : i32
    %add3A_67 = arith.addi %mul3A_65, %add3A_66 : i32
    %mul3A_68 = arith.constant 640 : i32
    %mul3A_69 = arith.muli %arg1, %mul3A_68 : i32
    %add3A_70 = arith.constant 512 : i32
    %add3A_71 = arith.addi %mul3A_69, %add3A_70 : i32
    "tpu.region"() ({
      %run_scoped3A = tpu.sem_alloc : memref<!tpu.dma_semaphore, #tpu.memory_space<semaphore_mem>>
      %dma_start3A = arith.constant 0 : i32
      %dma_start3A_72 = tpu.memref_slice %arg5[%arg0, %add3A_71, %dma_start3A] : memref<2x10240x128xf32, #tpu.memory_space<hbm>> -> memref<1x128x128xf32, #tpu.memory_space<hbm>>
      %dma_start3A_73 = tpu.memref_squeeze %dma_start3A_72 : memref<1x128x128xf32, #tpu.memory_space<hbm>> -> memref<128x128xf32, #tpu.memory_space<hbm>>
      %dma_start3A_74 = arith.constant 0 : i32
      %dma_start3A_75 = tpu.memref_slice %arg10[%add3A_67, %dma_start3A_74] : memref<10240x128xf32, #tpu.memory_space<vmem_shared>> -> memref<128x128xf32, #tpu.memory_space<vmem_shared>>
      tpu.enqueue_dma source(%dma_start3A_75 : memref<128x128xf32, #tpu.memory_space<vmem_shared>>) target(%dma_start3A_73 : memref<128x128xf32, #tpu.memory_space<hbm>>) target_semaphore(%run_scoped3A : memref<!tpu.dma_semaphore, #tpu.memory_space<semaphore_mem>>)
      %dma_wait3A = arith.constant 0 : i32
      %dma_wait3A_76 = tpu.memref_slice %arg5[%arg0, %add3A_71, %dma_wait3A] : memref<2x10240x128xf32, #tpu.memory_space<hbm>> -> memref<1x128x128xf32, #tpu.memory_space<hbm>>
      %dma_wait3A_77 = tpu.memref_squeeze %dma_wait3A_76 : memref<1x128x128xf32, #tpu.memory_space<hbm>> -> memref<128x128xf32, #tpu.memory_space<hbm>>
      %dma_wait3A_78 = arith.constant 0 : i32
      %dma_wait3A_79 = tpu.memref_slice %arg10[%add3A_67, %dma_wait3A_78] : memref<10240x128xf32, #tpu.memory_space<vmem_shared>> -> memref<128x128xf32, #tpu.memory_space<vmem_shared>>
      tpu.wait_dma2 semaphore(%run_scoped3A : memref<!tpu.dma_semaphore, #tpu.memory_space<semaphore_mem>>) src(%dma_wait3A_79 : memref<128x128xf32, #tpu.memory_space<vmem_shared>>) dst(%dma_wait3A_77 : memref<128x128xf32, #tpu.memory_space<hbm>>)
      tpu.yield
    }) : () -> ()
    return
  }
}

#map = affine_map<(d0, d1) -> (0, 0, 0)>
#map1 = affine_map<(d0, d1) -> (0, 0, 0, 0)>
module attributes {stable_mosaic.version = 14 : i64} {
  func.func @k(%arg0: i32, %arg1: i32, %arg2: memref<2x10240x128xf32, #tpu.memory_space<hbm>>, %arg3: memref<2x16x160x128xi32, #tpu.memory_space<hbm>>, %arg4: memref<2x16x160x128xi32, #tpu.memory_space<hbm>>, %arg5: memref<2x10240x128xf32, #tpu.memory_space<hbm>>, %arg6: memref<16x128xi32, #tpu.memory_space<vmem>>, %arg7: memref<16x128xi32, #tpu.memory_space<vmem>>, %arg8: memref<128x128xf32, #tpu.memory_space<vmem>>, %arg9: memref<128x128xf32, #tpu.memory_space<vmem>>, %arg10: memref<10240x128xf32, #tpu.memory_space<vmem_shared>>, %arg11: memref<!tpu.dma_semaphore, #tpu.memory_space<semaphore_mem>>, %arg12: memref<!tpu.dma_semaphore, #tpu.memory_space<semaphore_mem>>) attributes {dimension_semantics = [#tpu.dimension_semantics<core_parallel>, #tpu.dimension_semantics<subcore_parallel>], iteration_bounds = array<i64: 2, 16>, scalar_prefetch = 0 : i64, scratch_operands = 7 : i64, tpu.core_type = #tpu.core_type<sc_vector_subcore>, window_params = [{transform_indices = #map}, {transform_indices = #map1}, {transform_indices = #map1}, {transform_indices = #map}]} {
    %sub3A = arith.constant 1 : i32
    %sub3A_0 = arith.subi %sub3A, %arg0 : i32
    %broadcast_in_dim3A = arith.constant 0.000000e+00 : f32
    %broadcast_in_dim3A_1 = vector.broadcast %broadcast_in_dim3A : f32 to vector<16xf32>
    %scan3A = arith.constant 0 : i32
    %scan3A_2 = arith.constant 0 : i32
    %scan3A_3 = arith.constant 1024 : i32
    %scan3A_4 = arith.addi %scan3A_2, %scan3A_3 : i32
    %scan3A_5 = arith.constant 1 : i32
    scf.for %scan3A_72 = %scan3A_2 to %scan3A_4 step %scan3A_5  : i32 {
      %jit3A = arith.constant 8 : i32
      %div3A = arith.divsi %scan3A_72, %jit3A : i32
      %sign3A = arith.constant 0 : i32
      %sign3A_73 = arith.cmpi sgt, %scan3A_72, %sign3A : i32
      %sign3A_74 = arith.extui %sign3A_73 : i1 to i32
      %sign3A_75 = arith.constant 0 : i32
      %sign3A_76 = arith.cmpi slt, %scan3A_72, %sign3A_75 : i32
      %sign3A_77 = arith.extui %sign3A_76 : i1 to i32
      %sign3A_78 = arith.subi %sign3A_74, %sign3A_77 : i32
      %sign3A_79 = arith.constant 0 : i32
      %sign3A_80 = arith.cmpi sgt, %jit3A, %sign3A_79 : i32
      %sign3A_81 = arith.extui %sign3A_80 : i1 to i32
      %sign3A_82 = arith.constant 0 : i32
      %sign3A_83 = arith.cmpi slt, %jit3A, %sign3A_82 : i32
      %sign3A_84 = arith.extui %sign3A_83 : i1 to i32
      %sign3A_85 = arith.subi %sign3A_81, %sign3A_84 : i32
      %ne3A = arith.cmpi ne, %sign3A_78, %sign3A_85 : i32
      %rem3A = arith.remsi %scan3A_72, %jit3A : i32
      %ne3A_86 = arith.constant 0 : i32
      %ne3A_87 = arith.cmpi ne, %rem3A, %ne3A_86 : i32
      %and3A = arith.andi %ne3A, %ne3A_87 : i1
      %sub3A_88 = arith.constant 1 : i32
      %sub3A_89 = arith.subi %div3A, %sub3A_88 : i32
      %select_n3A = arith.select %and3A, %sub3A_89, %div3A : i32
      %jit3A_90 = arith.constant 8 : i32
      %eq3A = arith.constant 0 : i32
      %eq3A_91 = arith.cmpi eq, %jit3A_90, %eq3A : i32
      %jit3A_92 = arith.constant 1 : i32
      %select_n3A_93 = arith.select %eq3A_91, %jit3A_92, %jit3A_90 : i32
      %rem3A_94 = arith.remsi %scan3A_72, %select_n3A_93 : i32
      %ne3A_95 = arith.constant 0 : i32
      %ne3A_96 = arith.cmpi ne, %rem3A_94, %ne3A_95 : i32
      %lt3A = arith.constant 0 : i32
      %lt3A_97 = arith.cmpi slt, %rem3A_94, %lt3A : i32
      %lt3A_98 = arith.constant 0 : i32
      %lt3A_99 = arith.cmpi slt, %select_n3A_93, %lt3A_98 : i32
      %ne3A_100 = arith.xori %lt3A_97, %lt3A_99 : i1
      %and3A_101 = arith.andi %ne3A_100, %ne3A_96 : i1
      %add3A_102 = arith.addi %rem3A_94, %select_n3A_93 : i32
      %select_n3A_103 = arith.select %and3A_101, %add3A_102, %rem3A_94 : i32
      %mul3A_104 = arith.constant 16 : i32
      %mul3A_105 = arith.muli %select_n3A_103, %mul3A_104 : i32
      %swap3A = arith.index_cast %select_n3A : i32 to index
      %swap3A_106 = arith.index_cast %mul3A_105 : i32 to index
      %swap3A_107 = tpu.vector_load %arg8[%swap3A, %swap3A_106] {strides = array<i32>} : memref<128x128xf32, #tpu.memory_space<vmem>>, vector<1x16xf32>,
      %swap3A_108 = vector.shape_cast %swap3A_107 : vector<1x16xf32> to vector<16xf32>
      %swap3A_109 = vector.shape_cast %broadcast_in_dim3A_1 : vector<16xf32> to vector<1x16xf32>
      tpu.vector_store %arg8[%swap3A, %swap3A_106], %swap3A_109 {strides = array<i32>} : memref<128x128xf32, #tpu.memory_space<vmem>>, vector<1x16xf32>,
    }
    %scan3A_6 = arith.constant 1024 : i32
    %mul3A = arith.constant 640 : i32
    %mul3A_7 = arith.muli %arg1, %mul3A : i32
    %add3A = arith.constant 0 : i32
    %add3A_8 = arith.addi %mul3A_7, %add3A : i32
    "tpu.region"() ({
      %run_scoped3A = tpu.sem_alloc : memref<!tpu.dma_semaphore, #tpu.memory_space<semaphore_mem>>
      %dma_start3A = arith.constant 0 : i32
      %dma_start3A_72 = tpu.memref_slice %arg10[%add3A_8, %dma_start3A] : memref<10240x128xf32, #tpu.memory_space<vmem_shared>> -> memref<128x128xf32, #tpu.memory_space<vmem_shared>>
      %dma_start3A_73 = arith.constant 0 : i32
      %dma_start3A_74 = tpu.memref_slice %arg10[%add3A_8, %dma_start3A_73] : memref<10240x128xf32, #tpu.memory_space<vmem_shared>> -> memref<128x128xf32, #tpu.memory_space<vmem_shared>>
      tpu.enqueue_dma source(%arg8 : memref<128x128xf32, #tpu.memory_space<vmem>>) target(%dma_start3A_74 : memref<128x128xf32, #tpu.memory_space<vmem_shared>>) target_semaphore(%run_scoped3A : memref<!tpu.dma_semaphore, #tpu.memory_space<semaphore_mem>>)
      %dma_wait3A = arith.constant 0 : i32
      %dma_wait3A_75 = tpu.memref_slice %arg10[%add3A_8, %dma_wait3A] : memref<10240x128xf32, #tpu.memory_space<vmem_shared>> -> memref<128x128xf32, #tpu.memory_space<vmem_shared>>
      %dma_wait3A_76 = arith.constant 0 : i32
      %dma_wait3A_77 = tpu.memref_slice %arg10[%add3A_8, %dma_wait3A_76] : memref<10240x128xf32, #tpu.memory_space<vmem_shared>> -> memref<128x128xf32, #tpu.memory_space<vmem_shared>>
      tpu.wait_dma2 semaphore(%run_scoped3A : memref<!tpu.dma_semaphore, #tpu.memory_space<semaphore_mem>>) src(%arg8 : memref<128x128xf32, #tpu.memory_space<vmem>>) dst(%dma_wait3A_77 : memref<128x128xf32, #tpu.memory_space<vmem_shared>>)
      tpu.yield
    }) : () -> ()
    %mul3A_9 = arith.constant 640 : i32
    %mul3A_10 = arith.muli %arg1, %mul3A_9 : i32
    %add3A_11 = arith.constant 128 : i32
    %add3A_12 = arith.addi %mul3A_10, %add3A_11 : i32
    "tpu.region"() ({
      %run_scoped3A = tpu.sem_alloc : memref<!tpu.dma_semaphore, #tpu.memory_space<semaphore_mem>>
      %dma_start3A = arith.constant 0 : i32
      %dma_start3A_72 = tpu.memref_slice %arg10[%add3A_12, %dma_start3A] : memref<10240x128xf32, #tpu.memory_space<vmem_shared>> -> memref<128x128xf32, #tpu.memory_space<vmem_shared>>
      %dma_start3A_73 = arith.constant 0 : i32
      %dma_start3A_74 = tpu.memref_slice %arg10[%add3A_12, %dma_start3A_73] : memref<10240x128xf32, #tpu.memory_space<vmem_shared>> -> memref<128x128xf32, #tpu.memory_space<vmem_shared>>
      tpu.enqueue_dma source(%arg8 : memref<128x128xf32, #tpu.memory_space<vmem>>) target(%dma_start3A_74 : memref<128x128xf32, #tpu.memory_space<vmem_shared>>) target_semaphore(%run_scoped3A : memref<!tpu.dma_semaphore, #tpu.memory_space<semaphore_mem>>)
      %dma_wait3A = arith.constant 0 : i32
      %dma_wait3A_75 = tpu.memref_slice %arg10[%add3A_12, %dma_wait3A] : memref<10240x128xf32, #tpu.memory_space<vmem_shared>> -> memref<128x128xf32, #tpu.memory_space<vmem_shared>>
      %dma_wait3A_76 = arith.constant 0 : i32
      %dma_wait3A_77 = tpu.memref_slice %arg10[%add3A_12, %dma_wait3A_76] : memref<10240x128xf32, #tpu.memory_space<vmem_shared>> -> memref<128x128xf32, #tpu.memory_space<vmem_shared>>
      tpu.wait_dma2 semaphore(%run_scoped3A : memref<!tpu.dma_semaphore, #tpu.memory_space<semaphore_mem>>) src(%arg8 : memref<128x128xf32, #tpu.memory_space<vmem>>) dst(%dma_wait3A_77 : memref<128x128xf32, #tpu.memory_space<vmem_shared>>)
      tpu.yield
    }) : () -> ()
    %mul3A_13 = arith.constant 640 : i32
    %mul3A_14 = arith.muli %arg1, %mul3A_13 : i32
    %add3A_15 = arith.constant 256 : i32
    %add3A_16 = arith.addi %mul3A_14, %add3A_15 : i32
    "tpu.region"() ({
      %run_scoped3A = tpu.sem_alloc : memref<!tpu.dma_semaphore, #tpu.memory_space<semaphore_mem>>
      %dma_start3A = arith.constant 0 : i32
      %dma_start3A_72 = tpu.memref_slice %arg10[%add3A_16, %dma_start3A] : memref<10240x128xf32, #tpu.memory_space<vmem_shared>> -> memref<128x128xf32, #tpu.memory_space<vmem_shared>>
      %dma_start3A_73 = arith.constant 0 : i32
      %dma_start3A_74 = tpu.memref_slice %arg10[%add3A_16, %dma_start3A_73] : memref<10240x128xf32, #tpu.memory_space<vmem_shared>> -> memref<128x128xf32, #tpu.memory_space<vmem_shared>>
      tpu.enqueue_dma source(%arg8 : memref<128x128xf32, #tpu.memory_space<vmem>>) target(%dma_start3A_74 : memref<128x128xf32, #tpu.memory_space<vmem_shared>>) target_semaphore(%run_scoped3A : memref<!tpu.dma_semaphore, #tpu.memory_space<semaphore_mem>>)
      %dma_wait3A = arith.constant 0 : i32
      %dma_wait3A_75 = tpu.memref_slice %arg10[%add3A_16, %dma_wait3A] : memref<10240x128xf32, #tpu.memory_space<vmem_shared>> -> memref<128x128xf32, #tpu.memory_space<vmem_shared>>
      %dma_wait3A_76 = arith.constant 0 : i32
      %dma_wait3A_77 = tpu.memref_slice %arg10[%add3A_16, %dma_wait3A_76] : memref<10240x128xf32, #tpu.memory_space<vmem_shared>> -> memref<128x128xf32, #tpu.memory_space<vmem_shared>>
      tpu.wait_dma2 semaphore(%run_scoped3A : memref<!tpu.dma_semaphore, #tpu.memory_space<semaphore_mem>>) src(%arg8 : memref<128x128xf32, #tpu.memory_space<vmem>>) dst(%dma_wait3A_77 : memref<128x128xf32, #tpu.memory_space<vmem_shared>>)
      tpu.yield
    }) : () -> ()
    %mul3A_17 = arith.constant 640 : i32
    %mul3A_18 = arith.muli %arg1, %mul3A_17 : i32
    %add3A_19 = arith.constant 384 : i32
    %add3A_20 = arith.addi %mul3A_18, %add3A_19 : i32
    "tpu.region"() ({
      %run_scoped3A = tpu.sem_alloc : memref<!tpu.dma_semaphore, #tpu.memory_space<semaphore_mem>>
      %dma_start3A = arith.constant 0 : i32
      %dma_start3A_72 = tpu.memref_slice %arg10[%add3A_20, %dma_start3A] : memref<10240x128xf32, #tpu.memory_space<vmem_shared>> -> memref<128x128xf32, #tpu.memory_space<vmem_shared>>
      %dma_start3A_73 = arith.constant 0 : i32
      %dma_start3A_74 = tpu.memref_slice %arg10[%add3A_20, %dma_start3A_73] : memref<10240x128xf32, #tpu.memory_space<vmem_shared>> -> memref<128x128xf32, #tpu.memory_space<vmem_shared>>
      tpu.enqueue_dma source(%arg8 : memref<128x128xf32, #tpu.memory_space<vmem>>) target(%dma_start3A_74 : memref<128x128xf32, #tpu.memory_space<vmem_shared>>) target_semaphore(%run_scoped3A : memref<!tpu.dma_semaphore, #tpu.memory_space<semaphore_mem>>)
      %dma_wait3A = arith.constant 0 : i32
      %dma_wait3A_75 = tpu.memref_slice %arg10[%add3A_20, %dma_wait3A] : memref<10240x128xf32, #tpu.memory_space<vmem_shared>> -> memref<128x128xf32, #tpu.memory_space<vmem_shared>>
      %dma_wait3A_76 = arith.constant 0 : i32
      %dma_wait3A_77 = tpu.memref_slice %arg10[%add3A_20, %dma_wait3A_76] : memref<10240x128xf32, #tpu.memory_space<vmem_shared>> -> memref<128x128xf32, #tpu.memory_space<vmem_shared>>
      tpu.wait_dma2 semaphore(%run_scoped3A : memref<!tpu.dma_semaphore, #tpu.memory_space<semaphore_mem>>) src(%arg8 : memref<128x128xf32, #tpu.memory_space<vmem>>) dst(%dma_wait3A_77 : memref<128x128xf32, #tpu.memory_space<vmem_shared>>)
      tpu.yield
    }) : () -> ()
    %mul3A_21 = arith.constant 640 : i32
    %mul3A_22 = arith.muli %arg1, %mul3A_21 : i32
    %add3A_23 = arith.constant 512 : i32
    %add3A_24 = arith.addi %mul3A_22, %add3A_23 : i32
    "tpu.region"() ({
      %run_scoped3A = tpu.sem_alloc : memref<!tpu.dma_semaphore, #tpu.memory_space<semaphore_mem>>
      %dma_start3A = arith.constant 0 : i32
      %dma_start3A_72 = tpu.memref_slice %arg10[%add3A_24, %dma_start3A] : memref<10240x128xf32, #tpu.memory_space<vmem_shared>> -> memref<128x128xf32, #tpu.memory_space<vmem_shared>>
      %dma_start3A_73 = arith.constant 0 : i32
      %dma_start3A_74 = tpu.memref_slice %arg10[%add3A_24, %dma_start3A_73] : memref<10240x128xf32, #tpu.memory_space<vmem_shared>> -> memref<128x128xf32, #tpu.memory_space<vmem_shared>>
      tpu.enqueue_dma source(%arg8 : memref<128x128xf32, #tpu.memory_space<vmem>>) target(%dma_start3A_74 : memref<128x128xf32, #tpu.memory_space<vmem_shared>>) target_semaphore(%run_scoped3A : memref<!tpu.dma_semaphore, #tpu.memory_space<semaphore_mem>>)
      %dma_wait3A = arith.constant 0 : i32
      %dma_wait3A_75 = tpu.memref_slice %arg10[%add3A_24, %dma_wait3A] : memref<10240x128xf32, #tpu.memory_space<vmem_shared>> -> memref<128x128xf32, #tpu.memory_space<vmem_shared>>
      %dma_wait3A_76 = arith.constant 0 : i32
      %dma_wait3A_77 = tpu.memref_slice %arg10[%add3A_24, %dma_wait3A_76] : memref<10240x128xf32, #tpu.memory_space<vmem_shared>> -> memref<128x128xf32, #tpu.memory_space<vmem_shared>>
      tpu.wait_dma2 semaphore(%run_scoped3A : memref<!tpu.dma_semaphore, #tpu.memory_space<semaphore_mem>>) src(%arg8 : memref<128x128xf32, #tpu.memory_space<vmem>>) dst(%dma_wait3A_77 : memref<128x128xf32, #tpu.memory_space<vmem_shared>>)
      tpu.yield
    }) : () -> ()
    %barrier3A = arith.constant 0 : index
    tpu.barrier barrier_id(%barrier3A)
    %scan3A_25 = arith.constant 0 : i32
    %scan3A_26 = arith.constant 0 : i32
    %scan3A_27 = arith.constant 10 : i32
    %scan3A_28 = arith.addi %scan3A_26, %scan3A_27 : i32
    %scan3A_29 = arith.constant 1 : i32
    scf.for %scan3A_72 = %scan3A_26 to %scan3A_28 step %scan3A_29  : i32 {
      %mul3A_73 = arith.constant 16 : i32
      %mul3A_74 = arith.muli %scan3A_72, %mul3A_73 : i32
      "tpu.region"() ({
        %run_scoped3A_442 = tpu.sem_alloc : memref<!tpu.dma_semaphore, #tpu.memory_space<semaphore_mem>>
        %dma_start3A_443 = arith.constant 0 : i32
        %dma_start3A_444 = tpu.memref_slice %arg3[%arg0, %arg1, %mul3A_74, %dma_start3A_443] : memref<2x16x160x128xi32, #tpu.memory_space<hbm>> -> memref<1x1x16x128xi32, #tpu.memory_space<hbm>>
        %dma_start3A_445 = tpu.memref_squeeze %dma_start3A_444 : memref<1x1x16x128xi32, #tpu.memory_space<hbm>> -> memref<16x128xi32, #tpu.memory_space<hbm>>
        %dma_start3A_446 = arith.constant 0 : i32
        %dma_start3A_447 = tpu.memref_slice %arg3[%arg0, %arg1, %mul3A_74, %dma_start3A_446] : memref<2x16x160x128xi32, #tpu.memory_space<hbm>> -> memref<1x1x16x128xi32, #tpu.memory_space<hbm>>
        %dma_start3A_448 = tpu.memref_squeeze %dma_start3A_447 : memref<1x1x16x128xi32, #tpu.memory_space<hbm>> -> memref<16x128xi32, #tpu.memory_space<hbm>>
        tpu.enqueue_dma source(%dma_start3A_448 : memref<16x128xi32, #tpu.memory_space<hbm>>) target(%arg6 : memref<16x128xi32, #tpu.memory_space<vmem>>) target_semaphore(%run_scoped3A_442 : memref<!tpu.dma_semaphore, #tpu.memory_space<semaphore_mem>>)
        %dma_wait3A_449 = arith.constant 0 : i32
        %dma_wait3A_450 = tpu.memref_slice %arg3[%arg0, %arg1, %mul3A_74, %dma_wait3A_449] : memref<2x16x160x128xi32, #tpu.memory_space<hbm>> -> memref<1x1x16x128xi32, #tpu.memory_space<hbm>>
        %dma_wait3A_451 = tpu.memref_squeeze %dma_wait3A_450 : memref<1x1x16x128xi32, #tpu.memory_space<hbm>> -> memref<16x128xi32, #tpu.memory_space<hbm>>
        %dma_wait3A_452 = arith.constant 0 : i32
        %dma_wait3A_453 = tpu.memref_slice %arg3[%arg0, %arg1, %mul3A_74, %dma_wait3A_452] : memref<2x16x160x128xi32, #tpu.memory_space<hbm>> -> memref<1x1x16x128xi32, #tpu.memory_space<hbm>>
        %dma_wait3A_454 = tpu.memref_squeeze %dma_wait3A_453 : memref<1x1x16x128xi32, #tpu.memory_space<hbm>> -> memref<16x128xi32, #tpu.memory_space<hbm>>
        tpu.wait_dma2 semaphore(%run_scoped3A_442 : memref<!tpu.dma_semaphore, #tpu.memory_space<semaphore_mem>>) src(%dma_wait3A_454 : memref<16x128xi32, #tpu.memory_space<hbm>>) dst(%arg6 : memref<16x128xi32, #tpu.memory_space<vmem>>)
        tpu.yield
      }) : () -> ()
      %mul3A_75 = arith.constant 16 : i32
      %mul3A_76 = arith.muli %scan3A_72, %mul3A_75 : i32
      "tpu.region"() ({
        %run_scoped3A_442 = tpu.sem_alloc : memref<!tpu.dma_semaphore, #tpu.memory_space<semaphore_mem>>
        %dma_start3A_443 = arith.constant 0 : i32
        %dma_start3A_444 = tpu.memref_slice %arg4[%arg0, %arg1, %mul3A_76, %dma_start3A_443] : memref<2x16x160x128xi32, #tpu.memory_space<hbm>> -> memref<1x1x16x128xi32, #tpu.memory_space<hbm>>
        %dma_start3A_445 = tpu.memref_squeeze %dma_start3A_444 : memref<1x1x16x128xi32, #tpu.memory_space<hbm>> -> memref<16x128xi32, #tpu.memory_space<hbm>>
        %dma_start3A_446 = arith.constant 0 : i32
        %dma_start3A_447 = tpu.memref_slice %arg4[%arg0, %arg1, %mul3A_76, %dma_start3A_446] : memref<2x16x160x128xi32, #tpu.memory_space<hbm>> -> memref<1x1x16x128xi32, #tpu.memory_space<hbm>>
        %dma_start3A_448 = tpu.memref_squeeze %dma_start3A_447 : memref<1x1x16x128xi32, #tpu.memory_space<hbm>> -> memref<16x128xi32, #tpu.memory_space<hbm>>
        tpu.enqueue_dma source(%dma_start3A_448 : memref<16x128xi32, #tpu.memory_space<hbm>>) target(%arg7 : memref<16x128xi32, #tpu.memory_space<vmem>>) target_semaphore(%run_scoped3A_442 : memref<!tpu.dma_semaphore, #tpu.memory_space<semaphore_mem>>)
        %dma_wait3A_449 = arith.constant 0 : i32
        %dma_wait3A_450 = tpu.memref_slice %arg4[%arg0, %arg1, %mul3A_76, %dma_wait3A_449] : memref<2x16x160x128xi32, #tpu.memory_space<hbm>> -> memref<1x1x16x128xi32, #tpu.memory_space<hbm>>
        %dma_wait3A_451 = tpu.memref_squeeze %dma_wait3A_450 : memref<1x1x16x128xi32, #tpu.memory_space<hbm>> -> memref<16x128xi32, #tpu.memory_space<hbm>>
        %dma_wait3A_452 = arith.constant 0 : i32
        %dma_wait3A_453 = tpu.memref_slice %arg4[%arg0, %arg1, %mul3A_76, %dma_wait3A_452] : memref<2x16x160x128xi32, #tpu.memory_space<hbm>> -> memref<1x1x16x128xi32, #tpu.memory_space<hbm>>
        %dma_wait3A_454 = tpu.memref_squeeze %dma_wait3A_453 : memref<1x1x16x128xi32, #tpu.memory_space<hbm>> -> memref<16x128xi32, #tpu.memory_space<hbm>>
        tpu.wait_dma2 semaphore(%run_scoped3A_442 : memref<!tpu.dma_semaphore, #tpu.memory_space<semaphore_mem>>) src(%dma_wait3A_454 : memref<16x128xi32, #tpu.memory_space<hbm>>) dst(%arg7 : memref<16x128xi32, #tpu.memory_space<vmem>>)
        tpu.yield
      }) : () -> ()
      %dma_start3A = arith.constant 0 : i32
      %dma_start3A_77 = arith.constant 0 : i32
      %dma_start3A_78 = tpu.memref_slice %arg6[%dma_start3A, %dma_start3A_77] : memref<16x128xi32, #tpu.memory_space<vmem>> -> memref<1x128xi32, #tpu.memory_space<vmem>>
      %dma_start3A_79 = tpu.memref_squeeze %dma_start3A_78 : memref<1x128xi32, #tpu.memory_space<vmem>> -> memref<128xi32, #tpu.memory_space<vmem>>
      %dma_start3A_80 = arith.constant 0 : i32
      %dma_start3A_81 = arith.constant 0 : i32
      %dma_start3A_82 = tpu.memref_slice %arg2[%sub3A_0, %dma_start3A_80, %dma_start3A_81] : memref<2x10240x128xf32, #tpu.memory_space<hbm>> -> memref<1x10240x128xf32, #tpu.memory_space<hbm>>
      %dma_start3A_83 = tpu.memref_squeeze %dma_start3A_82 : memref<1x10240x128xf32, #tpu.memory_space<hbm>> -> memref<10240x128xf32, #tpu.memory_space<hbm>>
      %dma_start3A_84 = arith.constant 0 : i32
      %dma_start3A_85 = arith.constant 0 : i32
      %dma_start3A_86 = tpu.memref_slice %dma_start3A_83[%dma_start3A_84, %dma_start3A_85] : memref<10240x128xf32, #tpu.memory_space<hbm>> -> memref<10240x128xf32, #tpu.memory_space<hbm>>
      tpu.enqueue_indirect_dma source(%dma_start3A_86 : memref<10240x128xf32, #tpu.memory_space<hbm>>) target(%arg8 : memref<128x128xf32, #tpu.memory_space<vmem>>) offsets(%dma_start3A_79 : memref<128xi32, #tpu.memory_space<vmem>>) semaphore(%arg11 : memref<!tpu.dma_semaphore, #tpu.memory_space<semaphore_mem>>)
      %dma_start3A_87 = arith.constant 1 : i32
      %dma_start3A_88 = arith.constant 0 : i32
      %dma_start3A_89 = tpu.memref_slice %arg6[%dma_start3A_87, %dma_start3A_88] : memref<16x128xi32, #tpu.memory_space<vmem>> -> memref<1x128xi32, #tpu.memory_space<vmem>>
      %dma_start3A_90 = tpu.memref_squeeze %dma_start3A_89 : memref<1x128xi32, #tpu.memory_space<vmem>> -> memref<128xi32, #tpu.memory_space<vmem>>
      %dma_start3A_91 = arith.constant 0 : i32
      %dma_start3A_92 = arith.constant 0 : i32
      %dma_start3A_93 = tpu.memref_slice %arg2[%sub3A_0, %dma_start3A_91, %dma_start3A_92] : memref<2x10240x128xf32, #tpu.memory_space<hbm>> -> memref<1x10240x128xf32, #tpu.memory_space<hbm>>
      %dma_start3A_94 = tpu.memref_squeeze %dma_start3A_93 : memref<1x10240x128xf32, #tpu.memory_space<hbm>> -> memref<10240x128xf32, #tpu.memory_space<hbm>>
      %dma_start3A_95 = arith.constant 0 : i32
      %dma_start3A_96 = arith.constant 0 : i32
      %dma_start3A_97 = tpu.memref_slice %dma_start3A_94[%dma_start3A_95, %dma_start3A_96] : memref<10240x128xf32, #tpu.memory_space<hbm>> -> memref<10240x128xf32, #tpu.memory_space<hbm>>
      tpu.enqueue_indirect_dma source(%dma_start3A_97 : memref<10240x128xf32, #tpu.memory_space<hbm>>) target(%arg9 : memref<128x128xf32, #tpu.memory_space<vmem>>) offsets(%dma_start3A_90 : memref<128xi32, #tpu.memory_space<vmem>>) semaphore(%arg12 : memref<!tpu.dma_semaphore, #tpu.memory_space<semaphore_mem>>)
      %dma_wait3A = arith.constant 0 : i32
      %dma_wait3A_98 = arith.constant 0 : i32
      %dma_wait3A_99 = tpu.memref_slice %arg6[%dma_wait3A, %dma_wait3A_98] : memref<16x128xi32, #tpu.memory_space<vmem>> -> memref<1x128xi32, #tpu.memory_space<vmem>>
      %dma_wait3A_100 = tpu.memref_squeeze %dma_wait3A_99 : memref<1x128xi32, #tpu.memory_space<vmem>> -> memref<128xi32, #tpu.memory_space<vmem>>
      %dma_wait3A_101 = arith.constant 0 : i32
      %dma_wait3A_102 = arith.constant 0 : i32
      %dma_wait3A_103 = tpu.memref_slice %arg2[%sub3A_0, %dma_wait3A_101, %dma_wait3A_102] : memref<2x10240x128xf32, #tpu.memory_space<hbm>> -> memref<1x10240x128xf32, #tpu.memory_space<hbm>>
      %dma_wait3A_104 = tpu.memref_squeeze %dma_wait3A_103 : memref<1x10240x128xf32, #tpu.memory_space<hbm>> -> memref<10240x128xf32, #tpu.memory_space<hbm>>
      %dma_wait3A_105 = arith.constant 0 : i32
      %dma_wait3A_106 = arith.constant 0 : i32
      %dma_wait3A_107 = tpu.memref_slice %dma_wait3A_104[%dma_wait3A_105, %dma_wait3A_106] : memref<10240x128xf32, #tpu.memory_space<hbm>> -> memref<10240x128xf32, #tpu.memory_space<hbm>>
      tpu.wait_indirect_dma semaphore(%arg11 : memref<!tpu.dma_semaphore, #tpu.memory_space<semaphore_mem>>) src(%dma_wait3A_107 : memref<10240x128xf32, #tpu.memory_space<hbm>>) dst(%arg8 : memref<128x128xf32, #tpu.memory_space<vmem>>)
      %run_scoped3A = arith.constant 0 : i32
      "tpu.region"() ({
        %run_scoped3A_442 = tpu.sem_alloc : memref<!tpu.dma_semaphore, #tpu.memory_space<semaphore_mem>>
        %dma_start3A_443 = arith.constant 0 : i32
        %dma_start3A_444 = tpu.memref_slice %arg7[%run_scoped3A, %dma_start3A_443] : memref<16x128xi32, #tpu.memory_space<vmem>> -> memref<1x128xi32, #tpu.memory_space<vmem>>
        %dma_start3A_445 = tpu.memref_squeeze %dma_start3A_444 : memref<1x128xi32, #tpu.memory_space<vmem>> -> memref<128xi32, #tpu.memory_space<vmem>>
        %dma_start3A_446 = arith.constant 0 : i32
        %dma_start3A_447 = arith.constant 0 : i32
        %dma_start3A_448 = tpu.memref_slice %arg10[%dma_start3A_446, %dma_start3A_447] : memref<10240x128xf32, #tpu.memory_space<vmem_shared>> -> memref<10240x128xf32, #tpu.memory_space<vmem_shared>>
        tpu.enqueue_indirect_dma source(%arg8 : memref<128x128xf32, #tpu.memory_space<vmem>>) target(%dma_start3A_448 : memref<10240x128xf32, #tpu.memory_space<vmem_shared>>) offsets(%dma_start3A_445 : memref<128xi32, #tpu.memory_space<vmem>>) semaphore(%run_scoped3A_442 : memref<!tpu.dma_semaphore, #tpu.memory_space<semaphore_mem>>) {add = true}
        %dma_wait3A_449 = arith.constant 0 : i32
        %dma_wait3A_450 = tpu.memref_slice %arg7[%run_scoped3A, %dma_wait3A_449] : memref<16x128xi32, #tpu.memory_space<vmem>> -> memref<1x128xi32, #tpu.memory_space<vmem>>
        %dma_wait3A_451 = tpu.memref_squeeze %dma_wait3A_450 : memref<1x128xi32, #tpu.memory_space<vmem>> -> memref<128xi32, #tpu.memory_space<vmem>>
        %dma_wait3A_452 = arith.constant 0 : i32
        %dma_wait3A_453 = arith.constant 0 : i32
        %dma_wait3A_454 = tpu.memref_slice %arg10[%dma_wait3A_452, %dma_wait3A_453] : memref<10240x128xf32, #tpu.memory_space<vmem_shared>> -> memref<10240x128xf32, #tpu.memory_space<vmem_shared>>
        tpu.wait_indirect_dma semaphore(%run_scoped3A_442 : memref<!tpu.dma_semaphore, #tpu.memory_space<semaphore_mem>>) src(%arg8 : memref<128x128xf32, #tpu.memory_space<vmem>>) dst(%dma_wait3A_454 : memref<10240x128xf32, #tpu.memory_space<vmem_shared>>)
        tpu.yield
      }) : () -> ()
      %dma_start3A_108 = arith.constant 2 : i32
      %dma_start3A_109 = arith.constant 0 : i32
      %dma_start3A_110 = tpu.memref_slice %arg6[%dma_start3A_108, %dma_start3A_109] : memref<16x128xi32, #tpu.memory_space<vmem>> -> memref<1x128xi32, #tpu.memory_space<vmem>>
      %dma_start3A_111 = tpu.memref_squeeze %dma_start3A_110 : memref<1x128xi32, #tpu.memory_space<vmem>> -> memref<128xi32, #tpu.memory_space<vmem>>
      %dma_start3A_112 = arith.constant 0 : i32
      %dma_start3A_113 = arith.constant 0 : i32
      %dma_start3A_114 = tpu.memref_slice %arg2[%sub3A_0, %dma_start3A_112, %dma_start3A_113] : memref<2x10240x128xf32, #tpu.memory_space<hbm>> -> memref<1x10240x128xf32, #tpu.memory_space<hbm>>
      %dma_start3A_115 = tpu.memref_squeeze %dma_start3A_114 : memref<1x10240x128xf32, #tpu.memory_space<hbm>> -> memref<10240x128xf32, #tpu.memory_space<hbm>>
      %dma_start3A_116 = arith.constant 0 : i32
      %dma_start3A_117 = arith.constant 0 : i32
      %dma_start3A_118 = tpu.memref_slice %dma_start3A_115[%dma_start3A_116, %dma_start3A_117] : memref<10240x128xf32, #tpu.memory_space<hbm>> -> memref<10240x128xf32, #tpu.memory_space<hbm>>
      tpu.enqueue_indirect_dma source(%dma_start3A_118 : memref<10240x128xf32, #tpu.memory_space<hbm>>) target(%arg8 : memref<128x128xf32, #tpu.memory_space<vmem>>) offsets(%dma_start3A_111 : memref<128xi32, #tpu.memory_space<vmem>>) semaphore(%arg11 : memref<!tpu.dma_semaphore, #tpu.memory_space<semaphore_mem>>)
      %dma_wait3A_119 = arith.constant 1 : i32
      %dma_wait3A_120 = arith.constant 0 : i32
      %dma_wait3A_121 = tpu.memref_slice %arg6[%dma_wait3A_119, %dma_wait3A_120] : memref<16x128xi32, #tpu.memory_space<vmem>> -> memref<1x128xi32, #tpu.memory_space<vmem>>
      %dma_wait3A_122 = tpu.memref_squeeze %dma_wait3A_121 : memref<1x128xi32, #tpu.memory_space<vmem>> -> memref<128xi32, #tpu.memory_space<vmem>>
      %dma_wait3A_123 = arith.constant 0 : i32
      %dma_wait3A_124 = arith.constant 0 : i32
      %dma_wait3A_125 = tpu.memref_slice %arg2[%sub3A_0, %dma_wait3A_123, %dma_wait3A_124] : memref<2x10240x128xf32, #tpu.memory_space<hbm>> -> memref<1x10240x128xf32, #tpu.memory_space<hbm>>
      %dma_wait3A_126 = tpu.memref_squeeze %dma_wait3A_125 : memref<1x10240x128xf32, #tpu.memory_space<hbm>> -> memref<10240x128xf32, #tpu.memory_space<hbm>>
      %dma_wait3A_127 = arith.constant 0 : i32
      %dma_wait3A_128 = arith.constant 0 : i32
      %dma_wait3A_129 = tpu.memref_slice %dma_wait3A_126[%dma_wait3A_127, %dma_wait3A_128] : memref<10240x128xf32, #tpu.memory_space<hbm>> -> memref<10240x128xf32, #tpu.memory_space<hbm>>
      tpu.wait_indirect_dma semaphore(%arg12 : memref<!tpu.dma_semaphore, #tpu.memory_space<semaphore_mem>>) src(%dma_wait3A_129 : memref<10240x128xf32, #tpu.memory_space<hbm>>) dst(%arg9 : memref<128x128xf32, #tpu.memory_space<vmem>>)
      %run_scoped3A_130 = arith.constant 1 : i32
      "tpu.region"() ({
        %run_scoped3A_442 = tpu.sem_alloc : memref<!tpu.dma_semaphore, #tpu.memory_space<semaphore_mem>>
        %dma_start3A_443 = arith.constant 0 : i32
        %dma_start3A_444 = tpu.memref_slice %arg7[%run_scoped3A_130, %dma_start3A_443] : memref<16x128xi32, #tpu.memory_space<vmem>> -> memref<1x128xi32, #tpu.memory_space<vmem>>
        %dma_start3A_445 = tpu.memref_squeeze %dma_start3A_444 : memref<1x128xi32, #tpu.memory_space<vmem>> -> memref<128xi32, #tpu.memory_space<vmem>>
        %dma_start3A_446 = arith.constant 0 : i32
        %dma_start3A_447 = arith.constant 0 : i32
        %dma_start3A_448 = tpu.memref_slice %arg10[%dma_start3A_446, %dma_start3A_447] : memref<10240x128xf32, #tpu.memory_space<vmem_shared>> -> memref<10240x128xf32, #tpu.memory_space<vmem_shared>>
        tpu.enqueue_indirect_dma source(%arg9 : memref<128x128xf32, #tpu.memory_space<vmem>>) target(%dma_start3A_448 : memref<10240x128xf32, #tpu.memory_space<vmem_shared>>) offsets(%dma_start3A_445 : memref<128xi32, #tpu.memory_space<vmem>>) semaphore(%run_scoped3A_442 : memref<!tpu.dma_semaphore, #tpu.memory_space<semaphore_mem>>) {add = true}
        %dma_wait3A_449 = arith.constant 0 : i32
        %dma_wait3A_450 = tpu.memref_slice %arg7[%run_scoped3A_130, %dma_wait3A_449] : memref<16x128xi32, #tpu.memory_space<vmem>> -> memref<1x128xi32, #tpu.memory_space<vmem>>
        %dma_wait3A_451 = tpu.memref_squeeze %dma_wait3A_450 : memref<1x128xi32, #tpu.memory_space<vmem>> -> memref<128xi32, #tpu.memory_space<vmem>>
        %dma_wait3A_452 = arith.constant 0 : i32
        %dma_wait3A_453 = arith.constant 0 : i32
        %dma_wait3A_454 = tpu.memref_slice %arg10[%dma_wait3A_452, %dma_wait3A_453] : memref<10240x128xf32, #tpu.memory_space<vmem_shared>> -> memref<10240x128xf32, #tpu.memory_space<vmem_shared>>
        tpu.wait_indirect_dma semaphore(%run_scoped3A_442 : memref<!tpu.dma_semaphore, #tpu.memory_space<semaphore_mem>>) src(%arg9 : memref<128x128xf32, #tpu.memory_space<vmem>>) dst(%dma_wait3A_454 : memref<10240x128xf32, #tpu.memory_space<vmem_shared>>)
        tpu.yield
      }) : () -> ()
      %dma_start3A_131 = arith.constant 3 : i32
      %dma_start3A_132 = arith.constant 0 : i32
      %dma_start3A_133 = tpu.memref_slice %arg6[%dma_start3A_131, %dma_start3A_132] : memref<16x128xi32, #tpu.memory_space<vmem>> -> memref<1x128xi32, #tpu.memory_space<vmem>>
      %dma_start3A_134 = tpu.memref_squeeze %dma_start3A_133 : memref<1x128xi32, #tpu.memory_space<vmem>> -> memref<128xi32, #tpu.memory_space<vmem>>
      %dma_start3A_135 = arith.constant 0 : i32
      %dma_start3A_136 = arith.constant 0 : i32
      %dma_start3A_137 = tpu.memref_slice %arg2[%sub3A_0, %dma_start3A_135, %dma_start3A_136] : memref<2x10240x128xf32, #tpu.memory_space<hbm>> -> memref<1x10240x128xf32, #tpu.memory_space<hbm>>
      %dma_start3A_138 = tpu.memref_squeeze %dma_start3A_137 : memref<1x10240x128xf32, #tpu.memory_space<hbm>> -> memref<10240x128xf32, #tpu.memory_space<hbm>>
      %dma_start3A_139 = arith.constant 0 : i32
      %dma_start3A_140 = arith.constant 0 : i32
      %dma_start3A_141 = tpu.memref_slice %dma_start3A_138[%dma_start3A_139, %dma_start3A_140] : memref<10240x128xf32, #tpu.memory_space<hbm>> -> memref<10240x128xf32, #tpu.memory_space<hbm>>
      tpu.enqueue_indirect_dma source(%dma_start3A_141 : memref<10240x128xf32, #tpu.memory_space<hbm>>) target(%arg9 : memref<128x128xf32, #tpu.memory_space<vmem>>) offsets(%dma_start3A_134 : memref<128xi32, #tpu.memory_space<vmem>>) semaphore(%arg12 : memref<!tpu.dma_semaphore, #tpu.memory_space<semaphore_mem>>)
      %dma_wait3A_142 = arith.constant 2 : i32
      %dma_wait3A_143 = arith.constant 0 : i32
      %dma_wait3A_144 = tpu.memref_slice %arg6[%dma_wait3A_142, %dma_wait3A_143] : memref<16x128xi32, #tpu.memory_space<vmem>> -> memref<1x128xi32, #tpu.memory_space<vmem>>
      %dma_wait3A_145 = tpu.memref_squeeze %dma_wait3A_144 : memref<1x128xi32, #tpu.memory_space<vmem>> -> memref<128xi32, #tpu.memory_space<vmem>>
      %dma_wait3A_146 = arith.constant 0 : i32
      %dma_wait3A_147 = arith.constant 0 : i32
      %dma_wait3A_148 = tpu.memref_slice %arg2[%sub3A_0, %dma_wait3A_146, %dma_wait3A_147] : memref<2x10240x128xf32, #tpu.memory_space<hbm>> -> memref<1x10240x128xf32, #tpu.memory_space<hbm>>
      %dma_wait3A_149 = tpu.memref_squeeze %dma_wait3A_148 : memref<1x10240x128xf32, #tpu.memory_space<hbm>> -> memref<10240x128xf32, #tpu.memory_space<hbm>>
      %dma_wait3A_150 = arith.constant 0 : i32
      %dma_wait3A_151 = arith.constant 0 : i32
      %dma_wait3A_152 = tpu.memref_slice %dma_wait3A_149[%dma_wait3A_150, %dma_wait3A_151] : memref<10240x128xf32, #tpu.memory_space<hbm>> -> memref<10240x128xf32, #tpu.memory_space<hbm>>
      tpu.wait_indirect_dma semaphore(%arg11 : memref<!tpu.dma_semaphore, #tpu.memory_space<semaphore_mem>>) src(%dma_wait3A_152 : memref<10240x128xf32, #tpu.memory_space<hbm>>) dst(%arg8 : memref<128x128xf32, #tpu.memory_space<vmem>>)
      %run_scoped3A_153 = arith.constant 2 : i32
      "tpu.region"() ({
        %run_scoped3A_442 = tpu.sem_alloc : memref<!tpu.dma_semaphore, #tpu.memory_space<semaphore_mem>>
        %dma_start3A_443 = arith.constant 0 : i32
        %dma_start3A_444 = tpu.memref_slice %arg7[%run_scoped3A_153, %dma_start3A_443] : memref<16x128xi32, #tpu.memory_space<vmem>> -> memref<1x128xi32, #tpu.memory_space<vmem>>
        %dma_start3A_445 = tpu.memref_squeeze %dma_start3A_444 : memref<1x128xi32, #tpu.memory_space<vmem>> -> memref<128xi32, #tpu.memory_space<vmem>>
        %dma_start3A_446 = arith.constant 0 : i32
        %dma_start3A_447 = arith.constant 0 : i32
        %dma_start3A_448 = tpu.memref_slice %arg10[%dma_start3A_446, %dma_start3A_447] : memref<10240x128xf32, #tpu.memory_space<vmem_shared>> -> memref<10240x128xf32, #tpu.memory_space<vmem_shared>>
        tpu.enqueue_indirect_dma source(%arg8 : memref<128x128xf32, #tpu.memory_space<vmem>>) target(%dma_start3A_448 : memref<10240x128xf32, #tpu.memory_space<vmem_shared>>) offsets(%dma_start3A_445 : memref<128xi32, #tpu.memory_space<vmem>>) semaphore(%run_scoped3A_442 : memref<!tpu.dma_semaphore, #tpu.memory_space<semaphore_mem>>) {add = true}
        %dma_wait3A_449 = arith.constant 0 : i32
        %dma_wait3A_450 = tpu.memref_slice %arg7[%run_scoped3A_153, %dma_wait3A_449] : memref<16x128xi32, #tpu.memory_space<vmem>> -> memref<1x128xi32, #tpu.memory_space<vmem>>
        %dma_wait3A_451 = tpu.memref_squeeze %dma_wait3A_450 : memref<1x128xi32, #tpu.memory_space<vmem>> -> memref<128xi32, #tpu.memory_space<vmem>>
        %dma_wait3A_452 = arith.constant 0 : i32
        %dma_wait3A_453 = arith.constant 0 : i32
        %dma_wait3A_454 = tpu.memref_slice %arg10[%dma_wait3A_452, %dma_wait3A_453] : memref<10240x128xf32, #tpu.memory_space<vmem_shared>> -> memref<10240x128xf32, #tpu.memory_space<vmem_shared>>
        tpu.wait_indirect_dma semaphore(%run_scoped3A_442 : memref<!tpu.dma_semaphore, #tpu.memory_space<semaphore_mem>>) src(%arg8 : memref<128x128xf32, #tpu.memory_space<vmem>>) dst(%dma_wait3A_454 : memref<10240x128xf32, #tpu.memory_space<vmem_shared>>)
        tpu.yield
      }) : () -> ()
      %dma_start3A_154 = arith.constant 4 : i32
      %dma_start3A_155 = arith.constant 0 : i32
      %dma_start3A_156 = tpu.memref_slice %arg6[%dma_start3A_154, %dma_start3A_155] : memref<16x128xi32, #tpu.memory_space<vmem>> -> memref<1x128xi32, #tpu.memory_space<vmem>>
      %dma_start3A_157 = tpu.memref_squeeze %dma_start3A_156 : memref<1x128xi32, #tpu.memory_space<vmem>> -> memref<128xi32, #tpu.memory_space<vmem>>
      %dma_start3A_158 = arith.constant 0 : i32
      %dma_start3A_159 = arith.constant 0 : i32
      %dma_start3A_160 = tpu.memref_slice %arg2[%sub3A_0, %dma_start3A_158, %dma_start3A_159] : memref<2x10240x128xf32, #tpu.memory_space<hbm>> -> memref<1x10240x128xf32, #tpu.memory_space<hbm>>
      %dma_start3A_161 = tpu.memref_squeeze %dma_start3A_160 : memref<1x10240x128xf32, #tpu.memory_space<hbm>> -> memref<10240x128xf32, #tpu.memory_space<hbm>>
      %dma_start3A_162 = arith.constant 0 : i32
      %dma_start3A_163 = arith.constant 0 : i32
      %dma_start3A_164 = tpu.memref_slice %dma_start3A_161[%dma_start3A_162, %dma_start3A_163] : memref<10240x128xf32, #tpu.memory_space<hbm>> -> memref<10240x128xf32, #tpu.memory_space<hbm>>
      tpu.enqueue_indirect_dma source(%dma_start3A_164 : memref<10240x128xf32, #tpu.memory_space<hbm>>) target(%arg8 : memref<128x128xf32, #tpu.memory_space<vmem>>) offsets(%dma_start3A_157 : memref<128xi32, #tpu.memory_space<vmem>>) semaphore(%arg11 : memref<!tpu.dma_semaphore, #tpu.memory_space<semaphore_mem>>)
      %dma_wait3A_165 = arith.constant 3 : i32
      %dma_wait3A_166 = arith.constant 0 : i32
      %dma_wait3A_167 = tpu.memref_slice %arg6[%dma_wait3A_165, %dma_wait3A_166] : memref<16x128xi32, #tpu.memory_space<vmem>> -> memref<1x128xi32, #tpu.memory_space<vmem>>
      %dma_wait3A_168 = tpu.memref_squeeze %dma_wait3A_167 : memref<1x128xi32, #tpu.memory_space<vmem>> -> memref<128xi32, #tpu.memory_space<vmem>>
      %dma_wait3A_169 = arith.constant 0 : i32
      %dma_wait3A_170 = arith.constant 0 : i32
      %dma_wait3A_171 = tpu.memref_slice %arg2[%sub3A_0, %dma_wait3A_169, %dma_wait3A_170] : memref<2x10240x128xf32, #tpu.memory_space<hbm>> -> memref<1x10240x128xf32, #tpu.memory_space<hbm>>
      %dma_wait3A_172 = tpu.memref_squeeze %dma_wait3A_171 : memref<1x10240x128xf32, #tpu.memory_space<hbm>> -> memref<10240x128xf32, #tpu.memory_space<hbm>>
      %dma_wait3A_173 = arith.constant 0 : i32
      %dma_wait3A_174 = arith.constant 0 : i32
      %dma_wait3A_175 = tpu.memref_slice %dma_wait3A_172[%dma_wait3A_173, %dma_wait3A_174] : memref<10240x128xf32, #tpu.memory_space<hbm>> -> memref<10240x128xf32, #tpu.memory_space<hbm>>
      tpu.wait_indirect_dma semaphore(%arg12 : memref<!tpu.dma_semaphore, #tpu.memory_space<semaphore_mem>>) src(%dma_wait3A_175 : memref<10240x128xf32, #tpu.memory_space<hbm>>) dst(%arg9 : memref<128x128xf32, #tpu.memory_space<vmem>>)
      %run_scoped3A_176 = arith.constant 3 : i32
      "tpu.region"() ({
        %run_scoped3A_442 = tpu.sem_alloc : memref<!tpu.dma_semaphore, #tpu.memory_space<semaphore_mem>>
        %dma_start3A_443 = arith.constant 0 : i32
        %dma_start3A_444 = tpu.memref_slice %arg7[%run_scoped3A_176, %dma_start3A_443] : memref<16x128xi32, #tpu.memory_space<vmem>> -> memref<1x128xi32, #tpu.memory_space<vmem>>
        %dma_start3A_445 = tpu.memref_squeeze %dma_start3A_444 : memref<1x128xi32, #tpu.memory_space<vmem>> -> memref<128xi32, #tpu.memory_space<vmem>>
        %dma_start3A_446 = arith.constant 0 : i32
        %dma_start3A_447 = arith.constant 0 : i32
        %dma_start3A_448 = tpu.memref_slice %arg10[%dma_start3A_446, %dma_start3A_447] : memref<10240x128xf32, #tpu.memory_space<vmem_shared>> -> memref<10240x128xf32, #tpu.memory_space<vmem_shared>>
        tpu.enqueue_indirect_dma source(%arg9 : memref<128x128xf32, #tpu.memory_space<vmem>>) target(%dma_start3A_448 : memref<10240x128xf32, #tpu.memory_space<vmem_shared>>) offsets(%dma_start3A_445 : memref<128xi32, #tpu.memory_space<vmem>>) semaphore(%run_scoped3A_442 : memref<!tpu.dma_semaphore, #tpu.memory_space<semaphore_mem>>) {add = true}
        %dma_wait3A_449 = arith.constant 0 : i32
        %dma_wait3A_450 = tpu.memref_slice %arg7[%run_scoped3A_176, %dma_wait3A_449] : memref<16x128xi32, #tpu.memory_space<vmem>> -> memref<1x128xi32, #tpu.memory_space<vmem>>
        %dma_wait3A_451 = tpu.memref_squeeze %dma_wait3A_450 : memref<1x128xi32, #tpu.memory_space<vmem>> -> memref<128xi32, #tpu.memory_space<vmem>>
        %dma_wait3A_452 = arith.constant 0 : i32
        %dma_wait3A_453 = arith.constant 0 : i32
        %dma_wait3A_454 = tpu.memref_slice %arg10[%dma_wait3A_452, %dma_wait3A_453] : memref<10240x128xf32, #tpu.memory_space<vmem_shared>> -> memref<10240x128xf32, #tpu.memory_space<vmem_shared>>
        tpu.wait_indirect_dma semaphore(%run_scoped3A_442 : memref<!tpu.dma_semaphore, #tpu.memory_space<semaphore_mem>>) src(%arg9 : memref<128x128xf32, #tpu.memory_space<vmem>>) dst(%dma_wait3A_454 : memref<10240x128xf32, #tpu.memory_space<vmem_shared>>)
        tpu.yield
      }) : () -> ()
      %dma_start3A_177 = arith.constant 5 : i32
      %dma_start3A_178 = arith.constant 0 : i32
      %dma_start3A_179 = tpu.memref_slice %arg6[%dma_start3A_177, %dma_start3A_178] : memref<16x128xi32, #tpu.memory_space<vmem>> -> memref<1x128xi32, #tpu.memory_space<vmem>>
      %dma_start3A_180 = tpu.memref_squeeze %dma_start3A_179 : memref<1x128xi32, #tpu.memory_space<vmem>> -> memref<128xi32, #tpu.memory_space<vmem>>
      %dma_start3A_181 = arith.constant 0 : i32
      %dma_start3A_182 = arith.constant 0 : i32
      %dma_start3A_183 = tpu.memref_slice %arg2[%sub3A_0, %dma_start3A_181, %dma_start3A_182] : memref<2x10240x128xf32, #tpu.memory_space<hbm>> -> memref<1x10240x128xf32, #tpu.memory_space<hbm>>
      %dma_start3A_184 = tpu.memref_squeeze %dma_start3A_183 : memref<1x10240x128xf32, #tpu.memory_space<hbm>> -> memref<10240x128xf32, #tpu.memory_space<hbm>>
      %dma_start3A_185 = arith.constant 0 : i32
      %dma_start3A_186 = arith.constant 0 : i32
      %dma_start3A_187 = tpu.memref_slice %dma_start3A_184[%dma_start3A_185, %dma_start3A_186] : memref<10240x128xf32, #tpu.memory_space<hbm>> -> memref<10240x128xf32, #tpu.memory_space<hbm>>
      tpu.enqueue_indirect_dma source(%dma_start3A_187 : memref<10240x128xf32, #tpu.memory_space<hbm>>) target(%arg9 : memref<128x128xf32, #tpu.memory_space<vmem>>) offsets(%dma_start3A_180 : memref<128xi32, #tpu.memory_space<vmem>>) semaphore(%arg12 : memref<!tpu.dma_semaphore, #tpu.memory_space<semaphore_mem>>)
      %dma_wait3A_188 = arith.constant 4 : i32
      %dma_wait3A_189 = arith.constant 0 : i32
      %dma_wait3A_190 = tpu.memref_slice %arg6[%dma_wait3A_188, %dma_wait3A_189] : memref<16x128xi32, #tpu.memory_space<vmem>> -> memref<1x128xi32, #tpu.memory_space<vmem>>
      %dma_wait3A_191 = tpu.memref_squeeze %dma_wait3A_190 : memref<1x128xi32, #tpu.memory_space<vmem>> -> memref<128xi32, #tpu.memory_space<vmem>>
      %dma_wait3A_192 = arith.constant 0 : i32
      %dma_wait3A_193 = arith.constant 0 : i32
      %dma_wait3A_194 = tpu.memref_slice %arg2[%sub3A_0, %dma_wait3A_192, %dma_wait3A_193] : memref<2x10240x128xf32, #tpu.memory_space<hbm>> -> memref<1x10240x128xf32, #tpu.memory_space<hbm>>
      %dma_wait3A_195 = tpu.memref_squeeze %dma_wait3A_194 : memref<1x10240x128xf32, #tpu.memory_space<hbm>> -> memref<10240x128xf32, #tpu.memory_space<hbm>>
      %dma_wait3A_196 = arith.constant 0 : i32
      %dma_wait3A_197 = arith.constant 0 : i32
      %dma_wait3A_198 = tpu.memref_slice %dma_wait3A_195[%dma_wait3A_196, %dma_wait3A_197] : memref<10240x128xf32, #tpu.memory_space<hbm>> -> memref<10240x128xf32, #tpu.memory_space<hbm>>
      tpu.wait_indirect_dma semaphore(%arg11 : memref<!tpu.dma_semaphore, #tpu.memory_space<semaphore_mem>>) src(%dma_wait3A_198 : memref<10240x128xf32, #tpu.memory_space<hbm>>) dst(%arg8 : memref<128x128xf32, #tpu.memory_space<vmem>>)
      %run_scoped3A_199 = arith.constant 4 : i32
      "tpu.region"() ({
        %run_scoped3A_442 = tpu.sem_alloc : memref<!tpu.dma_semaphore, #tpu.memory_space<semaphore_mem>>
        %dma_start3A_443 = arith.constant 0 : i32
        %dma_start3A_444 = tpu.memref_slice %arg7[%run_scoped3A_199, %dma_start3A_443] : memref<16x128xi32, #tpu.memory_space<vmem>> -> memref<1x128xi32, #tpu.memory_space<vmem>>
        %dma_start3A_445 = tpu.memref_squeeze %dma_start3A_444 : memref<1x128xi32, #tpu.memory_space<vmem>> -> memref<128xi32, #tpu.memory_space<vmem>>
        %dma_start3A_446 = arith.constant 0 : i32
        %dma_start3A_447 = arith.constant 0 : i32
        %dma_start3A_448 = tpu.memref_slice %arg10[%dma_start3A_446, %dma_start3A_447] : memref<10240x128xf32, #tpu.memory_space<vmem_shared>> -> memref<10240x128xf32, #tpu.memory_space<vmem_shared>>
        tpu.enqueue_indirect_dma source(%arg8 : memref<128x128xf32, #tpu.memory_space<vmem>>) target(%dma_start3A_448 : memref<10240x128xf32, #tpu.memory_space<vmem_shared>>) offsets(%dma_start3A_445 : memref<128xi32, #tpu.memory_space<vmem>>) semaphore(%run_scoped3A_442 : memref<!tpu.dma_semaphore, #tpu.memory_space<semaphore_mem>>) {add = true}
        %dma_wait3A_449 = arith.constant 0 : i32
        %dma_wait3A_450 = tpu.memref_slice %arg7[%run_scoped3A_199, %dma_wait3A_449] : memref<16x128xi32, #tpu.memory_space<vmem>> -> memref<1x128xi32, #tpu.memory_space<vmem>>
        %dma_wait3A_451 = tpu.memref_squeeze %dma_wait3A_450 : memref<1x128xi32, #tpu.memory_space<vmem>> -> memref<128xi32, #tpu.memory_space<vmem>>
        %dma_wait3A_452 = arith.constant 0 : i32
        %dma_wait3A_453 = arith.constant 0 : i32
        %dma_wait3A_454 = tpu.memref_slice %arg10[%dma_wait3A_452, %dma_wait3A_453] : memref<10240x128xf32, #tpu.memory_space<vmem_shared>> -> memref<10240x128xf32, #tpu.memory_space<vmem_shared>>
        tpu.wait_indirect_dma semaphore(%run_scoped3A_442 : memref<!tpu.dma_semaphore, #tpu.memory_space<semaphore_mem>>) src(%arg8 : memref<128x128xf32, #tpu.memory_space<vmem>>) dst(%dma_wait3A_454 : memref<10240x128xf32, #tpu.memory_space<vmem_shared>>)
        tpu.yield
      }) : () -> ()
      %dma_start3A_200 = arith.constant 6 : i32
      %dma_start3A_201 = arith.constant 0 : i32
      %dma_start3A_202 = tpu.memref_slice %arg6[%dma_start3A_200, %dma_start3A_201] : memref<16x128xi32, #tpu.memory_space<vmem>> -> memref<1x128xi32, #tpu.memory_space<vmem>>
      %dma_start3A_203 = tpu.memref_squeeze %dma_start3A_202 : memref<1x128xi32, #tpu.memory_space<vmem>> -> memref<128xi32, #tpu.memory_space<vmem>>
      %dma_start3A_204 = arith.constant 0 : i32
      %dma_start3A_205 = arith.constant 0 : i32
      %dma_start3A_206 = tpu.memref_slice %arg2[%sub3A_0, %dma_start3A_204, %dma_start3A_205] : memref<2x10240x128xf32, #tpu.memory_space<hbm>> -> memref<1x10240x128xf32, #tpu.memory_space<hbm>>
      %dma_start3A_207 = tpu.memref_squeeze %dma_start3A_206 : memref<1x10240x128xf32, #tpu.memory_space<hbm>> -> memref<10240x128xf32, #tpu.memory_space<hbm>>
      %dma_start3A_208 = arith.constant 0 : i32
      %dma_start3A_209 = arith.constant 0 : i32
      %dma_start3A_210 = tpu.memref_slice %dma_start3A_207[%dma_start3A_208, %dma_start3A_209] : memref<10240x128xf32, #tpu.memory_space<hbm>> -> memref<10240x128xf32, #tpu.memory_space<hbm>>
      tpu.enqueue_indirect_dma source(%dma_start3A_210 : memref<10240x128xf32, #tpu.memory_space<hbm>>) target(%arg8 : memref<128x128xf32, #tpu.memory_space<vmem>>) offsets(%dma_start3A_203 : memref<128xi32, #tpu.memory_space<vmem>>) semaphore(%arg11 : memref<!tpu.dma_semaphore, #tpu.memory_space<semaphore_mem>>)
      %dma_wait3A_211 = arith.constant 5 : i32
      %dma_wait3A_212 = arith.constant 0 : i32
      %dma_wait3A_213 = tpu.memref_slice %arg6[%dma_wait3A_211, %dma_wait3A_212] : memref<16x128xi32, #tpu.memory_space<vmem>> -> memref<1x128xi32, #tpu.memory_space<vmem>>
      %dma_wait3A_214 = tpu.memref_squeeze %dma_wait3A_213 : memref<1x128xi32, #tpu.memory_space<vmem>> -> memref<128xi32, #tpu.memory_space<vmem>>
      %dma_wait3A_215 = arith.constant 0 : i32
      %dma_wait3A_216 = arith.constant 0 : i32
      %dma_wait3A_217 = tpu.memref_slice %arg2[%sub3A_0, %dma_wait3A_215, %dma_wait3A_216] : memref<2x10240x128xf32, #tpu.memory_space<hbm>> -> memref<1x10240x128xf32, #tpu.memory_space<hbm>>
      %dma_wait3A_218 = tpu.memref_squeeze %dma_wait3A_217 : memref<1x10240x128xf32, #tpu.memory_space<hbm>> -> memref<10240x128xf32, #tpu.memory_space<hbm>>
      %dma_wait3A_219 = arith.constant 0 : i32
      %dma_wait3A_220 = arith.constant 0 : i32
      %dma_wait3A_221 = tpu.memref_slice %dma_wait3A_218[%dma_wait3A_219, %dma_wait3A_220] : memref<10240x128xf32, #tpu.memory_space<hbm>> -> memref<10240x128xf32, #tpu.memory_space<hbm>>
      tpu.wait_indirect_dma semaphore(%arg12 : memref<!tpu.dma_semaphore, #tpu.memory_space<semaphore_mem>>) src(%dma_wait3A_221 : memref<10240x128xf32, #tpu.memory_space<hbm>>) dst(%arg9 : memref<128x128xf32, #tpu.memory_space<vmem>>)
      %run_scoped3A_222 = arith.constant 5 : i32
      "tpu.region"() ({
        %run_scoped3A_442 = tpu.sem_alloc : memref<!tpu.dma_semaphore, #tpu.memory_space<semaphore_mem>>
        %dma_start3A_443 = arith.constant 0 : i32
        %dma_start3A_444 = tpu.memref_slice %arg7[%run_scoped3A_222, %dma_start3A_443] : memref<16x128xi32, #tpu.memory_space<vmem>> -> memref<1x128xi32, #tpu.memory_space<vmem>>
        %dma_start3A_445 = tpu.memref_squeeze %dma_start3A_444 : memref<1x128xi32, #tpu.memory_space<vmem>> -> memref<128xi32, #tpu.memory_space<vmem>>
        %dma_start3A_446 = arith.constant 0 : i32
        %dma_start3A_447 = arith.constant 0 : i32
        %dma_start3A_448 = tpu.memref_slice %arg10[%dma_start3A_446, %dma_start3A_447] : memref<10240x128xf32, #tpu.memory_space<vmem_shared>> -> memref<10240x128xf32, #tpu.memory_space<vmem_shared>>
        tpu.enqueue_indirect_dma source(%arg9 : memref<128x128xf32, #tpu.memory_space<vmem>>) target(%dma_start3A_448 : memref<10240x128xf32, #tpu.memory_space<vmem_shared>>) offsets(%dma_start3A_445 : memref<128xi32, #tpu.memory_space<vmem>>) semaphore(%run_scoped3A_442 : memref<!tpu.dma_semaphore, #tpu.memory_space<semaphore_mem>>) {add = true}
        %dma_wait3A_449 = arith.constant 0 : i32
        %dma_wait3A_450 = tpu.memref_slice %arg7[%run_scoped3A_222, %dma_wait3A_449] : memref<16x128xi32, #tpu.memory_space<vmem>> -> memref<1x128xi32, #tpu.memory_space<vmem>>
        %dma_wait3A_451 = tpu.memref_squeeze %dma_wait3A_450 : memref<1x128xi32, #tpu.memory_space<vmem>> -> memref<128xi32, #tpu.memory_space<vmem>>
        %dma_wait3A_452 = arith.constant 0 : i32
        %dma_wait3A_453 = arith.constant 0 : i32
        %dma_wait3A_454 = tpu.memref_slice %arg10[%dma_wait3A_452, %dma_wait3A_453] : memref<10240x128xf32, #tpu.memory_space<vmem_shared>> -> memref<10240x128xf32, #tpu.memory_space<vmem_shared>>
        tpu.wait_indirect_dma semaphore(%run_scoped3A_442 : memref<!tpu.dma_semaphore, #tpu.memory_space<semaphore_mem>>) src(%arg9 : memref<128x128xf32, #tpu.memory_space<vmem>>) dst(%dma_wait3A_454 : memref<10240x128xf32, #tpu.memory_space<vmem_shared>>)
        tpu.yield
      }) : () -> ()
      %dma_start3A_223 = arith.constant 7 : i32
      %dma_start3A_224 = arith.constant 0 : i32
      %dma_start3A_225 = tpu.memref_slice %arg6[%dma_start3A_223, %dma_start3A_224] : memref<16x128xi32, #tpu.memory_space<vmem>> -> memref<1x128xi32, #tpu.memory_space<vmem>>
      %dma_start3A_226 = tpu.memref_squeeze %dma_start3A_225 : memref<1x128xi32, #tpu.memory_space<vmem>> -> memref<128xi32, #tpu.memory_space<vmem>>
      %dma_start3A_227 = arith.constant 0 : i32
      %dma_start3A_228 = arith.constant 0 : i32
      %dma_start3A_229 = tpu.memref_slice %arg2[%sub3A_0, %dma_start3A_227, %dma_start3A_228] : memref<2x10240x128xf32, #tpu.memory_space<hbm>> -> memref<1x10240x128xf32, #tpu.memory_space<hbm>>
      %dma_start3A_230 = tpu.memref_squeeze %dma_start3A_229 : memref<1x10240x128xf32, #tpu.memory_space<hbm>> -> memref<10240x128xf32, #tpu.memory_space<hbm>>
      %dma_start3A_231 = arith.constant 0 : i32
      %dma_start3A_232 = arith.constant 0 : i32
      %dma_start3A_233 = tpu.memref_slice %dma_start3A_230[%dma_start3A_231, %dma_start3A_232] : memref<10240x128xf32, #tpu.memory_space<hbm>> -> memref<10240x128xf32, #tpu.memory_space<hbm>>
      tpu.enqueue_indirect_dma source(%dma_start3A_233 : memref<10240x128xf32, #tpu.memory_space<hbm>>) target(%arg9 : memref<128x128xf32, #tpu.memory_space<vmem>>) offsets(%dma_start3A_226 : memref<128xi32, #tpu.memory_space<vmem>>) semaphore(%arg12 : memref<!tpu.dma_semaphore, #tpu.memory_space<semaphore_mem>>)
      %dma_wait3A_234 = arith.constant 6 : i32
      %dma_wait3A_235 = arith.constant 0 : i32
      %dma_wait3A_236 = tpu.memref_slice %arg6[%dma_wait3A_234, %dma_wait3A_235] : memref<16x128xi32, #tpu.memory_space<vmem>> -> memref<1x128xi32, #tpu.memory_space<vmem>>
      %dma_wait3A_237 = tpu.memref_squeeze %dma_wait3A_236 : memref<1x128xi32, #tpu.memory_space<vmem>> -> memref<128xi32, #tpu.memory_space<vmem>>
      %dma_wait3A_238 = arith.constant 0 : i32
      %dma_wait3A_239 = arith.constant 0 : i32
      %dma_wait3A_240 = tpu.memref_slice %arg2[%sub3A_0, %dma_wait3A_238, %dma_wait3A_239] : memref<2x10240x128xf32, #tpu.memory_space<hbm>> -> memref<1x10240x128xf32, #tpu.memory_space<hbm>>
      %dma_wait3A_241 = tpu.memref_squeeze %dma_wait3A_240 : memref<1x10240x128xf32, #tpu.memory_space<hbm>> -> memref<10240x128xf32, #tpu.memory_space<hbm>>
      %dma_wait3A_242 = arith.constant 0 : i32
      %dma_wait3A_243 = arith.constant 0 : i32
      %dma_wait3A_244 = tpu.memref_slice %dma_wait3A_241[%dma_wait3A_242, %dma_wait3A_243] : memref<10240x128xf32, #tpu.memory_space<hbm>> -> memref<10240x128xf32, #tpu.memory_space<hbm>>
      tpu.wait_indirect_dma semaphore(%arg11 : memref<!tpu.dma_semaphore, #tpu.memory_space<semaphore_mem>>) src(%dma_wait3A_244 : memref<10240x128xf32, #tpu.memory_space<hbm>>) dst(%arg8 : memref<128x128xf32, #tpu.memory_space<vmem>>)
      %run_scoped3A_245 = arith.constant 6 : i32
      "tpu.region"() ({
        %run_scoped3A_442 = tpu.sem_alloc : memref<!tpu.dma_semaphore, #tpu.memory_space<semaphore_mem>>
        %dma_start3A_443 = arith.constant 0 : i32
        %dma_start3A_444 = tpu.memref_slice %arg7[%run_scoped3A_245, %dma_start3A_443] : memref<16x128xi32, #tpu.memory_space<vmem>> -> memref<1x128xi32, #tpu.memory_space<vmem>>
        %dma_start3A_445 = tpu.memref_squeeze %dma_start3A_444 : memref<1x128xi32, #tpu.memory_space<vmem>> -> memref<128xi32, #tpu.memory_space<vmem>>
        %dma_start3A_446 = arith.constant 0 : i32
        %dma_start3A_447 = arith.constant 0 : i32
        %dma_start3A_448 = tpu.memref_slice %arg10[%dma_start3A_446, %dma_start3A_447] : memref<10240x128xf32, #tpu.memory_space<vmem_shared>> -> memref<10240x128xf32, #tpu.memory_space<vmem_shared>>
        tpu.enqueue_indirect_dma source(%arg8 : memref<128x128xf32, #tpu.memory_space<vmem>>) target(%dma_start3A_448 : memref<10240x128xf32, #tpu.memory_space<vmem_shared>>) offsets(%dma_start3A_445 : memref<128xi32, #tpu.memory_space<vmem>>) semaphore(%run_scoped3A_442 : memref<!tpu.dma_semaphore, #tpu.memory_space<semaphore_mem>>) {add = true}
        %dma_wait3A_449 = arith.constant 0 : i32
        %dma_wait3A_450 = tpu.memref_slice %arg7[%run_scoped3A_245, %dma_wait3A_449] : memref<16x128xi32, #tpu.memory_space<vmem>> -> memref<1x128xi32, #tpu.memory_space<vmem>>
        %dma_wait3A_451 = tpu.memref_squeeze %dma_wait3A_450 : memref<1x128xi32, #tpu.memory_space<vmem>> -> memref<128xi32, #tpu.memory_space<vmem>>
        %dma_wait3A_452 = arith.constant 0 : i32
        %dma_wait3A_453 = arith.constant 0 : i32
        %dma_wait3A_454 = tpu.memref_slice %arg10[%dma_wait3A_452, %dma_wait3A_453] : memref<10240x128xf32, #tpu.memory_space<vmem_shared>> -> memref<10240x128xf32, #tpu.memory_space<vmem_shared>>
        tpu.wait_indirect_dma semaphore(%run_scoped3A_442 : memref<!tpu.dma_semaphore, #tpu.memory_space<semaphore_mem>>) src(%arg8 : memref<128x128xf32, #tpu.memory_space<vmem>>) dst(%dma_wait3A_454 : memref<10240x128xf32, #tpu.memory_space<vmem_shared>>)
        tpu.yield
      }) : () -> ()
      %dma_start3A_246 = arith.constant 8 : i32
      %dma_start3A_247 = arith.constant 0 : i32
      %dma_start3A_248 = tpu.memref_slice %arg6[%dma_start3A_246, %dma_start3A_247] : memref<16x128xi32, #tpu.memory_space<vmem>> -> memref<1x128xi32, #tpu.memory_space<vmem>>
      %dma_start3A_249 = tpu.memref_squeeze %dma_start3A_248 : memref<1x128xi32, #tpu.memory_space<vmem>> -> memref<128xi32, #tpu.memory_space<vmem>>
      %dma_start3A_250 = arith.constant 0 : i32
      %dma_start3A_251 = arith.constant 0 : i32
      %dma_start3A_252 = tpu.memref_slice %arg2[%sub3A_0, %dma_start3A_250, %dma_start3A_251] : memref<2x10240x128xf32, #tpu.memory_space<hbm>> -> memref<1x10240x128xf32, #tpu.memory_space<hbm>>
      %dma_start3A_253 = tpu.memref_squeeze %dma_start3A_252 : memref<1x10240x128xf32, #tpu.memory_space<hbm>> -> memref<10240x128xf32, #tpu.memory_space<hbm>>
      %dma_start3A_254 = arith.constant 0 : i32
      %dma_start3A_255 = arith.constant 0 : i32
      %dma_start3A_256 = tpu.memref_slice %dma_start3A_253[%dma_start3A_254, %dma_start3A_255] : memref<10240x128xf32, #tpu.memory_space<hbm>> -> memref<10240x128xf32, #tpu.memory_space<hbm>>
      tpu.enqueue_indirect_dma source(%dma_start3A_256 : memref<10240x128xf32, #tpu.memory_space<hbm>>) target(%arg8 : memref<128x128xf32, #tpu.memory_space<vmem>>) offsets(%dma_start3A_249 : memref<128xi32, #tpu.memory_space<vmem>>) semaphore(%arg11 : memref<!tpu.dma_semaphore, #tpu.memory_space<semaphore_mem>>)
      %dma_wait3A_257 = arith.constant 7 : i32
      %dma_wait3A_258 = arith.constant 0 : i32
      %dma_wait3A_259 = tpu.memref_slice %arg6[%dma_wait3A_257, %dma_wait3A_258] : memref<16x128xi32, #tpu.memory_space<vmem>> -> memref<1x128xi32, #tpu.memory_space<vmem>>
      %dma_wait3A_260 = tpu.memref_squeeze %dma_wait3A_259 : memref<1x128xi32, #tpu.memory_space<vmem>> -> memref<128xi32, #tpu.memory_space<vmem>>
      %dma_wait3A_261 = arith.constant 0 : i32
      %dma_wait3A_262 = arith.constant 0 : i32
      %dma_wait3A_263 = tpu.memref_slice %arg2[%sub3A_0, %dma_wait3A_261, %dma_wait3A_262] : memref<2x10240x128xf32, #tpu.memory_space<hbm>> -> memref<1x10240x128xf32, #tpu.memory_space<hbm>>
      %dma_wait3A_264 = tpu.memref_squeeze %dma_wait3A_263 : memref<1x10240x128xf32, #tpu.memory_space<hbm>> -> memref<10240x128xf32, #tpu.memory_space<hbm>>
      %dma_wait3A_265 = arith.constant 0 : i32
      %dma_wait3A_266 = arith.constant 0 : i32
      %dma_wait3A_267 = tpu.memref_slice %dma_wait3A_264[%dma_wait3A_265, %dma_wait3A_266] : memref<10240x128xf32, #tpu.memory_space<hbm>> -> memref<10240x128xf32, #tpu.memory_space<hbm>>
      tpu.wait_indirect_dma semaphore(%arg12 : memref<!tpu.dma_semaphore, #tpu.memory_space<semaphore_mem>>) src(%dma_wait3A_267 : memref<10240x128xf32, #tpu.memory_space<hbm>>) dst(%arg9 : memref<128x128xf32, #tpu.memory_space<vmem>>)
      %run_scoped3A_268 = arith.constant 7 : i32
      "tpu.region"() ({
        %run_scoped3A_442 = tpu.sem_alloc : memref<!tpu.dma_semaphore, #tpu.memory_space<semaphore_mem>>
        %dma_start3A_443 = arith.constant 0 : i32
        %dma_start3A_444 = tpu.memref_slice %arg7[%run_scoped3A_268, %dma_start3A_443] : memref<16x128xi32, #tpu.memory_space<vmem>> -> memref<1x128xi32, #tpu.memory_space<vmem>>
        %dma_start3A_445 = tpu.memref_squeeze %dma_start3A_444 : memref<1x128xi32, #tpu.memory_space<vmem>> -> memref<128xi32, #tpu.memory_space<vmem>>
        %dma_start3A_446 = arith.constant 0 : i32
        %dma_start3A_447 = arith.constant 0 : i32
        %dma_start3A_448 = tpu.memref_slice %arg10[%dma_start3A_446, %dma_start3A_447] : memref<10240x128xf32, #tpu.memory_space<vmem_shared>> -> memref<10240x128xf32, #tpu.memory_space<vmem_shared>>
        tpu.enqueue_indirect_dma source(%arg9 : memref<128x128xf32, #tpu.memory_space<vmem>>) target(%dma_start3A_448 : memref<10240x128xf32, #tpu.memory_space<vmem_shared>>) offsets(%dma_start3A_445 : memref<128xi32, #tpu.memory_space<vmem>>) semaphore(%run_scoped3A_442 : memref<!tpu.dma_semaphore, #tpu.memory_space<semaphore_mem>>) {add = true}
        %dma_wait3A_449 = arith.constant 0 : i32
        %dma_wait3A_450 = tpu.memref_slice %arg7[%run_scoped3A_268, %dma_wait3A_449] : memref<16x128xi32, #tpu.memory_space<vmem>> -> memref<1x128xi32, #tpu.memory_space<vmem>>
        %dma_wait3A_451 = tpu.memref_squeeze %dma_wait3A_450 : memref<1x128xi32, #tpu.memory_space<vmem>> -> memref<128xi32, #tpu.memory_space<vmem>>
        %dma_wait3A_452 = arith.constant 0 : i32
        %dma_wait3A_453 = arith.constant 0 : i32
        %dma_wait3A_454 = tpu.memref_slice %arg10[%dma_wait3A_452, %dma_wait3A_453] : memref<10240x128xf32, #tpu.memory_space<vmem_shared>> -> memref<10240x128xf32, #tpu.memory_space<vmem_shared>>
        tpu.wait_indirect_dma semaphore(%run_scoped3A_442 : memref<!tpu.dma_semaphore, #tpu.memory_space<semaphore_mem>>) src(%arg9 : memref<128x128xf32, #tpu.memory_space<vmem>>) dst(%dma_wait3A_454 : memref<10240x128xf32, #tpu.memory_space<vmem_shared>>)
        tpu.yield
      }) : () -> ()
      %dma_start3A_269 = arith.constant 9 : i32
      %dma_start3A_270 = arith.constant 0 : i32
      %dma_start3A_271 = tpu.memref_slice %arg6[%dma_start3A_269, %dma_start3A_270] : memref<16x128xi32, #tpu.memory_space<vmem>> -> memref<1x128xi32, #tpu.memory_space<vmem>>
      %dma_start3A_272 = tpu.memref_squeeze %dma_start3A_271 : memref<1x128xi32, #tpu.memory_space<vmem>> -> memref<128xi32, #tpu.memory_space<vmem>>
      %dma_start3A_273 = arith.constant 0 : i32
      %dma_start3A_274 = arith.constant 0 : i32
      %dma_start3A_275 = tpu.memref_slice %arg2[%sub3A_0, %dma_start3A_273, %dma_start3A_274] : memref<2x10240x128xf32, #tpu.memory_space<hbm>> -> memref<1x10240x128xf32, #tpu.memory_space<hbm>>
      %dma_start3A_276 = tpu.memref_squeeze %dma_start3A_275 : memref<1x10240x128xf32, #tpu.memory_space<hbm>> -> memref<10240x128xf32, #tpu.memory_space<hbm>>
      %dma_start3A_277 = arith.constant 0 : i32
      %dma_start3A_278 = arith.constant 0 : i32
      %dma_start3A_279 = tpu.memref_slice %dma_start3A_276[%dma_start3A_277, %dma_start3A_278] : memref<10240x128xf32, #tpu.memory_space<hbm>> -> memref<10240x128xf32, #tpu.memory_space<hbm>>
      tpu.enqueue_indirect_dma source(%dma_start3A_279 : memref<10240x128xf32, #tpu.memory_space<hbm>>) target(%arg9 : memref<128x128xf32, #tpu.memory_space<vmem>>) offsets(%dma_start3A_272 : memref<128xi32, #tpu.memory_space<vmem>>) semaphore(%arg12 : memref<!tpu.dma_semaphore, #tpu.memory_space<semaphore_mem>>)
      %dma_wait3A_280 = arith.constant 8 : i32
      %dma_wait3A_281 = arith.constant 0 : i32
      %dma_wait3A_282 = tpu.memref_slice %arg6[%dma_wait3A_280, %dma_wait3A_281] : memref<16x128xi32, #tpu.memory_space<vmem>> -> memref<1x128xi32, #tpu.memory_space<vmem>>
      %dma_wait3A_283 = tpu.memref_squeeze %dma_wait3A_282 : memref<1x128xi32, #tpu.memory_space<vmem>> -> memref<128xi32, #tpu.memory_space<vmem>>
      %dma_wait3A_284 = arith.constant 0 : i32
      %dma_wait3A_285 = arith.constant 0 : i32
      %dma_wait3A_286 = tpu.memref_slice %arg2[%sub3A_0, %dma_wait3A_284, %dma_wait3A_285] : memref<2x10240x128xf32, #tpu.memory_space<hbm>> -> memref<1x10240x128xf32, #tpu.memory_space<hbm>>
      %dma_wait3A_287 = tpu.memref_squeeze %dma_wait3A_286 : memref<1x10240x128xf32, #tpu.memory_space<hbm>> -> memref<10240x128xf32, #tpu.memory_space<hbm>>
      %dma_wait3A_288 = arith.constant 0 : i32
      %dma_wait3A_289 = arith.constant 0 : i32
      %dma_wait3A_290 = tpu.memref_slice %dma_wait3A_287[%dma_wait3A_288, %dma_wait3A_289] : memref<10240x128xf32, #tpu.memory_space<hbm>> -> memref<10240x128xf32, #tpu.memory_space<hbm>>
      tpu.wait_indirect_dma semaphore(%arg11 : memref<!tpu.dma_semaphore, #tpu.memory_space<semaphore_mem>>) src(%dma_wait3A_290 : memref<10240x128xf32, #tpu.memory_space<hbm>>) dst(%arg8 : memref<128x128xf32, #tpu.memory_space<vmem>>)
      %run_scoped3A_291 = arith.constant 8 : i32
      "tpu.region"() ({
        %run_scoped3A_442 = tpu.sem_alloc : memref<!tpu.dma_semaphore, #tpu.memory_space<semaphore_mem>>
        %dma_start3A_443 = arith.constant 0 : i32
        %dma_start3A_444 = tpu.memref_slice %arg7[%run_scoped3A_291, %dma_start3A_443] : memref<16x128xi32, #tpu.memory_space<vmem>> -> memref<1x128xi32, #tpu.memory_space<vmem>>
        %dma_start3A_445 = tpu.memref_squeeze %dma_start3A_444 : memref<1x128xi32, #tpu.memory_space<vmem>> -> memref<128xi32, #tpu.memory_space<vmem>>
        %dma_start3A_446 = arith.constant 0 : i32
        %dma_start3A_447 = arith.constant 0 : i32
        %dma_start3A_448 = tpu.memref_slice %arg10[%dma_start3A_446, %dma_start3A_447] : memref<10240x128xf32, #tpu.memory_space<vmem_shared>> -> memref<10240x128xf32, #tpu.memory_space<vmem_shared>>
        tpu.enqueue_indirect_dma source(%arg8 : memref<128x128xf32, #tpu.memory_space<vmem>>) target(%dma_start3A_448 : memref<10240x128xf32, #tpu.memory_space<vmem_shared>>) offsets(%dma_start3A_445 : memref<128xi32, #tpu.memory_space<vmem>>) semaphore(%run_scoped3A_442 : memref<!tpu.dma_semaphore, #tpu.memory_space<semaphore_mem>>) {add = true}
        %dma_wait3A_449 = arith.constant 0 : i32
        %dma_wait3A_450 = tpu.memref_slice %arg7[%run_scoped3A_291, %dma_wait3A_449] : memref<16x128xi32, #tpu.memory_space<vmem>> -> memref<1x128xi32, #tpu.memory_space<vmem>>
        %dma_wait3A_451 = tpu.memref_squeeze %dma_wait3A_450 : memref<1x128xi32, #tpu.memory_space<vmem>> -> memref<128xi32, #tpu.memory_space<vmem>>
        %dma_wait3A_452 = arith.constant 0 : i32
        %dma_wait3A_453 = arith.constant 0 : i32
        %dma_wait3A_454 = tpu.memref_slice %arg10[%dma_wait3A_452, %dma_wait3A_453] : memref<10240x128xf32, #tpu.memory_space<vmem_shared>> -> memref<10240x128xf32, #tpu.memory_space<vmem_shared>>
        tpu.wait_indirect_dma semaphore(%run_scoped3A_442 : memref<!tpu.dma_semaphore, #tpu.memory_space<semaphore_mem>>) src(%arg8 : memref<128x128xf32, #tpu.memory_space<vmem>>) dst(%dma_wait3A_454 : memref<10240x128xf32, #tpu.memory_space<vmem_shared>>)
        tpu.yield
      }) : () -> ()
      %dma_start3A_292 = arith.constant 10 : i32
      %dma_start3A_293 = arith.constant 0 : i32
      %dma_start3A_294 = tpu.memref_slice %arg6[%dma_start3A_292, %dma_start3A_293] : memref<16x128xi32, #tpu.memory_space<vmem>> -> memref<1x128xi32, #tpu.memory_space<vmem>>
      %dma_start3A_295 = tpu.memref_squeeze %dma_start3A_294 : memref<1x128xi32, #tpu.memory_space<vmem>> -> memref<128xi32, #tpu.memory_space<vmem>>
      %dma_start3A_296 = arith.constant 0 : i32
      %dma_start3A_297 = arith.constant 0 : i32
      %dma_start3A_298 = tpu.memref_slice %arg2[%sub3A_0, %dma_start3A_296, %dma_start3A_297] : memref<2x10240x128xf32, #tpu.memory_space<hbm>> -> memref<1x10240x128xf32, #tpu.memory_space<hbm>>
      %dma_start3A_299 = tpu.memref_squeeze %dma_start3A_298 : memref<1x10240x128xf32, #tpu.memory_space<hbm>> -> memref<10240x128xf32, #tpu.memory_space<hbm>>
      %dma_start3A_300 = arith.constant 0 : i32
      %dma_start3A_301 = arith.constant 0 : i32
      %dma_start3A_302 = tpu.memref_slice %dma_start3A_299[%dma_start3A_300, %dma_start3A_301] : memref<10240x128xf32, #tpu.memory_space<hbm>> -> memref<10240x128xf32, #tpu.memory_space<hbm>>
      tpu.enqueue_indirect_dma source(%dma_start3A_302 : memref<10240x128xf32, #tpu.memory_space<hbm>>) target(%arg8 : memref<128x128xf32, #tpu.memory_space<vmem>>) offsets(%dma_start3A_295 : memref<128xi32, #tpu.memory_space<vmem>>) semaphore(%arg11 : memref<!tpu.dma_semaphore, #tpu.memory_space<semaphore_mem>>)
      %dma_wait3A_303 = arith.constant 9 : i32
      %dma_wait3A_304 = arith.constant 0 : i32
      %dma_wait3A_305 = tpu.memref_slice %arg6[%dma_wait3A_303, %dma_wait3A_304] : memref<16x128xi32, #tpu.memory_space<vmem>> -> memref<1x128xi32, #tpu.memory_space<vmem>>
      %dma_wait3A_306 = tpu.memref_squeeze %dma_wait3A_305 : memref<1x128xi32, #tpu.memory_space<vmem>> -> memref<128xi32, #tpu.memory_space<vmem>>
      %dma_wait3A_307 = arith.constant 0 : i32
      %dma_wait3A_308 = arith.constant 0 : i32
      %dma_wait3A_309 = tpu.memref_slice %arg2[%sub3A_0, %dma_wait3A_307, %dma_wait3A_308] : memref<2x10240x128xf32, #tpu.memory_space<hbm>> -> memref<1x10240x128xf32, #tpu.memory_space<hbm>>
      %dma_wait3A_310 = tpu.memref_squeeze %dma_wait3A_309 : memref<1x10240x128xf32, #tpu.memory_space<hbm>> -> memref<10240x128xf32, #tpu.memory_space<hbm>>
      %dma_wait3A_311 = arith.constant 0 : i32
      %dma_wait3A_312 = arith.constant 0 : i32
      %dma_wait3A_313 = tpu.memref_slice %dma_wait3A_310[%dma_wait3A_311, %dma_wait3A_312] : memref<10240x128xf32, #tpu.memory_space<hbm>> -> memref<10240x128xf32, #tpu.memory_space<hbm>>
      tpu.wait_indirect_dma semaphore(%arg12 : memref<!tpu.dma_semaphore, #tpu.memory_space<semaphore_mem>>) src(%dma_wait3A_313 : memref<10240x128xf32, #tpu.memory_space<hbm>>) dst(%arg9 : memref<128x128xf32, #tpu.memory_space<vmem>>)
      %run_scoped3A_314 = arith.constant 9 : i32
      "tpu.region"() ({
        %run_scoped3A_442 = tpu.sem_alloc : memref<!tpu.dma_semaphore, #tpu.memory_space<semaphore_mem>>
        %dma_start3A_443 = arith.constant 0 : i32
        %dma_start3A_444 = tpu.memref_slice %arg7[%run_scoped3A_314, %dma_start3A_443] : memref<16x128xi32, #tpu.memory_space<vmem>> -> memref<1x128xi32, #tpu.memory_space<vmem>>
        %dma_start3A_445 = tpu.memref_squeeze %dma_start3A_444 : memref<1x128xi32, #tpu.memory_space<vmem>> -> memref<128xi32, #tpu.memory_space<vmem>>
        %dma_start3A_446 = arith.constant 0 : i32
        %dma_start3A_447 = arith.constant 0 : i32
        %dma_start3A_448 = tpu.memref_slice %arg10[%dma_start3A_446, %dma_start3A_447] : memref<10240x128xf32, #tpu.memory_space<vmem_shared>> -> memref<10240x128xf32, #tpu.memory_space<vmem_shared>>
        tpu.enqueue_indirect_dma source(%arg9 : memref<128x128xf32, #tpu.memory_space<vmem>>) target(%dma_start3A_448 : memref<10240x128xf32, #tpu.memory_space<vmem_shared>>) offsets(%dma_start3A_445 : memref<128xi32, #tpu.memory_space<vmem>>) semaphore(%run_scoped3A_442 : memref<!tpu.dma_semaphore, #tpu.memory_space<semaphore_mem>>) {add = true}
        %dma_wait3A_449 = arith.constant 0 : i32
        %dma_wait3A_450 = tpu.memref_slice %arg7[%run_scoped3A_314, %dma_wait3A_449] : memref<16x128xi32, #tpu.memory_space<vmem>> -> memref<1x128xi32, #tpu.memory_space<vmem>>
        %dma_wait3A_451 = tpu.memref_squeeze %dma_wait3A_450 : memref<1x128xi32, #tpu.memory_space<vmem>> -> memref<128xi32, #tpu.memory_space<vmem>>
        %dma_wait3A_452 = arith.constant 0 : i32
        %dma_wait3A_453 = arith.constant 0 : i32
        %dma_wait3A_454 = tpu.memref_slice %arg10[%dma_wait3A_452, %dma_wait3A_453] : memref<10240x128xf32, #tpu.memory_space<vmem_shared>> -> memref<10240x128xf32, #tpu.memory_space<vmem_shared>>
        tpu.wait_indirect_dma semaphore(%run_scoped3A_442 : memref<!tpu.dma_semaphore, #tpu.memory_space<semaphore_mem>>) src(%arg9 : memref<128x128xf32, #tpu.memory_space<vmem>>) dst(%dma_wait3A_454 : memref<10240x128xf32, #tpu.memory_space<vmem_shared>>)
        tpu.yield
      }) : () -> ()
      %dma_start3A_315 = arith.constant 11 : i32
      %dma_start3A_316 = arith.constant 0 : i32
      %dma_start3A_317 = tpu.memref_slice %arg6[%dma_start3A_315, %dma_start3A_316] : memref<16x128xi32, #tpu.memory_space<vmem>> -> memref<1x128xi32, #tpu.memory_space<vmem>>
      %dma_start3A_318 = tpu.memref_squeeze %dma_start3A_317 : memref<1x128xi32, #tpu.memory_space<vmem>> -> memref<128xi32, #tpu.memory_space<vmem>>
      %dma_start3A_319 = arith.constant 0 : i32
      %dma_start3A_320 = arith.constant 0 : i32
      %dma_start3A_321 = tpu.memref_slice %arg2[%sub3A_0, %dma_start3A_319, %dma_start3A_320] : memref<2x10240x128xf32, #tpu.memory_space<hbm>> -> memref<1x10240x128xf32, #tpu.memory_space<hbm>>
      %dma_start3A_322 = tpu.memref_squeeze %dma_start3A_321 : memref<1x10240x128xf32, #tpu.memory_space<hbm>> -> memref<10240x128xf32, #tpu.memory_space<hbm>>
      %dma_start3A_323 = arith.constant 0 : i32
      %dma_start3A_324 = arith.constant 0 : i32
      %dma_start3A_325 = tpu.memref_slice %dma_start3A_322[%dma_start3A_323, %dma_start3A_324] : memref<10240x128xf32, #tpu.memory_space<hbm>> -> memref<10240x128xf32, #tpu.memory_space<hbm>>
      tpu.enqueue_indirect_dma source(%dma_start3A_325 : memref<10240x128xf32, #tpu.memory_space<hbm>>) target(%arg9 : memref<128x128xf32, #tpu.memory_space<vmem>>) offsets(%dma_start3A_318 : memref<128xi32, #tpu.memory_space<vmem>>) semaphore(%arg12 : memref<!tpu.dma_semaphore, #tpu.memory_space<semaphore_mem>>)
      %dma_wait3A_326 = arith.constant 10 : i32
      %dma_wait3A_327 = arith.constant 0 : i32
      %dma_wait3A_328 = tpu.memref_slice %arg6[%dma_wait3A_326, %dma_wait3A_327] : memref<16x128xi32, #tpu.memory_space<vmem>> -> memref<1x128xi32, #tpu.memory_space<vmem>>
      %dma_wait3A_329 = tpu.memref_squeeze %dma_wait3A_328 : memref<1x128xi32, #tpu.memory_space<vmem>> -> memref<128xi32, #tpu.memory_space<vmem>>
      %dma_wait3A_330 = arith.constant 0 : i32
      %dma_wait3A_331 = arith.constant 0 : i32
      %dma_wait3A_332 = tpu.memref_slice %arg2[%sub3A_0, %dma_wait3A_330, %dma_wait3A_331] : memref<2x10240x128xf32, #tpu.memory_space<hbm>> -> memref<1x10240x128xf32, #tpu.memory_space<hbm>>
      %dma_wait3A_333 = tpu.memref_squeeze %dma_wait3A_332 : memref<1x10240x128xf32, #tpu.memory_space<hbm>> -> memref<10240x128xf32, #tpu.memory_space<hbm>>
      %dma_wait3A_334 = arith.constant 0 : i32
      %dma_wait3A_335 = arith.constant 0 : i32
      %dma_wait3A_336 = tpu.memref_slice %dma_wait3A_333[%dma_wait3A_334, %dma_wait3A_335] : memref<10240x128xf32, #tpu.memory_space<hbm>> -> memref<10240x128xf32, #tpu.memory_space<hbm>>
      tpu.wait_indirect_dma semaphore(%arg11 : memref<!tpu.dma_semaphore, #tpu.memory_space<semaphore_mem>>) src(%dma_wait3A_336 : memref<10240x128xf32, #tpu.memory_space<hbm>>) dst(%arg8 : memref<128x128xf32, #tpu.memory_space<vmem>>)
      %run_scoped3A_337 = arith.constant 10 : i32
      "tpu.region"() ({
        %run_scoped3A_442 = tpu.sem_alloc : memref<!tpu.dma_semaphore, #tpu.memory_space<semaphore_mem>>
        %dma_start3A_443 = arith.constant 0 : i32
        %dma_start3A_444 = tpu.memref_slice %arg7[%run_scoped3A_337, %dma_start3A_443] : memref<16x128xi32, #tpu.memory_space<vmem>> -> memref<1x128xi32, #tpu.memory_space<vmem>>
        %dma_start3A_445 = tpu.memref_squeeze %dma_start3A_444 : memref<1x128xi32, #tpu.memory_space<vmem>> -> memref<128xi32, #tpu.memory_space<vmem>>
        %dma_start3A_446 = arith.constant 0 : i32
        %dma_start3A_447 = arith.constant 0 : i32
        %dma_start3A_448 = tpu.memref_slice %arg10[%dma_start3A_446, %dma_start3A_447] : memref<10240x128xf32, #tpu.memory_space<vmem_shared>> -> memref<10240x128xf32, #tpu.memory_space<vmem_shared>>
        tpu.enqueue_indirect_dma source(%arg8 : memref<128x128xf32, #tpu.memory_space<vmem>>) target(%dma_start3A_448 : memref<10240x128xf32, #tpu.memory_space<vmem_shared>>) offsets(%dma_start3A_445 : memref<128xi32, #tpu.memory_space<vmem>>) semaphore(%run_scoped3A_442 : memref<!tpu.dma_semaphore, #tpu.memory_space<semaphore_mem>>) {add = true}
        %dma_wait3A_449 = arith.constant 0 : i32
        %dma_wait3A_450 = tpu.memref_slice %arg7[%run_scoped3A_337, %dma_wait3A_449] : memref<16x128xi32, #tpu.memory_space<vmem>> -> memref<1x128xi32, #tpu.memory_space<vmem>>
        %dma_wait3A_451 = tpu.memref_squeeze %dma_wait3A_450 : memref<1x128xi32, #tpu.memory_space<vmem>> -> memref<128xi32, #tpu.memory_space<vmem>>
        %dma_wait3A_452 = arith.constant 0 : i32
        %dma_wait3A_453 = arith.constant 0 : i32
        %dma_wait3A_454 = tpu.memref_slice %arg10[%dma_wait3A_452, %dma_wait3A_453] : memref<10240x128xf32, #tpu.memory_space<vmem_shared>> -> memref<10240x128xf32, #tpu.memory_space<vmem_shared>>
        tpu.wait_indirect_dma semaphore(%run_scoped3A_442 : memref<!tpu.dma_semaphore, #tpu.memory_space<semaphore_mem>>) src(%arg8 : memref<128x128xf32, #tpu.memory_space<vmem>>) dst(%dma_wait3A_454 : memref<10240x128xf32, #tpu.memory_space<vmem_shared>>)
        tpu.yield
      }) : () -> ()
      %dma_start3A_338 = arith.constant 12 : i32
      %dma_start3A_339 = arith.constant 0 : i32
      %dma_start3A_340 = tpu.memref_slice %arg6[%dma_start3A_338, %dma_start3A_339] : memref<16x128xi32, #tpu.memory_space<vmem>> -> memref<1x128xi32, #tpu.memory_space<vmem>>
      %dma_start3A_341 = tpu.memref_squeeze %dma_start3A_340 : memref<1x128xi32, #tpu.memory_space<vmem>> -> memref<128xi32, #tpu.memory_space<vmem>>
      %dma_start3A_342 = arith.constant 0 : i32
      %dma_start3A_343 = arith.constant 0 : i32
      %dma_start3A_344 = tpu.memref_slice %arg2[%sub3A_0, %dma_start3A_342, %dma_start3A_343] : memref<2x10240x128xf32, #tpu.memory_space<hbm>> -> memref<1x10240x128xf32, #tpu.memory_space<hbm>>
      %dma_start3A_345 = tpu.memref_squeeze %dma_start3A_344 : memref<1x10240x128xf32, #tpu.memory_space<hbm>> -> memref<10240x128xf32, #tpu.memory_space<hbm>>
      %dma_start3A_346 = arith.constant 0 : i32
      %dma_start3A_347 = arith.constant 0 : i32
      %dma_start3A_348 = tpu.memref_slice %dma_start3A_345[%dma_start3A_346, %dma_start3A_347] : memref<10240x128xf32, #tpu.memory_space<hbm>> -> memref<10240x128xf32, #tpu.memory_space<hbm>>
      tpu.enqueue_indirect_dma source(%dma_start3A_348 : memref<10240x128xf32, #tpu.memory_space<hbm>>) target(%arg8 : memref<128x128xf32, #tpu.memory_space<vmem>>) offsets(%dma_start3A_341 : memref<128xi32, #tpu.memory_space<vmem>>) semaphore(%arg11 : memref<!tpu.dma_semaphore, #tpu.memory_space<semaphore_mem>>)
      %dma_wait3A_349 = arith.constant 11 : i32
      %dma_wait3A_350 = arith.constant 0 : i32
      %dma_wait3A_351 = tpu.memref_slice %arg6[%dma_wait3A_349, %dma_wait3A_350] : memref<16x128xi32, #tpu.memory_space<vmem>> -> memref<1x128xi32, #tpu.memory_space<vmem>>
      %dma_wait3A_352 = tpu.memref_squeeze %dma_wait3A_351 : memref<1x128xi32, #tpu.memory_space<vmem>> -> memref<128xi32, #tpu.memory_space<vmem>>
      %dma_wait3A_353 = arith.constant 0 : i32
      %dma_wait3A_354 = arith.constant 0 : i32
      %dma_wait3A_355 = tpu.memref_slice %arg2[%sub3A_0, %dma_wait3A_353, %dma_wait3A_354] : memref<2x10240x128xf32, #tpu.memory_space<hbm>> -> memref<1x10240x128xf32, #tpu.memory_space<hbm>>
      %dma_wait3A_356 = tpu.memref_squeeze %dma_wait3A_355 : memref<1x10240x128xf32, #tpu.memory_space<hbm>> -> memref<10240x128xf32, #tpu.memory_space<hbm>>
      %dma_wait3A_357 = arith.constant 0 : i32
      %dma_wait3A_358 = arith.constant 0 : i32
      %dma_wait3A_359 = tpu.memref_slice %dma_wait3A_356[%dma_wait3A_357, %dma_wait3A_358] : memref<10240x128xf32, #tpu.memory_space<hbm>> -> memref<10240x128xf32, #tpu.memory_space<hbm>>
      tpu.wait_indirect_dma semaphore(%arg12 : memref<!tpu.dma_semaphore, #tpu.memory_space<semaphore_mem>>) src(%dma_wait3A_359 : memref<10240x128xf32, #tpu.memory_space<hbm>>) dst(%arg9 : memref<128x128xf32, #tpu.memory_space<vmem>>)
      %run_scoped3A_360 = arith.constant 11 : i32
      "tpu.region"() ({
        %run_scoped3A_442 = tpu.sem_alloc : memref<!tpu.dma_semaphore, #tpu.memory_space<semaphore_mem>>
        %dma_start3A_443 = arith.constant 0 : i32
        %dma_start3A_444 = tpu.memref_slice %arg7[%run_scoped3A_360, %dma_start3A_443] : memref<16x128xi32, #tpu.memory_space<vmem>> -> memref<1x128xi32, #tpu.memory_space<vmem>>
        %dma_start3A_445 = tpu.memref_squeeze %dma_start3A_444 : memref<1x128xi32, #tpu.memory_space<vmem>> -> memref<128xi32, #tpu.memory_space<vmem>>
        %dma_start3A_446 = arith.constant 0 : i32
        %dma_start3A_447 = arith.constant 0 : i32
        %dma_start3A_448 = tpu.memref_slice %arg10[%dma_start3A_446, %dma_start3A_447] : memref<10240x128xf32, #tpu.memory_space<vmem_shared>> -> memref<10240x128xf32, #tpu.memory_space<vmem_shared>>
        tpu.enqueue_indirect_dma source(%arg9 : memref<128x128xf32, #tpu.memory_space<vmem>>) target(%dma_start3A_448 : memref<10240x128xf32, #tpu.memory_space<vmem_shared>>) offsets(%dma_start3A_445 : memref<128xi32, #tpu.memory_space<vmem>>) semaphore(%run_scoped3A_442 : memref<!tpu.dma_semaphore, #tpu.memory_space<semaphore_mem>>) {add = true}
        %dma_wait3A_449 = arith.constant 0 : i32
        %dma_wait3A_450 = tpu.memref_slice %arg7[%run_scoped3A_360, %dma_wait3A_449] : memref<16x128xi32, #tpu.memory_space<vmem>> -> memref<1x128xi32, #tpu.memory_space<vmem>>
        %dma_wait3A_451 = tpu.memref_squeeze %dma_wait3A_450 : memref<1x128xi32, #tpu.memory_space<vmem>> -> memref<128xi32, #tpu.memory_space<vmem>>
        %dma_wait3A_452 = arith.constant 0 : i32
        %dma_wait3A_453 = arith.constant 0 : i32
        %dma_wait3A_454 = tpu.memref_slice %arg10[%dma_wait3A_452, %dma_wait3A_453] : memref<10240x128xf32, #tpu.memory_space<vmem_shared>> -> memref<10240x128xf32, #tpu.memory_space<vmem_shared>>
        tpu.wait_indirect_dma semaphore(%run_scoped3A_442 : memref<!tpu.dma_semaphore, #tpu.memory_space<semaphore_mem>>) src(%arg9 : memref<128x128xf32, #tpu.memory_space<vmem>>) dst(%dma_wait3A_454 : memref<10240x128xf32, #tpu.memory_space<vmem_shared>>)
        tpu.yield
      }) : () -> ()
      %dma_start3A_361 = arith.constant 13 : i32
      %dma_start3A_362 = arith.constant 0 : i32
      %dma_start3A_363 = tpu.memref_slice %arg6[%dma_start3A_361, %dma_start3A_362] : memref<16x128xi32, #tpu.memory_space<vmem>> -> memref<1x128xi32, #tpu.memory_space<vmem>>
      %dma_start3A_364 = tpu.memref_squeeze %dma_start3A_363 : memref<1x128xi32, #tpu.memory_space<vmem>> -> memref<128xi32, #tpu.memory_space<vmem>>
      %dma_start3A_365 = arith.constant 0 : i32
      %dma_start3A_366 = arith.constant 0 : i32
      %dma_start3A_367 = tpu.memref_slice %arg2[%sub3A_0, %dma_start3A_365, %dma_start3A_366] : memref<2x10240x128xf32, #tpu.memory_space<hbm>> -> memref<1x10240x128xf32, #tpu.memory_space<hbm>>
      %dma_start3A_368 = tpu.memref_squeeze %dma_start3A_367 : memref<1x10240x128xf32, #tpu.memory_space<hbm>> -> memref<10240x128xf32, #tpu.memory_space<hbm>>
      %dma_start3A_369 = arith.constant 0 : i32
      %dma_start3A_370 = arith.constant 0 : i32
      %dma_start3A_371 = tpu.memref_slice %dma_start3A_368[%dma_start3A_369, %dma_start3A_370] : memref<10240x128xf32, #tpu.memory_space<hbm>> -> memref<10240x128xf32, #tpu.memory_space<hbm>>
      tpu.enqueue_indirect_dma source(%dma_start3A_371 : memref<10240x128xf32, #tpu.memory_space<hbm>>) target(%arg9 : memref<128x128xf32, #tpu.memory_space<vmem>>) offsets(%dma_start3A_364 : memref<128xi32, #tpu.memory_space<vmem>>) semaphore(%arg12 : memref<!tpu.dma_semaphore, #tpu.memory_space<semaphore_mem>>)
      %dma_wait3A_372 = arith.constant 12 : i32
      %dma_wait3A_373 = arith.constant 0 : i32
      %dma_wait3A_374 = tpu.memref_slice %arg6[%dma_wait3A_372, %dma_wait3A_373] : memref<16x128xi32, #tpu.memory_space<vmem>> -> memref<1x128xi32, #tpu.memory_space<vmem>>
      %dma_wait3A_375 = tpu.memref_squeeze %dma_wait3A_374 : memref<1x128xi32, #tpu.memory_space<vmem>> -> memref<128xi32, #tpu.memory_space<vmem>>
      %dma_wait3A_376 = arith.constant 0 : i32
      %dma_wait3A_377 = arith.constant 0 : i32
      %dma_wait3A_378 = tpu.memref_slice %arg2[%sub3A_0, %dma_wait3A_376, %dma_wait3A_377] : memref<2x10240x128xf32, #tpu.memory_space<hbm>> -> memref<1x10240x128xf32, #tpu.memory_space<hbm>>
      %dma_wait3A_379 = tpu.memref_squeeze %dma_wait3A_378 : memref<1x10240x128xf32, #tpu.memory_space<hbm>> -> memref<10240x128xf32, #tpu.memory_space<hbm>>
      %dma_wait3A_380 = arith.constant 0 : i32
      %dma_wait3A_381 = arith.constant 0 : i32
      %dma_wait3A_382 = tpu.memref_slice %dma_wait3A_379[%dma_wait3A_380, %dma_wait3A_381] : memref<10240x128xf32, #tpu.memory_space<hbm>> -> memref<10240x128xf32, #tpu.memory_space<hbm>>
      tpu.wait_indirect_dma semaphore(%arg11 : memref<!tpu.dma_semaphore, #tpu.memory_space<semaphore_mem>>) src(%dma_wait3A_382 : memref<10240x128xf32, #tpu.memory_space<hbm>>) dst(%arg8 : memref<128x128xf32, #tpu.memory_space<vmem>>)
      %run_scoped3A_383 = arith.constant 12 : i32
      "tpu.region"() ({
        %run_scoped3A_442 = tpu.sem_alloc : memref<!tpu.dma_semaphore, #tpu.memory_space<semaphore_mem>>
        %dma_start3A_443 = arith.constant 0 : i32
        %dma_start3A_444 = tpu.memref_slice %arg7[%run_scoped3A_383, %dma_start3A_443] : memref<16x128xi32, #tpu.memory_space<vmem>> -> memref<1x128xi32, #tpu.memory_space<vmem>>
        %dma_start3A_445 = tpu.memref_squeeze %dma_start3A_444 : memref<1x128xi32, #tpu.memory_space<vmem>> -> memref<128xi32, #tpu.memory_space<vmem>>
        %dma_start3A_446 = arith.constant 0 : i32
        %dma_start3A_447 = arith.constant 0 : i32
        %dma_start3A_448 = tpu.memref_slice %arg10[%dma_start3A_446, %dma_start3A_447] : memref<10240x128xf32, #tpu.memory_space<vmem_shared>> -> memref<10240x128xf32, #tpu.memory_space<vmem_shared>>
        tpu.enqueue_indirect_dma source(%arg8 : memref<128x128xf32, #tpu.memory_space<vmem>>) target(%dma_start3A_448 : memref<10240x128xf32, #tpu.memory_space<vmem_shared>>) offsets(%dma_start3A_445 : memref<128xi32, #tpu.memory_space<vmem>>) semaphore(%run_scoped3A_442 : memref<!tpu.dma_semaphore, #tpu.memory_space<semaphore_mem>>) {add = true}
        %dma_wait3A_449 = arith.constant 0 : i32
        %dma_wait3A_450 = tpu.memref_slice %arg7[%run_scoped3A_383, %dma_wait3A_449] : memref<16x128xi32, #tpu.memory_space<vmem>> -> memref<1x128xi32, #tpu.memory_space<vmem>>
        %dma_wait3A_451 = tpu.memref_squeeze %dma_wait3A_450 : memref<1x128xi32, #tpu.memory_space<vmem>> -> memref<128xi32, #tpu.memory_space<vmem>>
        %dma_wait3A_452 = arith.constant 0 : i32
        %dma_wait3A_453 = arith.constant 0 : i32
        %dma_wait3A_454 = tpu.memref_slice %arg10[%dma_wait3A_452, %dma_wait3A_453] : memref<10240x128xf32, #tpu.memory_space<vmem_shared>> -> memref<10240x128xf32, #tpu.memory_space<vmem_shared>>
        tpu.wait_indirect_dma semaphore(%run_scoped3A_442 : memref<!tpu.dma_semaphore, #tpu.memory_space<semaphore_mem>>) src(%arg8 : memref<128x128xf32, #tpu.memory_space<vmem>>) dst(%dma_wait3A_454 : memref<10240x128xf32, #tpu.memory_space<vmem_shared>>)
        tpu.yield
      }) : () -> ()
      %dma_start3A_384 = arith.constant 14 : i32
      %dma_start3A_385 = arith.constant 0 : i32
      %dma_start3A_386 = tpu.memref_slice %arg6[%dma_start3A_384, %dma_start3A_385] : memref<16x128xi32, #tpu.memory_space<vmem>> -> memref<1x128xi32, #tpu.memory_space<vmem>>
      %dma_start3A_387 = tpu.memref_squeeze %dma_start3A_386 : memref<1x128xi32, #tpu.memory_space<vmem>> -> memref<128xi32, #tpu.memory_space<vmem>>
      %dma_start3A_388 = arith.constant 0 : i32
      %dma_start3A_389 = arith.constant 0 : i32
      %dma_start3A_390 = tpu.memref_slice %arg2[%sub3A_0, %dma_start3A_388, %dma_start3A_389] : memref<2x10240x128xf32, #tpu.memory_space<hbm>> -> memref<1x10240x128xf32, #tpu.memory_space<hbm>>
      %dma_start3A_391 = tpu.memref_squeeze %dma_start3A_390 : memref<1x10240x128xf32, #tpu.memory_space<hbm>> -> memref<10240x128xf32, #tpu.memory_space<hbm>>
      %dma_start3A_392 = arith.constant 0 : i32
      %dma_start3A_393 = arith.constant 0 : i32
      %dma_start3A_394 = tpu.memref_slice %dma_start3A_391[%dma_start3A_392, %dma_start3A_393] : memref<10240x128xf32, #tpu.memory_space<hbm>> -> memref<10240x128xf32, #tpu.memory_space<hbm>>
      tpu.enqueue_indirect_dma source(%dma_start3A_394 : memref<10240x128xf32, #tpu.memory_space<hbm>>) target(%arg8 : memref<128x128xf32, #tpu.memory_space<vmem>>) offsets(%dma_start3A_387 : memref<128xi32, #tpu.memory_space<vmem>>) semaphore(%arg11 : memref<!tpu.dma_semaphore, #tpu.memory_space<semaphore_mem>>)
      %dma_wait3A_395 = arith.constant 13 : i32
      %dma_wait3A_396 = arith.constant 0 : i32
      %dma_wait3A_397 = tpu.memref_slice %arg6[%dma_wait3A_395, %dma_wait3A_396] : memref<16x128xi32, #tpu.memory_space<vmem>> -> memref<1x128xi32, #tpu.memory_space<vmem>>
      %dma_wait3A_398 = tpu.memref_squeeze %dma_wait3A_397 : memref<1x128xi32, #tpu.memory_space<vmem>> -> memref<128xi32, #tpu.memory_space<vmem>>
      %dma_wait3A_399 = arith.constant 0 : i32
      %dma_wait3A_400 = arith.constant 0 : i32
      %dma_wait3A_401 = tpu.memref_slice %arg2[%sub3A_0, %dma_wait3A_399, %dma_wait3A_400] : memref<2x10240x128xf32, #tpu.memory_space<hbm>> -> memref<1x10240x128xf32, #tpu.memory_space<hbm>>
      %dma_wait3A_402 = tpu.memref_squeeze %dma_wait3A_401 : memref<1x10240x128xf32, #tpu.memory_space<hbm>> -> memref<10240x128xf32, #tpu.memory_space<hbm>>
      %dma_wait3A_403 = arith.constant 0 : i32
      %dma_wait3A_404 = arith.constant 0 : i32
      %dma_wait3A_405 = tpu.memref_slice %dma_wait3A_402[%dma_wait3A_403, %dma_wait3A_404] : memref<10240x128xf32, #tpu.memory_space<hbm>> -> memref<10240x128xf32, #tpu.memory_space<hbm>>
      tpu.wait_indirect_dma semaphore(%arg12 : memref<!tpu.dma_semaphore, #tpu.memory_space<semaphore_mem>>) src(%dma_wait3A_405 : memref<10240x128xf32, #tpu.memory_space<hbm>>) dst(%arg9 : memref<128x128xf32, #tpu.memory_space<vmem>>)
      %run_scoped3A_406 = arith.constant 13 : i32
      "tpu.region"() ({
        %run_scoped3A_442 = tpu.sem_alloc : memref<!tpu.dma_semaphore, #tpu.memory_space<semaphore_mem>>
        %dma_start3A_443 = arith.constant 0 : i32
        %dma_start3A_444 = tpu.memref_slice %arg7[%run_scoped3A_406, %dma_start3A_443] : memref<16x128xi32, #tpu.memory_space<vmem>> -> memref<1x128xi32, #tpu.memory_space<vmem>>
        %dma_start3A_445 = tpu.memref_squeeze %dma_start3A_444 : memref<1x128xi32, #tpu.memory_space<vmem>> -> memref<128xi32, #tpu.memory_space<vmem>>
        %dma_start3A_446 = arith.constant 0 : i32
        %dma_start3A_447 = arith.constant 0 : i32
        %dma_start3A_448 = tpu.memref_slice %arg10[%dma_start3A_446, %dma_start3A_447] : memref<10240x128xf32, #tpu.memory_space<vmem_shared>> -> memref<10240x128xf32, #tpu.memory_space<vmem_shared>>
        tpu.enqueue_indirect_dma source(%arg9 : memref<128x128xf32, #tpu.memory_space<vmem>>) target(%dma_start3A_448 : memref<10240x128xf32, #tpu.memory_space<vmem_shared>>) offsets(%dma_start3A_445 : memref<128xi32, #tpu.memory_space<vmem>>) semaphore(%run_scoped3A_442 : memref<!tpu.dma_semaphore, #tpu.memory_space<semaphore_mem>>) {add = true}
        %dma_wait3A_449 = arith.constant 0 : i32
        %dma_wait3A_450 = tpu.memref_slice %arg7[%run_scoped3A_406, %dma_wait3A_449] : memref<16x128xi32, #tpu.memory_space<vmem>> -> memref<1x128xi32, #tpu.memory_space<vmem>>
        %dma_wait3A_451 = tpu.memref_squeeze %dma_wait3A_450 : memref<1x128xi32, #tpu.memory_space<vmem>> -> memref<128xi32, #tpu.memory_space<vmem>>
        %dma_wait3A_452 = arith.constant 0 : i32
        %dma_wait3A_453 = arith.constant 0 : i32
        %dma_wait3A_454 = tpu.memref_slice %arg10[%dma_wait3A_452, %dma_wait3A_453] : memref<10240x128xf32, #tpu.memory_space<vmem_shared>> -> memref<10240x128xf32, #tpu.memory_space<vmem_shared>>
        tpu.wait_indirect_dma semaphore(%run_scoped3A_442 : memref<!tpu.dma_semaphore, #tpu.memory_space<semaphore_mem>>) src(%arg9 : memref<128x128xf32, #tpu.memory_space<vmem>>) dst(%dma_wait3A_454 : memref<10240x128xf32, #tpu.memory_space<vmem_shared>>)
        tpu.yield
      }) : () -> ()
      %dma_start3A_407 = arith.constant 15 : i32
      %dma_start3A_408 = arith.constant 0 : i32
      %dma_start3A_409 = tpu.memref_slice %arg6[%dma_start3A_407, %dma_start3A_408] : memref<16x128xi32, #tpu.memory_space<vmem>> -> memref<1x128xi32, #tpu.memory_space<vmem>>
      %dma_start3A_410 = tpu.memref_squeeze %dma_start3A_409 : memref<1x128xi32, #tpu.memory_space<vmem>> -> memref<128xi32, #tpu.memory_space<vmem>>
      %dma_start3A_411 = arith.constant 0 : i32
      %dma_start3A_412 = arith.constant 0 : i32
      %dma_start3A_413 = tpu.memref_slice %arg2[%sub3A_0, %dma_start3A_411, %dma_start3A_412] : memref<2x10240x128xf32, #tpu.memory_space<hbm>> -> memref<1x10240x128xf32, #tpu.memory_space<hbm>>
      %dma_start3A_414 = tpu.memref_squeeze %dma_start3A_413 : memref<1x10240x128xf32, #tpu.memory_space<hbm>> -> memref<10240x128xf32, #tpu.memory_space<hbm>>
      %dma_start3A_415 = arith.constant 0 : i32
      %dma_start3A_416 = arith.constant 0 : i32
      %dma_start3A_417 = tpu.memref_slice %dma_start3A_414[%dma_start3A_415, %dma_start3A_416] : memref<10240x128xf32, #tpu.memory_space<hbm>> -> memref<10240x128xf32, #tpu.memory_space<hbm>>
      tpu.enqueue_indirect_dma source(%dma_start3A_417 : memref<10240x128xf32, #tpu.memory_space<hbm>>) target(%arg9 : memref<128x128xf32, #tpu.memory_space<vmem>>) offsets(%dma_start3A_410 : memref<128xi32, #tpu.memory_space<vmem>>) semaphore(%arg12 : memref<!tpu.dma_semaphore, #tpu.memory_space<semaphore_mem>>)
      %dma_wait3A_418 = arith.constant 14 : i32
      %dma_wait3A_419 = arith.constant 0 : i32
      %dma_wait3A_420 = tpu.memref_slice %arg6[%dma_wait3A_418, %dma_wait3A_419] : memref<16x128xi32, #tpu.memory_space<vmem>> -> memref<1x128xi32, #tpu.memory_space<vmem>>
      %dma_wait3A_421 = tpu.memref_squeeze %dma_wait3A_420 : memref<1x128xi32, #tpu.memory_space<vmem>> -> memref<128xi32, #tpu.memory_space<vmem>>
      %dma_wait3A_422 = arith.constant 0 : i32
      %dma_wait3A_423 = arith.constant 0 : i32
      %dma_wait3A_424 = tpu.memref_slice %arg2[%sub3A_0, %dma_wait3A_422, %dma_wait3A_423] : memref<2x10240x128xf32, #tpu.memory_space<hbm>> -> memref<1x10240x128xf32, #tpu.memory_space<hbm>>
      %dma_wait3A_425 = tpu.memref_squeeze %dma_wait3A_424 : memref<1x10240x128xf32, #tpu.memory_space<hbm>> -> memref<10240x128xf32, #tpu.memory_space<hbm>>
      %dma_wait3A_426 = arith.constant 0 : i32
      %dma_wait3A_427 = arith.constant 0 : i32
      %dma_wait3A_428 = tpu.memref_slice %dma_wait3A_425[%dma_wait3A_426, %dma_wait3A_427] : memref<10240x128xf32, #tpu.memory_space<hbm>> -> memref<10240x128xf32, #tpu.memory_space<hbm>>
      tpu.wait_indirect_dma semaphore(%arg11 : memref<!tpu.dma_semaphore, #tpu.memory_space<semaphore_mem>>) src(%dma_wait3A_428 : memref<10240x128xf32, #tpu.memory_space<hbm>>) dst(%arg8 : memref<128x128xf32, #tpu.memory_space<vmem>>)
      %run_scoped3A_429 = arith.constant 14 : i32
      "tpu.region"() ({
        %run_scoped3A_442 = tpu.sem_alloc : memref<!tpu.dma_semaphore, #tpu.memory_space<semaphore_mem>>
        %dma_start3A_443 = arith.constant 0 : i32
        %dma_start3A_444 = tpu.memref_slice %arg7[%run_scoped3A_429, %dma_start3A_443] : memref<16x128xi32, #tpu.memory_space<vmem>> -> memref<1x128xi32, #tpu.memory_space<vmem>>
        %dma_start3A_445 = tpu.memref_squeeze %dma_start3A_444 : memref<1x128xi32, #tpu.memory_space<vmem>> -> memref<128xi32, #tpu.memory_space<vmem>>
        %dma_start3A_446 = arith.constant 0 : i32
        %dma_start3A_447 = arith.constant 0 : i32
        %dma_start3A_448 = tpu.memref_slice %arg10[%dma_start3A_446, %dma_start3A_447] : memref<10240x128xf32, #tpu.memory_space<vmem_shared>> -> memref<10240x128xf32, #tpu.memory_space<vmem_shared>>
        tpu.enqueue_indirect_dma source(%arg8 : memref<128x128xf32, #tpu.memory_space<vmem>>) target(%dma_start3A_448 : memref<10240x128xf32, #tpu.memory_space<vmem_shared>>) offsets(%dma_start3A_445 : memref<128xi32, #tpu.memory_space<vmem>>) semaphore(%run_scoped3A_442 : memref<!tpu.dma_semaphore, #tpu.memory_space<semaphore_mem>>) {add = true}
        %dma_wait3A_449 = arith.constant 0 : i32
        %dma_wait3A_450 = tpu.memref_slice %arg7[%run_scoped3A_429, %dma_wait3A_449] : memref<16x128xi32, #tpu.memory_space<vmem>> -> memref<1x128xi32, #tpu.memory_space<vmem>>
        %dma_wait3A_451 = tpu.memref_squeeze %dma_wait3A_450 : memref<1x128xi32, #tpu.memory_space<vmem>> -> memref<128xi32, #tpu.memory_space<vmem>>
        %dma_wait3A_452 = arith.constant 0 : i32
        %dma_wait3A_453 = arith.constant 0 : i32
        %dma_wait3A_454 = tpu.memref_slice %arg10[%dma_wait3A_452, %dma_wait3A_453] : memref<10240x128xf32, #tpu.memory_space<vmem_shared>> -> memref<10240x128xf32, #tpu.memory_space<vmem_shared>>
        tpu.wait_indirect_dma semaphore(%run_scoped3A_442 : memref<!tpu.dma_semaphore, #tpu.memory_space<semaphore_mem>>) src(%arg8 : memref<128x128xf32, #tpu.memory_space<vmem>>) dst(%dma_wait3A_454 : memref<10240x128xf32, #tpu.memory_space<vmem_shared>>)
        tpu.yield
      }) : () -> ()
      %dma_wait3A_430 = arith.constant 15 : i32
      %dma_wait3A_431 = arith.constant 0 : i32
      %dma_wait3A_432 = tpu.memref_slice %arg6[%dma_wait3A_430, %dma_wait3A_431] : memref<16x128xi32, #tpu.memory_space<vmem>> -> memref<1x128xi32, #tpu.memory_space<vmem>>
      %dma_wait3A_433 = tpu.memref_squeeze %dma_wait3A_432 : memref<1x128xi32, #tpu.memory_space<vmem>> -> memref<128xi32, #tpu.memory_space<vmem>>
      %dma_wait3A_434 = arith.constant 0 : i32
      %dma_wait3A_435 = arith.constant 0 : i32
      %dma_wait3A_436 = tpu.memref_slice %arg2[%sub3A_0, %dma_wait3A_434, %dma_wait3A_435] : memref<2x10240x128xf32, #tpu.memory_space<hbm>> -> memref<1x10240x128xf32, #tpu.memory_space<hbm>>
      %dma_wait3A_437 = tpu.memref_squeeze %dma_wait3A_436 : memref<1x10240x128xf32, #tpu.memory_space<hbm>> -> memref<10240x128xf32, #tpu.memory_space<hbm>>
      %dma_wait3A_438 = arith.constant 0 : i32
      %dma_wait3A_439 = arith.constant 0 : i32
      %dma_wait3A_440 = tpu.memref_slice %dma_wait3A_437[%dma_wait3A_438, %dma_wait3A_439] : memref<10240x128xf32, #tpu.memory_space<hbm>> -> memref<10240x128xf32, #tpu.memory_space<hbm>>
      tpu.wait_indirect_dma semaphore(%arg12 : memref<!tpu.dma_semaphore, #tpu.memory_space<semaphore_mem>>) src(%dma_wait3A_440 : memref<10240x128xf32, #tpu.memory_space<hbm>>) dst(%arg9 : memref<128x128xf32, #tpu.memory_space<vmem>>)
      %run_scoped3A_441 = arith.constant 15 : i32
      "tpu.region"() ({
        %run_scoped3A_442 = tpu.sem_alloc : memref<!tpu.dma_semaphore, #tpu.memory_space<semaphore_mem>>
        %dma_start3A_443 = arith.constant 0 : i32
        %dma_start3A_444 = tpu.memref_slice %arg7[%run_scoped3A_441, %dma_start3A_443] : memref<16x128xi32, #tpu.memory_space<vmem>> -> memref<1x128xi32, #tpu.memory_space<vmem>>
        %dma_start3A_445 = tpu.memref_squeeze %dma_start3A_444 : memref<1x128xi32, #tpu.memory_space<vmem>> -> memref<128xi32, #tpu.memory_space<vmem>>
        %dma_start3A_446 = arith.constant 0 : i32
        %dma_start3A_447 = arith.constant 0 : i32
        %dma_start3A_448 = tpu.memref_slice %arg10[%dma_start3A_446, %dma_start3A_447] : memref<10240x128xf32, #tpu.memory_space<vmem_shared>> -> memref<10240x128xf32, #tpu.memory_space<vmem_shared>>
        tpu.enqueue_indirect_dma source(%arg9 : memref<128x128xf32, #tpu.memory_space<vmem>>) target(%dma_start3A_448 : memref<10240x128xf32, #tpu.memory_space<vmem_shared>>) offsets(%dma_start3A_445 : memref<128xi32, #tpu.memory_space<vmem>>) semaphore(%run_scoped3A_442 : memref<!tpu.dma_semaphore, #tpu.memory_space<semaphore_mem>>) {add = true}
        %dma_wait3A_449 = arith.constant 0 : i32
        %dma_wait3A_450 = tpu.memref_slice %arg7[%run_scoped3A_441, %dma_wait3A_449] : memref<16x128xi32, #tpu.memory_space<vmem>> -> memref<1x128xi32, #tpu.memory_space<vmem>>
        %dma_wait3A_451 = tpu.memref_squeeze %dma_wait3A_450 : memref<1x128xi32, #tpu.memory_space<vmem>> -> memref<128xi32, #tpu.memory_space<vmem>>
        %dma_wait3A_452 = arith.constant 0 : i32
        %dma_wait3A_453 = arith.constant 0 : i32
        %dma_wait3A_454 = tpu.memref_slice %arg10[%dma_wait3A_452, %dma_wait3A_453] : memref<10240x128xf32, #tpu.memory_space<vmem_shared>> -> memref<10240x128xf32, #tpu.memory_space<vmem_shared>>
        tpu.wait_indirect_dma semaphore(%run_scoped3A_442 : memref<!tpu.dma_semaphore, #tpu.memory_space<semaphore_mem>>) src(%arg9 : memref<128x128xf32, #tpu.memory_space<vmem>>) dst(%dma_wait3A_454 : memref<10240x128xf32, #tpu.memory_space<vmem_shared>>)
        tpu.yield
      }) : () -> ()
    }
    %scan3A_30 = arith.constant 10 : i32
    %barrier3A_31 = arith.constant 0 : index
    tpu.barrier barrier_id(%barrier3A_31)
    %mul3A_32 = arith.constant 640 : i32
    %mul3A_33 = arith.muli %arg1, %mul3A_32 : i32
    %add3A_34 = arith.constant 0 : i32
    %add3A_35 = arith.addi %mul3A_33, %add3A_34 : i32
    %mul3A_36 = arith.constant 640 : i32
    %mul3A_37 = arith.muli %arg1, %mul3A_36 : i32
    %add3A_38 = arith.constant 0 : i32
    %add3A_39 = arith.addi %mul3A_37, %add3A_38 : i32
    "tpu.region"() ({
      %run_scoped3A = tpu.sem_alloc : memref<!tpu.dma_semaphore, #tpu.memory_space<semaphore_mem>>
      %dma_start3A = arith.constant 0 : i32
      %dma_start3A_72 = tpu.memref_slice %arg5[%arg0, %add3A_39, %dma_start3A] : memref<2x10240x128xf32, #tpu.memory_space<hbm>> -> memref<1x128x128xf32, #tpu.memory_space<hbm>>
      %dma_start3A_73 = tpu.memref_squeeze %dma_start3A_72 : memref<1x128x128xf32, #tpu.memory_space<hbm>> -> memref<128x128xf32, #tpu.memory_space<hbm>>
      %dma_start3A_74 = arith.constant 0 : i32
      %dma_start3A_75 = tpu.memref_slice %arg10[%add3A_35, %dma_start3A_74] : memref<10240x128xf32, #tpu.memory_space<vmem_shared>> -> memref<128x128xf32, #tpu.memory_space<vmem_shared>>
      tpu.enqueue_dma source(%dma_start3A_75 : memref<128x128xf32, #tpu.memory_space<vmem_shared>>) target(%dma_start3A_73 : memref<128x128xf32, #tpu.memory_space<hbm>>) target_semaphore(%run_scoped3A : memref<!tpu.dma_semaphore, #tpu.memory_space<semaphore_mem>>)
      %dma_wait3A = arith.constant 0 : i32
      %dma_wait3A_76 = tpu.memref_slice %arg5[%arg0, %add3A_39, %dma_wait3A] : memref<2x10240x128xf32, #tpu.memory_space<hbm>> -> memref<1x128x128xf32, #tpu.memory_space<hbm>>
      %dma_wait3A_77 = tpu.memref_squeeze %dma_wait3A_76 : memref<1x128x128xf32, #tpu.memory_space<hbm>> -> memref<128x128xf32, #tpu.memory_space<hbm>>
      %dma_wait3A_78 = arith.constant 0 : i32
      %dma_wait3A_79 = tpu.memref_slice %arg10[%add3A_35, %dma_wait3A_78] : memref<10240x128xf32, #tpu.memory_space<vmem_shared>> -> memref<128x128xf32, #tpu.memory_space<vmem_shared>>
      tpu.wait_dma2 semaphore(%run_scoped3A : memref<!tpu.dma_semaphore, #tpu.memory_space<semaphore_mem>>) src(%dma_wait3A_79 : memref<128x128xf32, #tpu.memory_space<vmem_shared>>) dst(%dma_wait3A_77 : memref<128x128xf32, #tpu.memory_space<hbm>>)
      tpu.yield
    }) : () -> ()
    %mul3A_40 = arith.constant 640 : i32
    %mul3A_41 = arith.muli %arg1, %mul3A_40 : i32
    %add3A_42 = arith.constant 128 : i32
    %add3A_43 = arith.addi %mul3A_41, %add3A_42 : i32
    %mul3A_44 = arith.constant 640 : i32
    %mul3A_45 = arith.muli %arg1, %mul3A_44 : i32
    %add3A_46 = arith.constant 128 : i32
    %add3A_47 = arith.addi %mul3A_45, %add3A_46 : i32
    "tpu.region"() ({
      %run_scoped3A = tpu.sem_alloc : memref<!tpu.dma_semaphore, #tpu.memory_space<semaphore_mem>>
      %dma_start3A = arith.constant 0 : i32
      %dma_start3A_72 = tpu.memref_slice %arg5[%arg0, %add3A_47, %dma_start3A] : memref<2x10240x128xf32, #tpu.memory_space<hbm>> -> memref<1x128x128xf32, #tpu.memory_space<hbm>>
      %dma_start3A_73 = tpu.memref_squeeze %dma_start3A_72 : memref<1x128x128xf32, #tpu.memory_space<hbm>> -> memref<128x128xf32, #tpu.memory_space<hbm>>
      %dma_start3A_74 = arith.constant 0 : i32
      %dma_start3A_75 = tpu.memref_slice %arg10[%add3A_43, %dma_start3A_74] : memref<10240x128xf32, #tpu.memory_space<vmem_shared>> -> memref<128x128xf32, #tpu.memory_space<vmem_shared>>
      tpu.enqueue_dma source(%dma_start3A_75 : memref<128x128xf32, #tpu.memory_space<vmem_shared>>) target(%dma_start3A_73 : memref<128x128xf32, #tpu.memory_space<hbm>>) target_semaphore(%run_scoped3A : memref<!tpu.dma_semaphore, #tpu.memory_space<semaphore_mem>>)
      %dma_wait3A = arith.constant 0 : i32
      %dma_wait3A_76 = tpu.memref_slice %arg5[%arg0, %add3A_47, %dma_wait3A] : memref<2x10240x128xf32, #tpu.memory_space<hbm>> -> memref<1x128x128xf32, #tpu.memory_space<hbm>>
      %dma_wait3A_77 = tpu.memref_squeeze %dma_wait3A_76 : memref<1x128x128xf32, #tpu.memory_space<hbm>> -> memref<128x128xf32, #tpu.memory_space<hbm>>
      %dma_wait3A_78 = arith.constant 0 : i32
      %dma_wait3A_79 = tpu.memref_slice %arg10[%add3A_43, %dma_wait3A_78] : memref<10240x128xf32, #tpu.memory_space<vmem_shared>> -> memref<128x128xf32, #tpu.memory_space<vmem_shared>>
      tpu.wait_dma2 semaphore(%run_scoped3A : memref<!tpu.dma_semaphore, #tpu.memory_space<semaphore_mem>>) src(%dma_wait3A_79 : memref<128x128xf32, #tpu.memory_space<vmem_shared>>) dst(%dma_wait3A_77 : memref<128x128xf32, #tpu.memory_space<hbm>>)
      tpu.yield
    }) : () -> ()
    %mul3A_48 = arith.constant 640 : i32
    %mul3A_49 = arith.muli %arg1, %mul3A_48 : i32
    %add3A_50 = arith.constant 256 : i32
    %add3A_51 = arith.addi %mul3A_49, %add3A_50 : i32
    %mul3A_52 = arith.constant 640 : i32
    %mul3A_53 = arith.muli %arg1, %mul3A_52 : i32
    %add3A_54 = arith.constant 256 : i32
    %add3A_55 = arith.addi %mul3A_53, %add3A_54 : i32
    "tpu.region"() ({
      %run_scoped3A = tpu.sem_alloc : memref<!tpu.dma_semaphore, #tpu.memory_space<semaphore_mem>>
      %dma_start3A = arith.constant 0 : i32
      %dma_start3A_72 = tpu.memref_slice %arg5[%arg0, %add3A_55, %dma_start3A] : memref<2x10240x128xf32, #tpu.memory_space<hbm>> -> memref<1x128x128xf32, #tpu.memory_space<hbm>>
      %dma_start3A_73 = tpu.memref_squeeze %dma_start3A_72 : memref<1x128x128xf32, #tpu.memory_space<hbm>> -> memref<128x128xf32, #tpu.memory_space<hbm>>
      %dma_start3A_74 = arith.constant 0 : i32
      %dma_start3A_75 = tpu.memref_slice %arg10[%add3A_51, %dma_start3A_74] : memref<10240x128xf32, #tpu.memory_space<vmem_shared>> -> memref<128x128xf32, #tpu.memory_space<vmem_shared>>
      tpu.enqueue_dma source(%dma_start3A_75 : memref<128x128xf32, #tpu.memory_space<vmem_shared>>) target(%dma_start3A_73 : memref<128x128xf32, #tpu.memory_space<hbm>>) target_semaphore(%run_scoped3A : memref<!tpu.dma_semaphore, #tpu.memory_space<semaphore_mem>>)
      %dma_wait3A = arith.constant 0 : i32
      %dma_wait3A_76 = tpu.memref_slice %arg5[%arg0, %add3A_55, %dma_wait3A] : memref<2x10240x128xf32, #tpu.memory_space<hbm>> -> memref<1x128x128xf32, #tpu.memory_space<hbm>>
      %dma_wait3A_77 = tpu.memref_squeeze %dma_wait3A_76 : memref<1x128x128xf32, #tpu.memory_space<hbm>> -> memref<128x128xf32, #tpu.memory_space<hbm>>
      %dma_wait3A_78 = arith.constant 0 : i32
      %dma_wait3A_79 = tpu.memref_slice %arg10[%add3A_51, %dma_wait3A_78] : memref<10240x128xf32, #tpu.memory_space<vmem_shared>> -> memref<128x128xf32, #tpu.memory_space<vmem_shared>>
      tpu.wait_dma2 semaphore(%run_scoped3A : memref<!tpu.dma_semaphore, #tpu.memory_space<semaphore_mem>>) src(%dma_wait3A_79 : memref<128x128xf32, #tpu.memory_space<vmem_shared>>) dst(%dma_wait3A_77 : memref<128x128xf32, #tpu.memory_space<hbm>>)
      tpu.yield
    }) : () -> ()
    %mul3A_56 = arith.constant 640 : i32
    %mul3A_57 = arith.muli %arg1, %mul3A_56 : i32
    %add3A_58 = arith.constant 384 : i32
    %add3A_59 = arith.addi %mul3A_57, %add3A_58 : i32
    %mul3A_60 = arith.constant 640 : i32
    %mul3A_61 = arith.muli %arg1, %mul3A_60 : i32
    %add3A_62 = arith.constant 384 : i32
    %add3A_63 = arith.addi %mul3A_61, %add3A_62 : i32
    "tpu.region"() ({
      %run_scoped3A = tpu.sem_alloc : memref<!tpu.dma_semaphore, #tpu.memory_space<semaphore_mem>>
      %dma_start3A = arith.constant 0 : i32
      %dma_start3A_72 = tpu.memref_slice %arg5[%arg0, %add3A_63, %dma_start3A] : memref<2x10240x128xf32, #tpu.memory_space<hbm>> -> memref<1x128x128xf32, #tpu.memory_space<hbm>>
      %dma_start3A_73 = tpu.memref_squeeze %dma_start3A_72 : memref<1x128x128xf32, #tpu.memory_space<hbm>> -> memref<128x128xf32, #tpu.memory_space<hbm>>
      %dma_start3A_74 = arith.constant 0 : i32
      %dma_start3A_75 = tpu.memref_slice %arg10[%add3A_59, %dma_start3A_74] : memref<10240x128xf32, #tpu.memory_space<vmem_shared>> -> memref<128x128xf32, #tpu.memory_space<vmem_shared>>
      tpu.enqueue_dma source(%dma_start3A_75 : memref<128x128xf32, #tpu.memory_space<vmem_shared>>) target(%dma_start3A_73 : memref<128x128xf32, #tpu.memory_space<hbm>>) target_semaphore(%run_scoped3A : memref<!tpu.dma_semaphore, #tpu.memory_space<semaphore_mem>>)
      %dma_wait3A = arith.constant 0 : i32
      %dma_wait3A_76 = tpu.memref_slice %arg5[%arg0, %add3A_63, %dma_wait3A] : memref<2x10240x128xf32, #tpu.memory_space<hbm>> -> memref<1x128x128xf32, #tpu.memory_space<hbm>>
      %dma_wait3A_77 = tpu.memref_squeeze %dma_wait3A_76 : memref<1x128x128xf32, #tpu.memory_space<hbm>> -> memref<128x128xf32, #tpu.memory_space<hbm>>
      %dma_wait3A_78 = arith.constant 0 : i32
      %dma_wait3A_79 = tpu.memref_slice %arg10[%add3A_59, %dma_wait3A_78] : memref<10240x128xf32, #tpu.memory_space<vmem_shared>> -> memref<128x128xf32, #tpu.memory_space<vmem_shared>>
      tpu.wait_dma2 semaphore(%run_scoped3A : memref<!tpu.dma_semaphore, #tpu.memory_space<semaphore_mem>>) src(%dma_wait3A_79 : memref<128x128xf32, #tpu.memory_space<vmem_shared>>) dst(%dma_wait3A_77 : memref<128x128xf32, #tpu.memory_space<hbm>>)
      tpu.yield
    }) : () -> ()
    %mul3A_64 = arith.constant 640 : i32
    %mul3A_65 = arith.muli %arg1, %mul3A_64 : i32
    %add3A_66 = arith.constant 512 : i32
    %add3A_67 = arith.addi %mul3A_65, %add3A_66 : i32
    %mul3A_68 = arith.constant 640 : i32
    %mul3A_69 = arith.muli %arg1, %mul3A_68 : i32
    %add3A_70 = arith.constant 512 : i32
    %add3A_71 = arith.addi %mul3A_69, %add3A_70 : i32
    "tpu.region"() ({
      %run_scoped3A = tpu.sem_alloc : memref<!tpu.dma_semaphore, #tpu.memory_space<semaphore_mem>>
      %dma_start3A = arith.constant 0 : i32
      %dma_start3A_72 = tpu.memref_slice %arg5[%arg0, %add3A_71, %dma_start3A] : memref<2x10240x128xf32, #tpu.memory_space<hbm>> -> memref<1x128x128xf32, #tpu.memory_space<hbm>>
      %dma_start3A_73 = tpu.memref_squeeze %dma_start3A_72 : memref<1x128x128xf32, #tpu.memory_space<hbm>> -> memref<128x128xf32, #tpu.memory_space<hbm>>
      %dma_start3A_74 = arith.constant 0 : i32
      %dma_start3A_75 = tpu.memref_slice %arg10[%add3A_67, %dma_start3A_74] : memref<10240x128xf32, #tpu.memory_space<vmem_shared>> -> memref<128x128xf32, #tpu.memory_space<vmem_shared>>
      tpu.enqueue_dma source(%dma_start3A_75 : memref<128x128xf32, #tpu.memory_space<vmem_shared>>) target(%dma_start3A_73 : memref<128x128xf32, #tpu.memory_space<hbm>>) target_semaphore(%run_scoped3A : memref<!tpu.dma_semaphore, #tpu.memory_space<semaphore_mem>>)
      %dma_wait3A = arith.constant 0 : i32
      %dma_wait3A_76 = tpu.memref_slice %arg5[%arg0, %add3A_71, %dma_wait3A] : memref<2x10240x128xf32, #tpu.memory_space<hbm>> -> memref<1x128x128xf32, #tpu.memory_space<hbm>>
      %dma_wait3A_77 = tpu.memref_squeeze %dma_wait3A_76 : memref<1x128x128xf32, #tpu.memory_space<hbm>> -> memref<128x128xf32, #tpu.memory_space<hbm>>
      %dma_wait3A_78 = arith.constant 0 : i32
      %dma_wait3A_79 = tpu.memref_slice %arg10[%add3A_67, %dma_wait3A_78] : memref<10240x128xf32, #tpu.memory_space<vmem_shared>> -> memref<128x128xf32, #tpu.memory_space<vmem_shared>>
      tpu.wait_dma2 semaphore(%run_scoped3A : memref<!tpu.dma_semaphore, #tpu.memory_space<semaphore_mem>>) src(%dma_wait3A_79 : memref<128x128xf32, #tpu.memory_space<vmem_shared>>) dst(%dma_wait3A_77 : memref<128x128xf32, #tpu.memory_space<hbm>>)
      tpu.yield
    }) : () -> ()
    return
  }
}

module attributes {stable_mosaic.version = 14 : i64} {
  func.func @body(%arg0: i32, %arg1: i32, %arg2: memref<1x1280x128xf32, #tpu.memory_space<vmem>>, %arg3: memref<1x128x128xf32, #tpu.memory_space<vmem>>, %arg4: memref<1x1x128xf32, #tpu.memory_space<vmem>>, %arg5: memref<1x128x128xf32, #tpu.memory_space<vmem>>, %arg6: memref<1x1280x128xf32, #tpu.memory_space<vmem>>, %arg7: memref<1x1280x128xf32, #tpu.memory_space<vmem>>) attributes {dimension_semantics = [#tpu.dimension_semantics<arbitrary>, #tpu.dimension_semantics<arbitrary>], iteration_bounds = array<i64: 2, 8>, scalar_prefetch = 0 : i64, scratch_operands = 0 : i64, tpu.core_type = #tpu.core_type<tc>, window_params = [{transform_indices = @transform_0, window_bounds = array<i64: 1, 1280, 128>}, {transform_indices = @transform_1, window_bounds = array<i64: 1, 128, 128>}, {transform_indices = @transform_2, window_bounds = array<i64: 1, 1, 128>}, {transform_indices = @transform_3, window_bounds = array<i64: 1, 128, 128>}, {transform_indices = @transform_4, window_bounds = array<i64: 1, 1280, 128>}, {transform_indices = @transform_5, window_bounds = array<i64: 1, 1280, 128>}]} {
    %get3A = arith.constant 0 : index
    %get3A_0 = arith.constant 0 : index
    %get3A_1 = arith.constant 0 : index
    %get3A_2 = vector.load %arg2[%get3A, %get3A_0, %get3A_1] : memref<1x1280x128xf32, #tpu.memory_space<vmem>>, vector<1x1280x128xf32>
    %get3A_3 = vector.shape_cast %get3A_2 : vector<1x1280x128xf32> to vector<1280x128xf32>
    %get3A_4 = arith.constant 0 : index
    %get3A_5 = arith.constant 0 : index
    %get3A_6 = arith.constant 0 : index
    %get3A_7 = vector.load %arg3[%get3A_4, %get3A_5, %get3A_6] : memref<1x128x128xf32, #tpu.memory_space<vmem>>, vector<1x128x128xf32>
    %get3A_8 = vector.shape_cast %get3A_7 : vector<1x128x128xf32> to vector<128x128xf32>
    %dot_general3A = arith.constant dense<0.000000e+00> : vector<1280x128xf32>
    %dot_general3A_9 = tpu.matmul %get3A_3, %get3A_8, %dot_general3A {dimension_numbers = #tpu.dot_dimension_numbers<[1], [0], [0], [1], [0, 0, 1, 1], [], []>, transpose_lhs_hint = false} : vector<1280x128xf32>, vector<128x128xf32>, vector<1280x128xf32> -> vector<1280x128xf32>
    %get3A_10 = arith.constant 0 : index
    %get3A_11 = arith.constant 0 : index
    %get3A_12 = arith.constant 0 : index
    %get3A_13 = vector.load %arg4[%get3A_10, %get3A_11, %get3A_12] : memref<1x1x128xf32, #tpu.memory_space<vmem>>, vector<1x1x128xf32>
    %get3A_14 = vector.shape_cast %get3A_13 : vector<1x1x128xf32> to vector<1x128xf32>
    %add3A = vector.broadcast %get3A_14 : vector<1x128xf32> to vector<1280x128xf32>
    %add3A_15 = arith.addf %dot_general3A_9, %add3A : vector<1280x128xf32>
    %swap3A = arith.constant 0 : index
    %swap3A_16 = arith.constant 0 : index
    %swap3A_17 = arith.constant 0 : index
    %swap3A_18 = vector.load %arg6[%swap3A, %swap3A_16, %swap3A_17] : memref<1x1280x128xf32, #tpu.memory_space<vmem>>, vector<1x1280x128xf32>
    %swap3A_19 = vector.shape_cast %swap3A_18 : vector<1x1280x128xf32> to vector<1280x128xf32>
    %swap3A_20 = vector.shape_cast %add3A_15 : vector<1280x128xf32> to vector<1x1280x128xf32>
    tpu.vector_store %arg6[%swap3A, %swap3A_16, %swap3A_17], %swap3A_20 {strides = array<i32>} : memref<1x1280x128xf32, #tpu.memory_space<vmem>>, vector<1x1280x128xf32>,
    %get3A_21 = arith.constant 0 : index
    %get3A_22 = arith.constant 0 : index
    %get3A_23 = arith.constant 0 : index
    %get3A_24 = vector.load %arg5[%get3A_21, %get3A_22, %get3A_23] : memref<1x128x128xf32, #tpu.memory_space<vmem>>, vector<1x128x128xf32>
    %get3A_25 = vector.shape_cast %get3A_24 : vector<1x128x128xf32> to vector<128x128xf32>
    %dot_general3A_26 = arith.constant dense<0.000000e+00> : vector<1280x128xf32>
    %dot_general3A_27 = tpu.matmul %add3A_15, %get3A_25, %dot_general3A_26 {dimension_numbers = #tpu.dot_dimension_numbers<[1], [0], [0], [1], [0, 0, 1, 1], [], []>, transpose_lhs_hint = false} : vector<1280x128xf32>, vector<128x128xf32>, vector<1280x128xf32> -> vector<1280x128xf32>
    %swap3A_28 = arith.constant 0 : index
    %swap3A_29 = arith.constant 0 : index
    %swap3A_30 = arith.constant 0 : index
    %swap3A_31 = vector.load %arg7[%swap3A_28, %swap3A_29, %swap3A_30] : memref<1x1280x128xf32, #tpu.memory_space<vmem>>, vector<1x1280x128xf32>
    %swap3A_32 = vector.shape_cast %swap3A_31 : vector<1x1280x128xf32> to vector<1280x128xf32>
    %swap3A_33 = vector.shape_cast %dot_general3A_27 : vector<1280x128xf32> to vector<1x1280x128xf32>
    tpu.vector_store %arg7[%swap3A_28, %swap3A_29, %swap3A_30], %swap3A_33 {strides = array<i32>} : memref<1x1280x128xf32, #tpu.memory_space<vmem>>, vector<1x1280x128xf32>,
    return
  }
  func.func @transform_0(%arg0: i32, %arg1: i32) -> (i32, i32, i32) {
    %c0_i32 = arith.constant 0 : i32
    %c0_i32_0 = arith.constant 0 : i32
    return %arg0, %arg1, %c0_i32 : i32, i32, i32
  }
  func.func @transform_1(%arg0: i32, %arg1: i32) -> (i32, i32, i32) {
    %c0_i32 = arith.constant 0 : i32
    %c0_i32_0 = arith.constant 0 : i32
    %c0_i32_1 = arith.constant 0 : i32
    return %arg0, %c0_i32, %c0_i32_0 : i32, i32, i32
  }
  func.func @transform_2(%arg0: i32, %arg1: i32) -> (i32, i32, i32) {
    %c0_i32 = arith.constant 0 : i32
    %c0_i32_0 = arith.constant 0 : i32
    %c0_i32_1 = arith.constant 0 : i32
    return %arg0, %c0_i32, %c0_i32_0 : i32, i32, i32
  }
  func.func @transform_3(%arg0: i32, %arg1: i32) -> (i32, i32, i32) {
    %c0_i32 = arith.constant 0 : i32
    %c0_i32_0 = arith.constant 0 : i32
    %c0_i32_1 = arith.constant 0 : i32
    return %arg0, %c0_i32, %c0_i32_0 : i32, i32, i32
  }
  func.func @transform_4(%arg0: i32, %arg1: i32) -> (i32, i32, i32) {
    %c0_i32 = arith.constant 0 : i32
    %c0_i32_0 = arith.constant 0 : i32
    return %arg0, %arg1, %c0_i32 : i32, i32, i32
  }
  func.func @transform_5(%arg0: i32, %arg1: i32) -> (i32, i32, i32) {
    %c0_i32 = arith.constant 0 : i32
    %c0_i32_0 = arith.constant 0 : i32
    return %arg0, %arg1, %c0_i32 : i32, i32, i32
  }
}

module attributes {stable_mosaic.version = 14 : i64} {
  func.func @body(%arg0: i32, %arg1: i32, %arg2: memref<1x16384x1xbf16, #tpu.memory_space<vmem>>, %arg3: memref<1x16384x1xbf16, #tpu.memory_space<vmem>>, %arg4: memref<1x128x128xf32, #tpu.memory_space<vmem>>) attributes {dimension_semantics = [#tpu.dimension_semantics<arbitrary>, #tpu.dimension_semantics<arbitrary>], iteration_bounds = array<i64: 2, 20>, scalar_prefetch = 0 : i64, scratch_operands = 0 : i64, tpu.core_type = #tpu.core_type<tc>, window_params = [{transform_indices = @transform_0, window_bounds = array<i64: 1, 16384, 1>}, {transform_indices = @transform_1, window_bounds = array<i64: 1, 16384, 1>}, {transform_indices = @transform_2, window_bounds = array<i64: 1, 128, 128>}]} {
    %broadcast_in_dim3A = arith.constant 1.000000e+00 : bf16
    %broadcast_in_dim3A_0 = vector.broadcast %broadcast_in_dim3A : bf16 to vector<1x128xbf16>
    %iota3A = tpu.iota {dimensions = array<i32: 1>} : vector<1x128xi32>
    %convert_element_type3A = arith.sitofp %iota3A : vector<1x128xi32> to vector<1x128xf32>
    %get3A = arith.constant 0 : index
    %get3A_1 = arith.constant 0 : index
    %get3A_2 = arith.constant 0 : index
    %get3A_3 = vector.load %arg2[%get3A, %get3A_1, %get3A_2] : memref<1x16384x1xbf16, #tpu.memory_space<vmem>>, vector<1x16384x1xbf16>
    %get3A_4 = vector.shape_cast %get3A_3 : vector<1x16384x1xbf16> to vector<16384x1xbf16>
    %dot_general3A = arith.constant dense<0.000000e+00> : vector<16384x128xf32>
    %dot_general3A_5 = tpu.matmul %get3A_4, %broadcast_in_dim3A_0, %dot_general3A {dimension_numbers = #tpu.dot_dimension_numbers<[1], [0], [0], [1], [0, 0, 1, 1], [], []>, transpose_lhs_hint = false} : vector<16384x1xbf16>, vector<1x128xbf16>, vector<16384x128xf32> -> vector<16384x128xf32>
    %get3A_6 = arith.constant 0 : index
    %get3A_7 = arith.constant 0 : index
    %get3A_8 = arith.constant 0 : index
    %get3A_9 = vector.load %arg3[%get3A_6, %get3A_7, %get3A_8] : memref<1x16384x1xbf16, #tpu.memory_space<vmem>>, vector<1x16384x1xbf16>
    %get3A_10 = vector.shape_cast %get3A_9 : vector<1x16384x1xbf16> to vector<16384x1xbf16>
    %dot_general3A_11 = arith.constant dense<0.000000e+00> : vector<16384x128xf32>
    %dot_general3A_12 = tpu.matmul %get3A_10, %broadcast_in_dim3A_0, %dot_general3A_11 {dimension_numbers = #tpu.dot_dimension_numbers<[1], [0], [0], [1], [0, 0, 1, 1], [], []>, transpose_lhs_hint = false} : vector<16384x1xbf16>, vector<1x128xbf16>, vector<16384x128xf32> -> vector<16384x128xf32>
    %eq3A = vector.broadcast %convert_element_type3A : vector<1x128xf32> to vector<16384x128xf32>
    %eq3A_13 = arith.cmpf oeq, %dot_general3A_5, %eq3A : vector<16384x128xf32>
    %convert_element_type3A_14 = arith.extui %eq3A_13 : vector<16384x128xi1> to vector<16384x128xi32>
    %convert_element_type3A_15 = arith.sitofp %convert_element_type3A_14 : vector<16384x128xi32> to vector<16384x128xf32>
    %convert_element_type3A_16 = arith.truncf %convert_element_type3A_15 : vector<16384x128xf32> to vector<16384x128xbf16>
    %eq3A_17 = vector.broadcast %convert_element_type3A : vector<1x128xf32> to vector<16384x128xf32>
    %eq3A_18 = arith.cmpf oeq, %dot_general3A_12, %eq3A_17 : vector<16384x128xf32>
    %convert_element_type3A_19 = arith.extui %eq3A_18 : vector<16384x128xi1> to vector<16384x128xi32>
    %convert_element_type3A_20 = arith.sitofp %convert_element_type3A_19 : vector<16384x128xi32> to vector<16384x128xf32>
    %convert_element_type3A_21 = arith.truncf %convert_element_type3A_20 : vector<16384x128xf32> to vector<16384x128xbf16>
    %dot_general3A_22 = arith.constant dense<0.000000e+00> : vector<128x128xf32>
    %dot_general3A_23 = tpu.matmul %convert_element_type3A_16, %convert_element_type3A_21, %dot_general3A_22 {dimension_numbers = #tpu.dot_dimension_numbers<[0], [0], [1], [1], [0, 1, 1, 1], [], []>, transpose_lhs_hint = false} : vector<16384x128xbf16>, vector<16384x128xbf16>, vector<128x128xf32> -> vector<128x128xf32>
    %eq3A_24 = arith.constant 0 : i32
    %eq3A_25 = arith.cmpi eq, %arg1, %eq3A_24 : i32
    %convert_element_type3A_26 = arith.extui %eq3A_25 : i1 to i32
    %cond3A = arith.constant 0 : i32
    %cond3A_27 = arith.cmpi ne, %convert_element_type3A_26, %cond3A : i32
    scf.if %cond3A_27 {
      %swap3A = arith.constant 0 : index
      %swap3A_32 = arith.constant 0 : index
      %swap3A_33 = arith.constant 0 : index
      %swap3A_34 = vector.load %arg4[%swap3A, %swap3A_32, %swap3A_33] : memref<1x128x128xf32, #tpu.memory_space<vmem>>, vector<1x128x128xf32>
      %swap3A_35 = vector.shape_cast %swap3A_34 : vector<1x128x128xf32> to vector<128x128xf32>
      %swap3A_36 = vector.shape_cast %dot_general3A_23 : vector<128x128xf32> to vector<1x128x128xf32>
      tpu.vector_store %arg4[%swap3A, %swap3A_32, %swap3A_33], %swap3A_36 {strides = array<i32>} : memref<1x128x128xf32, #tpu.memory_space<vmem>>, vector<1x128x128xf32>,
    } else {
    }
    %gt3A = arith.constant 0 : i32
    %gt3A_28 = arith.cmpi sgt, %arg1, %gt3A : i32
    %convert_element_type3A_29 = arith.extui %gt3A_28 : i1 to i32
    %cond3A_30 = arith.constant 0 : i32
    %cond3A_31 = arith.cmpi ne, %convert_element_type3A_29, %cond3A_30 : i32
    scf.if %cond3A_31 {
      %get3A_32 = arith.constant 0 : index
      %get3A_33 = arith.constant 0 : index
      %get3A_34 = arith.constant 0 : index
      %get3A_35 = vector.load %arg4[%get3A_32, %get3A_33, %get3A_34] : memref<1x128x128xf32, #tpu.memory_space<vmem>>, vector<1x128x128xf32>
      %get3A_36 = vector.shape_cast %get3A_35 : vector<1x128x128xf32> to vector<128x128xf32>
      %add3A = arith.addf %get3A_36, %dot_general3A_23 : vector<128x128xf32>
      %swap3A = arith.constant 0 : index
      %swap3A_37 = arith.constant 0 : index
      %swap3A_38 = arith.constant 0 : index
      %swap3A_39 = vector.load %arg4[%swap3A, %swap3A_37, %swap3A_38] : memref<1x128x128xf32, #tpu.memory_space<vmem>>, vector<1x128x128xf32>
      %swap3A_40 = vector.shape_cast %swap3A_39 : vector<1x128x128xf32> to vector<128x128xf32>
      %swap3A_41 = vector.shape_cast %add3A : vector<128x128xf32> to vector<1x128x128xf32>
      tpu.vector_store %arg4[%swap3A, %swap3A_37, %swap3A_38], %swap3A_41 {strides = array<i32>} : memref<1x128x128xf32, #tpu.memory_space<vmem>>, vector<1x128x128xf32>,
    } else {
    }
    return
  }
  func.func @transform_0(%arg0: i32, %arg1: i32) -> (i32, i32, i32) {
    %c0_i32 = arith.constant 0 : i32
    %c0_i32_0 = arith.constant 0 : i32
    return %arg0, %arg1, %c0_i32 : i32, i32, i32
  }
  func.func @transform_1(%arg0: i32, %arg1: i32) -> (i32, i32, i32) {
    %c0_i32 = arith.constant 0 : i32
    %c0_i32_0 = arith.constant 0 : i32
    return %arg0, %arg1, %c0_i32 : i32, i32, i32
  }
  func.func @transform_2(%arg0: i32, %arg1: i32) -> (i32, i32, i32) {
    %c0_i32 = arith.constant 0 : i32
    %c0_i32_0 = arith.constant 0 : i32
    %c0_i32_1 = arith.constant 0 : i32
    return %arg0, %c0_i32, %c0_i32_0 : i32, i32, i32
  }
}

module attributes {stable_mosaic.version = 14 : i64} {
  func.func @body(%arg0: i32, %arg1: i32, %arg2: memref<1x1280x128xf32, #tpu.memory_space<vmem>>, %arg3: memref<1x1280x128xf32, #tpu.memory_space<vmem>>, %arg4: memref<1x1280x1xf32, #tpu.memory_space<vmem>>, %arg5: memref<1x128x128xf32, #tpu.memory_space<vmem>>, %arg6: memref<1x1x128xf32, #tpu.memory_space<vmem>>, %arg7: memref<1x128x384xf32, #tpu.memory_space<vmem>>, %arg8: memref<1x1x384xf32, #tpu.memory_space<vmem>>, %arg9: memref<1x1x384xf32, #tpu.memory_space<vmem>>, %arg10: memref<1x128x128xf32, #tpu.memory_space<vmem>>, %arg11: memref<1x1280x128xf32, #tpu.memory_space<vmem>>, %arg12: memref<1x1280x128xf32, #tpu.memory_space<vmem>>) attributes {dimension_semantics = [#tpu.dimension_semantics<arbitrary>, #tpu.dimension_semantics<arbitrary>], iteration_bounds = array<i64: 2, 8>, scalar_prefetch = 0 : i64, scratch_operands = 0 : i64, tpu.core_type = #tpu.core_type<tc>, window_params = [{transform_indices = @transform_0, window_bounds = array<i64: 1, 1280, 128>}, {transform_indices = @transform_1, window_bounds = array<i64: 1, 1280, 128>}, {transform_indices = @transform_2, window_bounds = array<i64: 1, 1280, 1>}, {transform_indices = @transform_3, window_bounds = array<i64: 1, 128, 128>}, {transform_indices = @transform_4, window_bounds = array<i64: 1, 1, 128>}, {transform_indices = @transform_5, window_bounds = array<i64: 1, 128, 384>}, {transform_indices = @transform_6, window_bounds = array<i64: 1, 1, 384>}, {transform_indices = @transform_7, window_bounds = array<i64: 1, 1, 384>}, {transform_indices = @transform_8, window_bounds = array<i64: 1, 128, 128>}, {transform_indices = @transform_9, window_bounds = array<i64: 1, 1280, 128>}, {transform_indices = @transform_10, window_bounds = array<i64: 1, 1280, 128>}]} {
    %get3A = arith.constant 0 : index
    %get3A_0 = arith.constant 0 : index
    %get3A_1 = arith.constant 0 : index
    %get3A_2 = vector.load %arg3[%get3A, %get3A_0, %get3A_1] : memref<1x1280x128xf32, #tpu.memory_space<vmem>>, vector<1x1280x128xf32>
    %get3A_3 = vector.shape_cast %get3A_2 : vector<1x1280x128xf32> to vector<1280x128xf32>
    %get3A_4 = arith.constant 0 : index
    %get3A_5 = arith.constant 0 : index
    %get3A_6 = arith.constant 0 : index
    %get3A_7 = vector.load %arg4[%get3A_4, %get3A_5, %get3A_6] : memref<1x1280x1xf32, #tpu.memory_space<vmem>>, vector<1x1280x1xf32>
    %get3A_8 = vector.shape_cast %get3A_7 : vector<1x1280x1xf32> to vector<1280x1xf32>
    %max3A = arith.constant 1.000000e+00 : f32
    %max3A_9 = vector.broadcast %max3A : f32 to vector<1280x1xf32>
    %max3A_10 = arith.maximumf %get3A_8, %max3A_9 : vector<1280x1xf32>
    %div3A = arith.constant 1.000000e+00 : f32
    %div3A_11 = vector.broadcast %div3A : f32 to vector<1280x1xf32>
    %div3A_12 = arith.divf %div3A_11, %max3A_10 : vector<1280x1xf32>
    %mul3A = vector.broadcast %div3A_12 : vector<1280x1xf32> to vector<1280x128xf32>
    %mul3A_13 = arith.mulf %get3A_3, %mul3A : vector<1280x128xf32>
    %get3A_14 = arith.constant 0 : index
    %get3A_15 = arith.constant 0 : index
    %get3A_16 = arith.constant 0 : index
    %get3A_17 = vector.load %arg2[%get3A_14, %get3A_15, %get3A_16] : memref<1x1280x128xf32, #tpu.memory_space<vmem>>, vector<1x1280x128xf32>
    %get3A_18 = vector.shape_cast %get3A_17 : vector<1x1280x128xf32> to vector<1280x128xf32>
    %get3A_19 = arith.constant 0 : index
    %get3A_20 = arith.constant 0 : index
    %get3A_21 = arith.constant 0 : index
    %get3A_22 = vector.load %arg5[%get3A_19, %get3A_20, %get3A_21] : memref<1x128x128xf32, #tpu.memory_space<vmem>>, vector<1x128x128xf32>
    %get3A_23 = vector.shape_cast %get3A_22 : vector<1x128x128xf32> to vector<128x128xf32>
    %dot_general3A = arith.constant dense<0.000000e+00> : vector<1280x128xf32>
    %dot_general3A_24 = tpu.matmul %get3A_18, %get3A_23, %dot_general3A {dimension_numbers = #tpu.dot_dimension_numbers<[1], [0], [0], [1], [0, 0, 1, 1], [], []>, transpose_lhs_hint = false} : vector<1280x128xf32>, vector<128x128xf32>, vector<1280x128xf32> -> vector<1280x128xf32>
    %add3A = arith.addf %dot_general3A_24, %mul3A_13 : vector<1280x128xf32>
    %get3A_25 = arith.constant 0 : index
    %get3A_26 = arith.constant 0 : index
    %get3A_27 = arith.constant 0 : index
    %get3A_28 = vector.load %arg6[%get3A_25, %get3A_26, %get3A_27] : memref<1x1x128xf32, #tpu.memory_space<vmem>>, vector<1x1x128xf32>
    %get3A_29 = vector.shape_cast %get3A_28 : vector<1x1x128xf32> to vector<1x128xf32>
    %add3A_30 = vector.broadcast %get3A_29 : vector<1x128xf32> to vector<1280x128xf32>
    %add3A_31 = arith.addf %add3A, %add3A_30 : vector<1280x128xf32>
    %max3A_32 = arith.constant 0.000000e+00 : f32
    %max3A_33 = vector.broadcast %max3A_32 : f32 to vector<1280x128xf32>
    %max3A_34 = arith.maximumf %add3A_31, %max3A_33 : vector<1280x128xf32>
    %get3A_35 = arith.constant 0 : index
    %get3A_36 = arith.constant 0 : index
    %get3A_37 = arith.constant 0 : index
    %get3A_38 = vector.load %arg7[%get3A_35, %get3A_36, %get3A_37] : memref<1x128x384xf32, #tpu.memory_space<vmem>>, vector<1x128x384xf32>
    %get3A_39 = vector.shape_cast %get3A_38 : vector<1x128x384xf32> to vector<128x384xf32>
    %dot_general3A_40 = arith.constant dense<0.000000e+00> : vector<1280x384xf32>
    %dot_general3A_41 = tpu.matmul %max3A_34, %get3A_39, %dot_general3A_40 {dimension_numbers = #tpu.dot_dimension_numbers<[1], [0], [0], [1], [0, 0, 1, 1], [], []>, transpose_lhs_hint = false} : vector<1280x128xf32>, vector<128x384xf32>, vector<1280x384xf32> -> vector<1280x384xf32>
    %get3A_42 = arith.constant 0 : index
    %get3A_43 = arith.constant 0 : index
    %get3A_44 = arith.constant 0 : index
    %get3A_45 = vector.load %arg8[%get3A_42, %get3A_43, %get3A_44] : memref<1x1x384xf32, #tpu.memory_space<vmem>>, vector<1x1x384xf32>
    %get3A_46 = vector.shape_cast %get3A_45 : vector<1x1x384xf32> to vector<1x384xf32>
    %add3A_47 = vector.broadcast %get3A_46 : vector<1x384xf32> to vector<1280x384xf32>
    %add3A_48 = arith.addf %dot_general3A_41, %add3A_47 : vector<1280x384xf32>
    %get3A_49 = arith.constant 0 : index
    %get3A_50 = arith.constant 0 : index
    %get3A_51 = arith.constant 0 : index
    %get3A_52 = vector.load %arg9[%get3A_49, %get3A_50, %get3A_51] : memref<1x1x384xf32, #tpu.memory_space<vmem>>, vector<1x1x384xf32>
    %get3A_53 = vector.shape_cast %get3A_52 : vector<1x1x384xf32> to vector<1x384xf32>
    %slice3A = vector.extract_strided_slice %add3A_48 {offsets = [0, 0], sizes = [1280, 128], strides = [1, 1]} : vector<1280x384xf32> to vector<1280x128xf32>
    %slice3A_54 = vector.extract_strided_slice %get3A_53 {offsets = [0, 0], sizes = [1, 128], strides = [1, 1]} : vector<1x384xf32> to vector<1x128xf32>
    %add3A_55 = vector.broadcast %slice3A_54 : vector<1x128xf32> to vector<1280x128xf32>
    %add3A_56 = arith.addf %slice3A, %add3A_55 : vector<1280x128xf32>
    %logistic3A = arith.negf %add3A_56 : vector<1280x128xf32>
    %logistic3A_57 = math.exp %logistic3A : vector<1280x128xf32>
    %logistic3A_58 = arith.constant 1.000000e+00 : f32
    %logistic3A_59 = vector.broadcast %logistic3A_58 : f32 to vector<1280x128xf32>
    %logistic3A_60 = arith.addf %logistic3A_59, %logistic3A_57 : vector<1280x128xf32>
    %logistic3A_61 = arith.divf %logistic3A_59, %logistic3A_60 : vector<1280x128xf32>
    %slice3A_62 = vector.extract_strided_slice %add3A_48 {offsets = [0, 128], sizes = [1280, 128], strides = [1, 1]} : vector<1280x384xf32> to vector<1280x128xf32>
    %slice3A_63 = vector.extract_strided_slice %get3A_53 {offsets = [0, 128], sizes = [1, 128], strides = [1, 1]} : vector<1x384xf32> to vector<1x128xf32>
    %add3A_64 = vector.broadcast %slice3A_63 : vector<1x128xf32> to vector<1280x128xf32>
    %add3A_65 = arith.addf %slice3A_62, %add3A_64 : vector<1280x128xf32>
    %logistic3A_66 = arith.negf %add3A_65 : vector<1280x128xf32>
    %logistic3A_67 = math.exp %logistic3A_66 : vector<1280x128xf32>
    %logistic3A_68 = arith.constant 1.000000e+00 : f32
    %logistic3A_69 = vector.broadcast %logistic3A_68 : f32 to vector<1280x128xf32>
    %logistic3A_70 = arith.addf %logistic3A_69, %logistic3A_67 : vector<1280x128xf32>
    %logistic3A_71 = arith.divf %logistic3A_69, %logistic3A_70 : vector<1280x128xf32>
    %slice3A_72 = vector.extract_strided_slice %add3A_48 {offsets = [0, 256], sizes = [1280, 128], strides = [1, 1]} : vector<1280x384xf32> to vector<1280x128xf32>
    %slice3A_73 = vector.extract_strided_slice %get3A_53 {offsets = [0, 256], sizes = [1, 128], strides = [1, 1]} : vector<1x384xf32> to vector<1x128xf32>
    %mul3A_74 = vector.broadcast %slice3A_73 : vector<1x128xf32> to vector<1280x128xf32>
    %mul3A_75 = arith.mulf %logistic3A_61, %mul3A_74 : vector<1280x128xf32>
    %add3A_76 = arith.addf %slice3A_72, %mul3A_75 : vector<1280x128xf32>
    %tanh3A = math.tanh %add3A_76 : vector<1280x128xf32>
    %sub3A = arith.constant 1.000000e+00 : f32
    %sub3A_77 = vector.broadcast %sub3A : f32 to vector<1280x128xf32>
    %sub3A_78 = arith.subf %sub3A_77, %logistic3A_71 : vector<1280x128xf32>
    %mul3A_79 = arith.mulf %sub3A_78, %tanh3A : vector<1280x128xf32>
    %swap3A = arith.constant 0 : index
    %swap3A_80 = arith.constant 0 : index
    %swap3A_81 = arith.constant 0 : index
    %swap3A_82 = vector.load %arg11[%swap3A, %swap3A_80, %swap3A_81] : memref<1x1280x128xf32, #tpu.memory_space<vmem>>, vector<1x1280x128xf32>
    %swap3A_83 = vector.shape_cast %swap3A_82 : vector<1x1280x128xf32> to vector<1280x128xf32>
    %swap3A_84 = vector.shape_cast %mul3A_79 : vector<1280x128xf32> to vector<1x1280x128xf32>
    tpu.vector_store %arg11[%swap3A, %swap3A_80, %swap3A_81], %swap3A_84 {strides = array<i32>} : memref<1x1280x128xf32, #tpu.memory_space<vmem>>, vector<1x1280x128xf32>,
    %get3A_85 = arith.constant 0 : index
    %get3A_86 = arith.constant 0 : index
    %get3A_87 = arith.constant 0 : index
    %get3A_88 = vector.load %arg10[%get3A_85, %get3A_86, %get3A_87] : memref<1x128x128xf32, #tpu.memory_space<vmem>>, vector<1x128x128xf32>
    %get3A_89 = vector.shape_cast %get3A_88 : vector<1x128x128xf32> to vector<128x128xf32>
    %dot_general3A_90 = arith.constant dense<0.000000e+00> : vector<1280x128xf32>
    %dot_general3A_91 = tpu.matmul %mul3A_79, %get3A_89, %dot_general3A_90 {dimension_numbers = #tpu.dot_dimension_numbers<[1], [0], [0], [1], [0, 0, 1, 1], [], []>, transpose_lhs_hint = false} : vector<1280x128xf32>, vector<128x128xf32>, vector<1280x128xf32> -> vector<1280x128xf32>
    %swap3A_92 = arith.constant 0 : index
    %swap3A_93 = arith.constant 0 : index
    %swap3A_94 = arith.constant 0 : index
    %swap3A_95 = vector.load %arg12[%swap3A_92, %swap3A_93, %swap3A_94] : memref<1x1280x128xf32, #tpu.memory_space<vmem>>, vector<1x1280x128xf32>
    %swap3A_96 = vector.shape_cast %swap3A_95 : vector<1x1280x128xf32> to vector<1280x128xf32>
    %swap3A_97 = vector.shape_cast %dot_general3A_91 : vector<1280x128xf32> to vector<1x1280x128xf32>
    tpu.vector_store %arg12[%swap3A_92, %swap3A_93, %swap3A_94], %swap3A_97 {strides = array<i32>} : memref<1x1280x128xf32, #tpu.memory_space<vmem>>, vector<1x1280x128xf32>,
    return
  }
  func.func @transform_0(%arg0: i32, %arg1: i32) -> (i32, i32, i32) {
    %c0_i32 = arith.constant 0 : i32
    %c0_i32_0 = arith.constant 0 : i32
    return %arg0, %arg1, %c0_i32 : i32, i32, i32
  }
  func.func @transform_1(%arg0: i32, %arg1: i32) -> (i32, i32, i32) {
    %c0_i32 = arith.constant 0 : i32
    %c0_i32_0 = arith.constant 0 : i32
    return %arg0, %arg1, %c0_i32 : i32, i32, i32
  }
  func.func @transform_2(%arg0: i32, %arg1: i32) -> (i32, i32, i32) {
    %c0_i32 = arith.constant 0 : i32
    %c0_i32_0 = arith.constant 0 : i32
    return %arg0, %arg1, %c0_i32 : i32, i32, i32
  }
  func.func @transform_3(%arg0: i32, %arg1: i32) -> (i32, i32, i32) {
    %c0_i32 = arith.constant 0 : i32
    %c0_i32_0 = arith.constant 0 : i32
    %c0_i32_1 = arith.constant 0 : i32
    return %arg0, %c0_i32, %c0_i32_0 : i32, i32, i32
  }
  func.func @transform_4(%arg0: i32, %arg1: i32) -> (i32, i32, i32) {
    %c0_i32 = arith.constant 0 : i32
    %c0_i32_0 = arith.constant 0 : i32
    %c0_i32_1 = arith.constant 0 : i32
    return %arg0, %c0_i32, %c0_i32_0 : i32, i32, i32
  }
  func.func @transform_5(%arg0: i32, %arg1: i32) -> (i32, i32, i32) {
    %c0_i32 = arith.constant 0 : i32
    %c0_i32_0 = arith.constant 0 : i32
    %c0_i32_1 = arith.constant 0 : i32
    return %arg0, %c0_i32, %c0_i32_0 : i32, i32, i32
  }
  func.func @transform_6(%arg0: i32, %arg1: i32) -> (i32, i32, i32) {
    %c0_i32 = arith.constant 0 : i32
    %c0_i32_0 = arith.constant 0 : i32
    %c0_i32_1 = arith.constant 0 : i32
    return %arg0, %c0_i32, %c0_i32_0 : i32, i32, i32
  }
  func.func @transform_7(%arg0: i32, %arg1: i32) -> (i32, i32, i32) {
    %c0_i32 = arith.constant 0 : i32
    %c0_i32_0 = arith.constant 0 : i32
    %c0_i32_1 = arith.constant 0 : i32
    return %arg0, %c0_i32, %c0_i32_0 : i32, i32, i32
  }
  func.func @transform_8(%arg0: i32, %arg1: i32) -> (i32, i32, i32) {
    %c0_i32 = arith.constant 0 : i32
    %c0_i32_0 = arith.constant 0 : i32
    %c0_i32_1 = arith.constant 0 : i32
    return %arg0, %c0_i32, %c0_i32_0 : i32, i32, i32
  }
  func.func @transform_9(%arg0: i32, %arg1: i32) -> (i32, i32, i32) {
    %c0_i32 = arith.constant 0 : i32
    %c0_i32_0 = arith.constant 0 : i32
    return %arg0, %arg1, %c0_i32 : i32, i32, i32
  }
  func.func @transform_10(%arg0: i32, %arg1: i32) -> (i32, i32, i32) {
    %c0_i32 = arith.constant 0 : i32
    %c0_i32_0 = arith.constant 0 : i32
    return %arg0, %arg1, %c0_i32 : i32, i32, i32
  }
}

module attributes {stable_mosaic.version = 14 : i64} {
  func.func @body(%arg0: i32, %arg1: i32, %arg2: memref<1x1280x128xf32, #tpu.memory_space<vmem>>, %arg3: memref<1x1280x128xf32, #tpu.memory_space<vmem>>, %arg4: memref<1x1280x1xf32, #tpu.memory_space<vmem>>, %arg5: memref<1x128x128xf32, #tpu.memory_space<vmem>>, %arg6: memref<1x1x128xf32, #tpu.memory_space<vmem>>, %arg7: memref<1x128x384xf32, #tpu.memory_space<vmem>>, %arg8: memref<1x1x384xf32, #tpu.memory_space<vmem>>, %arg9: memref<1x1x384xf32, #tpu.memory_space<vmem>>, %arg10: memref<1x1280x1xi32, #tpu.memory_space<vmem>>, %arg11: memref<1x128x128xf32, #tpu.memory_space<vmem>>, %arg12: memref<1x128x128xf32, #tpu.memory_space<vmem>>) attributes {dimension_semantics = [#tpu.dimension_semantics<arbitrary>, #tpu.dimension_semantics<arbitrary>], iteration_bounds = array<i64: 2, 8>, scalar_prefetch = 0 : i64, scratch_operands = 0 : i64, tpu.core_type = #tpu.core_type<tc>, window_params = [{transform_indices = @transform_0, window_bounds = array<i64: 1, 1280, 128>}, {transform_indices = @transform_1, window_bounds = array<i64: 1, 1280, 128>}, {transform_indices = @transform_2, window_bounds = array<i64: 1, 1280, 1>}, {transform_indices = @transform_3, window_bounds = array<i64: 1, 128, 128>}, {transform_indices = @transform_4, window_bounds = array<i64: 1, 1, 128>}, {transform_indices = @transform_5, window_bounds = array<i64: 1, 128, 384>}, {transform_indices = @transform_6, window_bounds = array<i64: 1, 1, 384>}, {transform_indices = @transform_7, window_bounds = array<i64: 1, 1, 384>}, {transform_indices = @transform_8, window_bounds = array<i64: 1, 1280, 1>}, {transform_indices = @transform_9, window_bounds = array<i64: 1, 128, 128>}, {transform_indices = @transform_10, window_bounds = array<i64: 1, 128, 128>}]} {
    %get3A = arith.constant 0 : index
    %get3A_0 = arith.constant 0 : index
    %get3A_1 = arith.constant 0 : index
    %get3A_2 = vector.load %arg3[%get3A, %get3A_0, %get3A_1] : memref<1x1280x128xf32, #tpu.memory_space<vmem>>, vector<1x1280x128xf32>
    %get3A_3 = vector.shape_cast %get3A_2 : vector<1x1280x128xf32> to vector<1280x128xf32>
    %get3A_4 = arith.constant 0 : index
    %get3A_5 = arith.constant 0 : index
    %get3A_6 = arith.constant 0 : index
    %get3A_7 = vector.load %arg4[%get3A_4, %get3A_5, %get3A_6] : memref<1x1280x1xf32, #tpu.memory_space<vmem>>, vector<1x1280x1xf32>
    %get3A_8 = vector.shape_cast %get3A_7 : vector<1x1280x1xf32> to vector<1280x1xf32>
    %max3A = arith.constant 1.000000e+00 : f32
    %max3A_9 = vector.broadcast %max3A : f32 to vector<1280x1xf32>
    %max3A_10 = arith.maximumf %get3A_8, %max3A_9 : vector<1280x1xf32>
    %div3A = arith.constant 1.000000e+00 : f32
    %div3A_11 = vector.broadcast %div3A : f32 to vector<1280x1xf32>
    %div3A_12 = arith.divf %div3A_11, %max3A_10 : vector<1280x1xf32>
    %mul3A = vector.broadcast %div3A_12 : vector<1280x1xf32> to vector<1280x128xf32>
    %mul3A_13 = arith.mulf %get3A_3, %mul3A : vector<1280x128xf32>
    %get3A_14 = arith.constant 0 : index
    %get3A_15 = arith.constant 0 : index
    %get3A_16 = arith.constant 0 : index
    %get3A_17 = vector.load %arg2[%get3A_14, %get3A_15, %get3A_16] : memref<1x1280x128xf32, #tpu.memory_space<vmem>>, vector<1x1280x128xf32>
    %get3A_18 = vector.shape_cast %get3A_17 : vector<1x1280x128xf32> to vector<1280x128xf32>
    %get3A_19 = arith.constant 0 : index
    %get3A_20 = arith.constant 0 : index
    %get3A_21 = arith.constant 0 : index
    %get3A_22 = vector.load %arg5[%get3A_19, %get3A_20, %get3A_21] : memref<1x128x128xf32, #tpu.memory_space<vmem>>, vector<1x128x128xf32>
    %get3A_23 = vector.shape_cast %get3A_22 : vector<1x128x128xf32> to vector<128x128xf32>
    %dot_general3A = arith.constant dense<0.000000e+00> : vector<1280x128xf32>
    %dot_general3A_24 = tpu.matmul %get3A_18, %get3A_23, %dot_general3A {dimension_numbers = #tpu.dot_dimension_numbers<[1], [0], [0], [1], [0, 0, 1, 1], [], []>, transpose_lhs_hint = false} : vector<1280x128xf32>, vector<128x128xf32>, vector<1280x128xf32> -> vector<1280x128xf32>
    %add3A = arith.addf %dot_general3A_24, %mul3A_13 : vector<1280x128xf32>
    %get3A_25 = arith.constant 0 : index
    %get3A_26 = arith.constant 0 : index
    %get3A_27 = arith.constant 0 : index
    %get3A_28 = vector.load %arg6[%get3A_25, %get3A_26, %get3A_27] : memref<1x1x128xf32, #tpu.memory_space<vmem>>, vector<1x1x128xf32>
    %get3A_29 = vector.shape_cast %get3A_28 : vector<1x1x128xf32> to vector<1x128xf32>
    %add3A_30 = vector.broadcast %get3A_29 : vector<1x128xf32> to vector<1280x128xf32>
    %add3A_31 = arith.addf %add3A, %add3A_30 : vector<1280x128xf32>
    %max3A_32 = arith.constant 0.000000e+00 : f32
    %max3A_33 = vector.broadcast %max3A_32 : f32 to vector<1280x128xf32>
    %max3A_34 = arith.maximumf %add3A_31, %max3A_33 : vector<1280x128xf32>
    %get3A_35 = arith.constant 0 : index
    %get3A_36 = arith.constant 0 : index
    %get3A_37 = arith.constant 0 : index
    %get3A_38 = vector.load %arg7[%get3A_35, %get3A_36, %get3A_37] : memref<1x128x384xf32, #tpu.memory_space<vmem>>, vector<1x128x384xf32>
    %get3A_39 = vector.shape_cast %get3A_38 : vector<1x128x384xf32> to vector<128x384xf32>
    %dot_general3A_40 = arith.constant dense<0.000000e+00> : vector<1280x384xf32>
    %dot_general3A_41 = tpu.matmul %max3A_34, %get3A_39, %dot_general3A_40 {dimension_numbers = #tpu.dot_dimension_numbers<[1], [0], [0], [1], [0, 0, 1, 1], [], []>, transpose_lhs_hint = false} : vector<1280x128xf32>, vector<128x384xf32>, vector<1280x384xf32> -> vector<1280x384xf32>
    %get3A_42 = arith.constant 0 : index
    %get3A_43 = arith.constant 0 : index
    %get3A_44 = arith.constant 0 : index
    %get3A_45 = vector.load %arg8[%get3A_42, %get3A_43, %get3A_44] : memref<1x1x384xf32, #tpu.memory_space<vmem>>, vector<1x1x384xf32>
    %get3A_46 = vector.shape_cast %get3A_45 : vector<1x1x384xf32> to vector<1x384xf32>
    %add3A_47 = vector.broadcast %get3A_46 : vector<1x384xf32> to vector<1280x384xf32>
    %add3A_48 = arith.addf %dot_general3A_41, %add3A_47 : vector<1280x384xf32>
    %get3A_49 = arith.constant 0 : index
    %get3A_50 = arith.constant 0 : index
    %get3A_51 = arith.constant 0 : index
    %get3A_52 = vector.load %arg9[%get3A_49, %get3A_50, %get3A_51] : memref<1x1x384xf32, #tpu.memory_space<vmem>>, vector<1x1x384xf32>
    %get3A_53 = vector.shape_cast %get3A_52 : vector<1x1x384xf32> to vector<1x384xf32>
    %slice3A = vector.extract_strided_slice %add3A_48 {offsets = [0, 0], sizes = [1280, 128], strides = [1, 1]} : vector<1280x384xf32> to vector<1280x128xf32>
    %slice3A_54 = vector.extract_strided_slice %get3A_53 {offsets = [0, 0], sizes = [1, 128], strides = [1, 1]} : vector<1x384xf32> to vector<1x128xf32>
    %add3A_55 = vector.broadcast %slice3A_54 : vector<1x128xf32> to vector<1280x128xf32>
    %add3A_56 = arith.addf %slice3A, %add3A_55 : vector<1280x128xf32>
    %logistic3A = arith.negf %add3A_56 : vector<1280x128xf32>
    %logistic3A_57 = math.exp %logistic3A : vector<1280x128xf32>
    %logistic3A_58 = arith.constant 1.000000e+00 : f32
    %logistic3A_59 = vector.broadcast %logistic3A_58 : f32 to vector<1280x128xf32>
    %logistic3A_60 = arith.addf %logistic3A_59, %logistic3A_57 : vector<1280x128xf32>
    %logistic3A_61 = arith.divf %logistic3A_59, %logistic3A_60 : vector<1280x128xf32>
    %slice3A_62 = vector.extract_strided_slice %add3A_48 {offsets = [0, 128], sizes = [1280, 128], strides = [1, 1]} : vector<1280x384xf32> to vector<1280x128xf32>
    %slice3A_63 = vector.extract_strided_slice %get3A_53 {offsets = [0, 128], sizes = [1, 128], strides = [1, 1]} : vector<1x384xf32> to vector<1x128xf32>
    %add3A_64 = vector.broadcast %slice3A_63 : vector<1x128xf32> to vector<1280x128xf32>
    %add3A_65 = arith.addf %slice3A_62, %add3A_64 : vector<1280x128xf32>
    %logistic3A_66 = arith.negf %add3A_65 : vector<1280x128xf32>
    %logistic3A_67 = math.exp %logistic3A_66 : vector<1280x128xf32>
    %logistic3A_68 = arith.constant 1.000000e+00 : f32
    %logistic3A_69 = vector.broadcast %logistic3A_68 : f32 to vector<1280x128xf32>
    %logistic3A_70 = arith.addf %logistic3A_69, %logistic3A_67 : vector<1280x128xf32>
    %logistic3A_71 = arith.divf %logistic3A_69, %logistic3A_70 : vector<1280x128xf32>
    %slice3A_72 = vector.extract_strided_slice %add3A_48 {offsets = [0, 256], sizes = [1280, 128], strides = [1, 1]} : vector<1280x384xf32> to vector<1280x128xf32>
    %slice3A_73 = vector.extract_strided_slice %get3A_53 {offsets = [0, 256], sizes = [1, 128], strides = [1, 1]} : vector<1x384xf32> to vector<1x128xf32>
    %mul3A_74 = vector.broadcast %slice3A_73 : vector<1x128xf32> to vector<1280x128xf32>
    %mul3A_75 = arith.mulf %logistic3A_61, %mul3A_74 : vector<1280x128xf32>
    %add3A_76 = arith.addf %slice3A_72, %mul3A_75 : vector<1280x128xf32>
    %tanh3A = math.tanh %add3A_76 : vector<1280x128xf32>
    %sub3A = arith.constant 1.000000e+00 : f32
    %sub3A_77 = vector.broadcast %sub3A : f32 to vector<1280x128xf32>
    %sub3A_78 = arith.subf %sub3A_77, %logistic3A_71 : vector<1280x128xf32>
    %mul3A_79 = arith.mulf %sub3A_78, %tanh3A : vector<1280x128xf32>
    %iota3A = tpu.iota {dimensions = array<i32: 1>} : vector<1x128xi32>
    %get3A_80 = arith.constant 0 : index
    %get3A_81 = arith.constant 0 : index
    %get3A_82 = arith.constant 0 : index
    %get3A_83 = vector.load %arg10[%get3A_80, %get3A_81, %get3A_82] : memref<1x1280x1xi32, #tpu.memory_space<vmem>>, vector<1x1280x1xi32>
    %get3A_84 = vector.shape_cast %get3A_83 : vector<1x1280x1xi32> to vector<1280x1xi32>
    %eq3A = vector.broadcast %get3A_84 : vector<1280x1xi32> to vector<1280x128xi32>
    %eq3A_85 = vector.broadcast %iota3A : vector<1x128xi32> to vector<1280x128xi32>
    %eq3A_86 = arith.cmpi eq, %eq3A, %eq3A_85 : vector<1280x128xi32>
    %convert_element_type3A = arith.extui %eq3A_86 : vector<1280x128xi1> to vector<1280x128xi32>
    %convert_element_type3A_87 = arith.sitofp %convert_element_type3A : vector<1280x128xi32> to vector<1280x128xf32>
    %dot_general3A_88 = arith.constant dense<0.000000e+00> : vector<128x128xf32>
    %dot_general3A_89 = tpu.matmul %convert_element_type3A_87, %mul3A_79, %dot_general3A_88 {dimension_numbers = #tpu.dot_dimension_numbers<[0], [0], [1], [1], [0, 1, 1, 1], [], []>, transpose_lhs_hint = false} : vector<1280x128xf32>, vector<1280x128xf32>, vector<128x128xf32> -> vector<128x128xf32>
    %broadcast_in_dim3A = arith.constant 1.000000e+00 : f32
    %broadcast_in_dim3A_90 = vector.broadcast %broadcast_in_dim3A : f32 to vector<1280x128xf32>
    %dot_general3A_91 = arith.constant dense<0.000000e+00> : vector<128x128xf32>
    %dot_general3A_92 = tpu.matmul %convert_element_type3A_87, %broadcast_in_dim3A_90, %dot_general3A_91 {dimension_numbers = #tpu.dot_dimension_numbers<[0], [0], [1], [1], [0, 1, 1, 1], [], []>, transpose_lhs_hint = false} : vector<1280x128xf32>, vector<1280x128xf32>, vector<128x128xf32> -> vector<128x128xf32>
    %eq3A_93 = arith.constant 0 : i32
    %eq3A_94 = arith.cmpi eq, %arg1, %eq3A_93 : i32
    %convert_element_type3A_95 = arith.extui %eq3A_94 : i1 to i32
    %cond3A = arith.constant 0 : i32
    %cond3A_96 = arith.cmpi ne, %convert_element_type3A_95, %cond3A : i32
    scf.if %cond3A_96 {
      %swap3A = arith.constant 0 : index
      %swap3A_101 = arith.constant 0 : index
      %swap3A_102 = arith.constant 0 : index
      %swap3A_103 = vector.load %arg11[%swap3A, %swap3A_101, %swap3A_102] : memref<1x128x128xf32, #tpu.memory_space<vmem>>, vector<1x128x128xf32>
      %swap3A_104 = vector.shape_cast %swap3A_103 : vector<1x128x128xf32> to vector<128x128xf32>
      %swap3A_105 = vector.shape_cast %dot_general3A_89 : vector<128x128xf32> to vector<1x128x128xf32>
      tpu.vector_store %arg11[%swap3A, %swap3A_101, %swap3A_102], %swap3A_105 {strides = array<i32>} : memref<1x128x128xf32, #tpu.memory_space<vmem>>, vector<1x128x128xf32>,
      %swap3A_106 = arith.constant 0 : index
      %swap3A_107 = arith.constant 0 : index
      %swap3A_108 = arith.constant 0 : index
      %swap3A_109 = vector.load %arg12[%swap3A_106, %swap3A_107, %swap3A_108] : memref<1x128x128xf32, #tpu.memory_space<vmem>>, vector<1x128x128xf32>
      %swap3A_110 = vector.shape_cast %swap3A_109 : vector<1x128x128xf32> to vector<128x128xf32>
      %swap3A_111 = vector.shape_cast %dot_general3A_92 : vector<128x128xf32> to vector<1x128x128xf32>
      tpu.vector_store %arg12[%swap3A_106, %swap3A_107, %swap3A_108], %swap3A_111 {strides = array<i32>} : memref<1x128x128xf32, #tpu.memory_space<vmem>>, vector<1x128x128xf32>,
    } else {
    }
    %gt3A = arith.constant 0 : i32
    %gt3A_97 = arith.cmpi sgt, %arg1, %gt3A : i32
    %convert_element_type3A_98 = arith.extui %gt3A_97 : i1 to i32
    %cond3A_99 = arith.constant 0 : i32
    %cond3A_100 = arith.cmpi ne, %convert_element_type3A_98, %cond3A_99 : i32
    scf.if %cond3A_100 {
      %get3A_101 = arith.constant 0 : index
      %get3A_102 = arith.constant 0 : index
      %get3A_103 = arith.constant 0 : index
      %get3A_104 = vector.load %arg11[%get3A_101, %get3A_102, %get3A_103] : memref<1x128x128xf32, #tpu.memory_space<vmem>>, vector<1x128x128xf32>
      %get3A_105 = vector.shape_cast %get3A_104 : vector<1x128x128xf32> to vector<128x128xf32>
      %add3A_106 = arith.addf %get3A_105, %dot_general3A_89 : vector<128x128xf32>
      %swap3A = arith.constant 0 : index
      %swap3A_107 = arith.constant 0 : index
      %swap3A_108 = arith.constant 0 : index
      %swap3A_109 = vector.load %arg11[%swap3A, %swap3A_107, %swap3A_108] : memref<1x128x128xf32, #tpu.memory_space<vmem>>, vector<1x128x128xf32>
      %swap3A_110 = vector.shape_cast %swap3A_109 : vector<1x128x128xf32> to vector<128x128xf32>
      %swap3A_111 = vector.shape_cast %add3A_106 : vector<128x128xf32> to vector<1x128x128xf32>
      tpu.vector_store %arg11[%swap3A, %swap3A_107, %swap3A_108], %swap3A_111 {strides = array<i32>} : memref<1x128x128xf32, #tpu.memory_space<vmem>>, vector<1x128x128xf32>,
      %get3A_112 = arith.constant 0 : index
      %get3A_113 = arith.constant 0 : index
      %get3A_114 = arith.constant 0 : index
      %get3A_115 = vector.load %arg12[%get3A_112, %get3A_113, %get3A_114] : memref<1x128x128xf32, #tpu.memory_space<vmem>>, vector<1x128x128xf32>
      %get3A_116 = vector.shape_cast %get3A_115 : vector<1x128x128xf32> to vector<128x128xf32>
      %add3A_117 = arith.addf %get3A_116, %dot_general3A_92 : vector<128x128xf32>
      %swap3A_118 = arith.constant 0 : index
      %swap3A_119 = arith.constant 0 : index
      %swap3A_120 = arith.constant 0 : index
      %swap3A_121 = vector.load %arg12[%swap3A_118, %swap3A_119, %swap3A_120] : memref<1x128x128xf32, #tpu.memory_space<vmem>>, vector<1x128x128xf32>
      %swap3A_122 = vector.shape_cast %swap3A_121 : vector<1x128x128xf32> to vector<128x128xf32>
      %swap3A_123 = vector.shape_cast %add3A_117 : vector<128x128xf32> to vector<1x128x128xf32>
      tpu.vector_store %arg12[%swap3A_118, %swap3A_119, %swap3A_120], %swap3A_123 {strides = array<i32>} : memref<1x128x128xf32, #tpu.memory_space<vmem>>, vector<1x128x128xf32>,
    } else {
    }
    return
  }
  func.func @transform_0(%arg0: i32, %arg1: i32) -> (i32, i32, i32) {
    %c0_i32 = arith.constant 0 : i32
    %c0_i32_0 = arith.constant 0 : i32
    return %arg0, %arg1, %c0_i32 : i32, i32, i32
  }
  func.func @transform_1(%arg0: i32, %arg1: i32) -> (i32, i32, i32) {
    %c0_i32 = arith.constant 0 : i32
    %c0_i32_0 = arith.constant 0 : i32
    return %arg0, %arg1, %c0_i32 : i32, i32, i32
  }
  func.func @transform_2(%arg0: i32, %arg1: i32) -> (i32, i32, i32) {
    %c0_i32 = arith.constant 0 : i32
    %c0_i32_0 = arith.constant 0 : i32
    return %arg0, %arg1, %c0_i32 : i32, i32, i32
  }
  func.func @transform_3(%arg0: i32, %arg1: i32) -> (i32, i32, i32) {
    %c0_i32 = arith.constant 0 : i32
    %c0_i32_0 = arith.constant 0 : i32
    %c0_i32_1 = arith.constant 0 : i32
    return %arg0, %c0_i32, %c0_i32_0 : i32, i32, i32
  }
  func.func @transform_4(%arg0: i32, %arg1: i32) -> (i32, i32, i32) {
    %c0_i32 = arith.constant 0 : i32
    %c0_i32_0 = arith.constant 0 : i32
    %c0_i32_1 = arith.constant 0 : i32
    return %arg0, %c0_i32, %c0_i32_0 : i32, i32, i32
  }
  func.func @transform_5(%arg0: i32, %arg1: i32) -> (i32, i32, i32) {
    %c0_i32 = arith.constant 0 : i32
    %c0_i32_0 = arith.constant 0 : i32
    %c0_i32_1 = arith.constant 0 : i32
    return %arg0, %c0_i32, %c0_i32_0 : i32, i32, i32
  }
  func.func @transform_6(%arg0: i32, %arg1: i32) -> (i32, i32, i32) {
    %c0_i32 = arith.constant 0 : i32
    %c0_i32_0 = arith.constant 0 : i32
    %c0_i32_1 = arith.constant 0 : i32
    return %arg0, %c0_i32, %c0_i32_0 : i32, i32, i32
  }
  func.func @transform_7(%arg0: i32, %arg1: i32) -> (i32, i32, i32) {
    %c0_i32 = arith.constant 0 : i32
    %c0_i32_0 = arith.constant 0 : i32
    %c0_i32_1 = arith.constant 0 : i32
    return %arg0, %c0_i32, %c0_i32_0 : i32, i32, i32
  }
  func.func @transform_8(%arg0: i32, %arg1: i32) -> (i32, i32, i32) {
    %c0_i32 = arith.constant 0 : i32
    %c0_i32_0 = arith.constant 0 : i32
    return %arg0, %arg1, %c0_i32 : i32, i32, i32
  }
  func.func @transform_9(%arg0: i32, %arg1: i32) -> (i32, i32, i32) {
    %c0_i32 = arith.constant 0 : i32
    %c0_i32_0 = arith.constant 0 : i32
    %c0_i32_1 = arith.constant 0 : i32
    return %arg0, %c0_i32, %c0_i32_0 : i32, i32, i32
  }
  func.func @transform_10(%arg0: i32, %arg1: i32) -> (i32, i32, i32) {
    %c0_i32 = arith.constant 0 : i32
    %c0_i32_0 = arith.constant 0 : i32
    %c0_i32_1 = arith.constant 0 : i32
    return %arg0, %c0_i32, %c0_i32_0 : i32, i32, i32
  }
}

module attributes {stable_mosaic.version = 14 : i64} {
  func.func @body(%arg0: memref<2x128x128xf32, #tpu.memory_space<vmem>>, %arg1: memref<2x128x128xf32, #tpu.memory_space<vmem>>, %arg2: memref<256x256xf32, #tpu.memory_space<vmem>>, %arg3: memref<1x256xf32, #tpu.memory_space<vmem>>, %arg4: memref<256x128xf32, #tpu.memory_space<vmem>>, %arg5: memref<1x128xf32, #tpu.memory_space<vmem>>, %arg6: memref<64x128xf32, #tpu.memory_space<vmem>>) attributes {dimension_semantics = [], scalar_prefetch = 0 : i64, scratch_operands = 0 : i64, tpu.core_type = #tpu.core_type<tc>} {
    %get3A = arith.constant 0 : index
    %get3A_0 = arith.constant 0 : index
    %get3A_1 = arith.constant 0 : index
    %get3A_2 = vector.load %arg0[%get3A, %get3A_0, %get3A_1] : memref<2x128x128xf32, #tpu.memory_space<vmem>>, vector<1x64x128xf32>
    %get3A_3 = vector.shape_cast %get3A_2 : vector<1x64x128xf32> to vector<64x128xf32>
    %get3A_4 = arith.constant 0 : index
    %get3A_5 = arith.constant 0 : index
    %get3A_6 = arith.constant 0 : index
    %get3A_7 = vector.load %arg1[%get3A_4, %get3A_5, %get3A_6] : memref<2x128x128xf32, #tpu.memory_space<vmem>>, vector<1x64x128xf32>
    %get3A_8 = vector.shape_cast %get3A_7 : vector<1x64x128xf32> to vector<64x128xf32>
    %max3A = arith.constant 1.000000e+00 : f32
    %max3A_9 = vector.broadcast %max3A : f32 to vector<64x128xf32>
    %max3A_10 = arith.maximumf %get3A_8, %max3A_9 : vector<64x128xf32>
    %div3A = arith.divf %get3A_3, %max3A_10 : vector<64x128xf32>
    %get3A_11 = arith.constant 1 : index
    %get3A_12 = arith.constant 0 : index
    %get3A_13 = arith.constant 0 : index
    %get3A_14 = vector.load %arg0[%get3A_11, %get3A_12, %get3A_13] : memref<2x128x128xf32, #tpu.memory_space<vmem>>, vector<1x64x128xf32>
    %get3A_15 = vector.shape_cast %get3A_14 : vector<1x64x128xf32> to vector<64x128xf32>
    %get3A_16 = arith.constant 1 : index
    %get3A_17 = arith.constant 0 : index
    %get3A_18 = arith.constant 0 : index
    %get3A_19 = vector.load %arg1[%get3A_16, %get3A_17, %get3A_18] : memref<2x128x128xf32, #tpu.memory_space<vmem>>, vector<1x64x128xf32>
    %get3A_20 = vector.shape_cast %get3A_19 : vector<1x64x128xf32> to vector<64x128xf32>
    %max3A_21 = arith.constant 1.000000e+00 : f32
    %max3A_22 = vector.broadcast %max3A_21 : f32 to vector<64x128xf32>
    %max3A_23 = arith.maximumf %get3A_20, %max3A_22 : vector<64x128xf32>
    %div3A_24 = arith.divf %get3A_15, %max3A_23 : vector<64x128xf32>
    %concatenate3A = tpu.concatenate %div3A, %div3A_24 in 1 : vector<64x128xf32>, vector<64x128xf32> -> vector<64x256xf32>
    %get3A_25 = arith.constant 0 : index
    %get3A_26 = arith.constant 0 : index
    %get3A_27 = vector.load %arg2[%get3A_25, %get3A_26] : memref<256x256xf32, #tpu.memory_space<vmem>>, vector<256x256xf32>
    %dot_general3A = arith.constant dense<0.000000e+00> : vector<64x256xf32>
    %dot_general3A_28 = tpu.matmul %concatenate3A, %get3A_27, %dot_general3A {dimension_numbers = #tpu.dot_dimension_numbers<[1], [0], [0], [1], [0, 0, 1, 1], [], []>, transpose_lhs_hint = false} : vector<64x256xf32>, vector<256x256xf32>, vector<64x256xf32> -> vector<64x256xf32>
    %get3A_29 = arith.constant 0 : index
    %get3A_30 = arith.constant 0 : index
    %get3A_31 = vector.load %arg3[%get3A_29, %get3A_30] : memref<1x256xf32, #tpu.memory_space<vmem>>, vector<1x256xf32>
    %add3A = vector.broadcast %get3A_31 : vector<1x256xf32> to vector<64x256xf32>
    %add3A_32 = arith.addf %dot_general3A_28, %add3A : vector<64x256xf32>
    %max3A_33 = arith.constant 0.000000e+00 : f32
    %max3A_34 = vector.broadcast %max3A_33 : f32 to vector<64x256xf32>
    %max3A_35 = arith.maximumf %add3A_32, %max3A_34 : vector<64x256xf32>
    %get3A_36 = arith.constant 0 : index
    %get3A_37 = arith.constant 0 : index
    %get3A_38 = vector.load %arg2[%get3A_36, %get3A_37] : memref<256x256xf32, #tpu.memory_space<vmem>>, vector<256x256xf32>
    %dot_general3A_39 = arith.constant dense<0.000000e+00> : vector<64x256xf32>
    %dot_general3A_40 = tpu.matmul %max3A_35, %get3A_38, %dot_general3A_39 {dimension_numbers = #tpu.dot_dimension_numbers<[1], [0], [0], [1], [0, 0, 1, 1], [], []>, transpose_lhs_hint = false} : vector<64x256xf32>, vector<256x256xf32>, vector<64x256xf32> -> vector<64x256xf32>
    %get3A_41 = arith.constant 0 : index
    %get3A_42 = arith.constant 0 : index
    %get3A_43 = vector.load %arg3[%get3A_41, %get3A_42] : memref<1x256xf32, #tpu.memory_space<vmem>>, vector<1x256xf32>
    %add3A_44 = vector.broadcast %get3A_43 : vector<1x256xf32> to vector<64x256xf32>
    %add3A_45 = arith.addf %dot_general3A_40, %add3A_44 : vector<64x256xf32>
    %max3A_46 = arith.constant 0.000000e+00 : f32
    %max3A_47 = vector.broadcast %max3A_46 : f32 to vector<64x256xf32>
    %max3A_48 = arith.maximumf %add3A_45, %max3A_47 : vector<64x256xf32>
    %get3A_49 = arith.constant 0 : index
    %get3A_50 = arith.constant 0 : index
    %get3A_51 = vector.load %arg4[%get3A_49, %get3A_50] : memref<256x128xf32, #tpu.memory_space<vmem>>, vector<256x128xf32>
    %dot_general3A_52 = arith.constant dense<0.000000e+00> : vector<64x128xf32>
    %dot_general3A_53 = tpu.matmul %max3A_48, %get3A_51, %dot_general3A_52 {dimension_numbers = #tpu.dot_dimension_numbers<[1], [0], [0], [1], [0, 0, 1, 1], [], []>, transpose_lhs_hint = false} : vector<64x256xf32>, vector<256x128xf32>, vector<64x128xf32> -> vector<64x128xf32>
    %get3A_54 = arith.constant 0 : index
    %get3A_55 = arith.constant 0 : index
    %get3A_56 = vector.load %arg5[%get3A_54, %get3A_55] : memref<1x128xf32, #tpu.memory_space<vmem>>, vector<1x128xf32>
    %add3A_57 = vector.broadcast %get3A_56 : vector<1x128xf32> to vector<64x128xf32>
    %add3A_58 = arith.addf %dot_general3A_53, %add3A_57 : vector<64x128xf32>
    %swap3A = arith.constant 0 : index
    %swap3A_59 = arith.constant 0 : index
    %swap3A_60 = vector.load %arg6[%swap3A, %swap3A_59] : memref<64x128xf32, #tpu.memory_space<vmem>>, vector<64x128xf32>
    tpu.vector_store %arg6[%swap3A, %swap3A_59], %add3A_58 {strides = array<i32>} : memref<64x128xf32, #tpu.memory_space<vmem>>, vector<64x128xf32>,
    return
  }
}

</mosaic_0001>

<sc_bundles>
// kernel: kernel.12.cloned.1.call-start
scs
__scs_entry_jumppad:
0x0: {  	(pc) =	sbr.rel $0x88, $3  }
0x1: {  	(tag) =	ssettag $0x0;
	lr =	simm.s32 $0x1  }
0x2: {  	[smem:$0x3F81] =	sst lr;
	_ =	strace $0xD0000000  }
0x3: {  	_ = 	snop  }
0x4: {  	_ = 	snop  }
0x5: {  	_ = 	snop  }
0x6: {  	_ = 	snop  }
0x7: {  	_ = 	snop  }
__scs_overlays_trampoline_lowered:
0x8: {  	[smem:$0x3F90] =	sst s0  }
0x9: {  	[smem:$0x3F91] =	sst s1  }
0xa: {  	[smem:$0x3F92] =	sst s2  }
0xb: {  	[smem:$0x3F93] =	sst s3  }
0xc: {  	[smem:$0x3F94] =	sst s4  }
0xd: {  	[smem:$0x3F95] =	sst s5  }
0xe: {  	[smem:$0x3F96] =	sst s6  }
0xf: {  	[smem:$0x3F97] =	sst s7  }
0x10: {  	[smem:$0x3F98] =	sst s8  }
0x11: {  	[smem:$0x3F99] =	sst s9;
	s0 =	simm.s32 @!p0 $0x0  }
0x12: {  	s1 =	sld [smem:$0x3F7F];
	s0 =	simm.s32 @p0 $0x1  }
0x13: {  	[smem:$0x3F9A] =	sst s0;
	s0 =	simm.s32 @!p1 $0x0  }
0x14: {  	s2 =	sld [smem:$0x3F7E];
	s0 =	simm.s32 @p1 $0x1  }
0x15: {  	[smem:$0x3F9B] =	sst s0;
	s0 =	simm.s32 @!p2 $0x0  }
0x16: {  	s3 =	sld [smem:$0x3FDB];
	s0 =	simm.s32 @p2 $0x1  }
0x17: {  	s4 =	simm.s32 $0x1BF5;
	[smem:$0x3F9D] =	sst s0  }
0x18: {  	s0 =	sld [smem:$0x3F80];
	_ =	swait.ge [sflag:s4], $0x0  }
0x19: {  	s7 =	sld [smem:$0x3F81]  }
0x1a: {  	s8 =	sadd.s32 $0xFFFFE003, lr  }
0x1b: {  	s9 =	sadd.s32 $0xFFFFFEF7, lr;
	s5 =	simm.s32 $0xFFFFFFFF;
	p2 =	slt.u32 s8, $0xFFFFF086  }
0x1c: {  	p1 =	slt.u32 s9, $0xF7A;
	s5 =	simm.s32 @!p2 $0x0  }
0x1d: {  	s5 =	simm.s32 @p1 $0x1;
	p0 =	seq.s32 s7, s2  }
0x1e: {  	s7 =	smul.u32 @!p0 $0xF7A, s2;
	p2 =	seq.s32 @!p0 s5, $0x0  }
0x1f: {  	s9 =	smul.u32 $0xF7A, s1;
	s8 =	simm.s32 @!p0 $0x1BF5;
	p2 =	por !p2, p0  }
0x20: {  	[sflag:s8] =	ssyncset.s32 @!p0 $0xFFFFF086;
	s6 =	sadd.s32 @!p0 s3, s7;
	s7 =	simm.s32 @!p0 $0x108  }
0x21: {  	s3 =	sadd.s32 s3, s9;
	s6 =	sadd.s32 @!p0 $0x88, s6;
	s7 =	simm.s32 @p2 $0x1082  }
0x22: {  	[simem:s7], [sflag:s8] =	dma.local @!p0 [hbm:s6], $0xF7A  }
0x23: {  	s9 =	sor.u32 $0xD0000000, s2;
	s6 =	simm.s32 $0x108;
	_ =	swait.ge @!p0 [sflag:s8], $0x0  }
0x24: {  	s3 =	sadd.s32 $0x88, s3;
	s6 =	simm.s32 @!p1 $0x1082;
	[sflag:s4] =	ssyncset.s32 $0xFFFFF086  }
0x25: {  	[simem:s6], [sflag:s4] =	dma.local [hbm:s3], $0xF7A  }
0x26: {  	[smem:$0x3F81] =	sst s1;
	(tag) =	ssettag s2;
	_ =	strace s9  }
0x27: {  	s1 =	sld [smem:$0x3F91]  }
0x28: {  	s2 =	sld [smem:$0x3F92]  }
0x29: {  	s4 =	sld [smem:$0x3F94]  }
0x2a: {  	p0 =	seq.s32 s5, $0x0;
	s5 =	sld [smem:$0x3F95]  }
0x2b: {  	s6 =	sld [smem:$0x3F96]  }
0x2c: {  	s7 =	sld [smem:$0x3F97]  }
0x2d: {  	s3 =	simm.s32 $0x108;
	s8 =	sld [smem:$0x3F98]  }
0x2e: {  	s3 =	simm.s32 @!p0 $0x1082;
	s9 =	sld [smem:$0x3F99]  }
0x2f: {  	lr =	sadd.s32 s0, s3;
	s0 =	sld [smem:$0x3F90]  }
0x30: {  	s3 =	sld [smem:$0x3F93]  }
0x31: {  	[smem:$0x3F9C] =	sst s10  }
0x32: {  	s10 =	sld [smem:$0x3F9A];
	_ =	sdelay $0x3  }
0x33: {  	p0 =	seq.s32 s10, $0x1;
	s10 =	sld [smem:$0x3F9C];
	_ =	sdelay $0x3  }
0x34: {  	[smem:$0x3F9C] =	sst s10  }
0x35: {  	s10 =	sld [smem:$0x3F9B];
	_ =	sdelay $0x3  }
0x36: {  	p1 =	seq.s32 s10, $0x1;
	s10 =	sld [smem:$0x3F9C];
	_ =	sdelay $0x3  }
0x37: {  	[smem:$0x3F9C] =	sst s10  }
0x38: {  	s10 =	sld [smem:$0x3F9D]  }
0x39: {  	_ = 	snop;
	(pc) =	sbr.ind lr, $3  }
0x3a: {  	_ = 	snop  }
0x3b: {  	_ = 	snop  }
0x3c: {  	p2 =	seq.s32 s10, $0x1;
	s10 =	sld [smem:$0x3F9C]  }
0x3d: {  	_ =	shalt  }
0x3e: {  	_ =	shalt  }
0x3f: {  	_ =	shalt  }
0x40: {  	_ =	shalt  }
0x41: {  	_ =	shalt  }
0x42: {  	_ =	shalt  }
0x43: {  	_ =	shalt  }
0x44: {  	_ =	shalt  }
0x45: {  	_ =	shalt  }
0x46: {  	_ =	shalt  }
0x47: {  	_ =	shalt  }
0x48: {  	_ =	shalt  }
0x49: {  	_ =	shalt  }
0x4a: {  	_ =	shalt  }
0x4b: {  	_ =	shalt  }
0x4c: {  	_ =	shalt  }
0x4d: {  	_ =	shalt  }
0x4e: {  	_ =	shalt  }
0x4f: {  	_ =	shalt  }
0x50: {  	_ =	shalt  }
0x51: {  	_ =	shalt  }
0x52: {  	_ =	shalt  }
0x53: {  	_ =	shalt  }
0x54: {  	_ =	shalt  }
0x55: {  	_ =	shalt  }
0x56: {  	_ =	shalt  }
0x57: {  	_ =	shalt  }
0x58: {  	_ =	shalt  }
0x59: {  	_ =	shalt  }
0x5a: {  	_ =	shalt  }
0x5b: {  	_ =	shalt  }
0x5c: {  	_ =	shalt  }
0x5d: {  	_ =	shalt  }
0x5e: {  	_ =	shalt  }
0x5f: {  	_ =	shalt  }
0x60: {  	_ =	shalt  }
0x61: {  	_ =	shalt  }
0x62: {  	_ =	shalt  }
0x63: {  	_ =	shalt  }
0x64: {  	_ =	shalt  }
0x65: {  	_ =	shalt  }
0x66: {  	_ =	shalt  }
0x67: {  	_ =	shalt  }
0x68: {  	_ =	shalt  }
0x69: {  	_ =	shalt  }
0x6a: {  	_ =	shalt  }
0x6b: {  	_ =	shalt  }
0x6c: {  	_ =	shalt  }
0x6d: {  	_ =	shalt  }
0x6e: {  	_ =	shalt  }
0x6f: {  	_ =	shalt  }
0x70: {  	_ =	shalt  }
0x71: {  	_ =	shalt  }
0x72: {  	_ =	shalt  }
0x73: {  	_ =	shalt  }
0x74: {  	_ =	shalt  }
0x75: {  	_ =	shalt  }
0x76: {  	_ =	shalt  }
0x77: {  	_ =	shalt  }
0x78: {  	_ =	shalt  }
0x79: {  	_ =	shalt  }
0x7a: {  	_ =	shalt  }
0x7b: {  	_ =	shalt  }
0x7c: {  	_ =	shalt  }
0x7d: {  	_ =	shalt  }
0x7e: {  	_ =	shalt  }
0x7f: {  	_ =	shalt  }
0x80: {  	_ =	shalt  }
0x81: {  	_ =	shalt  }
0x82: {  	_ =	shalt  }
0x83: {  	_ =	shalt  }
0x84: {  	_ =	shalt  }
0x85: {  	_ =	shalt  }
0x86: {  	_ =	shalt  }
0x87: {  	_ =	shalt  }
.Lfunc_end0:
.L_simem_size_0:
called_computation.1_lowered:
.L_overlay_start_0:
0x88: {  	s2 =	sld [smem:$0x3FD9]  }
0x89: {  	s3 =	sld [smem:$0x3FFE];
	_ =	sdelay $0x1  }
0x8a: {  	s1 =	srdreg.scid  }
0x8b: {  	s0 =	sand.u32 $0x1, s1  }
0x8c: {  	s16 =	sshll.u32 s0, $0xA;
	s2 =	sadd.s32 s3, s2  }
0x8d: {  	s2 =	sadd.s32 s2, s16  }
0x8e: {  	[smem:$0x3FA8] =	sst s2  }
0x8f: {  	_ = 	snop  }
0x90: {  	(tm) =	ssettm $0x1  }
0x91: {  	s17 =	sld [smem:$0x3FFB];
	_ =	sdelay $0x3  }
0x92: {  	_ =	strace s17  }
0x93: {  	s2 =	sld [smem:$0x3FFC];
	_ =	sdelay $0x3  }
0x94: {  	_ =	strace s2  }
0x95: {  	s2 =	sld [smem:$0x3FFD];
	_ =	sdelay $0x3  }
0x96: {  	_ =	strace s2  }
0x97: {  	_ =	strace $0x8FFFFFFF  }
0x98: {  	s18 =	sld [smem:$0x3FDB];
	_ =	sdelay $0x1  }
0x99: {  	s19 =	simm.s32 $_scs_section_size  }
0x9a: {  	s4 =	simm.s32 $_size__tile_overlayer_lowered;
	s5 =	simm.s32 $_tile_overlayer_lowered  }
0x9b: {  	s22 =	simm.s32 $0x1BFF;
	s21 =	sshll.u32 s5, $0x1;
	s2 =	sadd.s32 s19, s18  }
0x9c: {  	s6 =	simm.s32 $0x0;
	s20 =	sshll.u32 s4, $0x1;
	s4 =	sadd.s32 s21, s2  }
0x9d: {  	[timem:s6], [sflag:s22] =	dma.local [hbm:s4], s20  }
0x9e: {  	_ =	swait.ge [sflag:s22], s20  }
0x9f: {  	s3 =	ssub.s32 $0x0, s20;
	[sflag:s22] =	ssyncset.done $0x0  }
0xa0: {  	[sflag:s22] =	ssyncadd.s32 s3;
	_ =	sdelay $0x1  }
0xa1: {  	s23 =	simm.s32 $0x1B8B  }
0xa2: {  	_ =	swait.ge [sflag:s23], $0x1  }
0xa3: {  	[sflag:s23] =	ssyncset.done $0x0  }
0xa4: {  	s25 =	simm.s32 $0x1B8E;
	s24 =	sld [smem:$0x3FFE];
	[sflag:s23] =	ssyncadd.s32 $0xFFFFFFFF  }
0xa5: {  	s26 =	simm.s32 $execute0_lowered;
	[smem:$0x3FD2] =	sst s25  }
0xa6: {  	s4 =	sshll.u32 s26, $0x1;
	_ =	strace $0x80000049;
	[dreg:$0x1] =	wrdreg $0xFFFFFFFF  }
0xa7: {  	s28 =	simm.s32 $_size_execute0_lowered;
	s2 =	sadd.s32 s2, s4;
	[dreg:$0x0] =	wrdreg $0x0  }
0xa8: {  	s4 =	sshll.u32 s28, $0x1;
	[dreg:$0x2] =	wrdreg s2  }
0xa9: {  	[dreg:$0x3] =	wrdreg s4  }
0xaa: {  	[dreg:$0x4] =	wrdreg $0xC0  }
0xab: {  	_ =	task [dreg:s6], $0x5FFFF  }
0xac: {  	[dreg:$0x1] =	wrdreg $0xFFFFFFFF  }
0xad: {  	[dreg:$0x0] =	wrdreg $0x60  }
0xae: {  	[dreg:$0x2] =	wrdreg s24  }
0xaf: {  	[dreg:$0x3] =	wrdreg $0x90000  }
0xb0: {  	[dreg:$0x4] =	wrdreg $0x9  }
0xb1: {  	_ =	task.clear_ibuf [dreg:s6], $0x5FFFF;
	_ =	strace $0x90000049  }
0xb2: {  	s29 =	simm.s32 $0x9;
	_ =	strace $0x8000004B  }
0xb3: {  	_ =	swait.ge [sflag:s29], $0x1  }
0xb4: {  	[sflag:s29] =	ssyncadd.s32 $0xFFFFFFFF  }
0xb5: {  	_ =	strace $0x9000004B  }
0xb6: {  	_ =	sfence  }
0xb7: {  	s30 =	sld [smem:$0x0];
	_ =	sdelay $0x2  }
0xb8: {  	s31 =	sshll.u32 s1, $0xD;
	s1 =	sshrl.u32 s1, $0x2  }
0xb9: {  	s3 =	sand.u32 $0x4000, s31;
	s1 =	sadd.s32 s1, s30  }
0xba: {  	s0 =	sor.u32 s3, s0;
	s1 =	sshll.u32 s1, $0x11  }
0xbb: {  	s0 =	sor.u32 s1, s0  }
0xbc: {  	s0 =	sadd.s32 $0x8F2B, s0  }
0xbd: {  	[sflag:s0] =	ssyncadd.remote.s32 $0x1  }
0xbe: {  	_ =	sfence.sel $0xFFFF  }
0xbf: {  	[dreg:$0x0] =	wrdreg $0xFFFFFFFF;
	(pc) =	sbr.abs _section_cstart, $3  }
0xc0: {  	[dreg:$0x1] =	wrdreg $0xFFFFFFFF  }
0xc1: {  	_ =	task.clear_ibuf [dreg:s6], $0x2FFFF;
	_ =	strace $0x9FFFFFFF  }
0xc2: {  	(tm) =	ssettm $0x7FFFFFFF  }
0xc3: {  	_ =	shalt  }
tec
execute0_lowered:
.L_overlay_start_1:
0x0: {  	(tag) =	ssettag $0x1  }
0x1: {  	s0 =	rddreg [dreg:$0x0]  }
0x2: {  	s2 =	rddreg [dreg:$0x1];
	s1 =	srdreg.scid  }
0x3: {  	s8 =	stileid.u32;
	s3 =	simm.s32 $0x0;
	s14 =	simm.s32 $0x100  }
0x4: {  	s15 =	simm.s32 $0x880;
	s16 =	simm.s32 $0x180;
	s17 =	simm.s32 $0x900  }
0x5: {  	s28 =	simm.s32 $0x500;
	s29 =	simm.s32 $0xC80;
	s30 =	simm.s32 $0x580  }
0x6: {  	s31 =	simm.s32 $0xD00;
	s6 =	smul.u32 $0x5000, s8;
	[smem:$0x7FF] =	sst s3  }
0x7: {  	s18 =	smul.u32 $0x50000, s8;
	_ =	strace $0x8000004A;
	[dreg:$0x5] =	wrdreg s14  }
0x8: {  	s1 =	sand.u32 $0x1, s1;
	s8 =	smul.u32 $0x14000, s8;
	[dreg:$0x6] =	wrdreg s15  }
0x9: {  	s4 =	smul.u32 $0x50000, s1;
	s5 =	sxor.u32 $0x1, s1;
	[dreg:$0x7] =	wrdreg s16  }
0xa: {  	s7 =	ssub.s32 $0x2, s1;
	s1 =	smul.u32 $0x140000, s1;
	[dreg:$0x8] =	wrdreg s17  }
0xb: {  	s16 =	simm.s32 $0x1000;
	s17 =	simm.s32 $0x3;
	s14 =	simm.s32 $0x780  }
0xc: {  	s15 =	simm.s32 $0xF00;
	s5 =	smul.u32 $0x28000, s5;
	s9 =	sshrl.u32 s7, $0x1  }
0xd: {  	s19 =	sadd.s32 $0x4000, s8;
	s10 =	sadd.s32 $0x8000, s8;
	s11 =	sadd.s32 $0xC000, s8  }
0xe: {  	s12 =	sadd.s32 $0x10000, s8;
	s4 =	sadd.s32 s6, s4;
	s6 =	sshrl.u32 s18, $0x2  }
0xf: {  	s7 =	ssub.s32 s7, s9;
	s20 =	sadd.s32 s19, s2;
	s21 =	sadd.s32 s10, s2  }
0x10: {  	s22 =	sadd.s32 s11, s2;
	s23 =	sadd.s32 s12, s2;
	s8 =	sadd.s32 s8, s1  }
0x11: {  	s26 =	sadd.s32 s1, s10;
	s13 =	sadd.s32 s1, s11;
	[dreg:$0x12] =	wrdreg s20  }
0x12: {  	s18 =	simm.s32 $0x200;
	s11 =	simm.s32 $0xE00;
	[dreg:$0x13] =	wrdreg s21  }
0x13: {  	s5 =	sadd.s32 s5, s0;
	s4 =	sshrl.u32 s4, $0x3;
	[dreg:$0x14] =	wrdreg s22  }
0x14: {  	s6 =	sadd.s32 s6, s2;
	[dreg:$0x15] =	wrdreg s23;
	s24 =	sshrl.u32 s8, $0x3  }
0x15: {  	s8 =	sshrl.u32 s26, $0x3;
	[dreg:$0x9] =	wrdreg s18;
	s20 =	smax.u32 s7, $0x1  }
0x16: {  	s21 =	simm.s32 $0x280;
	s22 =	simm.s32 $0xA00;
	s23 =	simm.s32 $0x300  }
0x17: {  	s18 =	simm.s32 $0x800;
	s26 =	simm.s32 $0xB00;
	[dreg:$0x11] =	wrdreg s6  }
0x18: {  	s4 =	sadd.s32 s4, s0;
	s0 =	sadd.s32 $0x5800, s0;
	[dreg:$0x1b] =	wrdreg s20  }
0x19: {  	s9 =	sadd.s32 $0xCD800, s5;
	s6 =	sadd.s32 s1, s19;
	[dreg:$0xb] =	wrdreg s21  }
0x1a: {  	s1 =	sadd.s32 s1, s12;
	s19 =	simm.s32 $0x980;
	[dreg:$0xc] =	wrdreg s22  }
0x1b: {  	[dreg:$0xd] =	wrdreg s23;
	s20 =	simm.s32 $0x5000;
	s21 =	simm.s32 $0x1  }
0x1c: {  	s22 =	simm.s32 $0x2;
	[dreg:$0x10] =	wrdreg s26;
	s23 =	simm.s32 $0x400  }
0x1d: {  	s26 =	simm.s32 $0xC00;
	s12 =	simm.s32 $0x700;
	s5 =	sadd.s32 s0, s24  }
0x1e: {  	s25 =	sshrl.u32 s6, $0x3;
	s10 =	sadd.s32 $0xB9800, s4;
	[dreg:$0xa] =	wrdreg s19  }
0x1f: {  	s4 =	sadd.s32 $0xA5800, s4;
	s1 =	sshrl.u32 s1, $0x3;
	[dreg:$0x16] =	wrdreg s5  }
0x20: {  	s24 =	simm.s32 $0xA80;
	s19 =	simm.s32 $0x80;
	[dreg:$0x3] =	wrdreg s10  }
0x21: {  	s6 =	simm.s32 $0x0;
	s5 =	sadd.s32 s0, s25;
	[dreg:$0x4] =	wrdreg s4  }
0x22: {  	[dreg:$0xe] =	wrdreg s24;
	s25 =	simm.s32 $0x380;
	s24 =	simm.s32 $0xB80  }
0x23: {  	s10 =	simm.s32 $0x680;
	[dreg:$0x17] =	wrdreg s5;
	s5 =	sadd.s32 s0, s8  }
0x24: {  	s4 =	simm.s32 $0xF80;
	[dreg:$0x18] =	wrdreg s5;
	s5 =	sshrl.u32 s13, $0x3  }
0x25: {  	[dreg:$0xf] =	wrdreg s25;
	s25 =	simm.s32 $0x480;
	s5 =	sadd.s32 s0, s5  }
0x26: {  	s13 =	simm.s32 $0xE80;
	s0 =	sadd.s32 s0, s1;
	[dreg:$0x19] =	wrdreg s5  }
0x27: {  	v0 =	vimm.f32 $0.0e+00;
	s1 =	simm.s32 $0xD80;
	[dreg:$0x1a] =	wrdreg s0;
	s0 =	simm.s32 $0x600  }
.LBB2_1:
0x28: {  	s8 =	sand.u32 $0xFE00, s3  }
0x29: {  	[dreg:$0x1c] =	wrdreg s6;
	s7 =	sand.u32 $0x70, s3;
	s8 =	sshrl.u32 s8, $0x2  }
0x2a: {  	s6 =	simm.s32 $0x40;
	s8 =	sor.u32 s7, s8;
	s7 =	simm.s32 $0x0  }
.LBB2_2:
0x2b: {  	p0 =	sne.s32 s6, $0xFFC0  }
0x2c: {  	[tilespmem:s8+$0x1000] =	vst v0;
	s7 =	sadd.s32 $0x10, s7;
	s8 =	smov.u32 s6;
	s6 =	sadd.s32 $0x40, s6  }
.Ltmp0:
0x2d: {  	(pc) =	sbr.rel @p0 .LBB2_2-.Ltmp0, $4  }
0x2e: {  	_ = 	snop  }
0x2f: {  	s8 =	sand.u32 $0xFE00, s8  }
0x30: {  	s5 =	sand.u32 $0x70, s7;
	s8 =	sshrl.u32 s8, $0x2  }
0x31: {  	s8 =	sor.u32 s5, s8  }
0x32: {  	[tilespmem:s8+$0x1000] =	vst v0;
	s5 =	rddreg [dreg:$0x11]  }
0x33: {  	[spmem:s5] =	stream.linear.scatter [tilespmem:s16], [sflag:$0x3], $0x4000, $0x38;
	[tilespmem:$0x1D000] =	vst v63  }
0x34: {  	_ =	swait.ge [sflag:s17], $0x4000  }
0x35: {  	[sflag:s17] =	ssyncset.done $0x0  }
0x36: {  	s6 =	rddreg [dreg:$0x12];
	[sflag:s17] =	ssyncadd.s32 $0xFFFFC000  }
0x37: {  	[spmem:s6] =	stream.linear.scatter [tilespmem:s16], [sflag:$0x3], $0x4000, $0x38;
	[tilespmem:$0x1D000] =	vst v63  }
0x38: {  	_ =	swait.ge [sflag:s17], $0x4000  }
0x39: {  	[sflag:s17] =	ssyncset.done $0x0  }
0x3a: {  	s7 =	rddreg [dreg:$0x13];
	[sflag:s17] =	ssyncadd.s32 $0xFFFFC000  }
0x3b: {  	[spmem:s7] =	stream.linear.scatter [tilespmem:s16], [sflag:$0x3], $0x4000, $0x38;
	[tilespmem:$0x1D000] =	vst v63  }
0x3c: {  	_ =	swait.ge [sflag:s17], $0x4000  }
0x3d: {  	[sflag:s17] =	ssyncset.done $0x0  }
0x3e: {  	s8 =	rddreg [dreg:$0x14];
	[sflag:s17] =	ssyncadd.s32 $0xFFFFC000  }
0x3f: {  	[spmem:s8] =	stream.linear.scatter [tilespmem:s16], [sflag:$0x3], $0x4000, $0x38;
	[tilespmem:$0x1D000] =	vst v63  }
0x40: {  	_ =	swait.ge [sflag:s17], $0x4000  }
0x41: {  	[sflag:s17] =	ssyncset.done $0x0  }
0x42: {  	s6 =	rddreg [dreg:$0x15];
	[sflag:s17] =	ssyncadd.s32 $0xFFFFC000  }
0x43: {  	[spmem:s6] =	stream.linear.scatter [tilespmem:s16], [sflag:$0x3], $0x4000, $0x38;
	[tilespmem:$0x1D000] =	vst v63  }
0x44: {  	_ =	swait.ge [sflag:s17], $0x4000  }
0x45: {  	[sflag:s17] =	ssyncset.done $0x0  }
0x46: {  	[sflag:s17] =	ssyncadd.s32 $0xFFFFC000  }
0x47: {  	[bflag:$0x0] =	sbarrier.arrive $0xFFFF  }
0x48: {  	s7 =	rddreg [dreg:$0x4]  }
0x49: {  	s5 =	sadd.s32 $0x0, s7  }
0x4a: {  	[tilespmem:s3], [sflag:$0x3] =	stream.linear.gather [hbm4b:s5+s3], $0x800, $0x38;
	[tilespmem:$0x1D000] =	vst v63  }
0x4b: {  	_ =	swait.ge [sflag:s17], $0x800  }
0x4c: {  	s8 =	rddreg [dreg:$0x3];
	[sflag:s17] =	ssyncset.done $0x0  }
0x4d: {  	[sflag:s17] =	ssyncadd.s32 $0xFFFFF800;
	s5 =	sadd.s32 $0x0, s8  }
0x4e: {  	[tilespmem:s18], [sflag:$0x3] =	stream.linear.gather [hbm4b:s5+s3], $0x800, $0x38;
	[tilespmem:$0x1D000] =	vst v63  }
0x4f: {  	_ =	swait.ge [sflag:s17], $0x800  }
0x50: {  	[sflag:s17] =	ssyncset.done $0x0  }
0x51: {  	[sflag:s17] =	ssyncadd.s32 $0xFFFFF800  }
0x52: {  	[tilespmem:s16], [sflag:$0x1] =	stream.indirect.gather [hbm4b:s9+s19], $0x80, s3, s19, $0xb8;
	[tilespmem:$0x1D000] =	vst v63  }
0x53: {  	_ = 	snop  }
0x54: {  	[tilespmem:s20], [sflag:$0x2] =	stream.indirect.gather [hbm4b:s9+s19], $0x80, s19, s19, $0xb8;
	[tilespmem:$0x1D000] =	vst v63  }
0x55: {  	_ =	swait.ge [sflag:s21], $0x4000  }
0x56: {  	[sflag:s21] =	ssyncset.done $0x0  }
0x57: {  	[sflag:s21] =	ssyncadd.s32 $0xFFFFC000  }
0x58: {  	[spmem:s2] =	stream.indirect.scatter.add.f32 [tilespmem:s16], [sflag:$0x3], $0x80, s18, s19, $0xb8;
	[tilespmem:$0x1D000] =	vst v63  }
0x59: {  	_ =	swait.ge [sflag:s17], $0x4000  }
0x5a: {  	[sflag:s17] =	ssyncset.done $0x0  }
0x5b: {  	s6 =	rddreg [dreg:$0x5];
	[sflag:s17] =	ssyncadd.s32 $0xFFFFC000  }
0x5c: {  	[tilespmem:s16], [sflag:$0x1] =	stream.indirect.gather [hbm4b:s9+s19], $0x80, s6, s19, $0xb8;
	[tilespmem:$0x1D000] =	vst v63  }
0x5d: {  	_ =	swait.ge [sflag:s22], $0x4000  }
0x5e: {  	[sflag:s22] =	ssyncset.done $0x0  }
0x5f: {  	s7 =	rddreg [dreg:$0x6];
	[sflag:s22] =	ssyncadd.s32 $0xFFFFC000  }
0x60: {  	[spmem:s2] =	stream.indirect.scatter.add.f32 [tilespmem:s20], [sflag:$0x3], $0x80, s7, s19, $0xb8;
	[tilespmem:$0x1D000] =	vst v63  }
0x61: {  	_ =	swait.ge [sflag:s17], $0x4000  }
0x62: {  	[sflag:s17] =	ssyncset.done $0x0  }
0x63: {  	s8 =	rddreg [dreg:$0x7];
	[sflag:s17] =	ssyncadd.s32 $0xFFFFC000  }
0x64: {  	[tilespmem:s20], [sflag:$0x2] =	stream.indirect.gather [hbm4b:s9+s19], $0x80, s8, s19, $0xb8;
	[tilespmem:$0x1D000] =	vst v63  }
0x65: {  	_ =	swait.ge [sflag:s21], $0x4000  }
0x66: {  	[sflag:s21] =	ssyncset.done $0x0  }
0x67: {  	s6 =	rddreg [dreg:$0x8];
	[sflag:s21] =	ssyncadd.s32 $0xFFFFC000  }
0x68: {  	[spmem:s2] =	stream.indirect.scatter.add.f32 [tilespmem:s16], [sflag:$0x3], $0x80, s6, s19, $0xb8;
	[tilespmem:$0x1D000] =	vst v63  }
0x69: {  	_ =	swait.ge [sflag:s17], $0x4000  }
0x6a: {  	[sflag:s17] =	ssyncset.done $0x0  }
0x6b: {  	s7 =	rddreg [dreg:$0x9];
	[sflag:s17] =	ssyncadd.s32 $0xFFFFC000  }
0x6c: {  	[tilespmem:s16], [sflag:$0x1] =	stream.indirect.gather [hbm4b:s9+s19], $0x80, s7, s19, $0xb8;
	[tilespmem:$0x1D000] =	vst v63  }
0x6d: {  	_ =	swait.ge [sflag:s22], $0x4000  }
0x6e: {  	[sflag:s22] =	ssyncset.done $0x0  }
0x6f: {  	s8 =	rddreg [dreg:$0xa];
	[sflag:s22] =	ssyncadd.s32 $0xFFFFC000  }
0x70: {  	[spmem:s2] =	stream.indirect.scatter.add.f32 [tilespmem:s20], [sflag:$0x3], $0x80, s8, s19, $0xb8;
	[tilespmem:$0x1D000] =	vst v63  }
0x71: {  	_ =	swait.ge [sflag:s17], $0x4000  }
0x72: {  	[sflag:s17] =	ssyncset.done $0x0  }
0x73: {  	s6 =	rddreg [dreg:$0xb];
	[sflag:s17] =	ssyncadd.s32 $0xFFFFC000  }
0x74: {  	[tilespmem:s20], [sflag:$0x2] =	stream.indirect.gather [hbm4b:s9+s19], $0x80, s6, s19, $0xb8;
	[tilespmem:$0x1D000] =	vst v63  }
0x75: {  	_ =	swait.ge [sflag:s21], $0x4000  }
0x76: {  	[sflag:s21] =	ssyncset.done $0x0  }
0x77: {  	s7 =	rddreg [dreg:$0xc];
	[sflag:s21] =	ssyncadd.s32 $0xFFFFC000  }
0x78: {  	[spmem:s2] =	stream.indirect.scatter.add.f32 [tilespmem:s16], [sflag:$0x3], $0x80, s7, s19, $0xb8;
	[tilespmem:$0x1D000] =	vst v63  }
0x79: {  	_ =	swait.ge [sflag:s17], $0x4000  }
0x7a: {  	[sflag:s17] =	ssyncset.done $0x0  }
0x7b: {  	s8 =	rddreg [dreg:$0xd];
	[sflag:s17] =	ssyncadd.s32 $0xFFFFC000  }
0x7c: {  	[tilespmem:s16], [sflag:$0x1] =	stream.indirect.gather [hbm4b:s9+s19], $0x80, s8, s19, $0xb8;
	[tilespmem:$0x1D000] =	vst v63  }
0x7d: {  	_ =	swait.ge [sflag:s22], $0x4000  }
0x7e: {  	[sflag:s22] =	ssyncset.done $0x0  }
0x7f: {  	s6 =	rddreg [dreg:$0xe];
	[sflag:s22] =	ssyncadd.s32 $0xFFFFC000  }
0x80: {  	[spmem:s2] =	stream.indirect.scatter.add.f32 [tilespmem:s20], [sflag:$0x3], $0x80, s6, s19, $0xb8;
	[tilespmem:$0x1D000] =	vst v63  }
0x81: {  	_ =	swait.ge [sflag:s17], $0x4000  }
0x82: {  	[sflag:s17] =	ssyncset.done $0x0  }
0x83: {  	s7 =	rddreg [dreg:$0xf];
	[sflag:s17] =	ssyncadd.s32 $0xFFFFC000  }
0x84: {  	[tilespmem:s20], [sflag:$0x2] =	stream.indirect.gather [hbm4b:s9+s19], $0x80, s7, s19, $0xb8;
	[tilespmem:$0x1D000] =	vst v63  }
0x85: {  	_ =	swait.ge [sflag:s21], $0x4000  }
0x86: {  	[sflag:s21] =	ssyncset.done $0x0  }
0x87: {  	s8 =	rddreg [dreg:$0x10];
	[sflag:s21] =	ssyncadd.s32 $0xFFFFC000  }
0x88: {  	[spmem:s2] =	stream.indirect.scatter.add.f32 [tilespmem:s16], [sflag:$0x3], $0x80, s8, s19, $0xb8;
	[tilespmem:$0x1D000] =	vst v63  }
0x89: {  	_ =	swait.ge [sflag:s17], $0x4000  }
0x8a: {  	[sflag:s17] =	ssyncset.done $0x0  }
0x8b: {  	[sflag:s17] =	ssyncadd.s32 $0xFFFFC000  }
0x8c: {  	[tilespmem:s16], [sflag:$0x1] =	stream.indirect.gather [hbm4b:s9+s19], $0x80, s23, s19, $0xb8;
	[tilespmem:$0x1D000] =	vst v63  }
0x8d: {  	_ =	swait.ge [sflag:s22], $0x4000  }
0x8e: {  	[sflag:s22] =	ssyncset.done $0x0  }
0x8f: {  	[sflag:s22] =	ssyncadd.s32 $0xFFFFC000  }
0x90: {  	[spmem:s2] =	stream.indirect.scatter.add.f32 [tilespmem:s20], [sflag:$0x3], $0x80, s24, s19, $0xb8;
	[tilespmem:$0x1D000] =	vst v63  }
0x91: {  	_ =	swait.ge [sflag:s17], $0x4000  }
0x92: {  	[sflag:s17] =	ssyncset.done $0x0  }
0x93: {  	[sflag:s17] =	ssyncadd.s32 $0xFFFFC000  }
0x94: {  	[tilespmem:s20], [sflag:$0x2] =	stream.indirect.gather [hbm4b:s9+s19], $0x80, s25, s19, $0xb8;
	[tilespmem:$0x1D000] =	vst v63  }
0x95: {  	_ =	swait.ge [sflag:s21], $0x4000  }
0x96: {  	[sflag:s21] =	ssyncset.done $0x0  }
0x97: {  	[sflag:s21] =	ssyncadd.s32 $0xFFFFC000  }
0x98: {  	[spmem:s2] =	stream.indirect.scatter.add.f32 [tilespmem:s16], [sflag:$0x3], $0x80, s26, s19, $0xb8;
	[tilespmem:$0x1D000] =	vst v63  }
0x99: {  	_ =	swait.ge [sflag:s17], $0x4000  }
0x9a: {  	[sflag:s17] =	ssyncset.done $0x0  }
0x9b: {  	[sflag:s17] =	ssyncadd.s32 $0xFFFFC000  }
0x9c: {  	[tilespmem:s16], [sflag:$0x1] =	stream.indirect.gather [hbm4b:s9+s19], $0x80, s28, s19, $0xb8;
	[tilespmem:$0x1D000] =	vst v63  }
0x9d: {  	_ =	swait.ge [sflag:s22], $0x4000  }
0x9e: {  	[sflag:s22] =	ssyncset.done $0x0  }
0x9f: {  	[sflag:s22] =	ssyncadd.s32 $0xFFFFC000  }
0xa0: {  	[spmem:s2] =	stream.indirect.scatter.add.f32 [tilespmem:s20], [sflag:$0x3], $0x80, s29, s19, $0xb8;
	[tilespmem:$0x1D000] =	vst v63  }
0xa1: {  	_ =	swait.ge [sflag:s17], $0x4000  }
0xa2: {  	[sflag:s17] =	ssyncset.done $0x0  }
0xa3: {  	[sflag:s17] =	ssyncadd.s32 $0xFFFFC000  }
0xa4: {  	[tilespmem:s20], [sflag:$0x2] =	stream.indirect.gather [hbm4b:s9+s19], $0x80, s30, s19, $0xb8;
	[tilespmem:$0x1D000] =	vst v63  }
0xa5: {  	_ =	swait.ge [sflag:s21], $0x4000  }
0xa6: {  	[sflag:s21] =	ssyncset.done $0x0  }
0xa7: {  	[sflag:s21] =	ssyncadd.s32 $0xFFFFC000  }
0xa8: {  	[spmem:s2] =	stream.indirect.scatter.add.f32 [tilespmem:s16], [sflag:$0x3], $0x80, s31, s19, $0xb8;
	[tilespmem:$0x1D000] =	vst v63  }
0xa9: {  	_ =	swait.ge [sflag:s17], $0x4000  }
0xaa: {  	[sflag:s17] =	ssyncset.done $0x0  }
0xab: {  	[sflag:s17] =	ssyncadd.s32 $0xFFFFC000  }
0xac: {  	[tilespmem:s16], [sflag:$0x1] =	stream.indirect.gather [hbm4b:s9+s19], $0x80, s0, s19, $0xb8;
	[tilespmem:$0x1D000] =	vst v63  }
0xad: {  	_ =	swait.ge [sflag:s22], $0x4000  }
0xae: {  	[sflag:s22] =	ssyncset.done $0x0  }
0xaf: {  	[sflag:s22] =	ssyncadd.s32 $0xFFFFC000  }
0xb0: {  	[spmem:s2] =	stream.indirect.scatter.add.f32 [tilespmem:s20], [sflag:$0x3], $0x80, s1, s19, $0xb8;
	[tilespmem:$0x1D000] =	vst v63  }
0xb1: {  	_ =	swait.ge [sflag:s17], $0x4000  }
0xb2: {  	[sflag:s17] =	ssyncset.done $0x0  }
0xb3: {  	[sflag:s17] =	ssyncadd.s32 $0xFFFFC000  }
0xb4: {  	[tilespmem:s20], [sflag:$0x2] =	stream.indirect.gather [hbm4b:s9+s19], $0x80, s10, s19, $0xb8;
	[tilespmem:$0x1D000] =	vst v63  }
0xb5: {  	_ =	swait.ge [sflag:s21], $0x4000  }
0xb6: {  	[sflag:s21] =	ssyncset.done $0x0  }
0xb7: {  	[sflag:s21] =	ssyncadd.s32 $0xFFFFC000  }
0xb8: {  	[spmem:s2] =	stream.indirect.scatter.add.f32 [tilespmem:s16], [sflag:$0x3], $0x80, s11, s19, $0xb8;
	[tilespmem:$0x1D000] =	vst v63  }
0xb9: {  	_ =	swait.ge [sflag:s17], $0x4000  }
0xba: {  	[sflag:s17] =	ssyncset.done $0x0  }
0xbb: {  	[sflag:s17] =	ssyncadd.s32 $0xFFFFC000  }
0xbc: {  	[tilespmem:s16], [sflag:$0x1] =	stream.indirect.gather [hbm4b:s9+s19], $0x80, s12, s19, $0xb8;
	[tilespmem:$0x1D000] =	vst v63  }
0xbd: {  	_ =	swait.ge [sflag:s22], $0x4000  }
0xbe: {  	[sflag:s22] =	ssyncset.done $0x0  }
0xbf: {  	[sflag:s22] =	ssyncadd.s32 $0xFFFFC000  }
0xc0: {  	[spmem:s2] =	stream.indirect.scatter.add.f32 [tilespmem:s20], [sflag:$0x3], $0x80, s13, s19, $0xb8;
	[tilespmem:$0x1D000] =	vst v63  }
0xc1: {  	_ =	swait.ge [sflag:s17], $0x4000  }
0xc2: {  	[sflag:s17] =	ssyncset.done $0x0  }
0xc3: {  	[sflag:s17] =	ssyncadd.s32 $0xFFFFC000  }
0xc4: {  	[tilespmem:s20], [sflag:$0x2] =	stream.indirect.gather [hbm4b:s9+s19], $0x80, s14, s19, $0xb8;
	[tilespmem:$0x1D000] =	vst v63  }
0xc5: {  	_ =	swait.ge [sflag:s21], $0x4000  }
0xc6: {  	[sflag:s21] =	ssyncset.done $0x0  }
0xc7: {  	[sflag:s21] =	ssyncadd.s32 $0xFFFFC000  }
0xc8: {  	[spmem:s2] =	stream.indirect.scatter.add.f32 [tilespmem:s16], [sflag:$0x3], $0x80, s15, s19, $0xb8;
	[tilespmem:$0x1D000] =	vst v63  }
0xc9: {  	_ =	swait.ge [sflag:s17], $0x4000  }
0xca: {  	[sflag:s17] =	ssyncset.done $0x0  }
0xcb: {  	[sflag:s17] =	ssyncadd.s32 $0xFFFFC000  }
0xcc: {  	_ =	swait.ge [sflag:s22], $0x4000  }
0xcd: {  	[sflag:s22] =	ssyncset.done $0x0  }
0xce: {  	[sflag:s22] =	ssyncadd.s32 $0xFFFFC000  }
0xcf: {  	[spmem:s2] =	stream.indirect.scatter.add.f32 [tilespmem:s20], [sflag:$0x3], $0x80, s4, s19, $0xb8;
	[tilespmem:$0x1D000] =	vst v63  }
0xd0: {  	s6 =	simm.s32 $0x100;
	_ =	swait.ge [sflag:s17], $0x4000  }
0xd1: {  	s7 =	simm.s32 $0x200;
	s8 =	rddreg [dreg:$0x4];
	[sflag:s17] =	ssyncset.done $0x0  }
.LBB2_4:
0xd2: {  	[sflag:s17] =	ssyncadd.s32 $0xFFFFC000;
	s8 =	sadd.s32 s6, s8  }
0xd3: {  	[tilespmem:s3], [sflag:$0x3] =	stream.linear.gather [hbm4b:s8+s3], $0x800, $0x38;
	[tilespmem:$0x1D000] =	vst v63  }
0xd4: {  	_ =	swait.ge [sflag:s17], $0x800  }
0xd5: {  	s8 =	rddreg [dreg:$0x3];
	[sflag:s17] =	ssyncset.done $0x0  }
0xd6: {  	[sflag:s17] =	ssyncadd.s32 $0xFFFFF800;
	s8 =	sadd.s32 s6, s8  }
0xd7: {  	[tilespmem:s18], [sflag:$0x3] =	stream.linear.gather [hbm4b:s8+s3], $0x800, $0x38;
	[tilespmem:$0x1D000] =	vst v63  }
0xd8: {  	_ =	swait.ge [sflag:s17], $0x800  }
0xd9: {  	[sflag:s17] =	ssyncset.done $0x0  }
0xda: {  	[sflag:s17] =	ssyncadd.s32 $0xFFFFF800  }
0xdb: {  	[tilespmem:s16], [sflag:$0x1] =	stream.indirect.gather [hbm4b:s9+s19], $0x80, s3, s19, $0xb8;
	[tilespmem:$0x1D000] =	vst v63  }
0xdc: {  	_ = 	snop  }
0xdd: {  	[tilespmem:s20], [sflag:$0x2] =	stream.indirect.gather [hbm4b:s9+s19], $0x80, s19, s19, $0xb8;
	[tilespmem:$0x1D000] =	vst v63  }
0xde: {  	_ =	swait.ge [sflag:s21], $0x4000  }
0xdf: {  	[sflag:s21] =	ssyncset.done $0x0  }
0xe0: {  	[sflag:s21] =	ssyncadd.s32 $0xFFFFC000  }
0xe1: {  	[spmem:s2] =	stream.indirect.scatter.add.f32 [tilespmem:s16], [sflag:$0x3], $0x80, s18, s19, $0xb8;
	[tilespmem:$0x1D000] =	vst v63  }
0xe2: {  	_ =	swait.ge [sflag:s17], $0x4000  }
0xe3: {  	[sflag:s17] =	ssyncset.done $0x0  }
0xe4: {  	s8 =	rddreg [dreg:$0x5];
	[sflag:s17] =	ssyncadd.s32 $0xFFFFC000  }
0xe5: {  	[tilespmem:s16], [sflag:$0x1] =	stream.indirect.gather [hbm4b:s9+s19], $0x80, s8, s19, $0xb8;
	[tilespmem:$0x1D000] =	vst v63  }
0xe6: {  	_ =	swait.ge [sflag:s22], $0x4000  }
0xe7: {  	[sflag:s22] =	ssyncset.done $0x0  }
0xe8: {  	s8 =	rddreg [dreg:$0x6];
	[sflag:s22] =	ssyncadd.s32 $0xFFFFC000  }
0xe9: {  	[spmem:s2] =	stream.indirect.scatter.add.f32 [tilespmem:s20], [sflag:$0x3], $0x80, s8, s19, $0xb8;
	[tilespmem:$0x1D000] =	vst v63  }
0xea: {  	_ =	swait.ge [sflag:s17], $0x4000  }
0xeb: {  	[sflag:s17] =	ssyncset.done $0x0  }
0xec: {  	s8 =	rddreg [dreg:$0x7];
	[sflag:s17] =	ssyncadd.s32 $0xFFFFC000  }
0xed: {  	[tilespmem:s20], [sflag:$0x2] =	stream.indirect.gather [hbm4b:s9+s19], $0x80, s8, s19, $0xb8;
	[tilespmem:$0x1D000] =	vst v63  }
0xee: {  	_ =	swait.ge [sflag:s21], $0x4000  }
0xef: {  	[sflag:s21] =	ssyncset.done $0x0  }
0xf0: {  	s8 =	rddreg [dreg:$0x8];
	[sflag:s21] =	ssyncadd.s32 $0xFFFFC000  }
0xf1: {  	[spmem:s2] =	stream.indirect.scatter.add.f32 [tilespmem:s16], [sflag:$0x3], $0x80, s8, s19, $0xb8;
	[tilespmem:$0x1D000] =	vst v63  }
0xf2: {  	_ =	swait.ge [sflag:s17], $0x4000  }
0xf3: {  	[sflag:s17] =	ssyncset.done $0x0  }
0xf4: {  	s8 =	rddreg [dreg:$0x9];
	[sflag:s17] =	ssyncadd.s32 $0xFFFFC000  }
0xf5: {  	[tilespmem:s16], [sflag:$0x1] =	stream.indirect.gather [hbm4b:s9+s19], $0x80, s8, s19, $0xb8;
	[tilespmem:$0x1D000] =	vst v63  }
0xf6: {  	_ =	swait.ge [sflag:s22], $0x4000  }
0xf7: {  	[sflag:s22] =	ssyncset.done $0x0  }
0xf8: {  	s8 =	rddreg [dreg:$0xa];
	[sflag:s22] =	ssyncadd.s32 $0xFFFFC000  }
0xf9: {  	[spmem:s2] =	stream.indirect.scatter.add.f32 [tilespmem:s20], [sflag:$0x3], $0x80, s8, s19, $0xb8;
	[tilespmem:$0x1D000] =	vst v63  }
0xfa: {  	_ =	swait.ge [sflag:s17], $0x4000  }
0xfb: {  	[sflag:s17] =	ssyncset.done $0x0  }
0xfc: {  	s8 =	rddreg [dreg:$0xb];
	[sflag:s17] =	ssyncadd.s32 $0xFFFFC000  }
0xfd: {  	[tilespmem:s20], [sflag:$0x2] =	stream.indirect.gather [hbm4b:s9+s19], $0x80, s8, s19, $0xb8;
	[tilespmem:$0x1D000] =	vst v63  }
0xfe: {  	_ =	swait.ge [sflag:s21], $0x4000  }
0xff: {  	[sflag:s21] =	ssyncset.done $0x0  }
0x100: {  	s8 =	rddreg [dreg:$0xc];
	[sflag:s21] =	ssyncadd.s32 $0xFFFFC000  }
0x101: {  	[spmem:s2] =	stream.indirect.scatter.add.f32 [tilespmem:s16], [sflag:$0x3], $0x80, s8, s19, $0xb8;
	[tilespmem:$0x1D000] =	vst v63  }
0x102: {  	_ =	swait.ge [sflag:s17], $0x4000  }
0x103: {  	[sflag:s17] =	ssyncset.done $0x0  }
0x104: {  	s8 =	rddreg [dreg:$0xd];
	[sflag:s17] =	ssyncadd.s32 $0xFFFFC000  }
0x105: {  	[tilespmem:s16], [sflag:$0x1] =	stream.indirect.gather [hbm4b:s9+s19], $0x80, s8, s19, $0xb8;
	[tilespmem:$0x1D000] =	vst v63  }
0x106: {  	_ =	swait.ge [sflag:s22], $0x4000  }
0x107: {  	[sflag:s22] =	ssyncset.done $0x0  }
0x108: {  	s8 =	rddreg [dreg:$0xe];
	[sflag:s22] =	ssyncadd.s32 $0xFFFFC000  }
0x109: {  	[spmem:s2] =	stream.indirect.scatter.add.f32 [tilespmem:s20], [sflag:$0x3], $0x80, s8, s19, $0xb8;
	[tilespmem:$0x1D000] =	vst v63  }
0x10a: {  	_ =	swait.ge [sflag:s17], $0x4000  }
0x10b: {  	[sflag:s17] =	ssyncset.done $0x0  }
0x10c: {  	s8 =	rddreg [dreg:$0xf];
	[sflag:s17] =	ssyncadd.s32 $0xFFFFC000  }
0x10d: {  	[tilespmem:s20], [sflag:$0x2] =	stream.indirect.gather [hbm4b:s9+s19], $0x80, s8, s19, $0xb8;
	[tilespmem:$0x1D000] =	vst v63  }
0x10e: {  	_ =	swait.ge [sflag:s21], $0x4000  }
0x10f: {  	[sflag:s21] =	ssyncset.done $0x0  }
0x110: {  	s8 =	rddreg [dreg:$0x10];
	[sflag:s21] =	ssyncadd.s32 $0xFFFFC000  }
0x111: {  	[spmem:s2] =	stream.indirect.scatter.add.f32 [tilespmem:s16], [sflag:$0x3], $0x80, s8, s19, $0xb8;
	[tilespmem:$0x1D000] =	vst v63  }
0x112: {  	_ =	swait.ge [sflag:s17], $0x4000  }
0x113: {  	[sflag:s17] =	ssyncset.done $0x0  }
0x114: {  	[sflag:s17] =	ssyncadd.s32 $0xFFFFC000  }
0x115: {  	[tilespmem:s16], [sflag:$0x1] =	stream.indirect.gather [hbm4b:s9+s19], $0x80, s23, s19, $0xb8;
	[tilespmem:$0x1D000] =	vst v63  }
0x116: {  	_ =	swait.ge [sflag:s22], $0x4000  }
0x117: {  	[sflag:s22] =	ssyncset.done $0x0  }
0x118: {  	[sflag:s22] =	ssyncadd.s32 $0xFFFFC000  }
0x119: {  	[spmem:s2] =	stream.indirect.scatter.add.f32 [tilespmem:s20], [sflag:$0x3], $0x80, s24, s19, $0xb8;
	[tilespmem:$0x1D000] =	vst v63  }
0x11a: {  	_ =	swait.ge [sflag:s17], $0x4000  }
0x11b: {  	[sflag:s17] =	ssyncset.done $0x0  }
0x11c: {  	[sflag:s17] =	ssyncadd.s32 $0xFFFFC000  }
0x11d: {  	[tilespmem:s20], [sflag:$0x2] =	stream.indirect.gather [hbm4b:s9+s19], $0x80, s25, s19, $0xb8;
	[tilespmem:$0x1D000] =	vst v63  }
0x11e: {  	_ =	swait.ge [sflag:s21], $0x4000  }
0x11f: {  	[sflag:s21] =	ssyncset.done $0x0  }
0x120: {  	[sflag:s21] =	ssyncadd.s32 $0xFFFFC000  }
0x121: {  	[spmem:s2] =	stream.indirect.scatter.add.f32 [tilespmem:s16], [sflag:$0x3], $0x80, s26, s19, $0xb8;
	[tilespmem:$0x1D000] =	vst v63  }
0x122: {  	_ =	swait.ge [sflag:s17], $0x4000  }
0x123: {  	[sflag:s17] =	ssyncset.done $0x0  }
0x124: {  	[sflag:s17] =	ssyncadd.s32 $0xFFFFC000  }
0x125: {  	[tilespmem:s16], [sflag:$0x1] =	stream.indirect.gather [hbm4b:s9+s19], $0x80, s28, s19, $0xb8;
	[tilespmem:$0x1D000] =	vst v63  }
0x126: {  	_ =	swait.ge [sflag:s22], $0x4000  }
0x127: {  	[sflag:s22] =	ssyncset.done $0x0  }
0x128: {  	[sflag:s22] =	ssyncadd.s32 $0xFFFFC000  }
0x129: {  	[spmem:s2] =	stream.indirect.scatter.add.f32 [tilespmem:s20], [sflag:$0x3], $0x80, s29, s19, $0xb8;
	[tilespmem:$0x1D000] =	vst v63  }
0x12a: {  	_ =	swait.ge [sflag:s17], $0x4000  }
0x12b: {  	[sflag:s17] =	ssyncset.done $0x0  }
0x12c: {  	[sflag:s17] =	ssyncadd.s32 $0xFFFFC000  }
0x12d: {  	[tilespmem:s20], [sflag:$0x2] =	stream.indirect.gather [hbm4b:s9+s19], $0x80, s30, s19, $0xb8;
	[tilespmem:$0x1D000] =	vst v63  }
0x12e: {  	_ =	swait.ge [sflag:s21], $0x4000  }
0x12f: {  	[sflag:s21] =	ssyncset.done $0x0  }
0x130: {  	[sflag:s21] =	ssyncadd.s32 $0xFFFFC000  }
0x131: {  	[spmem:s2] =	stream.indirect.scatter.add.f32 [tilespmem:s16], [sflag:$0x3], $0x80, s31, s19, $0xb8;
	[tilespmem:$0x1D000] =	vst v63  }
0x132: {  	_ =	swait.ge [sflag:s17], $0x4000  }
0x133: {  	[sflag:s17] =	ssyncset.done $0x0  }
0x134: {  	[sflag:s17] =	ssyncadd.s32 $0xFFFFC000  }
0x135: {  	[tilespmem:s16], [sflag:$0x1] =	stream.indirect.gather [hbm4b:s9+s19], $0x80, s0, s19, $0xb8;
	[tilespmem:$0x1D000] =	vst v63  }
0x136: {  	_ =	swait.ge [sflag:s22], $0x4000  }
0x137: {  	[sflag:s22] =	ssyncset.done $0x0  }
0x138: {  	[sflag:s22] =	ssyncadd.s32 $0xFFFFC000  }
0x139: {  	[spmem:s2] =	stream.indirect.scatter.add.f32 [tilespmem:s20], [sflag:$0x3], $0x80, s1, s19, $0xb8;
	[tilespmem:$0x1D000] =	vst v63  }
0x13a: {  	_ =	swait.ge [sflag:s17], $0x4000  }
0x13b: {  	[sflag:s17] =	ssyncset.done $0x0  }
0x13c: {  	[sflag:s17] =	ssyncadd.s32 $0xFFFFC000  }
0x13d: {  	[tilespmem:s20], [sflag:$0x2] =	stream.indirect.gather [hbm4b:s9+s19], $0x80, s10, s19, $0xb8;
	[tilespmem:$0x1D000] =	vst v63  }
0x13e: {  	_ =	swait.ge [sflag:s21], $0x4000  }
0x13f: {  	[sflag:s21] =	ssyncset.done $0x0  }
0x140: {  	[sflag:s21] =	ssyncadd.s32 $0xFFFFC000  }
0x141: {  	[spmem:s2] =	stream.indirect.scatter.add.f32 [tilespmem:s16], [sflag:$0x3], $0x80, s11, s19, $0xb8;
	[tilespmem:$0x1D000] =	vst v63  }
0x142: {  	_ =	swait.ge [sflag:s17], $0x4000  }
0x143: {  	[sflag:s17] =	ssyncset.done $0x0  }
0x144: {  	[sflag:s17] =	ssyncadd.s32 $0xFFFFC000  }
0x145: {  	[tilespmem:s16], [sflag:$0x1] =	stream.indirect.gather [hbm4b:s9+s19], $0x80, s12, s19, $0xb8;
	[tilespmem:$0x1D000] =	vst v63  }
0x146: {  	_ =	swait.ge [sflag:s22], $0x4000  }
0x147: {  	[sflag:s22] =	ssyncset.done $0x0  }
0x148: {  	[sflag:s22] =	ssyncadd.s32 $0xFFFFC000  }
0x149: {  	[spmem:s2] =	stream.indirect.scatter.add.f32 [tilespmem:s20], [sflag:$0x3], $0x80, s13, s19, $0xb8;
	[tilespmem:$0x1D000] =	vst v63  }
0x14a: {  	_ =	swait.ge [sflag:s17], $0x4000  }
0x14b: {  	[sflag:s17] =	ssyncset.done $0x0  }
0x14c: {  	[sflag:s17] =	ssyncadd.s32 $0xFFFFC000  }
0x14d: {  	[tilespmem:s20], [sflag:$0x2] =	stream.indirect.gather [hbm4b:s9+s19], $0x80, s14, s19, $0xb8;
	[tilespmem:$0x1D000] =	vst v63  }
0x14e: {  	_ =	swait.ge [sflag:s21], $0x4000  }
0x14f: {  	[sflag:s21] =	ssyncset.done $0x0  }
0x150: {  	[sflag:s21] =	ssyncadd.s32 $0xFFFFC000  }
0x151: {  	[spmem:s2] =	stream.indirect.scatter.add.f32 [tilespmem:s16], [sflag:$0x3], $0x80, s15, s19, $0xb8;
	[tilespmem:$0x1D000] =	vst v63  }
0x152: {  	_ =	swait.ge [sflag:s17], $0x4000  }
0x153: {  	[sflag:s17] =	ssyncset.done $0x0  }
0x154: {  	[sflag:s17] =	ssyncadd.s32 $0xFFFFC000  }
0x155: {  	p0 =	sne.s32 s7, $0x900;
	_ =	swait.ge [sflag:s22], $0x4000  }
.Ltmp1:
0x156: {  	[sflag:s22] =	ssyncset.done $0x0;
	(pc) =	sbr.rel @p0 .LBB2_4-.Ltmp1, $4  }
0x157: {  	[sflag:s22] =	ssyncadd.s32 $0xFFFFC000  }
0x158: {  	[spmem:s2] =	stream.indirect.scatter.add.f32 [tilespmem:s20], [sflag:$0x3], $0x80, s4, s19, $0xb8;
	[tilespmem:$0x1D000] =	vst v63  }
0x159: {  	s5 =	smov.u32 s7;
	s7 =	sadd.s32 $0x100, s7;
	_ =	swait.ge [sflag:s17], $0x4000  }
0x15a: {  	s6 =	smov.u32 s5;
	s8 =	rddreg [dreg:$0x4];
	[sflag:s17] =	ssyncset.done $0x0  }
0x15b: {  	[sflag:s17] =	ssyncadd.s32 $0xFFFFC000;
	s5 =	sadd.s32 s6, s8  }
0x15c: {  	[tilespmem:s3], [sflag:$0x3] =	stream.linear.gather [hbm4b:s5+s3], $0x800, $0x38;
	[tilespmem:$0x1D000] =	vst v63  }
0x15d: {  	_ =	swait.ge [sflag:s17], $0x800  }
0x15e: {  	s8 =	rddreg [dreg:$0x3];
	[sflag:s17] =	ssyncset.done $0x0  }
0x15f: {  	[sflag:s17] =	ssyncadd.s32 $0xFFFFF800;
	s5 =	sadd.s32 s6, s8  }
0x160: {  	[tilespmem:s18], [sflag:$0x3] =	stream.linear.gather [hbm4b:s5+s3], $0x800, $0x38;
	[tilespmem:$0x1D000] =	vst v63  }
0x161: {  	_ =	swait.ge [sflag:s17], $0x800  }
0x162: {  	[sflag:s17] =	ssyncset.done $0x0  }
0x163: {  	[sflag:s17] =	ssyncadd.s32 $0xFFFFF800  }
0x164: {  	[tilespmem:s16], [sflag:$0x1] =	stream.indirect.gather [hbm4b:s9+s19], $0x80, s3, s19, $0xb8;
	[tilespmem:$0x1D000] =	vst v63  }
0x165: {  	_ = 	snop  }
0x166: {  	[tilespmem:s20], [sflag:$0x2] =	stream.indirect.gather [hbm4b:s9+s19], $0x80, s19, s19, $0xb8;
	[tilespmem:$0x1D000] =	vst v63  }
0x167: {  	_ =	swait.ge [sflag:s21], $0x4000  }
0x168: {  	[sflag:s21] =	ssyncset.done $0x0  }
0x169: {  	[sflag:s21] =	ssyncadd.s32 $0xFFFFC000  }
0x16a: {  	[spmem:s2] =	stream.indirect.scatter.add.f32 [tilespmem:s16], [sflag:$0x3], $0x80, s18, s19, $0xb8;
	[tilespmem:$0x1D000] =	vst v63  }
0x16b: {  	_ =	swait.ge [sflag:s17], $0x4000  }
0x16c: {  	[sflag:s17] =	ssyncset.done $0x0  }
0x16d: {  	s7 =	rddreg [dreg:$0x5];
	[sflag:s17] =	ssyncadd.s32 $0xFFFFC000  }
0x16e: {  	[tilespmem:s16], [sflag:$0x1] =	stream.indirect.gather [hbm4b:s9+s19], $0x80, s7, s19, $0xb8;
	[tilespmem:$0x1D000] =	vst v63  }
0x16f: {  	_ =	swait.ge [sflag:s22], $0x4000  }
0x170: {  	[sflag:s22] =	ssyncset.done $0x0  }
0x171: {  	s8 =	rddreg [dreg:$0x6];
	[sflag:s22] =	ssyncadd.s32 $0xFFFFC000  }
0x172: {  	[spmem:s2] =	stream.indirect.scatter.add.f32 [tilespmem:s20], [sflag:$0x3], $0x80, s8, s19, $0xb8;
	[tilespmem:$0x1D000] =	vst v63  }
0x173: {  	_ =	swait.ge [sflag:s17], $0x4000  }
0x174: {  	[sflag:s17] =	ssyncset.done $0x0  }
0x175: {  	s6 =	rddreg [dreg:$0x7];
	[sflag:s17] =	ssyncadd.s32 $0xFFFFC000  }
0x176: {  	[tilespmem:s20], [sflag:$0x2] =	stream.indirect.gather [hbm4b:s9+s19], $0x80, s6, s19, $0xb8;
	[tilespmem:$0x1D000] =	vst v63  }
0x177: {  	_ =	swait.ge [sflag:s21], $0x4000  }
0x178: {  	[sflag:s21] =	ssyncset.done $0x0  }
0x179: {  	s7 =	rddreg [dreg:$0x8];
	[sflag:s21] =	ssyncadd.s32 $0xFFFFC000  }
0x17a: {  	[spmem:s2] =	stream.indirect.scatter.add.f32 [tilespmem:s16], [sflag:$0x3], $0x80, s7, s19, $0xb8;
	[tilespmem:$0x1D000] =	vst v63  }
0x17b: {  	_ =	swait.ge [sflag:s17], $0x4000  }
0x17c: {  	[sflag:s17] =	ssyncset.done $0x0  }
0x17d: {  	s8 =	rddreg [dreg:$0x9];
	[sflag:s17] =	ssyncadd.s32 $0xFFFFC000  }
0x17e: {  	[tilespmem:s16], [sflag:$0x1] =	stream.indirect.gather [hbm4b:s9+s19], $0x80, s8, s19, $0xb8;
	[tilespmem:$0x1D000] =	vst v63  }
0x17f: {  	_ =	swait.ge [sflag:s22], $0x4000  }
0x180: {  	[sflag:s22] =	ssyncset.done $0x0  }
0x181: {  	s6 =	rddreg [dreg:$0xa];
	[sflag:s22] =	ssyncadd.s32 $0xFFFFC000  }
0x182: {  	[spmem:s2] =	stream.indirect.scatter.add.f32 [tilespmem:s20], [sflag:$0x3], $0x80, s6, s19, $0xb8;
	[tilespmem:$0x1D000] =	vst v63  }
0x183: {  	_ =	swait.ge [sflag:s17], $0x4000  }
0x184: {  	[sflag:s17] =	ssyncset.done $0x0  }
0x185: {  	s7 =	rddreg [dreg:$0xb];
	[sflag:s17] =	ssyncadd.s32 $0xFFFFC000  }
0x186: {  	[tilespmem:s20], [sflag:$0x2] =	stream.indirect.gather [hbm4b:s9+s19], $0x80, s7, s19, $0xb8;
	[tilespmem:$0x1D000] =	vst v63  }
0x187: {  	_ =	swait.ge [sflag:s21], $0x4000  }
0x188: {  	[sflag:s21] =	ssyncset.done $0x0  }
0x189: {  	s8 =	rddreg [dreg:$0xc];
	[sflag:s21] =	ssyncadd.s32 $0xFFFFC000  }
0x18a: {  	[spmem:s2] =	stream.indirect.scatter.add.f32 [tilespmem:s16], [sflag:$0x3], $0x80, s8, s19, $0xb8;
	[tilespmem:$0x1D000] =	vst v63  }
0x18b: {  	_ =	swait.ge [sflag:s17], $0x4000  }
0x18c: {  	[sflag:s17] =	ssyncset.done $0x0  }
0x18d: {  	s6 =	rddreg [dreg:$0xd];
	[sflag:s17] =	ssyncadd.s32 $0xFFFFC000  }
0x18e: {  	[tilespmem:s16], [sflag:$0x1] =	stream.indirect.gather [hbm4b:s9+s19], $0x80, s6, s19, $0xb8;
	[tilespmem:$0x1D000] =	vst v63  }
0x18f: {  	_ =	swait.ge [sflag:s22], $0x4000  }
0x190: {  	[sflag:s22] =	ssyncset.done $0x0  }
0x191: {  	s7 =	rddreg [dreg:$0xe];
	[sflag:s22] =	ssyncadd.s32 $0xFFFFC000  }
0x192: {  	[spmem:s2] =	stream.indirect.scatter.add.f32 [tilespmem:s20], [sflag:$0x3], $0x80, s7, s19, $0xb8;
	[tilespmem:$0x1D000] =	vst v63  }
0x193: {  	_ =	swait.ge [sflag:s17], $0x4000  }
0x194: {  	[sflag:s17] =	ssyncset.done $0x0  }
0x195: {  	s8 =	rddreg [dreg:$0xf];
	[sflag:s17] =	ssyncadd.s32 $0xFFFFC000  }
0x196: {  	[tilespmem:s20], [sflag:$0x2] =	stream.indirect.gather [hbm4b:s9+s19], $0x80, s8, s19, $0xb8;
	[tilespmem:$0x1D000] =	vst v63  }
0x197: {  	_ =	swait.ge [sflag:s21], $0x4000  }
0x198: {  	[sflag:s21] =	ssyncset.done $0x0  }
0x199: {  	s6 =	rddreg [dreg:$0x10];
	[sflag:s21] =	ssyncadd.s32 $0xFFFFC000  }
0x19a: {  	[spmem:s2] =	stream.indirect.scatter.add.f32 [tilespmem:s16], [sflag:$0x3], $0x80, s6, s19, $0xb8;
	[tilespmem:$0x1D000] =	vst v63  }
0x19b: {  	_ =	swait.ge [sflag:s17], $0x4000  }
0x19c: {  	[sflag:s17] =	ssyncset.done $0x0  }
0x19d: {  	[sflag:s17] =	ssyncadd.s32 $0xFFFFC000  }
0x19e: {  	[tilespmem:s16], [sflag:$0x1] =	stream.indirect.gather [hbm4b:s9+s19], $0x80, s23, s19, $0xb8;
	[tilespmem:$0x1D000] =	vst v63  }
0x19f: {  	_ =	swait.ge [sflag:s22], $0x4000  }
0x1a0: {  	[sflag:s22] =	ssyncset.done $0x0  }
0x1a1: {  	[sflag:s22] =	ssyncadd.s32 $0xFFFFC000  }
0x1a2: {  	[spmem:s2] =	stream.indirect.scatter.add.f32 [tilespmem:s20], [sflag:$0x3], $0x80, s24, s19, $0xb8;
	[tilespmem:$0x1D000] =	vst v63  }
0x1a3: {  	_ =	swait.ge [sflag:s17], $0x4000  }
0x1a4: {  	[sflag:s17] =	ssyncset.done $0x0  }
0x1a5: {  	[sflag:s17] =	ssyncadd.s32 $0xFFFFC000  }
0x1a6: {  	[tilespmem:s20], [sflag:$0x2] =	stream.indirect.gather [hbm4b:s9+s19], $0x80, s25, s19, $0xb8;
	[tilespmem:$0x1D000] =	vst v63  }
0x1a7: {  	_ =	swait.ge [sflag:s21], $0x4000  }
0x1a8: {  	[sflag:s21] =	ssyncset.done $0x0  }
0x1a9: {  	[sflag:s21] =	ssyncadd.s32 $0xFFFFC000  }
0x1aa: {  	[spmem:s2] =	stream.indirect.scatter.add.f32 [tilespmem:s16], [sflag:$0x3], $0x80, s26, s19, $0xb8;
	[tilespmem:$0x1D000] =	vst v63  }
0x1ab: {  	_ =	swait.ge [sflag:s17], $0x4000  }
0x1ac: {  	[sflag:s17] =	ssyncset.done $0x0  }
0x1ad: {  	[sflag:s17] =	ssyncadd.s32 $0xFFFFC000  }
0x1ae: {  	[tilespmem:s16], [sflag:$0x1] =	stream.indirect.gather [hbm4b:s9+s19], $0x80, s28, s19, $0xb8;
	[tilespmem:$0x1D000] =	vst v63  }
0x1af: {  	_ =	swait.ge [sflag:s22], $0x4000  }
0x1b0: {  	[sflag:s22] =	ssyncset.done $0x0  }
0x1b1: {  	[sflag:s22] =	ssyncadd.s32 $0xFFFFC000  }
0x1b2: {  	[spmem:s2] =	stream.indirect.scatter.add.f32 [tilespmem:s20], [sflag:$0x3], $0x80, s29, s19, $0xb8;
	[tilespmem:$0x1D000] =	vst v63  }
0x1b3: {  	_ =	swait.ge [sflag:s17], $0x4000  }
0x1b4: {  	[sflag:s17] =	ssyncset.done $0x0  }
0x1b5: {  	[sflag:s17] =	ssyncadd.s32 $0xFFFFC000  }
0x1b6: {  	[tilespmem:s20], [sflag:$0x2] =	stream.indirect.gather [hbm4b:s9+s19], $0x80, s30, s19, $0xb8;
	[tilespmem:$0x1D000] =	vst v63  }
0x1b7: {  	_ =	swait.ge [sflag:s21], $0x4000  }
0x1b8: {  	[sflag:s21] =	ssyncset.done $0x0  }
0x1b9: {  	[sflag:s21] =	ssyncadd.s32 $0xFFFFC000  }
0x1ba: {  	[spmem:s2] =	stream.indirect.scatter.add.f32 [tilespmem:s16], [sflag:$0x3], $0x80, s31, s19, $0xb8;
	[tilespmem:$0x1D000] =	vst v63  }
0x1bb: {  	_ =	swait.ge [sflag:s17], $0x4000  }
0x1bc: {  	[sflag:s17] =	ssyncset.done $0x0  }
0x1bd: {  	[sflag:s17] =	ssyncadd.s32 $0xFFFFC000  }
0x1be: {  	[tilespmem:s16], [sflag:$0x1] =	stream.indirect.gather [hbm4b:s9+s19], $0x80, s0, s19, $0xb8;
	[tilespmem:$0x1D000] =	vst v63  }
0x1bf: {  	_ =	swait.ge [sflag:s22], $0x4000  }
0x1c0: {  	[sflag:s22] =	ssyncset.done $0x0  }
0x1c1: {  	[sflag:s22] =	ssyncadd.s32 $0xFFFFC000  }
0x1c2: {  	[spmem:s2] =	stream.indirect.scatter.add.f32 [tilespmem:s20], [sflag:$0x3], $0x80, s1, s19, $0xb8;
	[tilespmem:$0x1D000] =	vst v63  }
0x1c3: {  	_ =	swait.ge [sflag:s17], $0x4000  }
0x1c4: {  	[sflag:s17] =	ssyncset.done $0x0  }
0x1c5: {  	[sflag:s17] =	ssyncadd.s32 $0xFFFFC000  }
0x1c6: {  	[tilespmem:s20], [sflag:$0x2] =	stream.indirect.gather [hbm4b:s9+s19], $0x80, s10, s19, $0xb8;
	[tilespmem:$0x1D000] =	vst v63  }
0x1c7: {  	_ =	swait.ge [sflag:s21], $0x4000  }
0x1c8: {  	[sflag:s21] =	ssyncset.done $0x0  }
0x1c9: {  	[sflag:s21] =	ssyncadd.s32 $0xFFFFC000  }
0x1ca: {  	[spmem:s2] =	stream.indirect.scatter.add.f32 [tilespmem:s16], [sflag:$0x3], $0x80, s11, s19, $0xb8;
	[tilespmem:$0x1D000] =	vst v63  }
0x1cb: {  	_ =	swait.ge [sflag:s17], $0x4000  }
0x1cc: {  	[sflag:s17] =	ssyncset.done $0x0  }
0x1cd: {  	[sflag:s17] =	ssyncadd.s32 $0xFFFFC000  }
0x1ce: {  	[tilespmem:s16], [sflag:$0x1] =	stream.indirect.gather [hbm4b:s9+s19], $0x80, s12, s19, $0xb8;
	[tilespmem:$0x1D000] =	vst v63  }
0x1cf: {  	_ =	swait.ge [sflag:s22], $0x4000  }
0x1d0: {  	[sflag:s22] =	ssyncset.done $0x0  }
0x1d1: {  	[sflag:s22] =	ssyncadd.s32 $0xFFFFC000  }
0x1d2: {  	[spmem:s2] =	stream.indirect.scatter.add.f32 [tilespmem:s20], [sflag:$0x3], $0x80, s13, s19, $0xb8;
	[tilespmem:$0x1D000] =	vst v63  }
0x1d3: {  	_ =	swait.ge [sflag:s17], $0x4000  }
0x1d4: {  	[sflag:s17] =	ssyncset.done $0x0  }
0x1d5: {  	[sflag:s17] =	ssyncadd.s32 $0xFFFFC000  }
0x1d6: {  	[tilespmem:s20], [sflag:$0x2] =	stream.indirect.gather [hbm4b:s9+s19], $0x80, s14, s19, $0xb8;
	[tilespmem:$0x1D000] =	vst v63  }
0x1d7: {  	_ =	swait.ge [sflag:s21], $0x4000  }
0x1d8: {  	[sflag:s21] =	ssyncset.done $0x0  }
0x1d9: {  	[sflag:s21] =	ssyncadd.s32 $0xFFFFC000  }
0x1da: {  	[spmem:s2] =	stream.indirect.scatter.add.f32 [tilespmem:s16], [sflag:$0x3], $0x80, s15, s19, $0xb8;
	[tilespmem:$0x1D000] =	vst v63  }
0x1db: {  	_ =	swait.ge [sflag:s17], $0x4000  }
0x1dc: {  	[sflag:s17] =	ssyncset.done $0x0  }
0x1dd: {  	[sflag:s17] =	ssyncadd.s32 $0xFFFFC000  }
0x1de: {  	_ =	swait.ge [sflag:s22], $0x4000  }
0x1df: {  	[sflag:s22] =	ssyncset.done $0x0  }
0x1e0: {  	[sflag:s22] =	ssyncadd.s32 $0xFFFFC000  }
0x1e1: {  	[spmem:s2] =	stream.indirect.scatter.add.f32 [tilespmem:s20], [sflag:$0x3], $0x80, s4, s19, $0xb8;
	[tilespmem:$0x1D000] =	vst v63  }
0x1e2: {  	_ =	swait.ge [sflag:s17], $0x4000  }
0x1e3: {  	[sflag:s17] =	ssyncset.done $0x0  }
0x1e4: {  	[sflag:s17] =	ssyncadd.s32 $0xFFFFC000  }
0x1e5: {  	s7 =	stileid.u32;
	[bflag:$0x0] =	sbarrier.arrive $0xFFFF  }
0x1e6: {  	s5 =	sshll.u32 s7, $0x6;
	s8 =	rddreg [dreg:$0x11]  }
0x1e7: {  	s5 =	sor.u32 $0x1C03, s5;
	s7 =	rddreg [dreg:$0x16];
	s6 =	sshrl.u32 s8, $0x3  }
0x1e8: {  	[hbm:s7], [sflag:s5] =	dma.local [spmem:s6], $0x800  }
0x1e9: {  	_ =	swait.ge [sflag:s17], $0x800  }
0x1ea: {  	[sflag:s17] =	ssyncset.done $0x0;
	s7 =	rddreg [dreg:$0x12]  }
0x1eb: {  	s8 =	rddreg [dreg:$0x17];
	[sflag:s17] =	ssyncadd.s32 $0xFFFFF800;
	s6 =	sshrl.u32 s7, $0x3  }
0x1ec: {  	[hbm:s8], [sflag:s5] =	dma.local [spmem:s6], $0x800  }
0x1ed: {  	_ =	swait.ge [sflag:s17], $0x800  }
0x1ee: {  	[sflag:s17] =	ssyncset.done $0x0;
	s7 =	rddreg [dreg:$0x13]  }
0x1ef: {  	s8 =	rddreg [dreg:$0x18];
	[sflag:s17] =	ssyncadd.s32 $0xFFFFF800;
	s6 =	sshrl.u32 s7, $0x3  }
0x1f0: {  	[hbm:s8], [sflag:s5] =	dma.local [spmem:s6], $0x800  }
0x1f1: {  	_ =	swait.ge [sflag:s17], $0x800  }
0x1f2: {  	[sflag:s17] =	ssyncset.done $0x0;
	s7 =	rddreg [dreg:$0x14]  }
0x1f3: {  	s8 =	rddreg [dreg:$0x19];
	[sflag:s17] =	ssyncadd.s32 $0xFFFFF800;
	s6 =	sshrl.u32 s7, $0x3  }
0x1f4: {  	[hbm:s8], [sflag:s5] =	dma.local [spmem:s6], $0x800  }
0x1f5: {  	_ =	swait.ge [sflag:s17], $0x800  }
0x1f6: {  	[sflag:s17] =	ssyncset.done $0x0;
	s7 =	rddreg [dreg:$0x15]  }
0x1f7: {  	s8 =	rddreg [dreg:$0x1a];
	[sflag:s17] =	ssyncadd.s32 $0xFFFFF800;
	s6 =	sshrl.u32 s7, $0x3  }
0x1f8: {  	[hbm:s8], [sflag:s5] =	dma.local [spmem:s6], $0x800  }
0x1f9: {  	_ =	swait.ge [sflag:s17], $0x800  }
0x1fa: {  	s7 =	rddreg [dreg:$0x1c]  }
0x1fb: {  	s8 =	rddreg [dreg:$0x1b];
	s6 =	sadd.s32 $0x1, s7  }
0x1fc: {  	p0 =	sne.s32 s6, s8  }
.Ltmp2:
0x1fd: {  	_ = 	snop;
	(pc) =	sbr.rel @p0 .LBB2_1-.Ltmp2, $3  }
0x1fe: {  	_ =	sdelay $0x1  }
0x1ff: {  	[sflag:s17] =	ssyncset.done $0x0  }
0x200: {  	[sflag:s17] =	ssyncadd.s32 $0xFFFFF800  }
0x201: {  	_ =	sfence.sel $0x180000  }
0x202: {  	[bflag:$0x0] =	sbarrier.arrive $0xFFFF  }
0x203: {  	_ =	strace $0x9000004A  }
0x204: {  	s0 =	stileid.u32;
	[bflag:$0x2] =	sbarrier.arrive $0xFFFF  }
0x205: {  	p0 =	sne.s32 s0, $0x0;
	s0 =	rddreg [dreg:$0x2]  }
0x206: {  	s0 =	sadd.s32 @!p0 $0x100000, s0  }
0x207: {  	[sflag:s0] =	ssyncadd.tile.s32 @!p0 $0x1;
	_ =	shalt  }
.Lfunc_end2:
_tile_overlayer_lowered:
.L_overlay_start_2:
0x208: {  	(tag) =	ssettag $0x2  }
0x209: {  	s0 =	rddreg [dreg:$0x0];
	s2 =	stileid.u32  }
0x20a: {  	s1 =	rddreg [dreg:$0x1];
	p0 =	sne.s32 s2, $0x0  }
0x20b: {  	s3 =	rddreg [dreg:$0x2];
	[bflag:$0x3] =	sbarrier.arrive $0xFFFF;
	s2 =	simm.s32 @!p0 $0x1C03  }
0x20c: {  	[timem:s3], [sflag:s2] =	dma.local @!p0 [hbm:s0], s1  }
0x20d: {  	s0 =	simm.s32 @!p0 $0x3  }
0x20e: {  	_ =	swait.ge @!p0 [sflag:s0], s1  }
0x20f: {  	s1 =	ssub.s32 @!p0 $0x0, s1;
	[sflag:s0] =	ssyncset.done @!p0 $0x0  }
0x210: {  	[sflag:s0] =	ssyncadd.s32 @!p0 s1  }
0x211: {  	[bflag:$0x3] =	sbarrier.arrive $0xFFFF  }
0x212: {  	_ =	shalt  }

// kernel: kernel.9.cloned.1.call-start
scs
__scs_entry_jumppad:
0x0: {  	(pc) =	sbr.rel $0x88, $3  }
0x1: {  	(tag) =	ssettag $0x0;
	lr =	simm.s32 $0x1  }
0x2: {  	[smem:$0x3F81] =	sst lr;
	_ =	strace $0xD0000000  }
0x3: {  	_ = 	snop  }
0x4: {  	_ = 	snop  }
0x5: {  	_ = 	snop  }
0x6: {  	_ = 	snop  }
0x7: {  	_ = 	snop  }
__scs_overlays_trampoline_lowered:
0x8: {  	[smem:$0x3F90] =	sst s0  }
0x9: {  	[smem:$0x3F91] =	sst s1  }
0xa: {  	[smem:$0x3F92] =	sst s2  }
0xb: {  	[smem:$0x3F93] =	sst s3  }
0xc: {  	[smem:$0x3F94] =	sst s4  }
0xd: {  	[smem:$0x3F95] =	sst s5  }
0xe: {  	[smem:$0x3F96] =	sst s6  }
0xf: {  	[smem:$0x3F97] =	sst s7  }
0x10: {  	[smem:$0x3F98] =	sst s8  }
0x11: {  	[smem:$0x3F99] =	sst s9;
	s0 =	simm.s32 @!p0 $0x0  }
0x12: {  	s1 =	sld [smem:$0x3F7F];
	s0 =	simm.s32 @p0 $0x1  }
0x13: {  	[smem:$0x3F9A] =	sst s0;
	s0 =	simm.s32 @!p1 $0x0  }
0x14: {  	s2 =	sld [smem:$0x3F7E];
	s0 =	simm.s32 @p1 $0x1  }
0x15: {  	[smem:$0x3F9B] =	sst s0;
	s0 =	simm.s32 @!p2 $0x0  }
0x16: {  	s3 =	sld [smem:$0x3FDB];
	s0 =	simm.s32 @p2 $0x1  }
0x17: {  	s4 =	simm.s32 $0x1BF5;
	[smem:$0x3F9D] =	sst s0  }
0x18: {  	s0 =	sld [smem:$0x3F80];
	_ =	swait.ge [sflag:s4], $0x0  }
0x19: {  	s7 =	sld [smem:$0x3F81]  }
0x1a: {  	s8 =	sadd.s32 $0xFFFFE003, lr  }
0x1b: {  	s9 =	sadd.s32 $0xFFFFFEF7, lr;
	s5 =	simm.s32 $0xFFFFFFFF;
	p2 =	slt.u32 s8, $0xFFFFF086  }
0x1c: {  	p1 =	slt.u32 s9, $0xF7A;
	s5 =	simm.s32 @!p2 $0x0  }
0x1d: {  	s5 =	simm.s32 @p1 $0x1;
	p0 =	seq.s32 s7, s2  }
0x1e: {  	s7 =	smul.u32 @!p0 $0xF7A, s2;
	p2 =	seq.s32 @!p0 s5, $0x0  }
0x1f: {  	s9 =	smul.u32 $0xF7A, s1;
	s8 =	simm.s32 @!p0 $0x1BF5;
	p2 =	por !p2, p0  }
0x20: {  	[sflag:s8] =	ssyncset.s32 @!p0 $0xFFFFF086;
	s6 =	sadd.s32 @!p0 s3, s7;
	s7 =	simm.s32 @!p0 $0x108  }
0x21: {  	s3 =	sadd.s32 s3, s9;
	s6 =	sadd.s32 @!p0 $0x88, s6;
	s7 =	simm.s32 @p2 $0x1082  }
0x22: {  	[simem:s7], [sflag:s8] =	dma.local @!p0 [hbm:s6], $0xF7A  }
0x23: {  	s9 =	sor.u32 $0xD0000000, s2;
	s6 =	simm.s32 $0x108;
	_ =	swait.ge @!p0 [sflag:s8], $0x0  }
0x24: {  	s3 =	sadd.s32 $0x88, s3;
	s6 =	simm.s32 @!p1 $0x1082;
	[sflag:s4] =	ssyncset.s32 $0xFFFFF086  }
0x25: {  	[simem:s6], [sflag:s4] =	dma.local [hbm:s3], $0xF7A  }
0x26: {  	[smem:$0x3F81] =	sst s1;
	(tag) =	ssettag s2;
	_ =	strace s9  }
0x27: {  	s1 =	sld [smem:$0x3F91]  }
0x28: {  	s2 =	sld [smem:$0x3F92]  }
0x29: {  	s4 =	sld [smem:$0x3F94]  }
0x2a: {  	p0 =	seq.s32 s5, $0x0;
	s5 =	sld [smem:$0x3F95]  }
0x2b: {  	s6 =	sld [smem:$0x3F96]  }
0x2c: {  	s7 =	sld [smem:$0x3F97]  }
0x2d: {  	s3 =	simm.s32 $0x108;
	s8 =	sld [smem:$0x3F98]  }
0x2e: {  	s3 =	simm.s32 @!p0 $0x1082;
	s9 =	sld [smem:$0x3F99]  }
0x2f: {  	lr =	sadd.s32 s0, s3;
	s0 =	sld [smem:$0x3F90]  }
0x30: {  	s3 =	sld [smem:$0x3F93]  }
0x31: {  	[smem:$0x3F9C] =	sst s10  }
0x32: {  	s10 =	sld [smem:$0x3F9A];
	_ =	sdelay $0x3  }
0x33: {  	p0 =	seq.s32 s10, $0x1;
	s10 =	sld [smem:$0x3F9C];
	_ =	sdelay $0x3  }
0x34: {  	[smem:$0x3F9C] =	sst s10  }
0x35: {  	s10 =	sld [smem:$0x3F9B];
	_ =	sdelay $0x3  }
0x36: {  	p1 =	seq.s32 s10, $0x1;
	s10 =	sld [smem:$0x3F9C];
	_ =	sdelay $0x3  }
0x37: {  	[smem:$0x3F9C] =	sst s10  }
0x38: {  	s10 =	sld [smem:$0x3F9D]  }
0x39: {  	_ = 	snop;
	(pc) =	sbr.ind lr, $3  }
0x3a: {  	_ = 	snop  }
0x3b: {  	_ = 	snop  }
0x3c: {  	p2 =	seq.s32 s10, $0x1;
	s10 =	sld [smem:$0x3F9C]  }
0x3d: {  	_ =	shalt  }
0x3e: {  	_ =	shalt  }
0x3f: {  	_ =	shalt  }
0x40: {  	_ =	shalt  }
0x41: {  	_ =	shalt  }
0x42: {  	_ =	shalt  }
0x43: {  	_ =	shalt  }
0x44: {  	_ =	shalt  }
0x45: {  	_ =	shalt  }
0x46: {  	_ =	shalt  }
0x47: {  	_ =	shalt  }
0x48: {  	_ =	shalt  }
0x49: {  	_ =	shalt  }
0x4a: {  	_ =	shalt  }
0x4b: {  	_ =	shalt  }
0x4c: {  	_ =	shalt  }
0x4d: {  	_ =	shalt  }
0x4e: {  	_ =	shalt  }
0x4f: {  	_ =	shalt  }
0x50: {  	_ =	shalt  }
0x51: {  	_ =	shalt  }
0x52: {  	_ =	shalt  }
0x53: {  	_ =	shalt  }
0x54: {  	_ =	shalt  }
0x55: {  	_ =	shalt  }
0x56: {  	_ =	shalt  }
0x57: {  	_ =	shalt  }
0x58: {  	_ =	shalt  }
0x59: {  	_ =	shalt  }
0x5a: {  	_ =	shalt  }
0x5b: {  	_ =	shalt  }
0x5c: {  	_ =	shalt  }
0x5d: {  	_ =	shalt  }
0x5e: {  	_ =	shalt  }
0x5f: {  	_ =	shalt  }
0x60: {  	_ =	shalt  }
0x61: {  	_ =	shalt  }
0x62: {  	_ =	shalt  }
0x63: {  	_ =	shalt  }
0x64: {  	_ =	shalt  }
0x65: {  	_ =	shalt  }
0x66: {  	_ =	shalt  }
0x67: {  	_ =	shalt  }
0x68: {  	_ =	shalt  }
0x69: {  	_ =	shalt  }
0x6a: {  	_ =	shalt  }
0x6b: {  	_ =	shalt  }
0x6c: {  	_ =	shalt  }
0x6d: {  	_ =	shalt  }
0x6e: {  	_ =	shalt  }
0x6f: {  	_ =	shalt  }
0x70: {  	_ =	shalt  }
0x71: {  	_ =	shalt  }
0x72: {  	_ =	shalt  }
0x73: {  	_ =	shalt  }
0x74: {  	_ =	shalt  }
0x75: {  	_ =	shalt  }
0x76: {  	_ =	shalt  }
0x77: {  	_ =	shalt  }
0x78: {  	_ =	shalt  }
0x79: {  	_ =	shalt  }
0x7a: {  	_ =	shalt  }
0x7b: {  	_ =	shalt  }
0x7c: {  	_ =	shalt  }
0x7d: {  	_ =	shalt  }
0x7e: {  	_ =	shalt  }
0x7f: {  	_ =	shalt  }
0x80: {  	_ =	shalt  }
0x81: {  	_ =	shalt  }
0x82: {  	_ =	shalt  }
0x83: {  	_ =	shalt  }
0x84: {  	_ =	shalt  }
0x85: {  	_ =	shalt  }
0x86: {  	_ =	shalt  }
0x87: {  	_ =	shalt  }
.Lfunc_end0:
.L_simem_size_0:
called_computation_lowered:
.L_overlay_start_0:
0x88: {  	s2 =	sld [smem:$0x3FD9]  }
0x89: {  	s3 =	sld [smem:$0x3FFE];
	_ =	sdelay $0x1  }
0x8a: {  	s1 =	srdreg.scid  }
0x8b: {  	s0 =	sand.u32 $0x1, s1  }
0x8c: {  	s16 =	sshll.u32 s0, $0xA;
	s2 =	sadd.s32 s3, s2  }
0x8d: {  	s2 =	sadd.s32 s2, s16  }
0x8e: {  	[smem:$0x3FA8] =	sst s2  }
0x8f: {  	_ = 	snop  }
0x90: {  	(tm) =	ssettm $0x1  }
0x91: {  	s17 =	sld [smem:$0x3FFB];
	_ =	sdelay $0x3  }
0x92: {  	_ =	strace s17  }
0x93: {  	s2 =	sld [smem:$0x3FFC];
	_ =	sdelay $0x3  }
0x94: {  	_ =	strace s2  }
0x95: {  	s2 =	sld [smem:$0x3FFD];
	_ =	sdelay $0x3  }
0x96: {  	_ =	strace s2  }
0x97: {  	_ =	strace $0x8FFFFFFF  }
0x98: {  	s18 =	sld [smem:$0x3FDB];
	_ =	sdelay $0x1  }
0x99: {  	s19 =	simm.s32 $_scs_section_size  }
0x9a: {  	s4 =	simm.s32 $_size__tile_overlayer_lowered;
	s5 =	simm.s32 $_tile_overlayer_lowered  }
0x9b: {  	s22 =	simm.s32 $0x1BFF;
	s21 =	sshll.u32 s5, $0x1;
	s2 =	sadd.s32 s19, s18  }
0x9c: {  	s6 =	simm.s32 $0x0;
	s20 =	sshll.u32 s4, $0x1;
	s4 =	sadd.s32 s21, s2  }
0x9d: {  	[timem:s6], [sflag:s22] =	dma.local [hbm:s4], s20  }
0x9e: {  	_ =	swait.ge [sflag:s22], s20  }
0x9f: {  	s3 =	ssub.s32 $0x0, s20;
	[sflag:s22] =	ssyncset.done $0x0  }
0xa0: {  	[sflag:s22] =	ssyncadd.s32 s3;
	_ =	sdelay $0x1  }
0xa1: {  	s23 =	simm.s32 $0x1B8B  }
0xa2: {  	_ =	swait.ge [sflag:s23], $0x1  }
0xa3: {  	[sflag:s23] =	ssyncset.done $0x0  }
0xa4: {  	s25 =	simm.s32 $0x1B8E;
	s24 =	sld [smem:$0x3FFE];
	[sflag:s23] =	ssyncadd.s32 $0xFFFFFFFF  }
0xa5: {  	s26 =	simm.s32 $execute0_lowered;
	[smem:$0x3FD2] =	sst s25  }
0xa6: {  	s4 =	sshll.u32 s26, $0x1;
	_ =	strace $0x80000046;
	[dreg:$0x1] =	wrdreg $0xFFFFFFFF  }
0xa7: {  	s28 =	simm.s32 $_size_execute0_lowered;
	s2 =	sadd.s32 s2, s4;
	[dreg:$0x0] =	wrdreg $0x0  }
0xa8: {  	s4 =	sshll.u32 s28, $0x1;
	[dreg:$0x2] =	wrdreg s2  }
0xa9: {  	[dreg:$0x3] =	wrdreg s4  }
0xaa: {  	[dreg:$0x4] =	wrdreg $0xC0  }
0xab: {  	_ =	task [dreg:s6], $0x5FFFF  }
0xac: {  	[dreg:$0x1] =	wrdreg $0xFFFFFFFF  }
0xad: {  	[dreg:$0x0] =	wrdreg $0x60  }
0xae: {  	[dreg:$0x2] =	wrdreg s24  }
0xaf: {  	[dreg:$0x3] =	wrdreg $0x90000  }
0xb0: {  	[dreg:$0x4] =	wrdreg $0x9  }
0xb1: {  	_ =	task.clear_ibuf [dreg:s6], $0x5FFFF;
	_ =	strace $0x90000046  }
0xb2: {  	s29 =	simm.s32 $0x9;
	_ =	strace $0x80000048  }
0xb3: {  	_ =	swait.ge [sflag:s29], $0x1  }
0xb4: {  	[sflag:s29] =	ssyncadd.s32 $0xFFFFFFFF  }
0xb5: {  	_ =	strace $0x90000048  }
0xb6: {  	_ =	sfence  }
0xb7: {  	s30 =	sld [smem:$0x0];
	_ =	sdelay $0x2  }
0xb8: {  	s31 =	sshll.u32 s1, $0xD;
	s1 =	sshrl.u32 s1, $0x2  }
0xb9: {  	s3 =	sand.u32 $0x4000, s31;
	s1 =	sadd.s32 s1, s30  }
0xba: {  	s0 =	sor.u32 s3, s0;
	s1 =	sshll.u32 s1, $0x11  }
0xbb: {  	s0 =	sor.u32 s1, s0  }
0xbc: {  	s0 =	sadd.s32 $0x8F2B, s0  }
0xbd: {  	[sflag:s0] =	ssyncadd.remote.s32 $0x1  }
0xbe: {  	_ =	sfence.sel $0xFFFF  }
0xbf: {  	[dreg:$0x0] =	wrdreg $0xFFFFFFFF;
	(pc) =	sbr.abs _section_cstart, $3  }
0xc0: {  	[dreg:$0x1] =	wrdreg $0xFFFFFFFF  }
0xc1: {  	_ =	task.clear_ibuf [dreg:s6], $0x2FFFF;
	_ =	strace $0x9FFFFFFF  }
0xc2: {  	(tm) =	ssettm $0x7FFFFFFF  }
0xc3: {  	_ =	shalt  }
tec
execute0_lowered:
.L_overlay_start_1:
0x0: {  	(tag) =	ssettag $0x1  }
0x1: {  	s0 =	rddreg [dreg:$0x0]  }
0x2: {  	s2 =	rddreg [dreg:$0x1];
	s1 =	srdreg.scid  }
0x3: {  	s8 =	stileid.u32;
	s3 =	simm.s32 $0x0;
	s14 =	simm.s32 $0x100  }
0x4: {  	s15 =	simm.s32 $0x880;
	s16 =	simm.s32 $0x180;
	s17 =	simm.s32 $0x900  }
0x5: {  	s28 =	simm.s32 $0x500;
	s29 =	simm.s32 $0xC80;
	s30 =	simm.s32 $0x580  }
0x6: {  	s31 =	simm.s32 $0xD00;
	s6 =	smul.u32 $0x5000, s8;
	[smem:$0x7FF] =	sst s3  }
0x7: {  	s18 =	smul.u32 $0x50000, s8;
	_ =	strace $0x80000047;
	[dreg:$0x5] =	wrdreg s14  }
0x8: {  	s1 =	sand.u32 $0x1, s1;
	s8 =	smul.u32 $0x14000, s8;
	[dreg:$0x6] =	wrdreg s15  }
0x9: {  	s4 =	smul.u32 $0x50000, s1;
	s5 =	sxor.u32 $0x1, s1;
	[dreg:$0x7] =	wrdreg s16  }
0xa: {  	s7 =	ssub.s32 $0x2, s1;
	s1 =	smul.u32 $0x140000, s1;
	[dreg:$0x8] =	wrdreg s17  }
0xb: {  	s16 =	simm.s32 $0x1000;
	s17 =	simm.s32 $0x3;
	s14 =	simm.s32 $0x780  }
0xc: {  	s15 =	simm.s32 $0xF00;
	s5 =	smul.u32 $0x28000, s5;
	s9 =	sshrl.u32 s7, $0x1  }
0xd: {  	s19 =	sadd.s32 $0x4000, s8;
	s10 =	sadd.s32 $0x8000, s8;
	s11 =	sadd.s32 $0xC000, s8  }
0xe: {  	s12 =	sadd.s32 $0x10000, s8;
	s4 =	sadd.s32 s6, s4;
	s6 =	sshrl.u32 s18, $0x2  }
0xf: {  	s7 =	ssub.s32 s7, s9;
	s20 =	sadd.s32 s19, s2;
	s21 =	sadd.s32 s10, s2  }
0x10: {  	s22 =	sadd.s32 s11, s2;
	s23 =	sadd.s32 s12, s2;
	s8 =	sadd.s32 s8, s1  }
0x11: {  	s26 =	sadd.s32 s1, s10;
	s13 =	sadd.s32 s1, s11;
	[dreg:$0x12] =	wrdreg s20  }
0x12: {  	s18 =	simm.s32 $0x200;
	s11 =	simm.s32 $0xE00;
	[dreg:$0x13] =	wrdreg s21  }
0x13: {  	s5 =	sadd.s32 s5, s0;
	s4 =	sshrl.u32 s4, $0x3;
	[dreg:$0x14] =	wrdreg s22  }
0x14: {  	s6 =	sadd.s32 s6, s2;
	[dreg:$0x15] =	wrdreg s23;
	s24 =	sshrl.u32 s8, $0x3  }
0x15: {  	s8 =	sshrl.u32 s26, $0x3;
	[dreg:$0x9] =	wrdreg s18;
	s20 =	smax.u32 s7, $0x1  }
0x16: {  	s21 =	simm.s32 $0x280;
	s22 =	simm.s32 $0xA00;
	s23 =	simm.s32 $0x300  }
0x17: {  	s18 =	simm.s32 $0x800;
	s26 =	simm.s32 $0xB00;
	[dreg:$0x11] =	wrdreg s6  }
0x18: {  	s4 =	sadd.s32 s4, s0;
	s0 =	sadd.s32 $0xCD800, s0;
	[dreg:$0x1b] =	wrdreg s20  }
0x19: {  	s9 =	sadd.s32 $0x55800, s5;
	s6 =	sadd.s32 s1, s19;
	[dreg:$0xb] =	wrdreg s21  }
0x1a: {  	s1 =	sadd.s32 s1, s12;
	s19 =	simm.s32 $0x980;
	[dreg:$0xc] =	wrdreg s22  }
0x1b: {  	[dreg:$0xd] =	wrdreg s23;
	s20 =	simm.s32 $0x5000;
	s21 =	simm.s32 $0x1  }
0x1c: {  	s22 =	simm.s32 $0x2;
	[dreg:$0x10] =	wrdreg s26;
	s23 =	simm.s32 $0x400  }
0x1d: {  	s26 =	simm.s32 $0xC00;
	s12 =	simm.s32 $0x700;
	s5 =	sadd.s32 s0, s24  }
0x1e: {  	s25 =	sshrl.u32 s6, $0x3;
	s10 =	sadd.s32 $0xB9800, s4;
	[dreg:$0xa] =	wrdreg s19  }
0x1f: {  	s4 =	sadd.s32 $0xA5800, s4;
	s1 =	sshrl.u32 s1, $0x3;
	[dreg:$0x16] =	wrdreg s5  }
0x20: {  	s24 =	simm.s32 $0xA80;
	s19 =	simm.s32 $0x80;
	[dreg:$0x3] =	wrdreg s10  }
0x21: {  	s6 =	simm.s32 $0x0;
	s5 =	sadd.s32 s0, s25;
	[dreg:$0x4] =	wrdreg s4  }
0x22: {  	[dreg:$0xe] =	wrdreg s24;
	s25 =	simm.s32 $0x380;
	s24 =	simm.s32 $0xB80  }
0x23: {  	s10 =	simm.s32 $0x680;
	[dreg:$0x17] =	wrdreg s5;
	s5 =	sadd.s32 s0, s8  }
0x24: {  	s4 =	simm.s32 $0xF80;
	[dreg:$0x18] =	wrdreg s5;
	s5 =	sshrl.u32 s13, $0x3  }
0x25: {  	[dreg:$0xf] =	wrdreg s25;
	s25 =	simm.s32 $0x480;
	s5 =	sadd.s32 s0, s5  }
0x26: {  	s13 =	simm.s32 $0xE80;
	s0 =	sadd.s32 s0, s1;
	[dreg:$0x19] =	wrdreg s5  }
0x27: {  	v0 =	vimm.f32 $0.0e+00;
	s1 =	simm.s32 $0xD80;
	[dreg:$0x1a] =	wrdreg s0;
	s0 =	simm.s32 $0x600  }
.LBB2_1:
0x28: {  	s8 =	sand.u32 $0xFE00, s3  }
0x29: {  	[dreg:$0x1c] =	wrdreg s6;
	s7 =	sand.u32 $0x70, s3;
	s8 =	sshrl.u32 s8, $0x2  }
0x2a: {  	s6 =	simm.s32 $0x40;
	s8 =	sor.u32 s7, s8;
	s7 =	simm.s32 $0x0  }
.LBB2_2:
0x2b: {  	p0 =	sne.s32 s6, $0xFFC0  }
0x2c: {  	[tilespmem:s8+$0x1000] =	vst v0;
	s7 =	sadd.s32 $0x10, s7;
	s8 =	smov.u32 s6;
	s6 =	sadd.s32 $0x40, s6  }
.Ltmp0:
0x2d: {  	(pc) =	sbr.rel @p0 .LBB2_2-.Ltmp0, $4  }
0x2e: {  	_ = 	snop  }
0x2f: {  	s8 =	sand.u32 $0xFE00, s8  }
0x30: {  	s5 =	sand.u32 $0x70, s7;
	s8 =	sshrl.u32 s8, $0x2  }
0x31: {  	s8 =	sor.u32 s5, s8  }
0x32: {  	[tilespmem:s8+$0x1000] =	vst v0;
	s5 =	rddreg [dreg:$0x11]  }
0x33: {  	[spmem:s5] =	stream.linear.scatter [tilespmem:s16], [sflag:$0x3], $0x4000, $0x38;
	[tilespmem:$0x1D000] =	vst v63  }
0x34: {  	_ =	swait.ge [sflag:s17], $0x4000  }
0x35: {  	[sflag:s17] =	ssyncset.done $0x0  }
0x36: {  	s6 =	rddreg [dreg:$0x12];
	[sflag:s17] =	ssyncadd.s32 $0xFFFFC000  }
0x37: {  	[spmem:s6] =	stream.linear.scatter [tilespmem:s16], [sflag:$0x3], $0x4000, $0x38;
	[tilespmem:$0x1D000] =	vst v63  }
0x38: {  	_ =	swait.ge [sflag:s17], $0x4000  }
0x39: {  	[sflag:s17] =	ssyncset.done $0x0  }
0x3a: {  	s7 =	rddreg [dreg:$0x13];
	[sflag:s17] =	ssyncadd.s32 $0xFFFFC000  }
0x3b: {  	[spmem:s7] =	stream.linear.scatter [tilespmem:s16], [sflag:$0x3], $0x4000, $0x38;
	[tilespmem:$0x1D000] =	vst v63  }
0x3c: {  	_ =	swait.ge [sflag:s17], $0x4000  }
0x3d: {  	[sflag:s17] =	ssyncset.done $0x0  }
0x3e: {  	s8 =	rddreg [dreg:$0x14];
	[sflag:s17] =	ssyncadd.s32 $0xFFFFC000  }
0x3f: {  	[spmem:s8] =	stream.linear.scatter [tilespmem:s16], [sflag:$0x3], $0x4000, $0x38;
	[tilespmem:$0x1D000] =	vst v63  }
0x40: {  	_ =	swait.ge [sflag:s17], $0x4000  }
0x41: {  	[sflag:s17] =	ssyncset.done $0x0  }
0x42: {  	s6 =	rddreg [dreg:$0x15];
	[sflag:s17] =	ssyncadd.s32 $0xFFFFC000  }
0x43: {  	[spmem:s6] =	stream.linear.scatter [tilespmem:s16], [sflag:$0x3], $0x4000, $0x38;
	[tilespmem:$0x1D000] =	vst v63  }
0x44: {  	_ =	swait.ge [sflag:s17], $0x4000  }
0x45: {  	[sflag:s17] =	ssyncset.done $0x0  }
0x46: {  	[sflag:s17] =	ssyncadd.s32 $0xFFFFC000  }
0x47: {  	[bflag:$0x0] =	sbarrier.arrive $0xFFFF  }
0x48: {  	s7 =	rddreg [dreg:$0x4]  }
0x49: {  	s5 =	sadd.s32 $0x0, s7  }
0x4a: {  	[tilespmem:s3], [sflag:$0x3] =	stream.linear.gather [hbm4b:s5+s3], $0x800, $0x38;
	[tilespmem:$0x1D000] =	vst v63  }
0x4b: {  	_ =	swait.ge [sflag:s17], $0x800  }
0x4c: {  	s8 =	rddreg [dreg:$0x3];
	[sflag:s17] =	ssyncset.done $0x0  }
0x4d: {  	[sflag:s17] =	ssyncadd.s32 $0xFFFFF800;
	s5 =	sadd.s32 $0x0, s8  }
0x4e: {  	[tilespmem:s18], [sflag:$0x3] =	stream.linear.gather [hbm4b:s5+s3], $0x800, $0x38;
	[tilespmem:$0x1D000] =	vst v63  }
0x4f: {  	_ =	swait.ge [sflag:s17], $0x800  }
0x50: {  	[sflag:s17] =	ssyncset.done $0x0  }
0x51: {  	[sflag:s17] =	ssyncadd.s32 $0xFFFFF800  }
0x52: {  	[tilespmem:s16], [sflag:$0x1] =	stream.indirect.gather [hbm4b:s9+s19], $0x80, s3, s19, $0xb8;
	[tilespmem:$0x1D000] =	vst v63  }
0x53: {  	_ = 	snop  }
0x54: {  	[tilespmem:s20], [sflag:$0x2] =	stream.indirect.gather [hbm4b:s9+s19], $0x80, s19, s19, $0xb8;
	[tilespmem:$0x1D000] =	vst v63  }
0x55: {  	_ =	swait.ge [sflag:s21], $0x4000  }
0x56: {  	[sflag:s21] =	ssyncset.done $0x0  }
0x57: {  	[sflag:s21] =	ssyncadd.s32 $0xFFFFC000  }
0x58: {  	[spmem:s2] =	stream.indirect.scatter.add.f32 [tilespmem:s16], [sflag:$0x3], $0x80, s18, s19, $0xb8;
	[tilespmem:$0x1D000] =	vst v63  }
0x59: {  	_ =	swait.ge [sflag:s17], $0x4000  }
0x5a: {  	[sflag:s17] =	ssyncset.done $0x0  }
0x5b: {  	s6 =	rddreg [dreg:$0x5];
	[sflag:s17] =	ssyncadd.s32 $0xFFFFC000  }
0x5c: {  	[tilespmem:s16], [sflag:$0x1] =	stream.indirect.gather [hbm4b:s9+s19], $0x80, s6, s19, $0xb8;
	[tilespmem:$0x1D000] =	vst v63  }
0x5d: {  	_ =	swait.ge [sflag:s22], $0x4000  }
0x5e: {  	[sflag:s22] =	ssyncset.done $0x0  }
0x5f: {  	s7 =	rddreg [dreg:$0x6];
	[sflag:s22] =	ssyncadd.s32 $0xFFFFC000  }
0x60: {  	[spmem:s2] =	stream.indirect.scatter.add.f32 [tilespmem:s20], [sflag:$0x3], $0x80, s7, s19, $0xb8;
	[tilespmem:$0x1D000] =	vst v63  }
0x61: {  	_ =	swait.ge [sflag:s17], $0x4000  }
0x62: {  	[sflag:s17] =	ssyncset.done $0x0  }
0x63: {  	s8 =	rddreg [dreg:$0x7];
	[sflag:s17] =	ssyncadd.s32 $0xFFFFC000  }
0x64: {  	[tilespmem:s20], [sflag:$0x2] =	stream.indirect.gather [hbm4b:s9+s19], $0x80, s8, s19, $0xb8;
	[tilespmem:$0x1D000] =	vst v63  }
0x65: {  	_ =	swait.ge [sflag:s21], $0x4000  }
0x66: {  	[sflag:s21] =	ssyncset.done $0x0  }
0x67: {  	s6 =	rddreg [dreg:$0x8];
	[sflag:s21] =	ssyncadd.s32 $0xFFFFC000  }
0x68: {  	[spmem:s2] =	stream.indirect.scatter.add.f32 [tilespmem:s16], [sflag:$0x3], $0x80, s6, s19, $0xb8;
	[tilespmem:$0x1D000] =	vst v63  }
0x69: {  	_ =	swait.ge [sflag:s17], $0x4000  }
0x6a: {  	[sflag:s17] =	ssyncset.done $0x0  }
0x6b: {  	s7 =	rddreg [dreg:$0x9];
	[sflag:s17] =	ssyncadd.s32 $0xFFFFC000  }
0x6c: {  	[tilespmem:s16], [sflag:$0x1] =	stream.indirect.gather [hbm4b:s9+s19], $0x80, s7, s19, $0xb8;
	[tilespmem:$0x1D000] =	vst v63  }
0x6d: {  	_ =	swait.ge [sflag:s22], $0x4000  }
0x6e: {  	[sflag:s22] =	ssyncset.done $0x0  }
0x6f: {  	s8 =	rddreg [dreg:$0xa];
	[sflag:s22] =	ssyncadd.s32 $0xFFFFC000  }
0x70: {  	[spmem:s2] =	stream.indirect.scatter.add.f32 [tilespmem:s20], [sflag:$0x3], $0x80, s8, s19, $0xb8;
	[tilespmem:$0x1D000] =	vst v63  }
0x71: {  	_ =	swait.ge [sflag:s17], $0x4000  }
0x72: {  	[sflag:s17] =	ssyncset.done $0x0  }
0x73: {  	s6 =	rddreg [dreg:$0xb];
	[sflag:s17] =	ssyncadd.s32 $0xFFFFC000  }
0x74: {  	[tilespmem:s20], [sflag:$0x2] =	stream.indirect.gather [hbm4b:s9+s19], $0x80, s6, s19, $0xb8;
	[tilespmem:$0x1D000] =	vst v63  }
0x75: {  	_ =	swait.ge [sflag:s21], $0x4000  }
0x76: {  	[sflag:s21] =	ssyncset.done $0x0  }
0x77: {  	s7 =	rddreg [dreg:$0xc];
	[sflag:s21] =	ssyncadd.s32 $0xFFFFC000  }
0x78: {  	[spmem:s2] =	stream.indirect.scatter.add.f32 [tilespmem:s16], [sflag:$0x3], $0x80, s7, s19, $0xb8;
	[tilespmem:$0x1D000] =	vst v63  }
0x79: {  	_ =	swait.ge [sflag:s17], $0x4000  }
0x7a: {  	[sflag:s17] =	ssyncset.done $0x0  }
0x7b: {  	s8 =	rddreg [dreg:$0xd];
	[sflag:s17] =	ssyncadd.s32 $0xFFFFC000  }
0x7c: {  	[tilespmem:s16], [sflag:$0x1] =	stream.indirect.gather [hbm4b:s9+s19], $0x80, s8, s19, $0xb8;
	[tilespmem:$0x1D000] =	vst v63  }
0x7d: {  	_ =	swait.ge [sflag:s22], $0x4000  }
0x7e: {  	[sflag:s22] =	ssyncset.done $0x0  }
0x7f: {  	s6 =	rddreg [dreg:$0xe];
	[sflag:s22] =	ssyncadd.s32 $0xFFFFC000  }
0x80: {  	[spmem:s2] =	stream.indirect.scatter.add.f32 [tilespmem:s20], [sflag:$0x3], $0x80, s6, s19, $0xb8;
	[tilespmem:$0x1D000] =	vst v63  }
0x81: {  	_ =	swait.ge [sflag:s17], $0x4000  }
0x82: {  	[sflag:s17] =	ssyncset.done $0x0  }
0x83: {  	s7 =	rddreg [dreg:$0xf];
	[sflag:s17] =	ssyncadd.s32 $0xFFFFC000  }
0x84: {  	[tilespmem:s20], [sflag:$0x2] =	stream.indirect.gather [hbm4b:s9+s19], $0x80, s7, s19, $0xb8;
	[tilespmem:$0x1D000] =	vst v63  }
0x85: {  	_ =	swait.ge [sflag:s21], $0x4000  }
0x86: {  	[sflag:s21] =	ssyncset.done $0x0  }
0x87: {  	s8 =	rddreg [dreg:$0x10];
	[sflag:s21] =	ssyncadd.s32 $0xFFFFC000  }
0x88: {  	[spmem:s2] =	stream.indirect.scatter.add.f32 [tilespmem:s16], [sflag:$0x3], $0x80, s8, s19, $0xb8;
	[tilespmem:$0x1D000] =	vst v63  }
0x89: {  	_ =	swait.ge [sflag:s17], $0x4000  }
0x8a: {  	[sflag:s17] =	ssyncset.done $0x0  }
0x8b: {  	[sflag:s17] =	ssyncadd.s32 $0xFFFFC000  }
0x8c: {  	[tilespmem:s16], [sflag:$0x1] =	stream.indirect.gather [hbm4b:s9+s19], $0x80, s23, s19, $0xb8;
	[tilespmem:$0x1D000] =	vst v63  }
0x8d: {  	_ =	swait.ge [sflag:s22], $0x4000  }
0x8e: {  	[sflag:s22] =	ssyncset.done $0x0  }
0x8f: {  	[sflag:s22] =	ssyncadd.s32 $0xFFFFC000  }
0x90: {  	[spmem:s2] =	stream.indirect.scatter.add.f32 [tilespmem:s20], [sflag:$0x3], $0x80, s24, s19, $0xb8;
	[tilespmem:$0x1D000] =	vst v63  }
0x91: {  	_ =	swait.ge [sflag:s17], $0x4000  }
0x92: {  	[sflag:s17] =	ssyncset.done $0x0  }
0x93: {  	[sflag:s17] =	ssyncadd.s32 $0xFFFFC000  }
0x94: {  	[tilespmem:s20], [sflag:$0x2] =	stream.indirect.gather [hbm4b:s9+s19], $0x80, s25, s19, $0xb8;
	[tilespmem:$0x1D000] =	vst v63  }
0x95: {  	_ =	swait.ge [sflag:s21], $0x4000  }
0x96: {  	[sflag:s21] =	ssyncset.done $0x0  }
0x97: {  	[sflag:s21] =	ssyncadd.s32 $0xFFFFC000  }
0x98: {  	[spmem:s2] =	stream.indirect.scatter.add.f32 [tilespmem:s16], [sflag:$0x3], $0x80, s26, s19, $0xb8;
	[tilespmem:$0x1D000] =	vst v63  }
0x99: {  	_ =	swait.ge [sflag:s17], $0x4000  }
0x9a: {  	[sflag:s17] =	ssyncset.done $0x0  }
0x9b: {  	[sflag:s17] =	ssyncadd.s32 $0xFFFFC000  }
0x9c: {  	[tilespmem:s16], [sflag:$0x1] =	stream.indirect.gather [hbm4b:s9+s19], $0x80, s28, s19, $0xb8;
	[tilespmem:$0x1D000] =	vst v63  }
0x9d: {  	_ =	swait.ge [sflag:s22], $0x4000  }
0x9e: {  	[sflag:s22] =	ssyncset.done $0x0  }
0x9f: {  	[sflag:s22] =	ssyncadd.s32 $0xFFFFC000  }
0xa0: {  	[spmem:s2] =	stream.indirect.scatter.add.f32 [tilespmem:s20], [sflag:$0x3], $0x80, s29, s19, $0xb8;
	[tilespmem:$0x1D000] =	vst v63  }
0xa1: {  	_ =	swait.ge [sflag:s17], $0x4000  }
0xa2: {  	[sflag:s17] =	ssyncset.done $0x0  }
0xa3: {  	[sflag:s17] =	ssyncadd.s32 $0xFFFFC000  }
0xa4: {  	[tilespmem:s20], [sflag:$0x2] =	stream.indirect.gather [hbm4b:s9+s19], $0x80, s30, s19, $0xb8;
	[tilespmem:$0x1D000] =	vst v63  }
0xa5: {  	_ =	swait.ge [sflag:s21], $0x4000  }
0xa6: {  	[sflag:s21] =	ssyncset.done $0x0  }
0xa7: {  	[sflag:s21] =	ssyncadd.s32 $0xFFFFC000  }
0xa8: {  	[spmem:s2] =	stream.indirect.scatter.add.f32 [tilespmem:s16], [sflag:$0x3], $0x80, s31, s19, $0xb8;
	[tilespmem:$0x1D000] =	vst v63  }
0xa9: {  	_ =	swait.ge [sflag:s17], $0x4000  }
0xaa: {  	[sflag:s17] =	ssyncset.done $0x0  }
0xab: {  	[sflag:s17] =	ssyncadd.s32 $0xFFFFC000  }
0xac: {  	[tilespmem:s16], [sflag:$0x1] =	stream.indirect.gather [hbm4b:s9+s19], $0x80, s0, s19, $0xb8;
	[tilespmem:$0x1D000] =	vst v63  }
0xad: {  	_ =	swait.ge [sflag:s22], $0x4000  }
0xae: {  	[sflag:s22] =	ssyncset.done $0x0  }
0xaf: {  	[sflag:s22] =	ssyncadd.s32 $0xFFFFC000  }
0xb0: {  	[spmem:s2] =	stream.indirect.scatter.add.f32 [tilespmem:s20], [sflag:$0x3], $0x80, s1, s19, $0xb8;
	[tilespmem:$0x1D000] =	vst v63  }
0xb1: {  	_ =	swait.ge [sflag:s17], $0x4000  }
0xb2: {  	[sflag:s17] =	ssyncset.done $0x0  }
0xb3: {  	[sflag:s17] =	ssyncadd.s32 $0xFFFFC000  }
0xb4: {  	[tilespmem:s20], [sflag:$0x2] =	stream.indirect.gather [hbm4b:s9+s19], $0x80, s10, s19, $0xb8;
	[tilespmem:$0x1D000] =	vst v63  }
0xb5: {  	_ =	swait.ge [sflag:s21], $0x4000  }
0xb6: {  	[sflag:s21] =	ssyncset.done $0x0  }
0xb7: {  	[sflag:s21] =	ssyncadd.s32 $0xFFFFC000  }
0xb8: {  	[spmem:s2] =	stream.indirect.scatter.add.f32 [tilespmem:s16], [sflag:$0x3], $0x80, s11, s19, $0xb8;
	[tilespmem:$0x1D000] =	vst v63  }
0xb9: {  	_ =	swait.ge [sflag:s17], $0x4000  }
0xba: {  	[sflag:s17] =	ssyncset.done $0x0  }
0xbb: {  	[sflag:s17] =	ssyncadd.s32 $0xFFFFC000  }
0xbc: {  	[tilespmem:s16], [sflag:$0x1] =	stream.indirect.gather [hbm4b:s9+s19], $0x80, s12, s19, $0xb8;
	[tilespmem:$0x1D000] =	vst v63  }
0xbd: {  	_ =	swait.ge [sflag:s22], $0x4000  }
0xbe: {  	[sflag:s22] =	ssyncset.done $0x0  }
0xbf: {  	[sflag:s22] =	ssyncadd.s32 $0xFFFFC000  }
0xc0: {  	[spmem:s2] =	stream.indirect.scatter.add.f32 [tilespmem:s20], [sflag:$0x3], $0x80, s13, s19, $0xb8;
	[tilespmem:$0x1D000] =	vst v63  }
0xc1: {  	_ =	swait.ge [sflag:s17], $0x4000  }
0xc2: {  	[sflag:s17] =	ssyncset.done $0x0  }
0xc3: {  	[sflag:s17] =	ssyncadd.s32 $0xFFFFC000  }
0xc4: {  	[tilespmem:s20], [sflag:$0x2] =	stream.indirect.gather [hbm4b:s9+s19], $0x80, s14, s19, $0xb8;
	[tilespmem:$0x1D000] =	vst v63  }
0xc5: {  	_ =	swait.ge [sflag:s21], $0x4000  }
0xc6: {  	[sflag:s21] =	ssyncset.done $0x0  }
0xc7: {  	[sflag:s21] =	ssyncadd.s32 $0xFFFFC000  }
0xc8: {  	[spmem:s2] =	stream.indirect.scatter.add.f32 [tilespmem:s16], [sflag:$0x3], $0x80, s15, s19, $0xb8;
	[tilespmem:$0x1D000] =	vst v63  }
0xc9: {  	_ =	swait.ge [sflag:s17], $0x4000  }
0xca: {  	[sflag:s17] =	ssyncset.done $0x0  }
0xcb: {  	[sflag:s17] =	ssyncadd.s32 $0xFFFFC000  }
0xcc: {  	_ =	swait.ge [sflag:s22], $0x4000  }
0xcd: {  	[sflag:s22] =	ssyncset.done $0x0  }
0xce: {  	[sflag:s22] =	ssyncadd.s32 $0xFFFFC000  }
0xcf: {  	[spmem:s2] =	stream.indirect.scatter.add.f32 [tilespmem:s20], [sflag:$0x3], $0x80, s4, s19, $0xb8;
	[tilespmem:$0x1D000] =	vst v63  }
0xd0: {  	s6 =	simm.s32 $0x100;
	_ =	swait.ge [sflag:s17], $0x4000  }
0xd1: {  	s7 =	simm.s32 $0x200;
	s8 =	rddreg [dreg:$0x4];
	[sflag:s17] =	ssyncset.done $0x0  }
.LBB2_4:
0xd2: {  	[sflag:s17] =	ssyncadd.s32 $0xFFFFC000;
	s8 =	sadd.s32 s6, s8  }
0xd3: {  	[tilespmem:s3], [sflag:$0x3] =	stream.linear.gather [hbm4b:s8+s3], $0x800, $0x38;
	[tilespmem:$0x1D000] =	vst v63  }
0xd4: {  	_ =	swait.ge [sflag:s17], $0x800  }
0xd5: {  	s8 =	rddreg [dreg:$0x3];
	[sflag:s17] =	ssyncset.done $0x0  }
0xd6: {  	[sflag:s17] =	ssyncadd.s32 $0xFFFFF800;
	s8 =	sadd.s32 s6, s8  }
0xd7: {  	[tilespmem:s18], [sflag:$0x3] =	stream.linear.gather [hbm4b:s8+s3], $0x800, $0x38;
	[tilespmem:$0x1D000] =	vst v63  }
0xd8: {  	_ =	swait.ge [sflag:s17], $0x800  }
0xd9: {  	[sflag:s17] =	ssyncset.done $0x0  }
0xda: {  	[sflag:s17] =	ssyncadd.s32 $0xFFFFF800  }
0xdb: {  	[tilespmem:s16], [sflag:$0x1] =	stream.indirect.gather [hbm4b:s9+s19], $0x80, s3, s19, $0xb8;
	[tilespmem:$0x1D000] =	vst v63  }
0xdc: {  	_ = 	snop  }
0xdd: {  	[tilespmem:s20], [sflag:$0x2] =	stream.indirect.gather [hbm4b:s9+s19], $0x80, s19, s19, $0xb8;
	[tilespmem:$0x1D000] =	vst v63  }
0xde: {  	_ =	swait.ge [sflag:s21], $0x4000  }
0xdf: {  	[sflag:s21] =	ssyncset.done $0x0  }
0xe0: {  	[sflag:s21] =	ssyncadd.s32 $0xFFFFC000  }
0xe1: {  	[spmem:s2] =	stream.indirect.scatter.add.f32 [tilespmem:s16], [sflag:$0x3], $0x80, s18, s19, $0xb8;
	[tilespmem:$0x1D000] =	vst v63  }
0xe2: {  	_ =	swait.ge [sflag:s17], $0x4000  }
0xe3: {  	[sflag:s17] =	ssyncset.done $0x0  }
0xe4: {  	s8 =	rddreg [dreg:$0x5];
	[sflag:s17] =	ssyncadd.s32 $0xFFFFC000  }
0xe5: {  	[tilespmem:s16], [sflag:$0x1] =	stream.indirect.gather [hbm4b:s9+s19], $0x80, s8, s19, $0xb8;
	[tilespmem:$0x1D000] =	vst v63  }
0xe6: {  	_ =	swait.ge [sflag:s22], $0x4000  }
0xe7: {  	[sflag:s22] =	ssyncset.done $0x0  }
0xe8: {  	s8 =	rddreg [dreg:$0x6];
	[sflag:s22] =	ssyncadd.s32 $0xFFFFC000  }
0xe9: {  	[spmem:s2] =	stream.indirect.scatter.add.f32 [tilespmem:s20], [sflag:$0x3], $0x80, s8, s19, $0xb8;
	[tilespmem:$0x1D000] =	vst v63  }
0xea: {  	_ =	swait.ge [sflag:s17], $0x4000  }
0xeb: {  	[sflag:s17] =	ssyncset.done $0x0  }
0xec: {  	s8 =	rddreg [dreg:$0x7];
	[sflag:s17] =	ssyncadd.s32 $0xFFFFC000  }
0xed: {  	[tilespmem:s20], [sflag:$0x2] =	stream.indirect.gather [hbm4b:s9+s19], $0x80, s8, s19, $0xb8;
	[tilespmem:$0x1D000] =	vst v63  }
0xee: {  	_ =	swait.ge [sflag:s21], $0x4000  }
0xef: {  	[sflag:s21] =	ssyncset.done $0x0  }
0xf0: {  	s8 =	rddreg [dreg:$0x8];
	[sflag:s21] =	ssyncadd.s32 $0xFFFFC000  }
0xf1: {  	[spmem:s2] =	stream.indirect.scatter.add.f32 [tilespmem:s16], [sflag:$0x3], $0x80, s8, s19, $0xb8;
	[tilespmem:$0x1D000] =	vst v63  }
0xf2: {  	_ =	swait.ge [sflag:s17], $0x4000  }
0xf3: {  	[sflag:s17] =	ssyncset.done $0x0  }
0xf4: {  	s8 =	rddreg [dreg:$0x9];
	[sflag:s17] =	ssyncadd.s32 $0xFFFFC000  }
0xf5: {  	[tilespmem:s16], [sflag:$0x1] =	stream.indirect.gather [hbm4b:s9+s19], $0x80, s8, s19, $0xb8;
	[tilespmem:$0x1D000] =	vst v63  }
0xf6: {  	_ =	swait.ge [sflag:s22], $0x4000  }
0xf7: {  	[sflag:s22] =	ssyncset.done $0x0  }
0xf8: {  	s8 =	rddreg [dreg:$0xa];
	[sflag:s22] =	ssyncadd.s32 $0xFFFFC000  }
0xf9: {  	[spmem:s2] =	stream.indirect.scatter.add.f32 [tilespmem:s20], [sflag:$0x3], $0x80, s8, s19, $0xb8;
	[tilespmem:$0x1D000] =	vst v63  }
0xfa: {  	_ =	swait.ge [sflag:s17], $0x4000  }
0xfb: {  	[sflag:s17] =	ssyncset.done $0x0  }
0xfc: {  	s8 =	rddreg [dreg:$0xb];
	[sflag:s17] =	ssyncadd.s32 $0xFFFFC000  }
0xfd: {  	[tilespmem:s20], [sflag:$0x2] =	stream.indirect.gather [hbm4b:s9+s19], $0x80, s8, s19, $0xb8;
	[tilespmem:$0x1D000] =	vst v63  }
0xfe: {  	_ =	swait.ge [sflag:s21], $0x4000  }
0xff: {  	[sflag:s21] =	ssyncset.done $0x0  }
0x100: {  	s8 =	rddreg [dreg:$0xc];
	[sflag:s21] =	ssyncadd.s32 $0xFFFFC000  }
0x101: {  	[spmem:s2] =	stream.indirect.scatter.add.f32 [tilespmem:s16], [sflag:$0x3], $0x80, s8, s19, $0xb8;
	[tilespmem:$0x1D000] =	vst v63  }
0x102: {  	_ =	swait.ge [sflag:s17], $0x4000  }
0x103: {  	[sflag:s17] =	ssyncset.done $0x0  }
0x104: {  	s8 =	rddreg [dreg:$0xd];
	[sflag:s17] =	ssyncadd.s32 $0xFFFFC000  }
0x105: {  	[tilespmem:s16], [sflag:$0x1] =	stream.indirect.gather [hbm4b:s9+s19], $0x80, s8, s19, $0xb8;
	[tilespmem:$0x1D000] =	vst v63  }
0x106: {  	_ =	swait.ge [sflag:s22], $0x4000  }
0x107: {  	[sflag:s22] =	ssyncset.done $0x0  }
0x108: {  	s8 =	rddreg [dreg:$0xe];
	[sflag:s22] =	ssyncadd.s32 $0xFFFFC000  }
0x109: {  	[spmem:s2] =	stream.indirect.scatter.add.f32 [tilespmem:s20], [sflag:$0x3], $0x80, s8, s19, $0xb8;
	[tilespmem:$0x1D000] =	vst v63  }
0x10a: {  	_ =	swait.ge [sflag:s17], $0x4000  }
0x10b: {  	[sflag:s17] =	ssyncset.done $0x0  }
0x10c: {  	s8 =	rddreg [dreg:$0xf];
	[sflag:s17] =	ssyncadd.s32 $0xFFFFC000  }
0x10d: {  	[tilespmem:s20], [sflag:$0x2] =	stream.indirect.gather [hbm4b:s9+s19], $0x80, s8, s19, $0xb8;
	[tilespmem:$0x1D000] =	vst v63  }
0x10e: {  	_ =	swait.ge [sflag:s21], $0x4000  }
0x10f: {  	[sflag:s21] =	ssyncset.done $0x0  }
0x110: {  	s8 =	rddreg [dreg:$0x10];
	[sflag:s21] =	ssyncadd.s32 $0xFFFFC000  }
0x111: {  	[spmem:s2] =	stream.indirect.scatter.add.f32 [tilespmem:s16], [sflag:$0x3], $0x80, s8, s19, $0xb8;
	[tilespmem:$0x1D000] =	vst v63  }
0x112: {  	_ =	swait.ge [sflag:s17], $0x4000  }
0x113: {  	[sflag:s17] =	ssyncset.done $0x0  }
0x114: {  	[sflag:s17] =	ssyncadd.s32 $0xFFFFC000  }
0x115: {  	[tilespmem:s16], [sflag:$0x1] =	stream.indirect.gather [hbm4b:s9+s19], $0x80, s23, s19, $0xb8;
	[tilespmem:$0x1D000] =	vst v63  }
0x116: {  	_ =	swait.ge [sflag:s22], $0x4000  }
0x117: {  	[sflag:s22] =	ssyncset.done $0x0  }
0x118: {  	[sflag:s22] =	ssyncadd.s32 $0xFFFFC000  }
0x119: {  	[spmem:s2] =	stream.indirect.scatter.add.f32 [tilespmem:s20], [sflag:$0x3], $0x80, s24, s19, $0xb8;
	[tilespmem:$0x1D000] =	vst v63  }
0x11a: {  	_ =	swait.ge [sflag:s17], $0x4000  }
0x11b: {  	[sflag:s17] =	ssyncset.done $0x0  }
0x11c: {  	[sflag:s17] =	ssyncadd.s32 $0xFFFFC000  }
0x11d: {  	[tilespmem:s20], [sflag:$0x2] =	stream.indirect.gather [hbm4b:s9+s19], $0x80, s25, s19, $0xb8;
	[tilespmem:$0x1D000] =	vst v63  }
0x11e: {  	_ =	swait.ge [sflag:s21], $0x4000  }
0x11f: {  	[sflag:s21] =	ssyncset.done $0x0  }
0x120: {  	[sflag:s21] =	ssyncadd.s32 $0xFFFFC000  }
0x121: {  	[spmem:s2] =	stream.indirect.scatter.add.f32 [tilespmem:s16], [sflag:$0x3], $0x80, s26, s19, $0xb8;
	[tilespmem:$0x1D000] =	vst v63  }
0x122: {  	_ =	swait.ge [sflag:s17], $0x4000  }
0x123: {  	[sflag:s17] =	ssyncset.done $0x0  }
0x124: {  	[sflag:s17] =	ssyncadd.s32 $0xFFFFC000  }
0x125: {  	[tilespmem:s16], [sflag:$0x1] =	stream.indirect.gather [hbm4b:s9+s19], $0x80, s28, s19, $0xb8;
	[tilespmem:$0x1D000] =	vst v63  }
0x126: {  	_ =	swait.ge [sflag:s22], $0x4000  }
0x127: {  	[sflag:s22] =	ssyncset.done $0x0  }
0x128: {  	[sflag:s22] =	ssyncadd.s32 $0xFFFFC000  }
0x129: {  	[spmem:s2] =	stream.indirect.scatter.add.f32 [tilespmem:s20], [sflag:$0x3], $0x80, s29, s19, $0xb8;
	[tilespmem:$0x1D000] =	vst v63  }
0x12a: {  	_ =	swait.ge [sflag:s17], $0x4000  }
0x12b: {  	[sflag:s17] =	ssyncset.done $0x0  }
0x12c: {  	[sflag:s17] =	ssyncadd.s32 $0xFFFFC000  }
0x12d: {  	[tilespmem:s20], [sflag:$0x2] =	stream.indirect.gather [hbm4b:s9+s19], $0x80, s30, s19, $0xb8;
	[tilespmem:$0x1D000] =	vst v63  }
0x12e: {  	_ =	swait.ge [sflag:s21], $0x4000  }
0x12f: {  	[sflag:s21] =	ssyncset.done $0x0  }
0x130: {  	[sflag:s21] =	ssyncadd.s32 $0xFFFFC000  }
0x131: {  	[spmem:s2] =	stream.indirect.scatter.add.f32 [tilespmem:s16], [sflag:$0x3], $0x80, s31, s19, $0xb8;
	[tilespmem:$0x1D000] =	vst v63  }
0x132: {  	_ =	swait.ge [sflag:s17], $0x4000  }
0x133: {  	[sflag:s17] =	ssyncset.done $0x0  }
0x134: {  	[sflag:s17] =	ssyncadd.s32 $0xFFFFC000  }
0x135: {  	[tilespmem:s16], [sflag:$0x1] =	stream.indirect.gather [hbm4b:s9+s19], $0x80, s0, s19, $0xb8;
	[tilespmem:$0x1D000] =	vst v63  }
0x136: {  	_ =	swait.ge [sflag:s22], $0x4000  }
0x137: {  	[sflag:s22] =	ssyncset.done $0x0  }
0x138: {  	[sflag:s22] =	ssyncadd.s32 $0xFFFFC000  }
0x139: {  	[spmem:s2] =	stream.indirect.scatter.add.f32 [tilespmem:s20], [sflag:$0x3], $0x80, s1, s19, $0xb8;
	[tilespmem:$0x1D000] =	vst v63  }
0x13a: {  	_ =	swait.ge [sflag:s17], $0x4000  }
0x13b: {  	[sflag:s17] =	ssyncset.done $0x0  }
0x13c: {  	[sflag:s17] =	ssyncadd.s32 $0xFFFFC000  }
0x13d: {  	[tilespmem:s20], [sflag:$0x2] =	stream.indirect.gather [hbm4b:s9+s19], $0x80, s10, s19, $0xb8;
	[tilespmem:$0x1D000] =	vst v63  }
0x13e: {  	_ =	swait.ge [sflag:s21], $0x4000  }
0x13f: {  	[sflag:s21] =	ssyncset.done $0x0  }
0x140: {  	[sflag:s21] =	ssyncadd.s32 $0xFFFFC000  }
0x141: {  	[spmem:s2] =	stream.indirect.scatter.add.f32 [tilespmem:s16], [sflag:$0x3], $0x80, s11, s19, $0xb8;
	[tilespmem:$0x1D000] =	vst v63  }
0x142: {  	_ =	swait.ge [sflag:s17], $0x4000  }
0x143: {  	[sflag:s17] =	ssyncset.done $0x0  }
0x144: {  	[sflag:s17] =	ssyncadd.s32 $0xFFFFC000  }
0x145: {  	[tilespmem:s16], [sflag:$0x1] =	stream.indirect.gather [hbm4b:s9+s19], $0x80, s12, s19, $0xb8;
	[tilespmem:$0x1D000] =	vst v63  }
0x146: {  	_ =	swait.ge [sflag:s22], $0x4000  }
0x147: {  	[sflag:s22] =	ssyncset.done $0x0  }
0x148: {  	[sflag:s22] =	ssyncadd.s32 $0xFFFFC000  }
0x149: {  	[spmem:s2] =	stream.indirect.scatter.add.f32 [tilespmem:s20], [sflag:$0x3], $0x80, s13, s19, $0xb8;
	[tilespmem:$0x1D000] =	vst v63  }
0x14a: {  	_ =	swait.ge [sflag:s17], $0x4000  }
0x14b: {  	[sflag:s17] =	ssyncset.done $0x0  }
0x14c: {  	[sflag:s17] =	ssyncadd.s32 $0xFFFFC000  }
0x14d: {  	[tilespmem:s20], [sflag:$0x2] =	stream.indirect.gather [hbm4b:s9+s19], $0x80, s14, s19, $0xb8;
	[tilespmem:$0x1D000] =	vst v63  }
0x14e: {  	_ =	swait.ge [sflag:s21], $0x4000  }
0x14f: {  	[sflag:s21] =	ssyncset.done $0x0  }
0x150: {  	[sflag:s21] =	ssyncadd.s32 $0xFFFFC000  }
0x151: {  	[spmem:s2] =	stream.indirect.scatter.add.f32 [tilespmem:s16], [sflag:$0x3], $0x80, s15, s19, $0xb8;
	[tilespmem:$0x1D000] =	vst v63  }
0x152: {  	_ =	swait.ge [sflag:s17], $0x4000  }
0x153: {  	[sflag:s17] =	ssyncset.done $0x0  }
0x154: {  	[sflag:s17] =	ssyncadd.s32 $0xFFFFC000  }
0x155: {  	p0 =	sne.s32 s7, $0x900;
	_ =	swait.ge [sflag:s22], $0x4000  }
.Ltmp1:
0x156: {  	[sflag:s22] =	ssyncset.done $0x0;
	(pc) =	sbr.rel @p0 .LBB2_4-.Ltmp1, $4  }
0x157: {  	[sflag:s22] =	ssyncadd.s32 $0xFFFFC000  }
0x158: {  	[spmem:s2] =	stream.indirect.scatter.add.f32 [tilespmem:s20], [sflag:$0x3], $0x80, s4, s19, $0xb8;
	[tilespmem:$0x1D000] =	vst v63  }
0x159: {  	s5 =	smov.u32 s7;
	s7 =	sadd.s32 $0x100, s7;
	_ =	swait.ge [sflag:s17], $0x4000  }
0x15a: {  	s6 =	smov.u32 s5;
	s8 =	rddreg [dreg:$0x4];
	[sflag:s17] =	ssyncset.done $0x0  }
0x15b: {  	[sflag:s17] =	ssyncadd.s32 $0xFFFFC000;
	s5 =	sadd.s32 s6, s8  }
0x15c: {  	[tilespmem:s3], [sflag:$0x3] =	stream.linear.gather [hbm4b:s5+s3], $0x800, $0x38;
	[tilespmem:$0x1D000] =	vst v63  }
0x15d: {  	_ =	swait.ge [sflag:s17], $0x800  }
0x15e: {  	s8 =	rddreg [dreg:$0x3];
	[sflag:s17] =	ssyncset.done $0x0  }
0x15f: {  	[sflag:s17] =	ssyncadd.s32 $0xFFFFF800;
	s5 =	sadd.s32 s6, s8  }
0x160: {  	[tilespmem:s18], [sflag:$0x3] =	stream.linear.gather [hbm4b:s5+s3], $0x800, $0x38;
	[tilespmem:$0x1D000] =	vst v63  }
0x161: {  	_ =	swait.ge [sflag:s17], $0x800  }
0x162: {  	[sflag:s17] =	ssyncset.done $0x0  }
0x163: {  	[sflag:s17] =	ssyncadd.s32 $0xFFFFF800  }
0x164: {  	[tilespmem:s16], [sflag:$0x1] =	stream.indirect.gather [hbm4b:s9+s19], $0x80, s3, s19, $0xb8;
	[tilespmem:$0x1D000] =	vst v63  }
0x165: {  	_ = 	snop  }
0x166: {  	[tilespmem:s20], [sflag:$0x2] =	stream.indirect.gather [hbm4b:s9+s19], $0x80, s19, s19, $0xb8;
	[tilespmem:$0x1D000] =	vst v63  }
0x167: {  	_ =	swait.ge [sflag:s21], $0x4000  }
0x168: {  	[sflag:s21] =	ssyncset.done $0x0  }
0x169: {  	[sflag:s21] =	ssyncadd.s32 $0xFFFFC000  }
0x16a: {  	[spmem:s2] =	stream.indirect.scatter.add.f32 [tilespmem:s16], [sflag:$0x3], $0x80, s18, s19, $0xb8;
	[tilespmem:$0x1D000] =	vst v63  }
0x16b: {  	_ =	swait.ge [sflag:s17], $0x4000  }
0x16c: {  	[sflag:s17] =	ssyncset.done $0x0  }
0x16d: {  	s7 =	rddreg [dreg:$0x5];
	[sflag:s17] =	ssyncadd.s32 $0xFFFFC000  }
0x16e: {  	[tilespmem:s16], [sflag:$0x1] =	stream.indirect.gather [hbm4b:s9+s19], $0x80, s7, s19, $0xb8;
	[tilespmem:$0x1D000] =	vst v63  }
0x16f: {  	_ =	swait.ge [sflag:s22], $0x4000  }
0x170: {  	[sflag:s22] =	ssyncset.done $0x0  }
0x171: {  	s8 =	rddreg [dreg:$0x6];
	[sflag:s22] =	ssyncadd.s32 $0xFFFFC000  }
0x172: {  	[spmem:s2] =	stream.indirect.scatter.add.f32 [tilespmem:s20], [sflag:$0x3], $0x80, s8, s19, $0xb8;
	[tilespmem:$0x1D000] =	vst v63  }
0x173: {  	_ =	swait.ge [sflag:s17], $0x4000  }
0x174: {  	[sflag:s17] =	ssyncset.done $0x0  }
0x175: {  	s6 =	rddreg [dreg:$0x7];
	[sflag:s17] =	ssyncadd.s32 $0xFFFFC000  }
0x176: {  	[tilespmem:s20], [sflag:$0x2] =	stream.indirect.gather [hbm4b:s9+s19], $0x80, s6, s19, $0xb8;
	[tilespmem:$0x1D000] =	vst v63  }
0x177: {  	_ =	swait.ge [sflag:s21], $0x4000  }
0x178: {  	[sflag:s21] =	ssyncset.done $0x0  }
0x179: {  	s7 =	rddreg [dreg:$0x8];
	[sflag:s21] =	ssyncadd.s32 $0xFFFFC000  }
0x17a: {  	[spmem:s2] =	stream.indirect.scatter.add.f32 [tilespmem:s16], [sflag:$0x3], $0x80, s7, s19, $0xb8;
	[tilespmem:$0x1D000] =	vst v63  }
0x17b: {  	_ =	swait.ge [sflag:s17], $0x4000  }
0x17c: {  	[sflag:s17] =	ssyncset.done $0x0  }
0x17d: {  	s8 =	rddreg [dreg:$0x9];
	[sflag:s17] =	ssyncadd.s32 $0xFFFFC000  }
0x17e: {  	[tilespmem:s16], [sflag:$0x1] =	stream.indirect.gather [hbm4b:s9+s19], $0x80, s8, s19, $0xb8;
	[tilespmem:$0x1D000] =	vst v63  }
0x17f: {  	_ =	swait.ge [sflag:s22], $0x4000  }
0x180: {  	[sflag:s22] =	ssyncset.done $0x0  }
0x181: {  	s6 =	rddreg [dreg:$0xa];
	[sflag:s22] =	ssyncadd.s32 $0xFFFFC000  }
0x182: {  	[spmem:s2] =	stream.indirect.scatter.add.f32 [tilespmem:s20], [sflag:$0x3], $0x80, s6, s19, $0xb8;
	[tilespmem:$0x1D000] =	vst v63  }
0x183: {  	_ =	swait.ge [sflag:s17], $0x4000  }
0x184: {  	[sflag:s17] =	ssyncset.done $0x0  }
0x185: {  	s7 =	rddreg [dreg:$0xb];
	[sflag:s17] =	ssyncadd.s32 $0xFFFFC000  }
0x186: {  	[tilespmem:s20], [sflag:$0x2] =	stream.indirect.gather [hbm4b:s9+s19], $0x80, s7, s19, $0xb8;
	[tilespmem:$0x1D000] =	vst v63  }
0x187: {  	_ =	swait.ge [sflag:s21], $0x4000  }
0x188: {  	[sflag:s21] =	ssyncset.done $0x0  }
0x189: {  	s8 =	rddreg [dreg:$0xc];
	[sflag:s21] =	ssyncadd.s32 $0xFFFFC000  }
0x18a: {  	[spmem:s2] =	stream.indirect.scatter.add.f32 [tilespmem:s16], [sflag:$0x3], $0x80, s8, s19, $0xb8;
	[tilespmem:$0x1D000] =	vst v63  }
0x18b: {  	_ =	swait.ge [sflag:s17], $0x4000  }
0x18c: {  	[sflag:s17] =	ssyncset.done $0x0  }
0x18d: {  	s6 =	rddreg [dreg:$0xd];
	[sflag:s17] =	ssyncadd.s32 $0xFFFFC000  }
0x18e: {  	[tilespmem:s16], [sflag:$0x1] =	stream.indirect.gather [hbm4b:s9+s19], $0x80, s6, s19, $0xb8;
	[tilespmem:$0x1D000] =	vst v63  }
0x18f: {  	_ =	swait.ge [sflag:s22], $0x4000  }
0x190: {  	[sflag:s22] =	ssyncset.done $0x0  }
0x191: {  	s7 =	rddreg [dreg:$0xe];
	[sflag:s22] =	ssyncadd.s32 $0xFFFFC000  }
0x192: {  	[spmem:s2] =	stream.indirect.scatter.add.f32 [tilespmem:s20], [sflag:$0x3], $0x80, s7, s19, $0xb8;
	[tilespmem:$0x1D000] =	vst v63  }
0x193: {  	_ =	swait.ge [sflag:s17], $0x4000  }
0x194: {  	[sflag:s17] =	ssyncset.done $0x0  }
0x195: {  	s8 =	rddreg [dreg:$0xf];
	[sflag:s17] =	ssyncadd.s32 $0xFFFFC000  }
0x196: {  	[tilespmem:s20], [sflag:$0x2] =	stream.indirect.gather [hbm4b:s9+s19], $0x80, s8, s19, $0xb8;
	[tilespmem:$0x1D000] =	vst v63  }
0x197: {  	_ =	swait.ge [sflag:s21], $0x4000  }
0x198: {  	[sflag:s21] =	ssyncset.done $0x0  }
0x199: {  	s6 =	rddreg [dreg:$0x10];
	[sflag:s21] =	ssyncadd.s32 $0xFFFFC000  }
0x19a: {  	[spmem:s2] =	stream.indirect.scatter.add.f32 [tilespmem:s16], [sflag:$0x3], $0x80, s6, s19, $0xb8;
	[tilespmem:$0x1D000] =	vst v63  }
0x19b: {  	_ =	swait.ge [sflag:s17], $0x4000  }
0x19c: {  	[sflag:s17] =	ssyncset.done $0x0  }
0x19d: {  	[sflag:s17] =	ssyncadd.s32 $0xFFFFC000  }
0x19e: {  	[tilespmem:s16], [sflag:$0x1] =	stream.indirect.gather [hbm4b:s9+s19], $0x80, s23, s19, $0xb8;
	[tilespmem:$0x1D000] =	vst v63  }
0x19f: {  	_ =	swait.ge [sflag:s22], $0x4000  }
0x1a0: {  	[sflag:s22] =	ssyncset.done $0x0  }
0x1a1: {  	[sflag:s22] =	ssyncadd.s32 $0xFFFFC000  }
0x1a2: {  	[spmem:s2] =	stream.indirect.scatter.add.f32 [tilespmem:s20], [sflag:$0x3], $0x80, s24, s19, $0xb8;
	[tilespmem:$0x1D000] =	vst v63  }
0x1a3: {  	_ =	swait.ge [sflag:s17], $0x4000  }
0x1a4: {  	[sflag:s17] =	ssyncset.done $0x0  }
0x1a5: {  	[sflag:s17] =	ssyncadd.s32 $0xFFFFC000  }
0x1a6: {  	[tilespmem:s20], [sflag:$0x2] =	stream.indirect.gather [hbm4b:s9+s19], $0x80, s25, s19, $0xb8;
	[tilespmem:$0x1D000] =	vst v63  }
0x1a7: {  	_ =	swait.ge [sflag:s21], $0x4000  }
0x1a8: {  	[sflag:s21] =	ssyncset.done $0x0  }
0x1a9: {  	[sflag:s21] =	ssyncadd.s32 $0xFFFFC000  }
0x1aa: {  	[spmem:s2] =	stream.indirect.scatter.add.f32 [tilespmem:s16], [sflag:$0x3], $0x80, s26, s19, $0xb8;
	[tilespmem:$0x1D000] =	vst v63  }
0x1ab: {  	_ =	swait.ge [sflag:s17], $0x4000  }
0x1ac: {  	[sflag:s17] =	ssyncset.done $0x0  }
0x1ad: {  	[sflag:s17] =	ssyncadd.s32 $0xFFFFC000  }
0x1ae: {  	[tilespmem:s16], [sflag:$0x1] =	stream.indirect.gather [hbm4b:s9+s19], $0x80, s28, s19, $0xb8;
	[tilespmem:$0x1D000] =	vst v63  }
0x1af: {  	_ =	swait.ge [sflag:s22], $0x4000  }
0x1b0: {  	[sflag:s22] =	ssyncset.done $0x0  }
0x1b1: {  	[sflag:s22] =	ssyncadd.s32 $0xFFFFC000  }
0x1b2: {  	[spmem:s2] =	stream.indirect.scatter.add.f32 [tilespmem:s20], [sflag:$0x3], $0x80, s29, s19, $0xb8;
	[tilespmem:$0x1D000] =	vst v63  }
0x1b3: {  	_ =	swait.ge [sflag:s17], $0x4000  }
0x1b4: {  	[sflag:s17] =	ssyncset.done $0x0  }
0x1b5: {  	[sflag:s17] =	ssyncadd.s32 $0xFFFFC000  }
0x1b6: {  	[tilespmem:s20], [sflag:$0x2] =	stream.indirect.gather [hbm4b:s9+s19], $0x80, s30, s19, $0xb8;
	[tilespmem:$0x1D000] =	vst v63  }
0x1b7: {  	_ =	swait.ge [sflag:s21], $0x4000  }
0x1b8: {  	[sflag:s21] =	ssyncset.done $0x0  }
0x1b9: {  	[sflag:s21] =	ssyncadd.s32 $0xFFFFC000  }
0x1ba: {  	[spmem:s2] =	stream.indirect.scatter.add.f32 [tilespmem:s16], [sflag:$0x3], $0x80, s31, s19, $0xb8;
	[tilespmem:$0x1D000] =	vst v63  }
0x1bb: {  	_ =	swait.ge [sflag:s17], $0x4000  }
0x1bc: {  	[sflag:s17] =	ssyncset.done $0x0  }
0x1bd: {  	[sflag:s17] =	ssyncadd.s32 $0xFFFFC000  }
0x1be: {  	[tilespmem:s16], [sflag:$0x1] =	stream.indirect.gather [hbm4b:s9+s19], $0x80, s0, s19, $0xb8;
	[tilespmem:$0x1D000] =	vst v63  }
0x1bf: {  	_ =	swait.ge [sflag:s22], $0x4000  }
0x1c0: {  	[sflag:s22] =	ssyncset.done $0x0  }
0x1c1: {  	[sflag:s22] =	ssyncadd.s32 $0xFFFFC000  }
0x1c2: {  	[spmem:s2] =	stream.indirect.scatter.add.f32 [tilespmem:s20], [sflag:$0x3], $0x80, s1, s19, $0xb8;
	[tilespmem:$0x1D000] =	vst v63  }
0x1c3: {  	_ =	swait.ge [sflag:s17], $0x4000  }
0x1c4: {  	[sflag:s17] =	ssyncset.done $0x0  }
0x1c5: {  	[sflag:s17] =	ssyncadd.s32 $0xFFFFC000  }
0x1c6: {  	[tilespmem:s20], [sflag:$0x2] =	stream.indirect.gather [hbm4b:s9+s19], $0x80, s10, s19, $0xb8;
	[tilespmem:$0x1D000] =	vst v63  }
0x1c7: {  	_ =	swait.ge [sflag:s21], $0x4000  }
0x1c8: {  	[sflag:s21] =	ssyncset.done $0x0  }
0x1c9: {  	[sflag:s21] =	ssyncadd.s32 $0xFFFFC000  }
0x1ca: {  	[spmem:s2] =	stream.indirect.scatter.add.f32 [tilespmem:s16], [sflag:$0x3], $0x80, s11, s19, $0xb8;
	[tilespmem:$0x1D000] =	vst v63  }
0x1cb: {  	_ =	swait.ge [sflag:s17], $0x4000  }
0x1cc: {  	[sflag:s17] =	ssyncset.done $0x0  }
0x1cd: {  	[sflag:s17] =	ssyncadd.s32 $0xFFFFC000  }
0x1ce: {  	[tilespmem:s16], [sflag:$0x1] =	stream.indirect.gather [hbm4b:s9+s19], $0x80, s12, s19, $0xb8;
	[tilespmem:$0x1D000] =	vst v63  }
0x1cf: {  	_ =	swait.ge [sflag:s22], $0x4000  }
0x1d0: {  	[sflag:s22] =	ssyncset.done $0x0  }
0x1d1: {  	[sflag:s22] =	ssyncadd.s32 $0xFFFFC000  }
0x1d2: {  	[spmem:s2] =	stream.indirect.scatter.add.f32 [tilespmem:s20], [sflag:$0x3], $0x80, s13, s19, $0xb8;
	[tilespmem:$0x1D000] =	vst v63  }
0x1d3: {  	_ =	swait.ge [sflag:s17], $0x4000  }
0x1d4: {  	[sflag:s17] =	ssyncset.done $0x0  }
0x1d5: {  	[sflag:s17] =	ssyncadd.s32 $0xFFFFC000  }
0x1d6: {  	[tilespmem:s20], [sflag:$0x2] =	stream.indirect.gather [hbm4b:s9+s19], $0x80, s14, s19, $0xb8;
	[tilespmem:$0x1D000] =	vst v63  }
0x1d7: {  	_ =	swait.ge [sflag:s21], $0x4000  }
0x1d8: {  	[sflag:s21] =	ssyncset.done $0x0  }
0x1d9: {  	[sflag:s21] =	ssyncadd.s32 $0xFFFFC000  }
0x1da: {  	[spmem:s2] =	stream.indirect.scatter.add.f32 [tilespmem:s16], [sflag:$0x3], $0x80, s15, s19, $0xb8;
	[tilespmem:$0x1D000] =	vst v63  }
0x1db: {  	_ =	swait.ge [sflag:s17], $0x4000  }
0x1dc: {  	[sflag:s17] =	ssyncset.done $0x0  }
0x1dd: {  	[sflag:s17] =	ssyncadd.s32 $0xFFFFC000  }
0x1de: {  	_ =	swait.ge [sflag:s22], $0x4000  }
0x1df: {  	[sflag:s22] =	ssyncset.done $0x0  }
0x1e0: {  	[sflag:s22] =	ssyncadd.s32 $0xFFFFC000  }
0x1e1: {  	[spmem:s2] =	stream.indirect.scatter.add.f32 [tilespmem:s20], [sflag:$0x3], $0x80, s4, s19, $0xb8;
	[tilespmem:$0x1D000] =	vst v63  }
0x1e2: {  	_ =	swait.ge [sflag:s17], $0x4000  }
0x1e3: {  	[sflag:s17] =	ssyncset.done $0x0  }
0x1e4: {  	[sflag:s17] =	ssyncadd.s32 $0xFFFFC000  }
0x1e5: {  	s7 =	stileid.u32;
	[bflag:$0x0] =	sbarrier.arrive $0xFFFF  }
0x1e6: {  	s5 =	sshll.u32 s7, $0x6;
	s8 =	rddreg [dreg:$0x11]  }
0x1e7: {  	s5 =	sor.u32 $0x1C03, s5;
	s7 =	rddreg [dreg:$0x16];
	s6 =	sshrl.u32 s8, $0x3  }
0x1e8: {  	[hbm:s7], [sflag:s5] =	dma.local [spmem:s6], $0x800  }
0x1e9: {  	_ =	swait.ge [sflag:s17], $0x800  }
0x1ea: {  	[sflag:s17] =	ssyncset.done $0x0;
	s7 =	rddreg [dreg:$0x12]  }
0x1eb: {  	s8 =	rddreg [dreg:$0x17];
	[sflag:s17] =	ssyncadd.s32 $0xFFFFF800;
	s6 =	sshrl.u32 s7, $0x3  }
0x1ec: {  	[hbm:s8], [sflag:s5] =	dma.local [spmem:s6], $0x800  }
0x1ed: {  	_ =	swait.ge [sflag:s17], $0x800  }
0x1ee: {  	[sflag:s17] =	ssyncset.done $0x0;
	s7 =	rddreg [dreg:$0x13]  }
0x1ef: {  	s8 =	rddreg [dreg:$0x18];
	[sflag:s17] =	ssyncadd.s32 $0xFFFFF800;
	s6 =	sshrl.u32 s7, $0x3  }
0x1f0: {  	[hbm:s8], [sflag:s5] =	dma.local [spmem:s6], $0x800  }
0x1f1: {  	_ =	swait.ge [sflag:s17], $0x800  }
0x1f2: {  	[sflag:s17] =	ssyncset.done $0x0;
	s7 =	rddreg [dreg:$0x14]  }
0x1f3: {  	s8 =	rddreg [dreg:$0x19];
	[sflag:s17] =	ssyncadd.s32 $0xFFFFF800;
	s6 =	sshrl.u32 s7, $0x3  }
0x1f4: {  	[hbm:s8], [sflag:s5] =	dma.local [spmem:s6], $0x800  }
0x1f5: {  	_ =	swait.ge [sflag:s17], $0x800  }
0x1f6: {  	[sflag:s17] =	ssyncset.done $0x0;
	s7 =	rddreg [dreg:$0x15]  }
0x1f7: {  	s8 =	rddreg [dreg:$0x1a];
	[sflag:s17] =	ssyncadd.s32 $0xFFFFF800;
	s6 =	sshrl.u32 s7, $0x3  }
0x1f8: {  	[hbm:s8], [sflag:s5] =	dma.local [spmem:s6], $0x800  }
0x1f9: {  	_ =	swait.ge [sflag:s17], $0x800  }
0x1fa: {  	s7 =	rddreg [dreg:$0x1c]  }
0x1fb: {  	s8 =	rddreg [dreg:$0x1b];
	s6 =	sadd.s32 $0x1, s7  }
0x1fc: {  	p0 =	sne.s32 s6, s8  }
.Ltmp2:
0x1fd: {  	_ = 	snop;
	(pc) =	sbr.rel @p0 .LBB2_1-.Ltmp2, $3  }
0x1fe: {  	_ =	sdelay $0x1  }
0x1ff: {  	[sflag:s17] =	ssyncset.done $0x0  }
0x200: {  	[sflag:s17] =	ssyncadd.s32 $0xFFFFF800  }
0x201: {  	_ =	sfence.sel $0x180000  }
0x202: {  	[bflag:$0x0] =	sbarrier.arrive $0xFFFF  }
0x203: {  	_ =	strace $0x90000047  }
0x204: {  	s0 =	stileid.u32;
	[bflag:$0x2] =	sbarrier.arrive $0xFFFF  }
0x205: {  	p0 =	sne.s32 s0, $0x0;
	s0 =	rddreg [dreg:$0x2]  }
0x206: {  	s0 =	sadd.s32 @!p0 $0x100000, s0  }
0x207: {  	[sflag:s0] =	ssyncadd.tile.s32 @!p0 $0x1;
	_ =	shalt  }
.Lfunc_end2:
_tile_overlayer_lowered:
.L_overlay_start_2:
0x208: {  	(tag) =	ssettag $0x2  }
0x209: {  	s0 =	rddreg [dreg:$0x0];
	s2 =	stileid.u32  }
0x20a: {  	s1 =	rddreg [dreg:$0x1];
	p0 =	sne.s32 s2, $0x0  }
0x20b: {  	s3 =	rddreg [dreg:$0x2];
	[bflag:$0x3] =	sbarrier.arrive $0xFFFF;
	s2 =	simm.s32 @!p0 $0x1C03  }
0x20c: {  	[timem:s3], [sflag:s2] =	dma.local @!p0 [hbm:s0], s1  }
0x20d: {  	s0 =	simm.s32 @!p0 $0x3  }
0x20e: {  	_ =	swait.ge @!p0 [sflag:s0], s1  }
0x20f: {  	s1 =	ssub.s32 @!p0 $0x0, s1;
	[sflag:s0] =	ssyncset.done @!p0 $0x0  }
0x210: {  	[sflag:s0] =	ssyncadd.s32 @!p0 s1  }
0x211: {  	[bflag:$0x3] =	sbarrier.arrive $0xFFFF  }
0x212: {  	_ =	shalt  }

</sc_bundles>
